<compile_context>
chip_gen: v7x
topology: tpu7x:2x2x1
jax: 0.10.2.dev20260603
libtpu: 0.0.44.dev20260713+nightly
codegen_flags: <defaults>
</compile_context>

<pallas_src>
import functools

import jax
import jax.numpy as jnp
from jax import lax
from jax.experimental import pallas as pl
from jax.experimental.pallas import tpu as pltpu
from jax.experimental.pallas import tpu_sc as plsc

N_ELEMS = 262144
DIAG = 64
SENTINEL = 0x3FFFFFFF


def _sc_scan_kernel(idx_hbm, v_hbm, jb_hbm, vb_hbm, idx_v, v_v, jtab_v,
                    vtab_v, jb_v, vb_v):
    info = plsc.get_sparse_core_info()
    nc, ns, L = SC_CORES, info.num_subcores, info.num_lanes
    nw = nc * ns
    per_w = N_ELEMS // nw

    wid = lax.axis_index("s") * nc + lax.axis_index("c")
    base = wid * per_w
    pltpu.sync_copy(idx_hbm.at[pl.ds(base, per_w)], idx_v)
    pltpu.sync_copy(v_hbm.at[pl.ds(base, per_w)], v_v)

    lane = lax.iota(jnp.int32, L)
    neg1 = jnp.full((L,), -1, jnp.int32)
    zero = jnp.zeros((L,), jnp.float32)
    for r in range(DIAG):
        jtab_v[r, :] = neg1
        vtab_v[r, :] = zero

    nk = per_w // L
    unroll = 8

    def body(kk, carry):
        for u in range(unroll):
            off = kk * (L * unroll) + u * L
            iv = idx_v[pl.ds(off, L)]
            vv = v_v[pl.ds(off, L)]
            j = base + off + lane
            plsc.store_scatter(jtab_v, [iv, lane], j)
            plsc.store_scatter(vtab_v, [iv, lane], vv)
        return carry

    lax.fori_loop(0, nk // unroll, body, 0)

    for g in range(DIAG // L):
        rid = g * L + lane
        m = jnp.full((L,), -1, jnp.int32)
        vb = jnp.zeros((L,), jnp.float32)
        for c in range(L):
            cc = jnp.full((L,), c, jnp.int32)
            col = plsc.load_gather(jtab_v, [rid, cc])
            vcol = plsc.load_gather(vtab_v, [rid, cc])
            better = col > m
            m = jnp.where(better, col, m)
            vb = jnp.where(better, vcol, vb)
        jb_v[pl.ds(g * L, L)] = m
        vb_v[pl.ds(g * L, L)] = vb

    pltpu.sync_copy(jb_v, jb_hbm.at[wid])
    pltpu.sync_copy(vb_v, vb_hbm.at[wid])


SC_CORES = 1


def _sc_scan(idx, v):
    info = plsc.get_sparse_core_info()
    nc, ns, L = SC_CORES, info.num_subcores, info.num_lanes
    nw = nc * ns
    per_w = N_ELEMS // nw
    mesh = plsc.VectorSubcoreMesh(core_axis_name="c", subcore_axis_name="s",
                                  num_cores=SC_CORES)
    k = functools.partial(
        pl.kernel,
        mesh=mesh,
        out_type=[
            jax.ShapeDtypeStruct((nw, DIAG), jnp.int32),
            jax.ShapeDtypeStruct((nw, DIAG), jnp.float32),
        ],
        scratch_types=[
            pltpu.VMEM((per_w,), jnp.int32),
            pltpu.VMEM((per_w,), jnp.float32),
            pltpu.VMEM((DIAG, L), jnp.int32),
            pltpu.VMEM((DIAG, L), jnp.float32),
            pltpu.VMEM((DIAG,), jnp.int32),
            pltpu.VMEM((DIAG,), jnp.float32),
        ],
        compiler_params=pltpu.CompilerParams(
            needs_layout_passes=False, skip_device_barrier=True),
    )(_sc_scan_kernel)
    return k(idx, v)


ROWS_PER_BLOCK = 4


def _tc_copy_body(t_ref, out_ref, rows_ref):
    i = pl.program_id(0)
    out_ref[...] = t_ref[...]
    for r in range(ROWS_PER_BLOCK):
        b = i * ROWS_PER_BLOCK + r
        rows_ref[0, pl.ds(r, 1), :] = t_ref[r, b, pl.ds(b, 1), :]


def _tc_patch_body(copied_hbm, rows_ref, jb_ref, vb_ref, out_hbm, rows_v,
                   sem_wr):
    jm = jb_ref[...]
    vv = vb_ref[...]
    m = jnp.max(jm, axis=0, keepdims=True)
    val = jnp.max(jnp.where(jm == m, vv, -jnp.inf), axis=0, keepdims=True)
    fnd = m >= 0

    rows = rows_ref[...]
    ir = lax.broadcasted_iota(jnp.int32, (DIAG, DIAG), 0)
    ic = lax.broadcasted_iota(jnp.int32, (DIAG, DIAG), 1)
    rows_v[...] = jnp.where((ir == ic) & fnd, val, rows)

    wr = [
        pltpu.make_async_copy(rows_v.at[i], out_hbm.at[i, i, i], sem_wr)
        for i in range(DIAG)
    ]
    for w in wr:
        w.start()
    for w in wr:
        w.wait()


def kernel(t, idx, v):
    idx = idx.astype(jnp.int32)
    jb, vb = _sc_scan(idx, v)
    nblk = DIAG // ROWS_PER_BLOCK
    copied, diag_rows = pl.pallas_call(
        _tc_copy_body,
        grid=(nblk,),
        in_specs=[
            pl.BlockSpec((ROWS_PER_BLOCK, DIAG, DIAG, DIAG),
                         lambda i: (i, 0, 0, 0)),
        ],
        out_specs=[
            pl.BlockSpec((ROWS_PER_BLOCK, DIAG, DIAG, DIAG),
                         lambda i: (i, 0, 0, 0)),
            pl.BlockSpec((1, ROWS_PER_BLOCK, DIAG), lambda i: (i, 0, 0)),
        ],
        out_shape=[
            jax.ShapeDtypeStruct(t.shape, jnp.float32),
            jax.ShapeDtypeStruct((nblk, ROWS_PER_BLOCK, DIAG), jnp.float32),
        ],
    )(t)
    diag_rows = diag_rows.reshape(DIAG, DIAG)
    return pl.pallas_call(
        _tc_patch_body,
        in_specs=[
            pl.BlockSpec(memory_space=pl.ANY),
            pl.BlockSpec(memory_space=pltpu.VMEM),
            pl.BlockSpec(memory_space=pltpu.VMEM),
            pl.BlockSpec(memory_space=pltpu.VMEM),
        ],
        out_specs=pl.BlockSpec(memory_space=pl.ANY),
        out_shape=jax.ShapeDtypeStruct(t.shape, jnp.float32),
        scratch_shapes=[
            pltpu.VMEM((DIAG, DIAG), jnp.float32),
            pltpu.SemaphoreType.DMA,
        ],
        input_output_aliases={0: 0},
    )(copied, diag_rows, jb, vb)

# --- scband reference (transcript-rebuilt; emitter-appended) ---
"""Pipeline reference for scband-index-model6-7937099563146 (READ-ONLY COPY).

The authoritative reference and input builder live on the scoring server;
editing this copy changes nothing except your own understanding.
"""

import jax, jax.numpy as jnp
import numpy as np


def setup_inputs(seed: int = 0) -> dict:
    key = jax.random.key(seed)
    k_t, k_idx, k_v = jax.random.split(key, 3)
    t = jax.random.normal(k_t, (64, 64, 64, 64), dtype=jnp.float32)
    idx = jax.random.randint(k_idx, (262144,), 0, 64, dtype=jnp.int64)
    v = jax.random.normal(k_v, (262144,), dtype=jnp.float32)
    return {"t": t, "idx": idx, "v": v}


def reference(t, idx, v):
    # torch: t += 0 (copy); t[idx, idx, idx, idx] = v  -> diagonal scatter-overwrite
    t = t + 0
    t = t.at[idx, idx, idx, idx].set(v)
    return t

if __name__ == "__main__":
    import jax
    _d = setup_inputs()
    print(jax.jit(kernel)(*tuple(_d.values())))

</pallas_src>

<mosaic_0001>
#map = affine_map<(d0, d1) -> (0)>
#map1 = affine_map<(d0, d1) -> (0, 0)>
module attributes {stable_mosaic.version = 14 : i64} {
  func.func @_sc_scan_kernel(%arg0: i32, %arg1: i32, %arg2: memref<262144xi32, #tpu.memory_space<hbm>>, %arg3: memref<262144xf32, #tpu.memory_space<hbm>>, %arg4: memref<16x64xi32, #tpu.memory_space<hbm>>, %arg5: memref<16x64xf32, #tpu.memory_space<hbm>>, %arg6: memref<16384xi32, #tpu.memory_space<vmem>>, %arg7: memref<16384xf32, #tpu.memory_space<vmem>>, %arg8: memref<64x16xi32, #tpu.memory_space<vmem>>, %arg9: memref<64x16xf32, #tpu.memory_space<vmem>>, %arg10: memref<64xi32, #tpu.memory_space<vmem>>, %arg11: memref<64xf32, #tpu.memory_space<vmem>>) attributes {dimension_semantics = [#tpu.dimension_semantics<core_parallel>, #tpu.dimension_semantics<subcore_parallel>], iteration_bounds = array<i64: 1, 16>, scalar_prefetch = 0 : i64, scratch_operands = 6 : i64, tpu.core_type = #tpu.core_type<sc_vector_subcore>, window_params = [{transform_indices = #map}, {transform_indices = #map}, {transform_indices = #map1}, {transform_indices = #map1}]} {
    %mul3A = arith.constant 1 : i32
    %mul3A_0 = arith.muli %arg1, %mul3A : i32
    %add3A = arith.addi %mul3A_0, %arg0 : i32
    %mul3A_1 = arith.constant 16384 : i32
    %mul3A_2 = arith.muli %add3A, %mul3A_1 : i32
    "tpu.region"() ({
      %run_scoped3A = tpu.sem_alloc : memref<!tpu.dma_semaphore, #tpu.memory_space<semaphore_mem>>
      %dma_start3A = tpu.memref_slice %arg2[%mul3A_2] : memref<262144xi32, #tpu.memory_space<hbm>> -> memref<16384xi32, #tpu.memory_space<hbm>>
      %dma_start3A_1011 = tpu.memref_slice %arg2[%mul3A_2] : memref<262144xi32, #tpu.memory_space<hbm>> -> memref<16384xi32, #tpu.memory_space<hbm>>
      tpu.enqueue_dma source(%dma_start3A_1011 : memref<16384xi32, #tpu.memory_space<hbm>>) target(%arg6 : memref<16384xi32, #tpu.memory_space<vmem>>) target_semaphore(%run_scoped3A : memref<!tpu.dma_semaphore, #tpu.memory_space<semaphore_mem>>)
      %dma_wait3A = tpu.memref_slice %arg2[%mul3A_2] : memref<262144xi32, #tpu.memory_space<hbm>> -> memref<16384xi32, #tpu.memory_space<hbm>>
      %dma_wait3A_1012 = tpu.memref_slice %arg2[%mul3A_2] : memref<262144xi32, #tpu.memory_space<hbm>> -> memref<16384xi32, #tpu.memory_space<hbm>>
      tpu.wait_dma2 semaphore(%run_scoped3A : memref<!tpu.dma_semaphore, #tpu.memory_space<semaphore_mem>>) src(%dma_wait3A_1012 : memref<16384xi32, #tpu.memory_space<hbm>>) dst(%arg6 : memref<16384xi32, #tpu.memory_space<vmem>>)
      tpu.yield
    }) : () -> ()
    "tpu.region"() ({
      %run_scoped3A = tpu.sem_alloc : memref<!tpu.dma_semaphore, #tpu.memory_space<semaphore_mem>>
      %dma_start3A = tpu.memref_slice %arg3[%mul3A_2] : memref<262144xf32, #tpu.memory_space<hbm>> -> memref<16384xf32, #tpu.memory_space<hbm>>
      %dma_start3A_1011 = tpu.memref_slice %arg3[%mul3A_2] : memref<262144xf32, #tpu.memory_space<hbm>> -> memref<16384xf32, #tpu.memory_space<hbm>>
      tpu.enqueue_dma source(%dma_start3A_1011 : memref<16384xf32, #tpu.memory_space<hbm>>) target(%arg7 : memref<16384xf32, #tpu.memory_space<vmem>>) target_semaphore(%run_scoped3A : memref<!tpu.dma_semaphore, #tpu.memory_space<semaphore_mem>>)
      %dma_wait3A = tpu.memref_slice %arg3[%mul3A_2] : memref<262144xf32, #tpu.memory_space<hbm>> -> memref<16384xf32, #tpu.memory_space<hbm>>
      %dma_wait3A_1012 = tpu.memref_slice %arg3[%mul3A_2] : memref<262144xf32, #tpu.memory_space<hbm>> -> memref<16384xf32, #tpu.memory_space<hbm>>
      tpu.wait_dma2 semaphore(%run_scoped3A : memref<!tpu.dma_semaphore, #tpu.memory_space<semaphore_mem>>) src(%dma_wait3A_1012 : memref<16384xf32, #tpu.memory_space<hbm>>) dst(%arg7 : memref<16384xf32, #tpu.memory_space<vmem>>)
      tpu.yield
    }) : () -> ()
    %iota3A = tpu.iota {dimensions = array<i32: 0>} : vector<16xi32>
    %broadcast_in_dim3A = arith.constant -1 : i32
    %broadcast_in_dim3A_3 = vector.broadcast %broadcast_in_dim3A : i32 to vector<16xi32>
    %broadcast_in_dim3A_4 = arith.constant 0.000000e+00 : f32
    %broadcast_in_dim3A_5 = vector.broadcast %broadcast_in_dim3A_4 : f32 to vector<16xf32>
    %swap3A = arith.constant 0 : i32
    %swap3A_6 = arith.index_cast %swap3A : i32 to index
    %swap3A_7 = arith.constant 0 : index
    %swap3A_8 = tpu.vector_load %arg8[%swap3A_6, %swap3A_7] {strides = array<i32>} : memref<64x16xi32, #tpu.memory_space<vmem>>, vector<16xi32>,
    tpu.vector_store %arg8[%swap3A_6, %swap3A_7], %broadcast_in_dim3A_3 {strides = array<i32>} : memref<64x16xi32, #tpu.memory_space<vmem>>, vector<16xi32>,
    %swap3A_9 = arith.constant 0 : i32
    %swap3A_10 = arith.index_cast %swap3A_9 : i32 to index
    %swap3A_11 = arith.constant 0 : index
    %swap3A_12 = tpu.vector_load %arg9[%swap3A_10, %swap3A_11] {strides = array<i32>} : memref<64x16xf32, #tpu.memory_space<vmem>>, vector<16xf32>,
    tpu.vector_store %arg9[%swap3A_10, %swap3A_11], %broadcast_in_dim3A_5 {strides = array<i32>} : memref<64x16xf32, #tpu.memory_space<vmem>>, vector<16xf32>,
    %swap3A_13 = arith.constant 1 : i32
    %swap3A_14 = arith.index_cast %swap3A_13 : i32 to index
    %swap3A_15 = arith.constant 0 : index
    %swap3A_16 = tpu.vector_load %arg8[%swap3A_14, %swap3A_15] {strides = array<i32>} : memref<64x16xi32, #tpu.memory_space<vmem>>, vector<16xi32>,
    tpu.vector_store %arg8[%swap3A_14, %swap3A_15], %broadcast_in_dim3A_3 {strides = array<i32>} : memref<64x16xi32, #tpu.memory_space<vmem>>, vector<16xi32>,
    %swap3A_17 = arith.constant 1 : i32
    %swap3A_18 = arith.index_cast %swap3A_17 : i32 to index
    %swap3A_19 = arith.constant 0 : index
    %swap3A_20 = tpu.vector_load %arg9[%swap3A_18, %swap3A_19] {strides = array<i32>} : memref<64x16xf32, #tpu.memory_space<vmem>>, vector<16xf32>,
    tpu.vector_store %arg9[%swap3A_18, %swap3A_19], %broadcast_in_dim3A_5 {strides = array<i32>} : memref<64x16xf32, #tpu.memory_space<vmem>>, vector<16xf32>,
    %swap3A_21 = arith.constant 2 : i32
    %swap3A_22 = arith.index_cast %swap3A_21 : i32 to index
    %swap3A_23 = arith.constant 0 : index
    %swap3A_24 = tpu.vector_load %arg8[%swap3A_22, %swap3A_23] {strides = array<i32>} : memref<64x16xi32, #tpu.memory_space<vmem>>, vector<16xi32>,
    tpu.vector_store %arg8[%swap3A_22, %swap3A_23], %broadcast_in_dim3A_3 {strides = array<i32>} : memref<64x16xi32, #tpu.memory_space<vmem>>, vector<16xi32>,
    %swap3A_25 = arith.constant 2 : i32
    %swap3A_26 = arith.index_cast %swap3A_25 : i32 to index
    %swap3A_27 = arith.constant 0 : index
    %swap3A_28 = tpu.vector_load %arg9[%swap3A_26, %swap3A_27] {strides = array<i32>} : memref<64x16xf32, #tpu.memory_space<vmem>>, vector<16xf32>,
    tpu.vector_store %arg9[%swap3A_26, %swap3A_27], %broadcast_in_dim3A_5 {strides = array<i32>} : memref<64x16xf32, #tpu.memory_space<vmem>>, vector<16xf32>,
    %swap3A_29 = arith.constant 3 : i32
    %swap3A_30 = arith.index_cast %swap3A_29 : i32 to index
    %swap3A_31 = arith.constant 0 : index
    %swap3A_32 = tpu.vector_load %arg8[%swap3A_30, %swap3A_31] {strides = array<i32>} : memref<64x16xi32, #tpu.memory_space<vmem>>, vector<16xi32>,
    tpu.vector_store %arg8[%swap3A_30, %swap3A_31], %broadcast_in_dim3A_3 {strides = array<i32>} : memref<64x16xi32, #tpu.memory_space<vmem>>, vector<16xi32>,
    %swap3A_33 = arith.constant 3 : i32
    %swap3A_34 = arith.index_cast %swap3A_33 : i32 to index
    %swap3A_35 = arith.constant 0 : index
    %swap3A_36 = tpu.vector_load %arg9[%swap3A_34, %swap3A_35] {strides = array<i32>} : memref<64x16xf32, #tpu.memory_space<vmem>>, vector<16xf32>,
    tpu.vector_store %arg9[%swap3A_34, %swap3A_35], %broadcast_in_dim3A_5 {strides = array<i32>} : memref<64x16xf32, #tpu.memory_space<vmem>>, vector<16xf32>,
    %swap3A_37 = arith.constant 4 : i32
    %swap3A_38 = arith.index_cast %swap3A_37 : i32 to index
    %swap3A_39 = arith.constant 0 : index
    %swap3A_40 = tpu.vector_load %arg8[%swap3A_38, %swap3A_39] {strides = array<i32>} : memref<64x16xi32, #tpu.memory_space<vmem>>, vector<16xi32>,
    tpu.vector_store %arg8[%swap3A_38, %swap3A_39], %broadcast_in_dim3A_3 {strides = array<i32>} : memref<64x16xi32, #tpu.memory_space<vmem>>, vector<16xi32>,
    %swap3A_41 = arith.constant 4 : i32
    %swap3A_42 = arith.index_cast %swap3A_41 : i32 to index
    %swap3A_43 = arith.constant 0 : index
    %swap3A_44 = tpu.vector_load %arg9[%swap3A_42, %swap3A_43] {strides = array<i32>} : memref<64x16xf32, #tpu.memory_space<vmem>>, vector<16xf32>,
    tpu.vector_store %arg9[%swap3A_42, %swap3A_43], %broadcast_in_dim3A_5 {strides = array<i32>} : memref<64x16xf32, #tpu.memory_space<vmem>>, vector<16xf32>,
    %swap3A_45 = arith.constant 5 : i32
    %swap3A_46 = arith.index_cast %swap3A_45 : i32 to index
    %swap3A_47 = arith.constant 0 : index
    %swap3A_48 = tpu.vector_load %arg8[%swap3A_46, %swap3A_47] {strides = array<i32>} : memref<64x16xi32, #tpu.memory_space<vmem>>, vector<16xi32>,
    tpu.vector_store %arg8[%swap3A_46, %swap3A_47], %broadcast_in_dim3A_3 {strides = array<i32>} : memref<64x16xi32, #tpu.memory_space<vmem>>, vector<16xi32>,
    %swap3A_49 = arith.constant 5 : i32
    %swap3A_50 = arith.index_cast %swap3A_49 : i32 to index
    %swap3A_51 = arith.constant 0 : index
    %swap3A_52 = tpu.vector_load %arg9[%swap3A_50, %swap3A_51] {strides = array<i32>} : memref<64x16xf32, #tpu.memory_space<vmem>>, vector<16xf32>,
    tpu.vector_store %arg9[%swap3A_50, %swap3A_51], %broadcast_in_dim3A_5 {strides = array<i32>} : memref<64x16xf32, #tpu.memory_space<vmem>>, vector<16xf32>,
    %swap3A_53 = arith.constant 6 : i32
    %swap3A_54 = arith.index_cast %swap3A_53 : i32 to index
    %swap3A_55 = arith.constant 0 : index
    %swap3A_56 = tpu.vector_load %arg8[%swap3A_54, %swap3A_55] {strides = array<i32>} : memref<64x16xi32, #tpu.memory_space<vmem>>, vector<16xi32>,
    tpu.vector_store %arg8[%swap3A_54, %swap3A_55], %broadcast_in_dim3A_3 {strides = array<i32>} : memref<64x16xi32, #tpu.memory_space<vmem>>, vector<16xi32>,
    %swap3A_57 = arith.constant 6 : i32
    %swap3A_58 = arith.index_cast %swap3A_57 : i32 to index
    %swap3A_59 = arith.constant 0 : index
    %swap3A_60 = tpu.vector_load %arg9[%swap3A_58, %swap3A_59] {strides = array<i32>} : memref<64x16xf32, #tpu.memory_space<vmem>>, vector<16xf32>,
    tpu.vector_store %arg9[%swap3A_58, %swap3A_59], %broadcast_in_dim3A_5 {strides = array<i32>} : memref<64x16xf32, #tpu.memory_space<vmem>>, vector<16xf32>,
    %swap3A_61 = arith.constant 7 : i32
    %swap3A_62 = arith.index_cast %swap3A_61 : i32 to index
    %swap3A_63 = arith.constant 0 : index
    %swap3A_64 = tpu.vector_load %arg8[%swap3A_62, %swap3A_63] {strides = array<i32>} : memref<64x16xi32, #tpu.memory_space<vmem>>, vector<16xi32>,
    tpu.vector_store %arg8[%swap3A_62, %swap3A_63], %broadcast_in_dim3A_3 {strides = array<i32>} : memref<64x16xi32, #tpu.memory_space<vmem>>, vector<16xi32>,
    %swap3A_65 = arith.constant 7 : i32
    %swap3A_66 = arith.index_cast %swap3A_65 : i32 to index
    %swap3A_67 = arith.constant 0 : index
    %swap3A_68 = tpu.vector_load %arg9[%swap3A_66, %swap3A_67] {strides = array<i32>} : memref<64x16xf32, #tpu.memory_space<vmem>>, vector<16xf32>,
    tpu.vector_store %arg9[%swap3A_66, %swap3A_67], %broadcast_in_dim3A_5 {strides = array<i32>} : memref<64x16xf32, #tpu.memory_space<vmem>>, vector<16xf32>,
    %swap3A_69 = arith.constant 8 : i32
    %swap3A_70 = arith.index_cast %swap3A_69 : i32 to index
    %swap3A_71 = arith.constant 0 : index
    %swap3A_72 = tpu.vector_load %arg8[%swap3A_70, %swap3A_71] {strides = array<i32>} : memref<64x16xi32, #tpu.memory_space<vmem>>, vector<16xi32>,
    tpu.vector_store %arg8[%swap3A_70, %swap3A_71], %broadcast_in_dim3A_3 {strides = array<i32>} : memref<64x16xi32, #tpu.memory_space<vmem>>, vector<16xi32>,
    %swap3A_73 = arith.constant 8 : i32
    %swap3A_74 = arith.index_cast %swap3A_73 : i32 to index
    %swap3A_75 = arith.constant 0 : index
    %swap3A_76 = tpu.vector_load %arg9[%swap3A_74, %swap3A_75] {strides = array<i32>} : memref<64x16xf32, #tpu.memory_space<vmem>>, vector<16xf32>,
    tpu.vector_store %arg9[%swap3A_74, %swap3A_75], %broadcast_in_dim3A_5 {strides = array<i32>} : memref<64x16xf32, #tpu.memory_space<vmem>>, vector<16xf32>,
    %swap3A_77 = arith.constant 9 : i32
    %swap3A_78 = arith.index_cast %swap3A_77 : i32 to index
    %swap3A_79 = arith.constant 0 : index
    %swap3A_80 = tpu.vector_load %arg8[%swap3A_78, %swap3A_79] {strides = array<i32>} : memref<64x16xi32, #tpu.memory_space<vmem>>, vector<16xi32>,
    tpu.vector_store %arg8[%swap3A_78, %swap3A_79], %broadcast_in_dim3A_3 {strides = array<i32>} : memref<64x16xi32, #tpu.memory_space<vmem>>, vector<16xi32>,
    %swap3A_81 = arith.constant 9 : i32
    %swap3A_82 = arith.index_cast %swap3A_81 : i32 to index
    %swap3A_83 = arith.constant 0 : index
    %swap3A_84 = tpu.vector_load %arg9[%swap3A_82, %swap3A_83] {strides = array<i32>} : memref<64x16xf32, #tpu.memory_space<vmem>>, vector<16xf32>,
    tpu.vector_store %arg9[%swap3A_82, %swap3A_83], %broadcast_in_dim3A_5 {strides = array<i32>} : memref<64x16xf32, #tpu.memory_space<vmem>>, vector<16xf32>,
    %swap3A_85 = arith.constant 10 : i32
    %swap3A_86 = arith.index_cast %swap3A_85 : i32 to index
    %swap3A_87 = arith.constant 0 : index
    %swap3A_88 = tpu.vector_load %arg8[%swap3A_86, %swap3A_87] {strides = array<i32>} : memref<64x16xi32, #tpu.memory_space<vmem>>, vector<16xi32>,
    tpu.vector_store %arg8[%swap3A_86, %swap3A_87], %broadcast_in_dim3A_3 {strides = array<i32>} : memref<64x16xi32, #tpu.memory_space<vmem>>, vector<16xi32>,
    %swap3A_89 = arith.constant 10 : i32
    %swap3A_90 = arith.index_cast %swap3A_89 : i32 to index
    %swap3A_91 = arith.constant 0 : index
    %swap3A_92 = tpu.vector_load %arg9[%swap3A_90, %swap3A_91] {strides = array<i32>} : memref<64x16xf32, #tpu.memory_space<vmem>>, vector<16xf32>,
    tpu.vector_store %arg9[%swap3A_90, %swap3A_91], %broadcast_in_dim3A_5 {strides = array<i32>} : memref<64x16xf32, #tpu.memory_space<vmem>>, vector<16xf32>,
    %swap3A_93 = arith.constant 11 : i32
    %swap3A_94 = arith.index_cast %swap3A_93 : i32 to index
    %swap3A_95 = arith.constant 0 : index
    %swap3A_96 = tpu.vector_load %arg8[%swap3A_94, %swap3A_95] {strides = array<i32>} : memref<64x16xi32, #tpu.memory_space<vmem>>, vector<16xi32>,
    tpu.vector_store %arg8[%swap3A_94, %swap3A_95], %broadcast_in_dim3A_3 {strides = array<i32>} : memref<64x16xi32, #tpu.memory_space<vmem>>, vector<16xi32>,
    %swap3A_97 = arith.constant 11 : i32
    %swap3A_98 = arith.index_cast %swap3A_97 : i32 to index
    %swap3A_99 = arith.constant 0 : index
    %swap3A_100 = tpu.vector_load %arg9[%swap3A_98, %swap3A_99] {strides = array<i32>} : memref<64x16xf32, #tpu.memory_space<vmem>>, vector<16xf32>,
    tpu.vector_store %arg9[%swap3A_98, %swap3A_99], %broadcast_in_dim3A_5 {strides = array<i32>} : memref<64x16xf32, #tpu.memory_space<vmem>>, vector<16xf32>,
    %swap3A_101 = arith.constant 12 : i32
    %swap3A_102 = arith.index_cast %swap3A_101 : i32 to index
    %swap3A_103 = arith.constant 0 : index
    %swap3A_104 = tpu.vector_load %arg8[%swap3A_102, %swap3A_103] {strides = array<i32>} : memref<64x16xi32, #tpu.memory_space<vmem>>, vector<16xi32>,
    tpu.vector_store %arg8[%swap3A_102, %swap3A_103], %broadcast_in_dim3A_3 {strides = array<i32>} : memref<64x16xi32, #tpu.memory_space<vmem>>, vector<16xi32>,
    %swap3A_105 = arith.constant 12 : i32
    %swap3A_106 = arith.index_cast %swap3A_105 : i32 to index
    %swap3A_107 = arith.constant 0 : index
    %swap3A_108 = tpu.vector_load %arg9[%swap3A_106, %swap3A_107] {strides = array<i32>} : memref<64x16xf32, #tpu.memory_space<vmem>>, vector<16xf32>,
    tpu.vector_store %arg9[%swap3A_106, %swap3A_107], %broadcast_in_dim3A_5 {strides = array<i32>} : memref<64x16xf32, #tpu.memory_space<vmem>>, vector<16xf32>,
    %swap3A_109 = arith.constant 13 : i32
    %swap3A_110 = arith.index_cast %swap3A_109 : i32 to index
    %swap3A_111 = arith.constant 0 : index
    %swap3A_112 = tpu.vector_load %arg8[%swap3A_110, %swap3A_111] {strides = array<i32>} : memref<64x16xi32, #tpu.memory_space<vmem>>, vector<16xi32>,
    tpu.vector_store %arg8[%swap3A_110, %swap3A_111], %broadcast_in_dim3A_3 {strides = array<i32>} : memref<64x16xi32, #tpu.memory_space<vmem>>, vector<16xi32>,
    %swap3A_113 = arith.constant 13 : i32
    %swap3A_114 = arith.index_cast %swap3A_113 : i32 to index
    %swap3A_115 = arith.constant 0 : index
    %swap3A_116 = tpu.vector_load %arg9[%swap3A_114, %swap3A_115] {strides = array<i32>} : memref<64x16xf32, #tpu.memory_space<vmem>>, vector<16xf32>,
    tpu.vector_store %arg9[%swap3A_114, %swap3A_115], %broadcast_in_dim3A_5 {strides = array<i32>} : memref<64x16xf32, #tpu.memory_space<vmem>>, vector<16xf32>,
    %swap3A_117 = arith.constant 14 : i32
    %swap3A_118 = arith.index_cast %swap3A_117 : i32 to index
    %swap3A_119 = arith.constant 0 : index
    %swap3A_120 = tpu.vector_load %arg8[%swap3A_118, %swap3A_119] {strides = array<i32>} : memref<64x16xi32, #tpu.memory_space<vmem>>, vector<16xi32>,
    tpu.vector_store %arg8[%swap3A_118, %swap3A_119], %broadcast_in_dim3A_3 {strides = array<i32>} : memref<64x16xi32, #tpu.memory_space<vmem>>, vector<16xi32>,
    %swap3A_121 = arith.constant 14 : i32
    %swap3A_122 = arith.index_cast %swap3A_121 : i32 to index
    %swap3A_123 = arith.constant 0 : index
    %swap3A_124 = tpu.vector_load %arg9[%swap3A_122, %swap3A_123] {strides = array<i32>} : memref<64x16xf32, #tpu.memory_space<vmem>>, vector<16xf32>,
    tpu.vector_store %arg9[%swap3A_122, %swap3A_123], %broadcast_in_dim3A_5 {strides = array<i32>} : memref<64x16xf32, #tpu.memory_space<vmem>>, vector<16xf32>,
    %swap3A_125 = arith.constant 15 : i32
    %swap3A_126 = arith.index_cast %swap3A_125 : i32 to index
    %swap3A_127 = arith.constant 0 : index
    %swap3A_128 = tpu.vector_load %arg8[%swap3A_126, %swap3A_127] {strides = array<i32>} : memref<64x16xi32, #tpu.memory_space<vmem>>, vector<16xi32>,
    tpu.vector_store %arg8[%swap3A_126, %swap3A_127], %broadcast_in_dim3A_3 {strides = array<i32>} : memref<64x16xi32, #tpu.memory_space<vmem>>, vector<16xi32>,
    %swap3A_129 = arith.constant 15 : i32
    %swap3A_130 = arith.index_cast %swap3A_129 : i32 to index
    %swap3A_131 = arith.constant 0 : index
    %swap3A_132 = tpu.vector_load %arg9[%swap3A_130, %swap3A_131] {strides = array<i32>} : memref<64x16xf32, #tpu.memory_space<vmem>>, vector<16xf32>,
    tpu.vector_store %arg9[%swap3A_130, %swap3A_131], %broadcast_in_dim3A_5 {strides = array<i32>} : memref<64x16xf32, #tpu.memory_space<vmem>>, vector<16xf32>,
    %swap3A_133 = arith.constant 16 : i32
    %swap3A_134 = arith.index_cast %swap3A_133 : i32 to index
    %swap3A_135 = arith.constant 0 : index
    %swap3A_136 = tpu.vector_load %arg8[%swap3A_134, %swap3A_135] {strides = array<i32>} : memref<64x16xi32, #tpu.memory_space<vmem>>, vector<16xi32>,
    tpu.vector_store %arg8[%swap3A_134, %swap3A_135], %broadcast_in_dim3A_3 {strides = array<i32>} : memref<64x16xi32, #tpu.memory_space<vmem>>, vector<16xi32>,
    %swap3A_137 = arith.constant 16 : i32
    %swap3A_138 = arith.index_cast %swap3A_137 : i32 to index
    %swap3A_139 = arith.constant 0 : index
    %swap3A_140 = tpu.vector_load %arg9[%swap3A_138, %swap3A_139] {strides = array<i32>} : memref<64x16xf32, #tpu.memory_space<vmem>>, vector<16xf32>,
    tpu.vector_store %arg9[%swap3A_138, %swap3A_139], %broadcast_in_dim3A_5 {strides = array<i32>} : memref<64x16xf32, #tpu.memory_space<vmem>>, vector<16xf32>,
    %swap3A_141 = arith.constant 17 : i32
    %swap3A_142 = arith.index_cast %swap3A_141 : i32 to index
    %swap3A_143 = arith.constant 0 : index
    %swap3A_144 = tpu.vector_load %arg8[%swap3A_142, %swap3A_143] {strides = array<i32>} : memref<64x16xi32, #tpu.memory_space<vmem>>, vector<16xi32>,
    tpu.vector_store %arg8[%swap3A_142, %swap3A_143], %broadcast_in_dim3A_3 {strides = array<i32>} : memref<64x16xi32, #tpu.memory_space<vmem>>, vector<16xi32>,
    %swap3A_145 = arith.constant 17 : i32
    %swap3A_146 = arith.index_cast %swap3A_145 : i32 to index
    %swap3A_147 = arith.constant 0 : index
    %swap3A_148 = tpu.vector_load %arg9[%swap3A_146, %swap3A_147] {strides = array<i32>} : memref<64x16xf32, #tpu.memory_space<vmem>>, vector<16xf32>,
    tpu.vector_store %arg9[%swap3A_146, %swap3A_147], %broadcast_in_dim3A_5 {strides = array<i32>} : memref<64x16xf32, #tpu.memory_space<vmem>>, vector<16xf32>,
    %swap3A_149 = arith.constant 18 : i32
    %swap3A_150 = arith.index_cast %swap3A_149 : i32 to index
    %swap3A_151 = arith.constant 0 : index
    %swap3A_152 = tpu.vector_load %arg8[%swap3A_150, %swap3A_151] {strides = array<i32>} : memref<64x16xi32, #tpu.memory_space<vmem>>, vector<16xi32>,
    tpu.vector_store %arg8[%swap3A_150, %swap3A_151], %broadcast_in_dim3A_3 {strides = array<i32>} : memref<64x16xi32, #tpu.memory_space<vmem>>, vector<16xi32>,
    %swap3A_153 = arith.constant 18 : i32
    %swap3A_154 = arith.index_cast %swap3A_153 : i32 to index
    %swap3A_155 = arith.constant 0 : index
    %swap3A_156 = tpu.vector_load %arg9[%swap3A_154, %swap3A_155] {strides = array<i32>} : memref<64x16xf32, #tpu.memory_space<vmem>>, vector<16xf32>,
    tpu.vector_store %arg9[%swap3A_154, %swap3A_155], %broadcast_in_dim3A_5 {strides = array<i32>} : memref<64x16xf32, #tpu.memory_space<vmem>>, vector<16xf32>,
    %swap3A_157 = arith.constant 19 : i32
    %swap3A_158 = arith.index_cast %swap3A_157 : i32 to index
    %swap3A_159 = arith.constant 0 : index
    %swap3A_160 = tpu.vector_load %arg8[%swap3A_158, %swap3A_159] {strides = array<i32>} : memref<64x16xi32, #tpu.memory_space<vmem>>, vector<16xi32>,
    tpu.vector_store %arg8[%swap3A_158, %swap3A_159], %broadcast_in_dim3A_3 {strides = array<i32>} : memref<64x16xi32, #tpu.memory_space<vmem>>, vector<16xi32>,
    %swap3A_161 = arith.constant 19 : i32
    %swap3A_162 = arith.index_cast %swap3A_161 : i32 to index
    %swap3A_163 = arith.constant 0 : index
    %swap3A_164 = tpu.vector_load %arg9[%swap3A_162, %swap3A_163] {strides = array<i32>} : memref<64x16xf32, #tpu.memory_space<vmem>>, vector<16xf32>,
    tpu.vector_store %arg9[%swap3A_162, %swap3A_163], %broadcast_in_dim3A_5 {strides = array<i32>} : memref<64x16xf32, #tpu.memory_space<vmem>>, vector<16xf32>,
    %swap3A_165 = arith.constant 20 : i32
    %swap3A_166 = arith.index_cast %swap3A_165 : i32 to index
    %swap3A_167 = arith.constant 0 : index
    %swap3A_168 = tpu.vector_load %arg8[%swap3A_166, %swap3A_167] {strides = array<i32>} : memref<64x16xi32, #tpu.memory_space<vmem>>, vector<16xi32>,
    tpu.vector_store %arg8[%swap3A_166, %swap3A_167], %broadcast_in_dim3A_3 {strides = array<i32>} : memref<64x16xi32, #tpu.memory_space<vmem>>, vector<16xi32>,
    %swap3A_169 = arith.constant 20 : i32
    %swap3A_170 = arith.index_cast %swap3A_169 : i32 to index
    %swap3A_171 = arith.constant 0 : index
    %swap3A_172 = tpu.vector_load %arg9[%swap3A_170, %swap3A_171] {strides = array<i32>} : memref<64x16xf32, #tpu.memory_space<vmem>>, vector<16xf32>,
    tpu.vector_store %arg9[%swap3A_170, %swap3A_171], %broadcast_in_dim3A_5 {strides = array<i32>} : memref<64x16xf32, #tpu.memory_space<vmem>>, vector<16xf32>,
    %swap3A_173 = arith.constant 21 : i32
    %swap3A_174 = arith.index_cast %swap3A_173 : i32 to index
    %swap3A_175 = arith.constant 0 : index
    %swap3A_176 = tpu.vector_load %arg8[%swap3A_174, %swap3A_175] {strides = array<i32>} : memref<64x16xi32, #tpu.memory_space<vmem>>, vector<16xi32>,
    tpu.vector_store %arg8[%swap3A_174, %swap3A_175], %broadcast_in_dim3A_3 {strides = array<i32>} : memref<64x16xi32, #tpu.memory_space<vmem>>, vector<16xi32>,
    %swap3A_177 = arith.constant 21 : i32
    %swap3A_178 = arith.index_cast %swap3A_177 : i32 to index
    %swap3A_179 = arith.constant 0 : index
    %swap3A_180 = tpu.vector_load %arg9[%swap3A_178, %swap3A_179] {strides = array<i32>} : memref<64x16xf32, #tpu.memory_space<vmem>>, vector<16xf32>,
    tpu.vector_store %arg9[%swap3A_178, %swap3A_179], %broadcast_in_dim3A_5 {strides = array<i32>} : memref<64x16xf32, #tpu.memory_space<vmem>>, vector<16xf32>,
    %swap3A_181 = arith.constant 22 : i32
    %swap3A_182 = arith.index_cast %swap3A_181 : i32 to index
    %swap3A_183 = arith.constant 0 : index
    %swap3A_184 = tpu.vector_load %arg8[%swap3A_182, %swap3A_183] {strides = array<i32>} : memref<64x16xi32, #tpu.memory_space<vmem>>, vector<16xi32>,
    tpu.vector_store %arg8[%swap3A_182, %swap3A_183], %broadcast_in_dim3A_3 {strides = array<i32>} : memref<64x16xi32, #tpu.memory_space<vmem>>, vector<16xi32>,
    %swap3A_185 = arith.constant 22 : i32
    %swap3A_186 = arith.index_cast %swap3A_185 : i32 to index
    %swap3A_187 = arith.constant 0 : index
    %swap3A_188 = tpu.vector_load %arg9[%swap3A_186, %swap3A_187] {strides = array<i32>} : memref<64x16xf32, #tpu.memory_space<vmem>>, vector<16xf32>,
    tpu.vector_store %arg9[%swap3A_186, %swap3A_187], %broadcast_in_dim3A_5 {strides = array<i32>} : memref<64x16xf32, #tpu.memory_space<vmem>>, vector<16xf32>,
    %swap3A_189 = arith.constant 23 : i32
    %swap3A_190 = arith.index_cast %swap3A_189 : i32 to index
    %swap3A_191 = arith.constant 0 : index
    %swap3A_192 = tpu.vector_load %arg8[%swap3A_190, %swap3A_191] {strides = array<i32>} : memref<64x16xi32, #tpu.memory_space<vmem>>, vector<16xi32>,
    tpu.vector_store %arg8[%swap3A_190, %swap3A_191], %broadcast_in_dim3A_3 {strides = array<i32>} : memref<64x16xi32, #tpu.memory_space<vmem>>, vector<16xi32>,
    %swap3A_193 = arith.constant 23 : i32
    %swap3A_194 = arith.index_cast %swap3A_193 : i32 to index
    %swap3A_195 = arith.constant 0 : index
    %swap3A_196 = tpu.vector_load %arg9[%swap3A_194, %swap3A_195] {strides = array<i32>} : memref<64x16xf32, #tpu.memory_space<vmem>>, vector<16xf32>,
    tpu.vector_store %arg9[%swap3A_194, %swap3A_195], %broadcast_in_dim3A_5 {strides = array<i32>} : memref<64x16xf32, #tpu.memory_space<vmem>>, vector<16xf32>,
    %swap3A_197 = arith.constant 24 : i32
    %swap3A_198 = arith.index_cast %swap3A_197 : i32 to index
    %swap3A_199 = arith.constant 0 : index
    %swap3A_200 = tpu.vector_load %arg8[%swap3A_198, %swap3A_199] {strides = array<i32>} : memref<64x16xi32, #tpu.memory_space<vmem>>, vector<16xi32>,
    tpu.vector_store %arg8[%swap3A_198, %swap3A_199], %broadcast_in_dim3A_3 {strides = array<i32>} : memref<64x16xi32, #tpu.memory_space<vmem>>, vector<16xi32>,
    %swap3A_201 = arith.constant 24 : i32
    %swap3A_202 = arith.index_cast %swap3A_201 : i32 to index
    %swap3A_203 = arith.constant 0 : index
    %swap3A_204 = tpu.vector_load %arg9[%swap3A_202, %swap3A_203] {strides = array<i32>} : memref<64x16xf32, #tpu.memory_space<vmem>>, vector<16xf32>,
    tpu.vector_store %arg9[%swap3A_202, %swap3A_203], %broadcast_in_dim3A_5 {strides = array<i32>} : memref<64x16xf32, #tpu.memory_space<vmem>>, vector<16xf32>,
    %swap3A_205 = arith.constant 25 : i32
    %swap3A_206 = arith.index_cast %swap3A_205 : i32 to index
    %swap3A_207 = arith.constant 0 : index
    %swap3A_208 = tpu.vector_load %arg8[%swap3A_206, %swap3A_207] {strides = array<i32>} : memref<64x16xi32, #tpu.memory_space<vmem>>, vector<16xi32>,
    tpu.vector_store %arg8[%swap3A_206, %swap3A_207], %broadcast_in_dim3A_3 {strides = array<i32>} : memref<64x16xi32, #tpu.memory_space<vmem>>, vector<16xi32>,
    %swap3A_209 = arith.constant 25 : i32
    %swap3A_210 = arith.index_cast %swap3A_209 : i32 to index
    %swap3A_211 = arith.constant 0 : index
    %swap3A_212 = tpu.vector_load %arg9[%swap3A_210, %swap3A_211] {strides = array<i32>} : memref<64x16xf32, #tpu.memory_space<vmem>>, vector<16xf32>,
    tpu.vector_store %arg9[%swap3A_210, %swap3A_211], %broadcast_in_dim3A_5 {strides = array<i32>} : memref<64x16xf32, #tpu.memory_space<vmem>>, vector<16xf32>,
    %swap3A_213 = arith.constant 26 : i32
    %swap3A_214 = arith.index_cast %swap3A_213 : i32 to index
    %swap3A_215 = arith.constant 0 : index
    %swap3A_216 = tpu.vector_load %arg8[%swap3A_214, %swap3A_215] {strides = array<i32>} : memref<64x16xi32, #tpu.memory_space<vmem>>, vector<16xi32>,
    tpu.vector_store %arg8[%swap3A_214, %swap3A_215], %broadcast_in_dim3A_3 {strides = array<i32>} : memref<64x16xi32, #tpu.memory_space<vmem>>, vector<16xi32>,
    %swap3A_217 = arith.constant 26 : i32
    %swap3A_218 = arith.index_cast %swap3A_217 : i32 to index
    %swap3A_219 = arith.constant 0 : index
    %swap3A_220 = tpu.vector_load %arg9[%swap3A_218, %swap3A_219] {strides = array<i32>} : memref<64x16xf32, #tpu.memory_space<vmem>>, vector<16xf32>,
    tpu.vector_store %arg9[%swap3A_218, %swap3A_219], %broadcast_in_dim3A_5 {strides = array<i32>} : memref<64x16xf32, #tpu.memory_space<vmem>>, vector<16xf32>,
    %swap3A_221 = arith.constant 27 : i32
    %swap3A_222 = arith.index_cast %swap3A_221 : i32 to index
    %swap3A_223 = arith.constant 0 : index
    %swap3A_224 = tpu.vector_load %arg8[%swap3A_222, %swap3A_223] {strides = array<i32>} : memref<64x16xi32, #tpu.memory_space<vmem>>, vector<16xi32>,
    tpu.vector_store %arg8[%swap3A_222, %swap3A_223], %broadcast_in_dim3A_3 {strides = array<i32>} : memref<64x16xi32, #tpu.memory_space<vmem>>, vector<16xi32>,
    %swap3A_225 = arith.constant 27 : i32
    %swap3A_226 = arith.index_cast %swap3A_225 : i32 to index
    %swap3A_227 = arith.constant 0 : index
    %swap3A_228 = tpu.vector_load %arg9[%swap3A_226, %swap3A_227] {strides = array<i32>} : memref<64x16xf32, #tpu.memory_space<vmem>>, vector<16xf32>,
    tpu.vector_store %arg9[%swap3A_226, %swap3A_227], %broadcast_in_dim3A_5 {strides = array<i32>} : memref<64x16xf32, #tpu.memory_space<vmem>>, vector<16xf32>,
    %swap3A_229 = arith.constant 28 : i32
    %swap3A_230 = arith.index_cast %swap3A_229 : i32 to index
    %swap3A_231 = arith.constant 0 : index
    %swap3A_232 = tpu.vector_load %arg8[%swap3A_230, %swap3A_231] {strides = array<i32>} : memref<64x16xi32, #tpu.memory_space<vmem>>, vector<16xi32>,
    tpu.vector_store %arg8[%swap3A_230, %swap3A_231], %broadcast_in_dim3A_3 {strides = array<i32>} : memref<64x16xi32, #tpu.memory_space<vmem>>, vector<16xi32>,
    %swap3A_233 = arith.constant 28 : i32
    %swap3A_234 = arith.index_cast %swap3A_233 : i32 to index
    %swap3A_235 = arith.constant 0 : index
    %swap3A_236 = tpu.vector_load %arg9[%swap3A_234, %swap3A_235] {strides = array<i32>} : memref<64x16xf32, #tpu.memory_space<vmem>>, vector<16xf32>,
    tpu.vector_store %arg9[%swap3A_234, %swap3A_235], %broadcast_in_dim3A_5 {strides = array<i32>} : memref<64x16xf32, #tpu.memory_space<vmem>>, vector<16xf32>,
    %swap3A_237 = arith.constant 29 : i32
    %swap3A_238 = arith.index_cast %swap3A_237 : i32 to index
    %swap3A_239 = arith.constant 0 : index
    %swap3A_240 = tpu.vector_load %arg8[%swap3A_238, %swap3A_239] {strides = array<i32>} : memref<64x16xi32, #tpu.memory_space<vmem>>, vector<16xi32>,
    tpu.vector_store %arg8[%swap3A_238, %swap3A_239], %broadcast_in_dim3A_3 {strides = array<i32>} : memref<64x16xi32, #tpu.memory_space<vmem>>, vector<16xi32>,
    %swap3A_241 = arith.constant 29 : i32
    %swap3A_242 = arith.index_cast %swap3A_241 : i32 to index
    %swap3A_243 = arith.constant 0 : index
    %swap3A_244 = tpu.vector_load %arg9[%swap3A_242, %swap3A_243] {strides = array<i32>} : memref<64x16xf32, #tpu.memory_space<vmem>>, vector<16xf32>,
    tpu.vector_store %arg9[%swap3A_242, %swap3A_243], %broadcast_in_dim3A_5 {strides = array<i32>} : memref<64x16xf32, #tpu.memory_space<vmem>>, vector<16xf32>,
    %swap3A_245 = arith.constant 30 : i32
    %swap3A_246 = arith.index_cast %swap3A_245 : i32 to index
    %swap3A_247 = arith.constant 0 : index
    %swap3A_248 = tpu.vector_load %arg8[%swap3A_246, %swap3A_247] {strides = array<i32>} : memref<64x16xi32, #tpu.memory_space<vmem>>, vector<16xi32>,
    tpu.vector_store %arg8[%swap3A_246, %swap3A_247], %broadcast_in_dim3A_3 {strides = array<i32>} : memref<64x16xi32, #tpu.memory_space<vmem>>, vector<16xi32>,
    %swap3A_249 = arith.constant 30 : i32
    %swap3A_250 = arith.index_cast %swap3A_249 : i32 to index
    %swap3A_251 = arith.constant 0 : index
    %swap3A_252 = tpu.vector_load %arg9[%swap3A_250, %swap3A_251] {strides = array<i32>} : memref<64x16xf32, #tpu.memory_space<vmem>>, vector<16xf32>,
    tpu.vector_store %arg9[%swap3A_250, %swap3A_251], %broadcast_in_dim3A_5 {strides = array<i32>} : memref<64x16xf32, #tpu.memory_space<vmem>>, vector<16xf32>,
    %swap3A_253 = arith.constant 31 : i32
    %swap3A_254 = arith.index_cast %swap3A_253 : i32 to index
    %swap3A_255 = arith.constant 0 : index
    %swap3A_256 = tpu.vector_load %arg8[%swap3A_254, %swap3A_255] {strides = array<i32>} : memref<64x16xi32, #tpu.memory_space<vmem>>, vector<16xi32>,
    tpu.vector_store %arg8[%swap3A_254, %swap3A_255], %broadcast_in_dim3A_3 {strides = array<i32>} : memref<64x16xi32, #tpu.memory_space<vmem>>, vector<16xi32>,
    %swap3A_257 = arith.constant 31 : i32
    %swap3A_258 = arith.index_cast %swap3A_257 : i32 to index
    %swap3A_259 = arith.constant 0 : index
    %swap3A_260 = tpu.vector_load %arg9[%swap3A_258, %swap3A_259] {strides = array<i32>} : memref<64x16xf32, #tpu.memory_space<vmem>>, vector<16xf32>,
    tpu.vector_store %arg9[%swap3A_258, %swap3A_259], %broadcast_in_dim3A_5 {strides = array<i32>} : memref<64x16xf32, #tpu.memory_space<vmem>>, vector<16xf32>,
    %swap3A_261 = arith.constant 32 : i32
    %swap3A_262 = arith.index_cast %swap3A_261 : i32 to index
    %swap3A_263 = arith.constant 0 : index
    %swap3A_264 = tpu.vector_load %arg8[%swap3A_262, %swap3A_263] {strides = array<i32>} : memref<64x16xi32, #tpu.memory_space<vmem>>, vector<16xi32>,
    tpu.vector_store %arg8[%swap3A_262, %swap3A_263], %broadcast_in_dim3A_3 {strides = array<i32>} : memref<64x16xi32, #tpu.memory_space<vmem>>, vector<16xi32>,
    %swap3A_265 = arith.constant 32 : i32
    %swap3A_266 = arith.index_cast %swap3A_265 : i32 to index
    %swap3A_267 = arith.constant 0 : index
    %swap3A_268 = tpu.vector_load %arg9[%swap3A_266, %swap3A_267] {strides = array<i32>} : memref<64x16xf32, #tpu.memory_space<vmem>>, vector<16xf32>,
    tpu.vector_store %arg9[%swap3A_266, %swap3A_267], %broadcast_in_dim3A_5 {strides = array<i32>} : memref<64x16xf32, #tpu.memory_space<vmem>>, vector<16xf32>,
    %swap3A_269 = arith.constant 33 : i32
    %swap3A_270 = arith.index_cast %swap3A_269 : i32 to index
    %swap3A_271 = arith.constant 0 : index
    %swap3A_272 = tpu.vector_load %arg8[%swap3A_270, %swap3A_271] {strides = array<i32>} : memref<64x16xi32, #tpu.memory_space<vmem>>, vector<16xi32>,
    tpu.vector_store %arg8[%swap3A_270, %swap3A_271], %broadcast_in_dim3A_3 {strides = array<i32>} : memref<64x16xi32, #tpu.memory_space<vmem>>, vector<16xi32>,
    %swap3A_273 = arith.constant 33 : i32
    %swap3A_274 = arith.index_cast %swap3A_273 : i32 to index
    %swap3A_275 = arith.constant 0 : index
    %swap3A_276 = tpu.vector_load %arg9[%swap3A_274, %swap3A_275] {strides = array<i32>} : memref<64x16xf32, #tpu.memory_space<vmem>>, vector<16xf32>,
    tpu.vector_store %arg9[%swap3A_274, %swap3A_275], %broadcast_in_dim3A_5 {strides = array<i32>} : memref<64x16xf32, #tpu.memory_space<vmem>>, vector<16xf32>,
    %swap3A_277 = arith.constant 34 : i32
    %swap3A_278 = arith.index_cast %swap3A_277 : i32 to index
    %swap3A_279 = arith.constant 0 : index
    %swap3A_280 = tpu.vector_load %arg8[%swap3A_278, %swap3A_279] {strides = array<i32>} : memref<64x16xi32, #tpu.memory_space<vmem>>, vector<16xi32>,
    tpu.vector_store %arg8[%swap3A_278, %swap3A_279], %broadcast_in_dim3A_3 {strides = array<i32>} : memref<64x16xi32, #tpu.memory_space<vmem>>, vector<16xi32>,
    %swap3A_281 = arith.constant 34 : i32
    %swap3A_282 = arith.index_cast %swap3A_281 : i32 to index
    %swap3A_283 = arith.constant 0 : index
    %swap3A_284 = tpu.vector_load %arg9[%swap3A_282, %swap3A_283] {strides = array<i32>} : memref<64x16xf32, #tpu.memory_space<vmem>>, vector<16xf32>,
    tpu.vector_store %arg9[%swap3A_282, %swap3A_283], %broadcast_in_dim3A_5 {strides = array<i32>} : memref<64x16xf32, #tpu.memory_space<vmem>>, vector<16xf32>,
    %swap3A_285 = arith.constant 35 : i32
    %swap3A_286 = arith.index_cast %swap3A_285 : i32 to index
    %swap3A_287 = arith.constant 0 : index
    %swap3A_288 = tpu.vector_load %arg8[%swap3A_286, %swap3A_287] {strides = array<i32>} : memref<64x16xi32, #tpu.memory_space<vmem>>, vector<16xi32>,
    tpu.vector_store %arg8[%swap3A_286, %swap3A_287], %broadcast_in_dim3A_3 {strides = array<i32>} : memref<64x16xi32, #tpu.memory_space<vmem>>, vector<16xi32>,
    %swap3A_289 = arith.constant 35 : i32
    %swap3A_290 = arith.index_cast %swap3A_289 : i32 to index
    %swap3A_291 = arith.constant 0 : index
    %swap3A_292 = tpu.vector_load %arg9[%swap3A_290, %swap3A_291] {strides = array<i32>} : memref<64x16xf32, #tpu.memory_space<vmem>>, vector<16xf32>,
    tpu.vector_store %arg9[%swap3A_290, %swap3A_291], %broadcast_in_dim3A_5 {strides = array<i32>} : memref<64x16xf32, #tpu.memory_space<vmem>>, vector<16xf32>,
    %swap3A_293 = arith.constant 36 : i32
    %swap3A_294 = arith.index_cast %swap3A_293 : i32 to index
    %swap3A_295 = arith.constant 0 : index
    %swap3A_296 = tpu.vector_load %arg8[%swap3A_294, %swap3A_295] {strides = array<i32>} : memref<64x16xi32, #tpu.memory_space<vmem>>, vector<16xi32>,
    tpu.vector_store %arg8[%swap3A_294, %swap3A_295], %broadcast_in_dim3A_3 {strides = array<i32>} : memref<64x16xi32, #tpu.memory_space<vmem>>, vector<16xi32>,
    %swap3A_297 = arith.constant 36 : i32
    %swap3A_298 = arith.index_cast %swap3A_297 : i32 to index
    %swap3A_299 = arith.constant 0 : index
    %swap3A_300 = tpu.vector_load %arg9[%swap3A_298, %swap3A_299] {strides = array<i32>} : memref<64x16xf32, #tpu.memory_space<vmem>>, vector<16xf32>,
    tpu.vector_store %arg9[%swap3A_298, %swap3A_299], %broadcast_in_dim3A_5 {strides = array<i32>} : memref<64x16xf32, #tpu.memory_space<vmem>>, vector<16xf32>,
    %swap3A_301 = arith.constant 37 : i32
    %swap3A_302 = arith.index_cast %swap3A_301 : i32 to index
    %swap3A_303 = arith.constant 0 : index
    %swap3A_304 = tpu.vector_load %arg8[%swap3A_302, %swap3A_303] {strides = array<i32>} : memref<64x16xi32, #tpu.memory_space<vmem>>, vector<16xi32>,
    tpu.vector_store %arg8[%swap3A_302, %swap3A_303], %broadcast_in_dim3A_3 {strides = array<i32>} : memref<64x16xi32, #tpu.memory_space<vmem>>, vector<16xi32>,
    %swap3A_305 = arith.constant 37 : i32
    %swap3A_306 = arith.index_cast %swap3A_305 : i32 to index
    %swap3A_307 = arith.constant 0 : index
    %swap3A_308 = tpu.vector_load %arg9[%swap3A_306, %swap3A_307] {strides = array<i32>} : memref<64x16xf32, #tpu.memory_space<vmem>>, vector<16xf32>,
    tpu.vector_store %arg9[%swap3A_306, %swap3A_307], %broadcast_in_dim3A_5 {strides = array<i32>} : memref<64x16xf32, #tpu.memory_space<vmem>>, vector<16xf32>,
    %swap3A_309 = arith.constant 38 : i32
    %swap3A_310 = arith.index_cast %swap3A_309 : i32 to index
    %swap3A_311 = arith.constant 0 : index
    %swap3A_312 = tpu.vector_load %arg8[%swap3A_310, %swap3A_311] {strides = array<i32>} : memref<64x16xi32, #tpu.memory_space<vmem>>, vector<16xi32>,
    tpu.vector_store %arg8[%swap3A_310, %swap3A_311], %broadcast_in_dim3A_3 {strides = array<i32>} : memref<64x16xi32, #tpu.memory_space<vmem>>, vector<16xi32>,
    %swap3A_313 = arith.constant 38 : i32
    %swap3A_314 = arith.index_cast %swap3A_313 : i32 to index
    %swap3A_315 = arith.constant 0 : index
    %swap3A_316 = tpu.vector_load %arg9[%swap3A_314, %swap3A_315] {strides = array<i32>} : memref<64x16xf32, #tpu.memory_space<vmem>>, vector<16xf32>,
    tpu.vector_store %arg9[%swap3A_314, %swap3A_315], %broadcast_in_dim3A_5 {strides = array<i32>} : memref<64x16xf32, #tpu.memory_space<vmem>>, vector<16xf32>,
    %swap3A_317 = arith.constant 39 : i32
    %swap3A_318 = arith.index_cast %swap3A_317 : i32 to index
    %swap3A_319 = arith.constant 0 : index
    %swap3A_320 = tpu.vector_load %arg8[%swap3A_318, %swap3A_319] {strides = array<i32>} : memref<64x16xi32, #tpu.memory_space<vmem>>, vector<16xi32>,
    tpu.vector_store %arg8[%swap3A_318, %swap3A_319], %broadcast_in_dim3A_3 {strides = array<i32>} : memref<64x16xi32, #tpu.memory_space<vmem>>, vector<16xi32>,
    %swap3A_321 = arith.constant 39 : i32
    %swap3A_322 = arith.index_cast %swap3A_321 : i32 to index
    %swap3A_323 = arith.constant 0 : index
    %swap3A_324 = tpu.vector_load %arg9[%swap3A_322, %swap3A_323] {strides = array<i32>} : memref<64x16xf32, #tpu.memory_space<vmem>>, vector<16xf32>,
    tpu.vector_store %arg9[%swap3A_322, %swap3A_323], %broadcast_in_dim3A_5 {strides = array<i32>} : memref<64x16xf32, #tpu.memory_space<vmem>>, vector<16xf32>,
    %swap3A_325 = arith.constant 40 : i32
    %swap3A_326 = arith.index_cast %swap3A_325 : i32 to index
    %swap3A_327 = arith.constant 0 : index
    %swap3A_328 = tpu.vector_load %arg8[%swap3A_326, %swap3A_327] {strides = array<i32>} : memref<64x16xi32, #tpu.memory_space<vmem>>, vector<16xi32>,
    tpu.vector_store %arg8[%swap3A_326, %swap3A_327], %broadcast_in_dim3A_3 {strides = array<i32>} : memref<64x16xi32, #tpu.memory_space<vmem>>, vector<16xi32>,
    %swap3A_329 = arith.constant 40 : i32
    %swap3A_330 = arith.index_cast %swap3A_329 : i32 to index
    %swap3A_331 = arith.constant 0 : index
    %swap3A_332 = tpu.vector_load %arg9[%swap3A_330, %swap3A_331] {strides = array<i32>} : memref<64x16xf32, #tpu.memory_space<vmem>>, vector<16xf32>,
    tpu.vector_store %arg9[%swap3A_330, %swap3A_331], %broadcast_in_dim3A_5 {strides = array<i32>} : memref<64x16xf32, #tpu.memory_space<vmem>>, vector<16xf32>,
    %swap3A_333 = arith.constant 41 : i32
    %swap3A_334 = arith.index_cast %swap3A_333 : i32 to index
    %swap3A_335 = arith.constant 0 : index
    %swap3A_336 = tpu.vector_load %arg8[%swap3A_334, %swap3A_335] {strides = array<i32>} : memref<64x16xi32, #tpu.memory_space<vmem>>, vector<16xi32>,
    tpu.vector_store %arg8[%swap3A_334, %swap3A_335], %broadcast_in_dim3A_3 {strides = array<i32>} : memref<64x16xi32, #tpu.memory_space<vmem>>, vector<16xi32>,
    %swap3A_337 = arith.constant 41 : i32
    %swap3A_338 = arith.index_cast %swap3A_337 : i32 to index
    %swap3A_339 = arith.constant 0 : index
    %swap3A_340 = tpu.vector_load %arg9[%swap3A_338, %swap3A_339] {strides = array<i32>} : memref<64x16xf32, #tpu.memory_space<vmem>>, vector<16xf32>,
    tpu.vector_store %arg9[%swap3A_338, %swap3A_339], %broadcast_in_dim3A_5 {strides = array<i32>} : memref<64x16xf32, #tpu.memory_space<vmem>>, vector<16xf32>,
    %swap3A_341 = arith.constant 42 : i32
    %swap3A_342 = arith.index_cast %swap3A_341 : i32 to index
    %swap3A_343 = arith.constant 0 : index
    %swap3A_344 = tpu.vector_load %arg8[%swap3A_342, %swap3A_343] {strides = array<i32>} : memref<64x16xi32, #tpu.memory_space<vmem>>, vector<16xi32>,
    tpu.vector_store %arg8[%swap3A_342, %swap3A_343], %broadcast_in_dim3A_3 {strides = array<i32>} : memref<64x16xi32, #tpu.memory_space<vmem>>, vector<16xi32>,
    %swap3A_345 = arith.constant 42 : i32
    %swap3A_346 = arith.index_cast %swap3A_345 : i32 to index
    %swap3A_347 = arith.constant 0 : index
    %swap3A_348 = tpu.vector_load %arg9[%swap3A_346, %swap3A_347] {strides = array<i32>} : memref<64x16xf32, #tpu.memory_space<vmem>>, vector<16xf32>,
    tpu.vector_store %arg9[%swap3A_346, %swap3A_347], %broadcast_in_dim3A_5 {strides = array<i32>} : memref<64x16xf32, #tpu.memory_space<vmem>>, vector<16xf32>,
    %swap3A_349 = arith.constant 43 : i32
    %swap3A_350 = arith.index_cast %swap3A_349 : i32 to index
    %swap3A_351 = arith.constant 0 : index
    %swap3A_352 = tpu.vector_load %arg8[%swap3A_350, %swap3A_351] {strides = array<i32>} : memref<64x16xi32, #tpu.memory_space<vmem>>, vector<16xi32>,
    tpu.vector_store %arg8[%swap3A_350, %swap3A_351], %broadcast_in_dim3A_3 {strides = array<i32>} : memref<64x16xi32, #tpu.memory_space<vmem>>, vector<16xi32>,
    %swap3A_353 = arith.constant 43 : i32
    %swap3A_354 = arith.index_cast %swap3A_353 : i32 to index
    %swap3A_355 = arith.constant 0 : index
    %swap3A_356 = tpu.vector_load %arg9[%swap3A_354, %swap3A_355] {strides = array<i32>} : memref<64x16xf32, #tpu.memory_space<vmem>>, vector<16xf32>,
    tpu.vector_store %arg9[%swap3A_354, %swap3A_355], %broadcast_in_dim3A_5 {strides = array<i32>} : memref<64x16xf32, #tpu.memory_space<vmem>>, vector<16xf32>,
    %swap3A_357 = arith.constant 44 : i32
    %swap3A_358 = arith.index_cast %swap3A_357 : i32 to index
    %swap3A_359 = arith.constant 0 : index
    %swap3A_360 = tpu.vector_load %arg8[%swap3A_358, %swap3A_359] {strides = array<i32>} : memref<64x16xi32, #tpu.memory_space<vmem>>, vector<16xi32>,
    tpu.vector_store %arg8[%swap3A_358, %swap3A_359], %broadcast_in_dim3A_3 {strides = array<i32>} : memref<64x16xi32, #tpu.memory_space<vmem>>, vector<16xi32>,
    %swap3A_361 = arith.constant 44 : i32
    %swap3A_362 = arith.index_cast %swap3A_361 : i32 to index
    %swap3A_363 = arith.constant 0 : index
    %swap3A_364 = tpu.vector_load %arg9[%swap3A_362, %swap3A_363] {strides = array<i32>} : memref<64x16xf32, #tpu.memory_space<vmem>>, vector<16xf32>,
    tpu.vector_store %arg9[%swap3A_362, %swap3A_363], %broadcast_in_dim3A_5 {strides = array<i32>} : memref<64x16xf32, #tpu.memory_space<vmem>>, vector<16xf32>,
    %swap3A_365 = arith.constant 45 : i32
    %swap3A_366 = arith.index_cast %swap3A_365 : i32 to index
    %swap3A_367 = arith.constant 0 : index
    %swap3A_368 = tpu.vector_load %arg8[%swap3A_366, %swap3A_367] {strides = array<i32>} : memref<64x16xi32, #tpu.memory_space<vmem>>, vector<16xi32>,
    tpu.vector_store %arg8[%swap3A_366, %swap3A_367], %broadcast_in_dim3A_3 {strides = array<i32>} : memref<64x16xi32, #tpu.memory_space<vmem>>, vector<16xi32>,
    %swap3A_369 = arith.constant 45 : i32
    %swap3A_370 = arith.index_cast %swap3A_369 : i32 to index
    %swap3A_371 = arith.constant 0 : index
    %swap3A_372 = tpu.vector_load %arg9[%swap3A_370, %swap3A_371] {strides = array<i32>} : memref<64x16xf32, #tpu.memory_space<vmem>>, vector<16xf32>,
    tpu.vector_store %arg9[%swap3A_370, %swap3A_371], %broadcast_in_dim3A_5 {strides = array<i32>} : memref<64x16xf32, #tpu.memory_space<vmem>>, vector<16xf32>,
    %swap3A_373 = arith.constant 46 : i32
    %swap3A_374 = arith.index_cast %swap3A_373 : i32 to index
    %swap3A_375 = arith.constant 0 : index
    %swap3A_376 = tpu.vector_load %arg8[%swap3A_374, %swap3A_375] {strides = array<i32>} : memref<64x16xi32, #tpu.memory_space<vmem>>, vector<16xi32>,
    tpu.vector_store %arg8[%swap3A_374, %swap3A_375], %broadcast_in_dim3A_3 {strides = array<i32>} : memref<64x16xi32, #tpu.memory_space<vmem>>, vector<16xi32>,
    %swap3A_377 = arith.constant 46 : i32
    %swap3A_378 = arith.index_cast %swap3A_377 : i32 to index
    %swap3A_379 = arith.constant 0 : index
    %swap3A_380 = tpu.vector_load %arg9[%swap3A_378, %swap3A_379] {strides = array<i32>} : memref<64x16xf32, #tpu.memory_space<vmem>>, vector<16xf32>,
    tpu.vector_store %arg9[%swap3A_378, %swap3A_379], %broadcast_in_dim3A_5 {strides = array<i32>} : memref<64x16xf32, #tpu.memory_space<vmem>>, vector<16xf32>,
    %swap3A_381 = arith.constant 47 : i32
    %swap3A_382 = arith.index_cast %swap3A_381 : i32 to index
    %swap3A_383 = arith.constant 0 : index
    %swap3A_384 = tpu.vector_load %arg8[%swap3A_382, %swap3A_383] {strides = array<i32>} : memref<64x16xi32, #tpu.memory_space<vmem>>, vector<16xi32>,
    tpu.vector_store %arg8[%swap3A_382, %swap3A_383], %broadcast_in_dim3A_3 {strides = array<i32>} : memref<64x16xi32, #tpu.memory_space<vmem>>, vector<16xi32>,
    %swap3A_385 = arith.constant 47 : i32
    %swap3A_386 = arith.index_cast %swap3A_385 : i32 to index
    %swap3A_387 = arith.constant 0 : index
    %swap3A_388 = tpu.vector_load %arg9[%swap3A_386, %swap3A_387] {strides = array<i32>} : memref<64x16xf32, #tpu.memory_space<vmem>>, vector<16xf32>,
    tpu.vector_store %arg9[%swap3A_386, %swap3A_387], %broadcast_in_dim3A_5 {strides = array<i32>} : memref<64x16xf32, #tpu.memory_space<vmem>>, vector<16xf32>,
    %swap3A_389 = arith.constant 48 : i32
    %swap3A_390 = arith.index_cast %swap3A_389 : i32 to index
    %swap3A_391 = arith.constant 0 : index
    %swap3A_392 = tpu.vector_load %arg8[%swap3A_390, %swap3A_391] {strides = array<i32>} : memref<64x16xi32, #tpu.memory_space<vmem>>, vector<16xi32>,
    tpu.vector_store %arg8[%swap3A_390, %swap3A_391], %broadcast_in_dim3A_3 {strides = array<i32>} : memref<64x16xi32, #tpu.memory_space<vmem>>, vector<16xi32>,
    %swap3A_393 = arith.constant 48 : i32
    %swap3A_394 = arith.index_cast %swap3A_393 : i32 to index
    %swap3A_395 = arith.constant 0 : index
    %swap3A_396 = tpu.vector_load %arg9[%swap3A_394, %swap3A_395] {strides = array<i32>} : memref<64x16xf32, #tpu.memory_space<vmem>>, vector<16xf32>,
    tpu.vector_store %arg9[%swap3A_394, %swap3A_395], %broadcast_in_dim3A_5 {strides = array<i32>} : memref<64x16xf32, #tpu.memory_space<vmem>>, vector<16xf32>,
    %swap3A_397 = arith.constant 49 : i32
    %swap3A_398 = arith.index_cast %swap3A_397 : i32 to index
    %swap3A_399 = arith.constant 0 : index
    %swap3A_400 = tpu.vector_load %arg8[%swap3A_398, %swap3A_399] {strides = array<i32>} : memref<64x16xi32, #tpu.memory_space<vmem>>, vector<16xi32>,
    tpu.vector_store %arg8[%swap3A_398, %swap3A_399], %broadcast_in_dim3A_3 {strides = array<i32>} : memref<64x16xi32, #tpu.memory_space<vmem>>, vector<16xi32>,
    %swap3A_401 = arith.constant 49 : i32
    %swap3A_402 = arith.index_cast %swap3A_401 : i32 to index
    %swap3A_403 = arith.constant 0 : index
    %swap3A_404 = tpu.vector_load %arg9[%swap3A_402, %swap3A_403] {strides = array<i32>} : memref<64x16xf32, #tpu.memory_space<vmem>>, vector<16xf32>,
    tpu.vector_store %arg9[%swap3A_402, %swap3A_403], %broadcast_in_dim3A_5 {strides = array<i32>} : memref<64x16xf32, #tpu.memory_space<vmem>>, vector<16xf32>,
    %swap3A_405 = arith.constant 50 : i32
    %swap3A_406 = arith.index_cast %swap3A_405 : i32 to index
    %swap3A_407 = arith.constant 0 : index
    %swap3A_408 = tpu.vector_load %arg8[%swap3A_406, %swap3A_407] {strides = array<i32>} : memref<64x16xi32, #tpu.memory_space<vmem>>, vector<16xi32>,
    tpu.vector_store %arg8[%swap3A_406, %swap3A_407], %broadcast_in_dim3A_3 {strides = array<i32>} : memref<64x16xi32, #tpu.memory_space<vmem>>, vector<16xi32>,
    %swap3A_409 = arith.constant 50 : i32
    %swap3A_410 = arith.index_cast %swap3A_409 : i32 to index
    %swap3A_411 = arith.constant 0 : index
    %swap3A_412 = tpu.vector_load %arg9[%swap3A_410, %swap3A_411] {strides = array<i32>} : memref<64x16xf32, #tpu.memory_space<vmem>>, vector<16xf32>,
    tpu.vector_store %arg9[%swap3A_410, %swap3A_411], %broadcast_in_dim3A_5 {strides = array<i32>} : memref<64x16xf32, #tpu.memory_space<vmem>>, vector<16xf32>,
    %swap3A_413 = arith.constant 51 : i32
    %swap3A_414 = arith.index_cast %swap3A_413 : i32 to index
    %swap3A_415 = arith.constant 0 : index
    %swap3A_416 = tpu.vector_load %arg8[%swap3A_414, %swap3A_415] {strides = array<i32>} : memref<64x16xi32, #tpu.memory_space<vmem>>, vector<16xi32>,
    tpu.vector_store %arg8[%swap3A_414, %swap3A_415], %broadcast_in_dim3A_3 {strides = array<i32>} : memref<64x16xi32, #tpu.memory_space<vmem>>, vector<16xi32>,
    %swap3A_417 = arith.constant 51 : i32
    %swap3A_418 = arith.index_cast %swap3A_417 : i32 to index
    %swap3A_419 = arith.constant 0 : index
    %swap3A_420 = tpu.vector_load %arg9[%swap3A_418, %swap3A_419] {strides = array<i32>} : memref<64x16xf32, #tpu.memory_space<vmem>>, vector<16xf32>,
    tpu.vector_store %arg9[%swap3A_418, %swap3A_419], %broadcast_in_dim3A_5 {strides = array<i32>} : memref<64x16xf32, #tpu.memory_space<vmem>>, vector<16xf32>,
    %swap3A_421 = arith.constant 52 : i32
    %swap3A_422 = arith.index_cast %swap3A_421 : i32 to index
    %swap3A_423 = arith.constant 0 : index
    %swap3A_424 = tpu.vector_load %arg8[%swap3A_422, %swap3A_423] {strides = array<i32>} : memref<64x16xi32, #tpu.memory_space<vmem>>, vector<16xi32>,
    tpu.vector_store %arg8[%swap3A_422, %swap3A_423], %broadcast_in_dim3A_3 {strides = array<i32>} : memref<64x16xi32, #tpu.memory_space<vmem>>, vector<16xi32>,
    %swap3A_425 = arith.constant 52 : i32
    %swap3A_426 = arith.index_cast %swap3A_425 : i32 to index
    %swap3A_427 = arith.constant 0 : index
    %swap3A_428 = tpu.vector_load %arg9[%swap3A_426, %swap3A_427] {strides = array<i32>} : memref<64x16xf32, #tpu.memory_space<vmem>>, vector<16xf32>,
    tpu.vector_store %arg9[%swap3A_426, %swap3A_427], %broadcast_in_dim3A_5 {strides = array<i32>} : memref<64x16xf32, #tpu.memory_space<vmem>>, vector<16xf32>,
    %swap3A_429 = arith.constant 53 : i32
    %swap3A_430 = arith.index_cast %swap3A_429 : i32 to index
    %swap3A_431 = arith.constant 0 : index
    %swap3A_432 = tpu.vector_load %arg8[%swap3A_430, %swap3A_431] {strides = array<i32>} : memref<64x16xi32, #tpu.memory_space<vmem>>, vector<16xi32>,
    tpu.vector_store %arg8[%swap3A_430, %swap3A_431], %broadcast_in_dim3A_3 {strides = array<i32>} : memref<64x16xi32, #tpu.memory_space<vmem>>, vector<16xi32>,
    %swap3A_433 = arith.constant 53 : i32
    %swap3A_434 = arith.index_cast %swap3A_433 : i32 to index
    %swap3A_435 = arith.constant 0 : index
    %swap3A_436 = tpu.vector_load %arg9[%swap3A_434, %swap3A_435] {strides = array<i32>} : memref<64x16xf32, #tpu.memory_space<vmem>>, vector<16xf32>,
    tpu.vector_store %arg9[%swap3A_434, %swap3A_435], %broadcast_in_dim3A_5 {strides = array<i32>} : memref<64x16xf32, #tpu.memory_space<vmem>>, vector<16xf32>,
    %swap3A_437 = arith.constant 54 : i32
    %swap3A_438 = arith.index_cast %swap3A_437 : i32 to index
    %swap3A_439 = arith.constant 0 : index
    %swap3A_440 = tpu.vector_load %arg8[%swap3A_438, %swap3A_439] {strides = array<i32>} : memref<64x16xi32, #tpu.memory_space<vmem>>, vector<16xi32>,
    tpu.vector_store %arg8[%swap3A_438, %swap3A_439], %broadcast_in_dim3A_3 {strides = array<i32>} : memref<64x16xi32, #tpu.memory_space<vmem>>, vector<16xi32>,
    %swap3A_441 = arith.constant 54 : i32
    %swap3A_442 = arith.index_cast %swap3A_441 : i32 to index
    %swap3A_443 = arith.constant 0 : index
    %swap3A_444 = tpu.vector_load %arg9[%swap3A_442, %swap3A_443] {strides = array<i32>} : memref<64x16xf32, #tpu.memory_space<vmem>>, vector<16xf32>,
    tpu.vector_store %arg9[%swap3A_442, %swap3A_443], %broadcast_in_dim3A_5 {strides = array<i32>} : memref<64x16xf32, #tpu.memory_space<vmem>>, vector<16xf32>,
    %swap3A_445 = arith.constant 55 : i32
    %swap3A_446 = arith.index_cast %swap3A_445 : i32 to index
    %swap3A_447 = arith.constant 0 : index
    %swap3A_448 = tpu.vector_load %arg8[%swap3A_446, %swap3A_447] {strides = array<i32>} : memref<64x16xi32, #tpu.memory_space<vmem>>, vector<16xi32>,
    tpu.vector_store %arg8[%swap3A_446, %swap3A_447], %broadcast_in_dim3A_3 {strides = array<i32>} : memref<64x16xi32, #tpu.memory_space<vmem>>, vector<16xi32>,
    %swap3A_449 = arith.constant 55 : i32
    %swap3A_450 = arith.index_cast %swap3A_449 : i32 to index
    %swap3A_451 = arith.constant 0 : index
    %swap3A_452 = tpu.vector_load %arg9[%swap3A_450, %swap3A_451] {strides = array<i32>} : memref<64x16xf32, #tpu.memory_space<vmem>>, vector<16xf32>,
    tpu.vector_store %arg9[%swap3A_450, %swap3A_451], %broadcast_in_dim3A_5 {strides = array<i32>} : memref<64x16xf32, #tpu.memory_space<vmem>>, vector<16xf32>,
    %swap3A_453 = arith.constant 56 : i32
    %swap3A_454 = arith.index_cast %swap3A_453 : i32 to index
    %swap3A_455 = arith.constant 0 : index
    %swap3A_456 = tpu.vector_load %arg8[%swap3A_454, %swap3A_455] {strides = array<i32>} : memref<64x16xi32, #tpu.memory_space<vmem>>, vector<16xi32>,
    tpu.vector_store %arg8[%swap3A_454, %swap3A_455], %broadcast_in_dim3A_3 {strides = array<i32>} : memref<64x16xi32, #tpu.memory_space<vmem>>, vector<16xi32>,
    %swap3A_457 = arith.constant 56 : i32
    %swap3A_458 = arith.index_cast %swap3A_457 : i32 to index
    %swap3A_459 = arith.constant 0 : index
    %swap3A_460 = tpu.vector_load %arg9[%swap3A_458, %swap3A_459] {strides = array<i32>} : memref<64x16xf32, #tpu.memory_space<vmem>>, vector<16xf32>,
    tpu.vector_store %arg9[%swap3A_458, %swap3A_459], %broadcast_in_dim3A_5 {strides = array<i32>} : memref<64x16xf32, #tpu.memory_space<vmem>>, vector<16xf32>,
    %swap3A_461 = arith.constant 57 : i32
    %swap3A_462 = arith.index_cast %swap3A_461 : i32 to index
    %swap3A_463 = arith.constant 0 : index
    %swap3A_464 = tpu.vector_load %arg8[%swap3A_462, %swap3A_463] {strides = array<i32>} : memref<64x16xi32, #tpu.memory_space<vmem>>, vector<16xi32>,
    tpu.vector_store %arg8[%swap3A_462, %swap3A_463], %broadcast_in_dim3A_3 {strides = array<i32>} : memref<64x16xi32, #tpu.memory_space<vmem>>, vector<16xi32>,
    %swap3A_465 = arith.constant 57 : i32
    %swap3A_466 = arith.index_cast %swap3A_465 : i32 to index
    %swap3A_467 = arith.constant 0 : index
    %swap3A_468 = tpu.vector_load %arg9[%swap3A_466, %swap3A_467] {strides = array<i32>} : memref<64x16xf32, #tpu.memory_space<vmem>>, vector<16xf32>,
    tpu.vector_store %arg9[%swap3A_466, %swap3A_467], %broadcast_in_dim3A_5 {strides = array<i32>} : memref<64x16xf32, #tpu.memory_space<vmem>>, vector<16xf32>,
    %swap3A_469 = arith.constant 58 : i32
    %swap3A_470 = arith.index_cast %swap3A_469 : i32 to index
    %swap3A_471 = arith.constant 0 : index
    %swap3A_472 = tpu.vector_load %arg8[%swap3A_470, %swap3A_471] {strides = array<i32>} : memref<64x16xi32, #tpu.memory_space<vmem>>, vector<16xi32>,
    tpu.vector_store %arg8[%swap3A_470, %swap3A_471], %broadcast_in_dim3A_3 {strides = array<i32>} : memref<64x16xi32, #tpu.memory_space<vmem>>, vector<16xi32>,
    %swap3A_473 = arith.constant 58 : i32
    %swap3A_474 = arith.index_cast %swap3A_473 : i32 to index
    %swap3A_475 = arith.constant 0 : index
    %swap3A_476 = tpu.vector_load %arg9[%swap3A_474, %swap3A_475] {strides = array<i32>} : memref<64x16xf32, #tpu.memory_space<vmem>>, vector<16xf32>,
    tpu.vector_store %arg9[%swap3A_474, %swap3A_475], %broadcast_in_dim3A_5 {strides = array<i32>} : memref<64x16xf32, #tpu.memory_space<vmem>>, vector<16xf32>,
    %swap3A_477 = arith.constant 59 : i32
    %swap3A_478 = arith.index_cast %swap3A_477 : i32 to index
    %swap3A_479 = arith.constant 0 : index
    %swap3A_480 = tpu.vector_load %arg8[%swap3A_478, %swap3A_479] {strides = array<i32>} : memref<64x16xi32, #tpu.memory_space<vmem>>, vector<16xi32>,
    tpu.vector_store %arg8[%swap3A_478, %swap3A_479], %broadcast_in_dim3A_3 {strides = array<i32>} : memref<64x16xi32, #tpu.memory_space<vmem>>, vector<16xi32>,
    %swap3A_481 = arith.constant 59 : i32
    %swap3A_482 = arith.index_cast %swap3A_481 : i32 to index
    %swap3A_483 = arith.constant 0 : index
    %swap3A_484 = tpu.vector_load %arg9[%swap3A_482, %swap3A_483] {strides = array<i32>} : memref<64x16xf32, #tpu.memory_space<vmem>>, vector<16xf32>,
    tpu.vector_store %arg9[%swap3A_482, %swap3A_483], %broadcast_in_dim3A_5 {strides = array<i32>} : memref<64x16xf32, #tpu.memory_space<vmem>>, vector<16xf32>,
    %swap3A_485 = arith.constant 60 : i32
    %swap3A_486 = arith.index_cast %swap3A_485 : i32 to index
    %swap3A_487 = arith.constant 0 : index
    %swap3A_488 = tpu.vector_load %arg8[%swap3A_486, %swap3A_487] {strides = array<i32>} : memref<64x16xi32, #tpu.memory_space<vmem>>, vector<16xi32>,
    tpu.vector_store %arg8[%swap3A_486, %swap3A_487], %broadcast_in_dim3A_3 {strides = array<i32>} : memref<64x16xi32, #tpu.memory_space<vmem>>, vector<16xi32>,
    %swap3A_489 = arith.constant 60 : i32
    %swap3A_490 = arith.index_cast %swap3A_489 : i32 to index
    %swap3A_491 = arith.constant 0 : index
    %swap3A_492 = tpu.vector_load %arg9[%swap3A_490, %swap3A_491] {strides = array<i32>} : memref<64x16xf32, #tpu.memory_space<vmem>>, vector<16xf32>,
    tpu.vector_store %arg9[%swap3A_490, %swap3A_491], %broadcast_in_dim3A_5 {strides = array<i32>} : memref<64x16xf32, #tpu.memory_space<vmem>>, vector<16xf32>,
    %swap3A_493 = arith.constant 61 : i32
    %swap3A_494 = arith.index_cast %swap3A_493 : i32 to index
    %swap3A_495 = arith.constant 0 : index
    %swap3A_496 = tpu.vector_load %arg8[%swap3A_494, %swap3A_495] {strides = array<i32>} : memref<64x16xi32, #tpu.memory_space<vmem>>, vector<16xi32>,
    tpu.vector_store %arg8[%swap3A_494, %swap3A_495], %broadcast_in_dim3A_3 {strides = array<i32>} : memref<64x16xi32, #tpu.memory_space<vmem>>, vector<16xi32>,
    %swap3A_497 = arith.constant 61 : i32
    %swap3A_498 = arith.index_cast %swap3A_497 : i32 to index
    %swap3A_499 = arith.constant 0 : index
    %swap3A_500 = tpu.vector_load %arg9[%swap3A_498, %swap3A_499] {strides = array<i32>} : memref<64x16xf32, #tpu.memory_space<vmem>>, vector<16xf32>,
    tpu.vector_store %arg9[%swap3A_498, %swap3A_499], %broadcast_in_dim3A_5 {strides = array<i32>} : memref<64x16xf32, #tpu.memory_space<vmem>>, vector<16xf32>,
    %swap3A_501 = arith.constant 62 : i32
    %swap3A_502 = arith.index_cast %swap3A_501 : i32 to index
    %swap3A_503 = arith.constant 0 : index
    %swap3A_504 = tpu.vector_load %arg8[%swap3A_502, %swap3A_503] {strides = array<i32>} : memref<64x16xi32, #tpu.memory_space<vmem>>, vector<16xi32>,
    tpu.vector_store %arg8[%swap3A_502, %swap3A_503], %broadcast_in_dim3A_3 {strides = array<i32>} : memref<64x16xi32, #tpu.memory_space<vmem>>, vector<16xi32>,
    %swap3A_505 = arith.constant 62 : i32
    %swap3A_506 = arith.index_cast %swap3A_505 : i32 to index
    %swap3A_507 = arith.constant 0 : index
    %swap3A_508 = tpu.vector_load %arg9[%swap3A_506, %swap3A_507] {strides = array<i32>} : memref<64x16xf32, #tpu.memory_space<vmem>>, vector<16xf32>,
    tpu.vector_store %arg9[%swap3A_506, %swap3A_507], %broadcast_in_dim3A_5 {strides = array<i32>} : memref<64x16xf32, #tpu.memory_space<vmem>>, vector<16xf32>,
    %swap3A_509 = arith.constant 63 : i32
    %swap3A_510 = arith.index_cast %swap3A_509 : i32 to index
    %swap3A_511 = arith.constant 0 : index
    %swap3A_512 = tpu.vector_load %arg8[%swap3A_510, %swap3A_511] {strides = array<i32>} : memref<64x16xi32, #tpu.memory_space<vmem>>, vector<16xi32>,
    tpu.vector_store %arg8[%swap3A_510, %swap3A_511], %broadcast_in_dim3A_3 {strides = array<i32>} : memref<64x16xi32, #tpu.memory_space<vmem>>, vector<16xi32>,
    %swap3A_513 = arith.constant 63 : i32
    %swap3A_514 = arith.index_cast %swap3A_513 : i32 to index
    %swap3A_515 = arith.constant 0 : index
    %swap3A_516 = tpu.vector_load %arg9[%swap3A_514, %swap3A_515] {strides = array<i32>} : memref<64x16xf32, #tpu.memory_space<vmem>>, vector<16xf32>,
    tpu.vector_store %arg9[%swap3A_514, %swap3A_515], %broadcast_in_dim3A_5 {strides = array<i32>} : memref<64x16xf32, #tpu.memory_space<vmem>>, vector<16xf32>,
    %scan3A = arith.constant 0 : i32
    %scan3A_517 = arith.constant 0 : i32
    %scan3A_518 = arith.constant 128 : i32
    %scan3A_519 = arith.addi %scan3A_517, %scan3A_518 : i32
    %scan3A_520 = arith.constant 1 : i32
    scf.for %scan3A_1011 = %scan3A_517 to %scan3A_519 step %scan3A_520  : i32 {
      %mul3A_1012 = arith.constant 128 : i32
      %mul3A_1013 = arith.muli %scan3A_1011, %mul3A_1012 : i32
      %add3A_1014 = arith.constant 0 : i32
      %add3A_1015 = arith.addi %mul3A_1013, %add3A_1014 : i32
      %get3A = arith.index_cast %add3A_1015 : i32 to index
      %get3A_1016 = tpu.vector_load %arg6[%get3A] {strides = array<i32>} : memref<16384xi32, #tpu.memory_space<vmem>>, vector<16xi32>,
      %get3A_1017 = arith.index_cast %add3A_1015 : i32 to index
      %get3A_1018 = tpu.vector_load %arg7[%get3A_1017] {strides = array<i32>} : memref<16384xf32, #tpu.memory_space<vmem>>, vector<16xf32>,
      %add3A_1019 = arith.addi %mul3A_2, %add3A_1015 : i32
      %add3A_1020 = vector.broadcast %add3A_1019 : i32 to vector<16xi32>
      %add3A_1021 = arith.addi %add3A_1020, %iota3A : vector<16xi32>
      tpu.vector_store_idx %arg8[%get3A_1016, %iota3A], %add3A_1021 : memref<64x16xi32, #tpu.memory_space<vmem>>[vector<16xi32>, vector<16xi32>], vector<16xi32>,
      tpu.vector_store_idx %arg9[%get3A_1016, %iota3A], %get3A_1018 : memref<64x16xf32, #tpu.memory_space<vmem>>[vector<16xi32>, vector<16xi32>], vector<16xf32>,
      %mul3A_1022 = arith.constant 128 : i32
      %mul3A_1023 = arith.muli %scan3A_1011, %mul3A_1022 : i32
      %add3A_1024 = arith.constant 16 : i32
      %add3A_1025 = arith.addi %mul3A_1023, %add3A_1024 : i32
      %get3A_1026 = arith.index_cast %add3A_1025 : i32 to index
      %get3A_1027 = tpu.vector_load %arg6[%get3A_1026] {strides = array<i32>} : memref<16384xi32, #tpu.memory_space<vmem>>, vector<16xi32>,
      %get3A_1028 = arith.index_cast %add3A_1025 : i32 to index
      %get3A_1029 = tpu.vector_load %arg7[%get3A_1028] {strides = array<i32>} : memref<16384xf32, #tpu.memory_space<vmem>>, vector<16xf32>,
      %add3A_1030 = arith.addi %mul3A_2, %add3A_1025 : i32
      %add3A_1031 = vector.broadcast %add3A_1030 : i32 to vector<16xi32>
      %add3A_1032 = arith.addi %add3A_1031, %iota3A : vector<16xi32>
      tpu.vector_store_idx %arg8[%get3A_1027, %iota3A], %add3A_1032 : memref<64x16xi32, #tpu.memory_space<vmem>>[vector<16xi32>, vector<16xi32>], vector<16xi32>,
      tpu.vector_store_idx %arg9[%get3A_1027, %iota3A], %get3A_1029 : memref<64x16xf32, #tpu.memory_space<vmem>>[vector<16xi32>, vector<16xi32>], vector<16xf32>,
      %mul3A_1033 = arith.constant 128 : i32
      %mul3A_1034 = arith.muli %scan3A_1011, %mul3A_1033 : i32
      %add3A_1035 = arith.constant 32 : i32
      %add3A_1036 = arith.addi %mul3A_1034, %add3A_1035 : i32
      %get3A_1037 = arith.index_cast %add3A_1036 : i32 to index
      %get3A_1038 = tpu.vector_load %arg6[%get3A_1037] {strides = array<i32>} : memref<16384xi32, #tpu.memory_space<vmem>>, vector<16xi32>,
      %get3A_1039 = arith.index_cast %add3A_1036 : i32 to index
      %get3A_1040 = tpu.vector_load %arg7[%get3A_1039] {strides = array<i32>} : memref<16384xf32, #tpu.memory_space<vmem>>, vector<16xf32>,
      %add3A_1041 = arith.addi %mul3A_2, %add3A_1036 : i32
      %add3A_1042 = vector.broadcast %add3A_1041 : i32 to vector<16xi32>
      %add3A_1043 = arith.addi %add3A_1042, %iota3A : vector<16xi32>
      tpu.vector_store_idx %arg8[%get3A_1038, %iota3A], %add3A_1043 : memref<64x16xi32, #tpu.memory_space<vmem>>[vector<16xi32>, vector<16xi32>], vector<16xi32>,
      tpu.vector_store_idx %arg9[%get3A_1038, %iota3A], %get3A_1040 : memref<64x16xf32, #tpu.memory_space<vmem>>[vector<16xi32>, vector<16xi32>], vector<16xf32>,
      %mul3A_1044 = arith.constant 128 : i32
      %mul3A_1045 = arith.muli %scan3A_1011, %mul3A_1044 : i32
      %add3A_1046 = arith.constant 48 : i32
      %add3A_1047 = arith.addi %mul3A_1045, %add3A_1046 : i32
      %get3A_1048 = arith.index_cast %add3A_1047 : i32 to index
      %get3A_1049 = tpu.vector_load %arg6[%get3A_1048] {strides = array<i32>} : memref<16384xi32, #tpu.memory_space<vmem>>, vector<16xi32>,
      %get3A_1050 = arith.index_cast %add3A_1047 : i32 to index
      %get3A_1051 = tpu.vector_load %arg7[%get3A_1050] {strides = array<i32>} : memref<16384xf32, #tpu.memory_space<vmem>>, vector<16xf32>,
      %add3A_1052 = arith.addi %mul3A_2, %add3A_1047 : i32
      %add3A_1053 = vector.broadcast %add3A_1052 : i32 to vector<16xi32>
      %add3A_1054 = arith.addi %add3A_1053, %iota3A : vector<16xi32>
      tpu.vector_store_idx %arg8[%get3A_1049, %iota3A], %add3A_1054 : memref<64x16xi32, #tpu.memory_space<vmem>>[vector<16xi32>, vector<16xi32>], vector<16xi32>,
      tpu.vector_store_idx %arg9[%get3A_1049, %iota3A], %get3A_1051 : memref<64x16xf32, #tpu.memory_space<vmem>>[vector<16xi32>, vector<16xi32>], vector<16xf32>,
      %mul3A_1055 = arith.constant 128 : i32
      %mul3A_1056 = arith.muli %scan3A_1011, %mul3A_1055 : i32
      %add3A_1057 = arith.constant 64 : i32
      %add3A_1058 = arith.addi %mul3A_1056, %add3A_1057 : i32
      %get3A_1059 = arith.index_cast %add3A_1058 : i32 to index
      %get3A_1060 = tpu.vector_load %arg6[%get3A_1059] {strides = array<i32>} : memref<16384xi32, #tpu.memory_space<vmem>>, vector<16xi32>,
      %get3A_1061 = arith.index_cast %add3A_1058 : i32 to index
      %get3A_1062 = tpu.vector_load %arg7[%get3A_1061] {strides = array<i32>} : memref<16384xf32, #tpu.memory_space<vmem>>, vector<16xf32>,
      %add3A_1063 = arith.addi %mul3A_2, %add3A_1058 : i32
      %add3A_1064 = vector.broadcast %add3A_1063 : i32 to vector<16xi32>
      %add3A_1065 = arith.addi %add3A_1064, %iota3A : vector<16xi32>
      tpu.vector_store_idx %arg8[%get3A_1060, %iota3A], %add3A_1065 : memref<64x16xi32, #tpu.memory_space<vmem>>[vector<16xi32>, vector<16xi32>], vector<16xi32>,
      tpu.vector_store_idx %arg9[%get3A_1060, %iota3A], %get3A_1062 : memref<64x16xf32, #tpu.memory_space<vmem>>[vector<16xi32>, vector<16xi32>], vector<16xf32>,
      %mul3A_1066 = arith.constant 128 : i32
      %mul3A_1067 = arith.muli %scan3A_1011, %mul3A_1066 : i32
      %add3A_1068 = arith.constant 80 : i32
      %add3A_1069 = arith.addi %mul3A_1067, %add3A_1068 : i32
      %get3A_1070 = arith.index_cast %add3A_1069 : i32 to index
      %get3A_1071 = tpu.vector_load %arg6[%get3A_1070] {strides = array<i32>} : memref<16384xi32, #tpu.memory_space<vmem>>, vector<16xi32>,
      %get3A_1072 = arith.index_cast %add3A_1069 : i32 to index
      %get3A_1073 = tpu.vector_load %arg7[%get3A_1072] {strides = array<i32>} : memref<16384xf32, #tpu.memory_space<vmem>>, vector<16xf32>,
      %add3A_1074 = arith.addi %mul3A_2, %add3A_1069 : i32
      %add3A_1075 = vector.broadcast %add3A_1074 : i32 to vector<16xi32>
      %add3A_1076 = arith.addi %add3A_1075, %iota3A : vector<16xi32>
      tpu.vector_store_idx %arg8[%get3A_1071, %iota3A], %add3A_1076 : memref<64x16xi32, #tpu.memory_space<vmem>>[vector<16xi32>, vector<16xi32>], vector<16xi32>,
      tpu.vector_store_idx %arg9[%get3A_1071, %iota3A], %get3A_1073 : memref<64x16xf32, #tpu.memory_space<vmem>>[vector<16xi32>, vector<16xi32>], vector<16xf32>,
      %mul3A_1077 = arith.constant 128 : i32
      %mul3A_1078 = arith.muli %scan3A_1011, %mul3A_1077 : i32
      %add3A_1079 = arith.constant 96 : i32
      %add3A_1080 = arith.addi %mul3A_1078, %add3A_1079 : i32
      %get3A_1081 = arith.index_cast %add3A_1080 : i32 to index
      %get3A_1082 = tpu.vector_load %arg6[%get3A_1081] {strides = array<i32>} : memref<16384xi32, #tpu.memory_space<vmem>>, vector<16xi32>,
      %get3A_1083 = arith.index_cast %add3A_1080 : i32 to index
      %get3A_1084 = tpu.vector_load %arg7[%get3A_1083] {strides = array<i32>} : memref<16384xf32, #tpu.memory_space<vmem>>, vector<16xf32>,
      %add3A_1085 = arith.addi %mul3A_2, %add3A_1080 : i32
      %add3A_1086 = vector.broadcast %add3A_1085 : i32 to vector<16xi32>
      %add3A_1087 = arith.addi %add3A_1086, %iota3A : vector<16xi32>
      tpu.vector_store_idx %arg8[%get3A_1082, %iota3A], %add3A_1087 : memref<64x16xi32, #tpu.memory_space<vmem>>[vector<16xi32>, vector<16xi32>], vector<16xi32>,
      tpu.vector_store_idx %arg9[%get3A_1082, %iota3A], %get3A_1084 : memref<64x16xf32, #tpu.memory_space<vmem>>[vector<16xi32>, vector<16xi32>], vector<16xf32>,
      %mul3A_1088 = arith.constant 128 : i32
      %mul3A_1089 = arith.muli %scan3A_1011, %mul3A_1088 : i32
      %add3A_1090 = arith.constant 112 : i32
      %add3A_1091 = arith.addi %mul3A_1089, %add3A_1090 : i32
      %get3A_1092 = arith.index_cast %add3A_1091 : i32 to index
      %get3A_1093 = tpu.vector_load %arg6[%get3A_1092] {strides = array<i32>} : memref<16384xi32, #tpu.memory_space<vmem>>, vector<16xi32>,
      %get3A_1094 = arith.index_cast %add3A_1091 : i32 to index
      %get3A_1095 = tpu.vector_load %arg7[%get3A_1094] {strides = array<i32>} : memref<16384xf32, #tpu.memory_space<vmem>>, vector<16xf32>,
      %add3A_1096 = arith.addi %mul3A_2, %add3A_1091 : i32
      %add3A_1097 = vector.broadcast %add3A_1096 : i32 to vector<16xi32>
      %add3A_1098 = arith.addi %add3A_1097, %iota3A : vector<16xi32>
      tpu.vector_store_idx %arg8[%get3A_1093, %iota3A], %add3A_1098 : memref<64x16xi32, #tpu.memory_space<vmem>>[vector<16xi32>, vector<16xi32>], vector<16xi32>,
      tpu.vector_store_idx %arg9[%get3A_1093, %iota3A], %get3A_1095 : memref<64x16xf32, #tpu.memory_space<vmem>>[vector<16xi32>, vector<16xi32>], vector<16xf32>,
    }
    %scan3A_521 = arith.constant 128 : i32
    %add3A_522 = arith.constant 0 : i32
    %add3A_523 = vector.broadcast %add3A_522 : i32 to vector<16xi32>
    %add3A_524 = arith.addi %add3A_523, %iota3A : vector<16xi32>
    %broadcast_in_dim3A_525 = arith.constant -1 : i32
    %broadcast_in_dim3A_526 = vector.broadcast %broadcast_in_dim3A_525 : i32 to vector<16xi32>
    %broadcast_in_dim3A_527 = arith.constant 0.000000e+00 : f32
    %broadcast_in_dim3A_528 = vector.broadcast %broadcast_in_dim3A_527 : f32 to vector<16xf32>
    %broadcast_in_dim3A_529 = arith.constant 0 : i32
    %broadcast_in_dim3A_530 = vector.broadcast %broadcast_in_dim3A_529 : i32 to vector<16xi32>
    %gather3A = tpu.vector_load_idx %arg8[%add3A_524, %broadcast_in_dim3A_530] : memref<64x16xi32, #tpu.memory_space<vmem>>[vector<16xi32>, vector<16xi32>], vector<16xi32>,
    %gather3A_531 = tpu.vector_load_idx %arg9[%add3A_524, %broadcast_in_dim3A_530] : memref<64x16xf32, #tpu.memory_space<vmem>>[vector<16xi32>, vector<16xi32>], vector<16xf32>,
    %gt3A = arith.cmpi sgt, %gather3A, %broadcast_in_dim3A_526 : vector<16xi32>
    %select_n3A = arith.select %gt3A, %gather3A, %broadcast_in_dim3A_526 : vector<16xi1>, vector<16xi32>
    %select_n3A_532 = arith.select %gt3A, %gather3A_531, %broadcast_in_dim3A_528 : vector<16xi1>, vector<16xf32>
    %broadcast_in_dim3A_533 = arith.constant 1 : i32
    %broadcast_in_dim3A_534 = vector.broadcast %broadcast_in_dim3A_533 : i32 to vector<16xi32>
    %gather3A_535 = tpu.vector_load_idx %arg8[%add3A_524, %broadcast_in_dim3A_534] : memref<64x16xi32, #tpu.memory_space<vmem>>[vector<16xi32>, vector<16xi32>], vector<16xi32>,
    %gather3A_536 = tpu.vector_load_idx %arg9[%add3A_524, %broadcast_in_dim3A_534] : memref<64x16xf32, #tpu.memory_space<vmem>>[vector<16xi32>, vector<16xi32>], vector<16xf32>,
    %gt3A_537 = arith.cmpi sgt, %gather3A_535, %select_n3A : vector<16xi32>
    %select_n3A_538 = arith.select %gt3A_537, %gather3A_535, %select_n3A : vector<16xi1>, vector<16xi32>
    %select_n3A_539 = arith.select %gt3A_537, %gather3A_536, %select_n3A_532 : vector<16xi1>, vector<16xf32>
    %broadcast_in_dim3A_540 = arith.constant 2 : i32
    %broadcast_in_dim3A_541 = vector.broadcast %broadcast_in_dim3A_540 : i32 to vector<16xi32>
    %gather3A_542 = tpu.vector_load_idx %arg8[%add3A_524, %broadcast_in_dim3A_541] : memref<64x16xi32, #tpu.memory_space<vmem>>[vector<16xi32>, vector<16xi32>], vector<16xi32>,
    %gather3A_543 = tpu.vector_load_idx %arg9[%add3A_524, %broadcast_in_dim3A_541] : memref<64x16xf32, #tpu.memory_space<vmem>>[vector<16xi32>, vector<16xi32>], vector<16xf32>,
    %gt3A_544 = arith.cmpi sgt, %gather3A_542, %select_n3A_538 : vector<16xi32>
    %select_n3A_545 = arith.select %gt3A_544, %gather3A_542, %select_n3A_538 : vector<16xi1>, vector<16xi32>
    %select_n3A_546 = arith.select %gt3A_544, %gather3A_543, %select_n3A_539 : vector<16xi1>, vector<16xf32>
    %broadcast_in_dim3A_547 = arith.constant 3 : i32
    %broadcast_in_dim3A_548 = vector.broadcast %broadcast_in_dim3A_547 : i32 to vector<16xi32>
    %gather3A_549 = tpu.vector_load_idx %arg8[%add3A_524, %broadcast_in_dim3A_548] : memref<64x16xi32, #tpu.memory_space<vmem>>[vector<16xi32>, vector<16xi32>], vector<16xi32>,
    %gather3A_550 = tpu.vector_load_idx %arg9[%add3A_524, %broadcast_in_dim3A_548] : memref<64x16xf32, #tpu.memory_space<vmem>>[vector<16xi32>, vector<16xi32>], vector<16xf32>,
    %gt3A_551 = arith.cmpi sgt, %gather3A_549, %select_n3A_545 : vector<16xi32>
    %select_n3A_552 = arith.select %gt3A_551, %gather3A_549, %select_n3A_545 : vector<16xi1>, vector<16xi32>
    %select_n3A_553 = arith.select %gt3A_551, %gather3A_550, %select_n3A_546 : vector<16xi1>, vector<16xf32>
    %broadcast_in_dim3A_554 = arith.constant 4 : i32
    %broadcast_in_dim3A_555 = vector.broadcast %broadcast_in_dim3A_554 : i32 to vector<16xi32>
    %gather3A_556 = tpu.vector_load_idx %arg8[%add3A_524, %broadcast_in_dim3A_555] : memref<64x16xi32, #tpu.memory_space<vmem>>[vector<16xi32>, vector<16xi32>], vector<16xi32>,
    %gather3A_557 = tpu.vector_load_idx %arg9[%add3A_524, %broadcast_in_dim3A_555] : memref<64x16xf32, #tpu.memory_space<vmem>>[vector<16xi32>, vector<16xi32>], vector<16xf32>,
    %gt3A_558 = arith.cmpi sgt, %gather3A_556, %select_n3A_552 : vector<16xi32>
    %select_n3A_559 = arith.select %gt3A_558, %gather3A_556, %select_n3A_552 : vector<16xi1>, vector<16xi32>
    %select_n3A_560 = arith.select %gt3A_558, %gather3A_557, %select_n3A_553 : vector<16xi1>, vector<16xf32>
    %broadcast_in_dim3A_561 = arith.constant 5 : i32
    %broadcast_in_dim3A_562 = vector.broadcast %broadcast_in_dim3A_561 : i32 to vector<16xi32>
    %gather3A_563 = tpu.vector_load_idx %arg8[%add3A_524, %broadcast_in_dim3A_562] : memref<64x16xi32, #tpu.memory_space<vmem>>[vector<16xi32>, vector<16xi32>], vector<16xi32>,
    %gather3A_564 = tpu.vector_load_idx %arg9[%add3A_524, %broadcast_in_dim3A_562] : memref<64x16xf32, #tpu.memory_space<vmem>>[vector<16xi32>, vector<16xi32>], vector<16xf32>,
    %gt3A_565 = arith.cmpi sgt, %gather3A_563, %select_n3A_559 : vector<16xi32>
    %select_n3A_566 = arith.select %gt3A_565, %gather3A_563, %select_n3A_559 : vector<16xi1>, vector<16xi32>
    %select_n3A_567 = arith.select %gt3A_565, %gather3A_564, %select_n3A_560 : vector<16xi1>, vector<16xf32>
    %broadcast_in_dim3A_568 = arith.constant 6 : i32
    %broadcast_in_dim3A_569 = vector.broadcast %broadcast_in_dim3A_568 : i32 to vector<16xi32>
    %gather3A_570 = tpu.vector_load_idx %arg8[%add3A_524, %broadcast_in_dim3A_569] : memref<64x16xi32, #tpu.memory_space<vmem>>[vector<16xi32>, vector<16xi32>], vector<16xi32>,
    %gather3A_571 = tpu.vector_load_idx %arg9[%add3A_524, %broadcast_in_dim3A_569] : memref<64x16xf32, #tpu.memory_space<vmem>>[vector<16xi32>, vector<16xi32>], vector<16xf32>,
    %gt3A_572 = arith.cmpi sgt, %gather3A_570, %select_n3A_566 : vector<16xi32>
    %select_n3A_573 = arith.select %gt3A_572, %gather3A_570, %select_n3A_566 : vector<16xi1>, vector<16xi32>
    %select_n3A_574 = arith.select %gt3A_572, %gather3A_571, %select_n3A_567 : vector<16xi1>, vector<16xf32>
    %broadcast_in_dim3A_575 = arith.constant 7 : i32
    %broadcast_in_dim3A_576 = vector.broadcast %broadcast_in_dim3A_575 : i32 to vector<16xi32>
    %gather3A_577 = tpu.vector_load_idx %arg8[%add3A_524, %broadcast_in_dim3A_576] : memref<64x16xi32, #tpu.memory_space<vmem>>[vector<16xi32>, vector<16xi32>], vector<16xi32>,
    %gather3A_578 = tpu.vector_load_idx %arg9[%add3A_524, %broadcast_in_dim3A_576] : memref<64x16xf32, #tpu.memory_space<vmem>>[vector<16xi32>, vector<16xi32>], vector<16xf32>,
    %gt3A_579 = arith.cmpi sgt, %gather3A_577, %select_n3A_573 : vector<16xi32>
    %select_n3A_580 = arith.select %gt3A_579, %gather3A_577, %select_n3A_573 : vector<16xi1>, vector<16xi32>
    %select_n3A_581 = arith.select %gt3A_579, %gather3A_578, %select_n3A_574 : vector<16xi1>, vector<16xf32>
    %broadcast_in_dim3A_582 = arith.constant 8 : i32
    %broadcast_in_dim3A_583 = vector.broadcast %broadcast_in_dim3A_582 : i32 to vector<16xi32>
    %gather3A_584 = tpu.vector_load_idx %arg8[%add3A_524, %broadcast_in_dim3A_583] : memref<64x16xi32, #tpu.memory_space<vmem>>[vector<16xi32>, vector<16xi32>], vector<16xi32>,
    %gather3A_585 = tpu.vector_load_idx %arg9[%add3A_524, %broadcast_in_dim3A_583] : memref<64x16xf32, #tpu.memory_space<vmem>>[vector<16xi32>, vector<16xi32>], vector<16xf32>,
    %gt3A_586 = arith.cmpi sgt, %gather3A_584, %select_n3A_580 : vector<16xi32>
    %select_n3A_587 = arith.select %gt3A_586, %gather3A_584, %select_n3A_580 : vector<16xi1>, vector<16xi32>
    %select_n3A_588 = arith.select %gt3A_586, %gather3A_585, %select_n3A_581 : vector<16xi1>, vector<16xf32>
    %broadcast_in_dim3A_589 = arith.constant 9 : i32
    %broadcast_in_dim3A_590 = vector.broadcast %broadcast_in_dim3A_589 : i32 to vector<16xi32>
    %gather3A_591 = tpu.vector_load_idx %arg8[%add3A_524, %broadcast_in_dim3A_590] : memref<64x16xi32, #tpu.memory_space<vmem>>[vector<16xi32>, vector<16xi32>], vector<16xi32>,
    %gather3A_592 = tpu.vector_load_idx %arg9[%add3A_524, %broadcast_in_dim3A_590] : memref<64x16xf32, #tpu.memory_space<vmem>>[vector<16xi32>, vector<16xi32>], vector<16xf32>,
    %gt3A_593 = arith.cmpi sgt, %gather3A_591, %select_n3A_587 : vector<16xi32>
    %select_n3A_594 = arith.select %gt3A_593, %gather3A_591, %select_n3A_587 : vector<16xi1>, vector<16xi32>
    %select_n3A_595 = arith.select %gt3A_593, %gather3A_592, %select_n3A_588 : vector<16xi1>, vector<16xf32>
    %broadcast_in_dim3A_596 = arith.constant 10 : i32
    %broadcast_in_dim3A_597 = vector.broadcast %broadcast_in_dim3A_596 : i32 to vector<16xi32>
    %gather3A_598 = tpu.vector_load_idx %arg8[%add3A_524, %broadcast_in_dim3A_597] : memref<64x16xi32, #tpu.memory_space<vmem>>[vector<16xi32>, vector<16xi32>], vector<16xi32>,
    %gather3A_599 = tpu.vector_load_idx %arg9[%add3A_524, %broadcast_in_dim3A_597] : memref<64x16xf32, #tpu.memory_space<vmem>>[vector<16xi32>, vector<16xi32>], vector<16xf32>,
    %gt3A_600 = arith.cmpi sgt, %gather3A_598, %select_n3A_594 : vector<16xi32>
    %select_n3A_601 = arith.select %gt3A_600, %gather3A_598, %select_n3A_594 : vector<16xi1>, vector<16xi32>
    %select_n3A_602 = arith.select %gt3A_600, %gather3A_599, %select_n3A_595 : vector<16xi1>, vector<16xf32>
    %broadcast_in_dim3A_603 = arith.constant 11 : i32
    %broadcast_in_dim3A_604 = vector.broadcast %broadcast_in_dim3A_603 : i32 to vector<16xi32>
    %gather3A_605 = tpu.vector_load_idx %arg8[%add3A_524, %broadcast_in_dim3A_604] : memref<64x16xi32, #tpu.memory_space<vmem>>[vector<16xi32>, vector<16xi32>], vector<16xi32>,
    %gather3A_606 = tpu.vector_load_idx %arg9[%add3A_524, %broadcast_in_dim3A_604] : memref<64x16xf32, #tpu.memory_space<vmem>>[vector<16xi32>, vector<16xi32>], vector<16xf32>,
    %gt3A_607 = arith.cmpi sgt, %gather3A_605, %select_n3A_601 : vector<16xi32>
    %select_n3A_608 = arith.select %gt3A_607, %gather3A_605, %select_n3A_601 : vector<16xi1>, vector<16xi32>
    %select_n3A_609 = arith.select %gt3A_607, %gather3A_606, %select_n3A_602 : vector<16xi1>, vector<16xf32>
    %broadcast_in_dim3A_610 = arith.constant 12 : i32
    %broadcast_in_dim3A_611 = vector.broadcast %broadcast_in_dim3A_610 : i32 to vector<16xi32>
    %gather3A_612 = tpu.vector_load_idx %arg8[%add3A_524, %broadcast_in_dim3A_611] : memref<64x16xi32, #tpu.memory_space<vmem>>[vector<16xi32>, vector<16xi32>], vector<16xi32>,
    %gather3A_613 = tpu.vector_load_idx %arg9[%add3A_524, %broadcast_in_dim3A_611] : memref<64x16xf32, #tpu.memory_space<vmem>>[vector<16xi32>, vector<16xi32>], vector<16xf32>,
    %gt3A_614 = arith.cmpi sgt, %gather3A_612, %select_n3A_608 : vector<16xi32>
    %select_n3A_615 = arith.select %gt3A_614, %gather3A_612, %select_n3A_608 : vector<16xi1>, vector<16xi32>
    %select_n3A_616 = arith.select %gt3A_614, %gather3A_613, %select_n3A_609 : vector<16xi1>, vector<16xf32>
    %broadcast_in_dim3A_617 = arith.constant 13 : i32
    %broadcast_in_dim3A_618 = vector.broadcast %broadcast_in_dim3A_617 : i32 to vector<16xi32>
    %gather3A_619 = tpu.vector_load_idx %arg8[%add3A_524, %broadcast_in_dim3A_618] : memref<64x16xi32, #tpu.memory_space<vmem>>[vector<16xi32>, vector<16xi32>], vector<16xi32>,
    %gather3A_620 = tpu.vector_load_idx %arg9[%add3A_524, %broadcast_in_dim3A_618] : memref<64x16xf32, #tpu.memory_space<vmem>>[vector<16xi32>, vector<16xi32>], vector<16xf32>,
    %gt3A_621 = arith.cmpi sgt, %gather3A_619, %select_n3A_615 : vector<16xi32>
    %select_n3A_622 = arith.select %gt3A_621, %gather3A_619, %select_n3A_615 : vector<16xi1>, vector<16xi32>
    %select_n3A_623 = arith.select %gt3A_621, %gather3A_620, %select_n3A_616 : vector<16xi1>, vector<16xf32>
    %broadcast_in_dim3A_624 = arith.constant 14 : i32
    %broadcast_in_dim3A_625 = vector.broadcast %broadcast_in_dim3A_624 : i32 to vector<16xi32>
    %gather3A_626 = tpu.vector_load_idx %arg8[%add3A_524, %broadcast_in_dim3A_625] : memref<64x16xi32, #tpu.memory_space<vmem>>[vector<16xi32>, vector<16xi32>], vector<16xi32>,
    %gather3A_627 = tpu.vector_load_idx %arg9[%add3A_524, %broadcast_in_dim3A_625] : memref<64x16xf32, #tpu.memory_space<vmem>>[vector<16xi32>, vector<16xi32>], vector<16xf32>,
    %gt3A_628 = arith.cmpi sgt, %gather3A_626, %select_n3A_622 : vector<16xi32>
    %select_n3A_629 = arith.select %gt3A_628, %gather3A_626, %select_n3A_622 : vector<16xi1>, vector<16xi32>
    %select_n3A_630 = arith.select %gt3A_628, %gather3A_627, %select_n3A_623 : vector<16xi1>, vector<16xf32>
    %broadcast_in_dim3A_631 = arith.constant 15 : i32
    %broadcast_in_dim3A_632 = vector.broadcast %broadcast_in_dim3A_631 : i32 to vector<16xi32>
    %gather3A_633 = tpu.vector_load_idx %arg8[%add3A_524, %broadcast_in_dim3A_632] : memref<64x16xi32, #tpu.memory_space<vmem>>[vector<16xi32>, vector<16xi32>], vector<16xi32>,
    %gather3A_634 = tpu.vector_load_idx %arg9[%add3A_524, %broadcast_in_dim3A_632] : memref<64x16xf32, #tpu.memory_space<vmem>>[vector<16xi32>, vector<16xi32>], vector<16xf32>,
    %gt3A_635 = arith.cmpi sgt, %gather3A_633, %select_n3A_629 : vector<16xi32>
    %select_n3A_636 = arith.select %gt3A_635, %gather3A_633, %select_n3A_629 : vector<16xi1>, vector<16xi32>
    %select_n3A_637 = arith.select %gt3A_635, %gather3A_634, %select_n3A_630 : vector<16xi1>, vector<16xf32>
    %swap3A_638 = arith.constant 0 : index
    %swap3A_639 = tpu.vector_load %arg10[%swap3A_638] {strides = array<i32>} : memref<64xi32, #tpu.memory_space<vmem>>, vector<16xi32>,
    tpu.vector_store %arg10[%swap3A_638], %select_n3A_636 {strides = array<i32>} : memref<64xi32, #tpu.memory_space<vmem>>, vector<16xi32>,
    %swap3A_640 = arith.constant 0 : index
    %swap3A_641 = tpu.vector_load %arg11[%swap3A_640] {strides = array<i32>} : memref<64xf32, #tpu.memory_space<vmem>>, vector<16xf32>,
    tpu.vector_store %arg11[%swap3A_640], %select_n3A_637 {strides = array<i32>} : memref<64xf32, #tpu.memory_space<vmem>>, vector<16xf32>,
    %add3A_642 = arith.constant 16 : i32
    %add3A_643 = vector.broadcast %add3A_642 : i32 to vector<16xi32>
    %add3A_644 = arith.addi %add3A_643, %iota3A : vector<16xi32>
    %broadcast_in_dim3A_645 = arith.constant -1 : i32
    %broadcast_in_dim3A_646 = vector.broadcast %broadcast_in_dim3A_645 : i32 to vector<16xi32>
    %broadcast_in_dim3A_647 = arith.constant 0.000000e+00 : f32
    %broadcast_in_dim3A_648 = vector.broadcast %broadcast_in_dim3A_647 : f32 to vector<16xf32>
    %broadcast_in_dim3A_649 = arith.constant 0 : i32
    %broadcast_in_dim3A_650 = vector.broadcast %broadcast_in_dim3A_649 : i32 to vector<16xi32>
    %gather3A_651 = tpu.vector_load_idx %arg8[%add3A_644, %broadcast_in_dim3A_650] : memref<64x16xi32, #tpu.memory_space<vmem>>[vector<16xi32>, vector<16xi32>], vector<16xi32>,
    %gather3A_652 = tpu.vector_load_idx %arg9[%add3A_644, %broadcast_in_dim3A_650] : memref<64x16xf32, #tpu.memory_space<vmem>>[vector<16xi32>, vector<16xi32>], vector<16xf32>,
    %gt3A_653 = arith.cmpi sgt, %gather3A_651, %broadcast_in_dim3A_646 : vector<16xi32>
    %select_n3A_654 = arith.select %gt3A_653, %gather3A_651, %broadcast_in_dim3A_646 : vector<16xi1>, vector<16xi32>
    %select_n3A_655 = arith.select %gt3A_653, %gather3A_652, %broadcast_in_dim3A_648 : vector<16xi1>, vector<16xf32>
    %broadcast_in_dim3A_656 = arith.constant 1 : i32
    %broadcast_in_dim3A_657 = vector.broadcast %broadcast_in_dim3A_656 : i32 to vector<16xi32>
    %gather3A_658 = tpu.vector_load_idx %arg8[%add3A_644, %broadcast_in_dim3A_657] : memref<64x16xi32, #tpu.memory_space<vmem>>[vector<16xi32>, vector<16xi32>], vector<16xi32>,
    %gather3A_659 = tpu.vector_load_idx %arg9[%add3A_644, %broadcast_in_dim3A_657] : memref<64x16xf32, #tpu.memory_space<vmem>>[vector<16xi32>, vector<16xi32>], vector<16xf32>,
    %gt3A_660 = arith.cmpi sgt, %gather3A_658, %select_n3A_654 : vector<16xi32>
    %select_n3A_661 = arith.select %gt3A_660, %gather3A_658, %select_n3A_654 : vector<16xi1>, vector<16xi32>
    %select_n3A_662 = arith.select %gt3A_660, %gather3A_659, %select_n3A_655 : vector<16xi1>, vector<16xf32>
    %broadcast_in_dim3A_663 = arith.constant 2 : i32
    %broadcast_in_dim3A_664 = vector.broadcast %broadcast_in_dim3A_663 : i32 to vector<16xi32>
    %gather3A_665 = tpu.vector_load_idx %arg8[%add3A_644, %broadcast_in_dim3A_664] : memref<64x16xi32, #tpu.memory_space<vmem>>[vector<16xi32>, vector<16xi32>], vector<16xi32>,
    %gather3A_666 = tpu.vector_load_idx %arg9[%add3A_644, %broadcast_in_dim3A_664] : memref<64x16xf32, #tpu.memory_space<vmem>>[vector<16xi32>, vector<16xi32>], vector<16xf32>,
    %gt3A_667 = arith.cmpi sgt, %gather3A_665, %select_n3A_661 : vector<16xi32>
    %select_n3A_668 = arith.select %gt3A_667, %gather3A_665, %select_n3A_661 : vector<16xi1>, vector<16xi32>
    %select_n3A_669 = arith.select %gt3A_667, %gather3A_666, %select_n3A_662 : vector<16xi1>, vector<16xf32>
    %broadcast_in_dim3A_670 = arith.constant 3 : i32
    %broadcast_in_dim3A_671 = vector.broadcast %broadcast_in_dim3A_670 : i32 to vector<16xi32>
    %gather3A_672 = tpu.vector_load_idx %arg8[%add3A_644, %broadcast_in_dim3A_671] : memref<64x16xi32, #tpu.memory_space<vmem>>[vector<16xi32>, vector<16xi32>], vector<16xi32>,
    %gather3A_673 = tpu.vector_load_idx %arg9[%add3A_644, %broadcast_in_dim3A_671] : memref<64x16xf32, #tpu.memory_space<vmem>>[vector<16xi32>, vector<16xi32>], vector<16xf32>,
    %gt3A_674 = arith.cmpi sgt, %gather3A_672, %select_n3A_668 : vector<16xi32>
    %select_n3A_675 = arith.select %gt3A_674, %gather3A_672, %select_n3A_668 : vector<16xi1>, vector<16xi32>
    %select_n3A_676 = arith.select %gt3A_674, %gather3A_673, %select_n3A_669 : vector<16xi1>, vector<16xf32>
    %broadcast_in_dim3A_677 = arith.constant 4 : i32
    %broadcast_in_dim3A_678 = vector.broadcast %broadcast_in_dim3A_677 : i32 to vector<16xi32>
    %gather3A_679 = tpu.vector_load_idx %arg8[%add3A_644, %broadcast_in_dim3A_678] : memref<64x16xi32, #tpu.memory_space<vmem>>[vector<16xi32>, vector<16xi32>], vector<16xi32>,
    %gather3A_680 = tpu.vector_load_idx %arg9[%add3A_644, %broadcast_in_dim3A_678] : memref<64x16xf32, #tpu.memory_space<vmem>>[vector<16xi32>, vector<16xi32>], vector<16xf32>,
    %gt3A_681 = arith.cmpi sgt, %gather3A_679, %select_n3A_675 : vector<16xi32>
    %select_n3A_682 = arith.select %gt3A_681, %gather3A_679, %select_n3A_675 : vector<16xi1>, vector<16xi32>
    %select_n3A_683 = arith.select %gt3A_681, %gather3A_680, %select_n3A_676 : vector<16xi1>, vector<16xf32>
    %broadcast_in_dim3A_684 = arith.constant 5 : i32
    %broadcast_in_dim3A_685 = vector.broadcast %broadcast_in_dim3A_684 : i32 to vector<16xi32>
    %gather3A_686 = tpu.vector_load_idx %arg8[%add3A_644, %broadcast_in_dim3A_685] : memref<64x16xi32, #tpu.memory_space<vmem>>[vector<16xi32>, vector<16xi32>], vector<16xi32>,
    %gather3A_687 = tpu.vector_load_idx %arg9[%add3A_644, %broadcast_in_dim3A_685] : memref<64x16xf32, #tpu.memory_space<vmem>>[vector<16xi32>, vector<16xi32>], vector<16xf32>,
    %gt3A_688 = arith.cmpi sgt, %gather3A_686, %select_n3A_682 : vector<16xi32>
    %select_n3A_689 = arith.select %gt3A_688, %gather3A_686, %select_n3A_682 : vector<16xi1>, vector<16xi32>
    %select_n3A_690 = arith.select %gt3A_688, %gather3A_687, %select_n3A_683 : vector<16xi1>, vector<16xf32>
    %broadcast_in_dim3A_691 = arith.constant 6 : i32
    %broadcast_in_dim3A_692 = vector.broadcast %broadcast_in_dim3A_691 : i32 to vector<16xi32>
    %gather3A_693 = tpu.vector_load_idx %arg8[%add3A_644, %broadcast_in_dim3A_692] : memref<64x16xi32, #tpu.memory_space<vmem>>[vector<16xi32>, vector<16xi32>], vector<16xi32>,
    %gather3A_694 = tpu.vector_load_idx %arg9[%add3A_644, %broadcast_in_dim3A_692] : memref<64x16xf32, #tpu.memory_space<vmem>>[vector<16xi32>, vector<16xi32>], vector<16xf32>,
    %gt3A_695 = arith.cmpi sgt, %gather3A_693, %select_n3A_689 : vector<16xi32>
    %select_n3A_696 = arith.select %gt3A_695, %gather3A_693, %select_n3A_689 : vector<16xi1>, vector<16xi32>
    %select_n3A_697 = arith.select %gt3A_695, %gather3A_694, %select_n3A_690 : vector<16xi1>, vector<16xf32>
    %broadcast_in_dim3A_698 = arith.constant 7 : i32
    %broadcast_in_dim3A_699 = vector.broadcast %broadcast_in_dim3A_698 : i32 to vector<16xi32>
    %gather3A_700 = tpu.vector_load_idx %arg8[%add3A_644, %broadcast_in_dim3A_699] : memref<64x16xi32, #tpu.memory_space<vmem>>[vector<16xi32>, vector<16xi32>], vector<16xi32>,
    %gather3A_701 = tpu.vector_load_idx %arg9[%add3A_644, %broadcast_in_dim3A_699] : memref<64x16xf32, #tpu.memory_space<vmem>>[vector<16xi32>, vector<16xi32>], vector<16xf32>,
    %gt3A_702 = arith.cmpi sgt, %gather3A_700, %select_n3A_696 : vector<16xi32>
    %select_n3A_703 = arith.select %gt3A_702, %gather3A_700, %select_n3A_696 : vector<16xi1>, vector<16xi32>
    %select_n3A_704 = arith.select %gt3A_702, %gather3A_701, %select_n3A_697 : vector<16xi1>, vector<16xf32>
    %broadcast_in_dim3A_705 = arith.constant 8 : i32
    %broadcast_in_dim3A_706 = vector.broadcast %broadcast_in_dim3A_705 : i32 to vector<16xi32>
    %gather3A_707 = tpu.vector_load_idx %arg8[%add3A_644, %broadcast_in_dim3A_706] : memref<64x16xi32, #tpu.memory_space<vmem>>[vector<16xi32>, vector<16xi32>], vector<16xi32>,
    %gather3A_708 = tpu.vector_load_idx %arg9[%add3A_644, %broadcast_in_dim3A_706] : memref<64x16xf32, #tpu.memory_space<vmem>>[vector<16xi32>, vector<16xi32>], vector<16xf32>,
    %gt3A_709 = arith.cmpi sgt, %gather3A_707, %select_n3A_703 : vector<16xi32>
    %select_n3A_710 = arith.select %gt3A_709, %gather3A_707, %select_n3A_703 : vector<16xi1>, vector<16xi32>
    %select_n3A_711 = arith.select %gt3A_709, %gather3A_708, %select_n3A_704 : vector<16xi1>, vector<16xf32>
    %broadcast_in_dim3A_712 = arith.constant 9 : i32
    %broadcast_in_dim3A_713 = vector.broadcast %broadcast_in_dim3A_712 : i32 to vector<16xi32>
    %gather3A_714 = tpu.vector_load_idx %arg8[%add3A_644, %broadcast_in_dim3A_713] : memref<64x16xi32, #tpu.memory_space<vmem>>[vector<16xi32>, vector<16xi32>], vector<16xi32>,
    %gather3A_715 = tpu.vector_load_idx %arg9[%add3A_644, %broadcast_in_dim3A_713] : memref<64x16xf32, #tpu.memory_space<vmem>>[vector<16xi32>, vector<16xi32>], vector<16xf32>,
    %gt3A_716 = arith.cmpi sgt, %gather3A_714, %select_n3A_710 : vector<16xi32>
    %select_n3A_717 = arith.select %gt3A_716, %gather3A_714, %select_n3A_710 : vector<16xi1>, vector<16xi32>
    %select_n3A_718 = arith.select %gt3A_716, %gather3A_715, %select_n3A_711 : vector<16xi1>, vector<16xf32>
    %broadcast_in_dim3A_719 = arith.constant 10 : i32
    %broadcast_in_dim3A_720 = vector.broadcast %broadcast_in_dim3A_719 : i32 to vector<16xi32>
    %gather3A_721 = tpu.vector_load_idx %arg8[%add3A_644, %broadcast_in_dim3A_720] : memref<64x16xi32, #tpu.memory_space<vmem>>[vector<16xi32>, vector<16xi32>], vector<16xi32>,
    %gather3A_722 = tpu.vector_load_idx %arg9[%add3A_644, %broadcast_in_dim3A_720] : memref<64x16xf32, #tpu.memory_space<vmem>>[vector<16xi32>, vector<16xi32>], vector<16xf32>,
    %gt3A_723 = arith.cmpi sgt, %gather3A_721, %select_n3A_717 : vector<16xi32>
    %select_n3A_724 = arith.select %gt3A_723, %gather3A_721, %select_n3A_717 : vector<16xi1>, vector<16xi32>
    %select_n3A_725 = arith.select %gt3A_723, %gather3A_722, %select_n3A_718 : vector<16xi1>, vector<16xf32>
    %broadcast_in_dim3A_726 = arith.constant 11 : i32
    %broadcast_in_dim3A_727 = vector.broadcast %broadcast_in_dim3A_726 : i32 to vector<16xi32>
    %gather3A_728 = tpu.vector_load_idx %arg8[%add3A_644, %broadcast_in_dim3A_727] : memref<64x16xi32, #tpu.memory_space<vmem>>[vector<16xi32>, vector<16xi32>], vector<16xi32>,
    %gather3A_729 = tpu.vector_load_idx %arg9[%add3A_644, %broadcast_in_dim3A_727] : memref<64x16xf32, #tpu.memory_space<vmem>>[vector<16xi32>, vector<16xi32>], vector<16xf32>,
    %gt3A_730 = arith.cmpi sgt, %gather3A_728, %select_n3A_724 : vector<16xi32>
    %select_n3A_731 = arith.select %gt3A_730, %gather3A_728, %select_n3A_724 : vector<16xi1>, vector<16xi32>
    %select_n3A_732 = arith.select %gt3A_730, %gather3A_729, %select_n3A_725 : vector<16xi1>, vector<16xf32>
    %broadcast_in_dim3A_733 = arith.constant 12 : i32
    %broadcast_in_dim3A_734 = vector.broadcast %broadcast_in_dim3A_733 : i32 to vector<16xi32>
    %gather3A_735 = tpu.vector_load_idx %arg8[%add3A_644, %broadcast_in_dim3A_734] : memref<64x16xi32, #tpu.memory_space<vmem>>[vector<16xi32>, vector<16xi32>], vector<16xi32>,
    %gather3A_736 = tpu.vector_load_idx %arg9[%add3A_644, %broadcast_in_dim3A_734] : memref<64x16xf32, #tpu.memory_space<vmem>>[vector<16xi32>, vector<16xi32>], vector<16xf32>,
    %gt3A_737 = arith.cmpi sgt, %gather3A_735, %select_n3A_731 : vector<16xi32>
    %select_n3A_738 = arith.select %gt3A_737, %gather3A_735, %select_n3A_731 : vector<16xi1>, vector<16xi32>
    %select_n3A_739 = arith.select %gt3A_737, %gather3A_736, %select_n3A_732 : vector<16xi1>, vector<16xf32>
    %broadcast_in_dim3A_740 = arith.constant 13 : i32
    %broadcast_in_dim3A_741 = vector.broadcast %broadcast_in_dim3A_740 : i32 to vector<16xi32>
    %gather3A_742 = tpu.vector_load_idx %arg8[%add3A_644, %broadcast_in_dim3A_741] : memref<64x16xi32, #tpu.memory_space<vmem>>[vector<16xi32>, vector<16xi32>], vector<16xi32>,
    %gather3A_743 = tpu.vector_load_idx %arg9[%add3A_644, %broadcast_in_dim3A_741] : memref<64x16xf32, #tpu.memory_space<vmem>>[vector<16xi32>, vector<16xi32>], vector<16xf32>,
    %gt3A_744 = arith.cmpi sgt, %gather3A_742, %select_n3A_738 : vector<16xi32>
    %select_n3A_745 = arith.select %gt3A_744, %gather3A_742, %select_n3A_738 : vector<16xi1>, vector<16xi32>
    %select_n3A_746 = arith.select %gt3A_744, %gather3A_743, %select_n3A_739 : vector<16xi1>, vector<16xf32>
    %broadcast_in_dim3A_747 = arith.constant 14 : i32
    %broadcast_in_dim3A_748 = vector.broadcast %broadcast_in_dim3A_747 : i32 to vector<16xi32>
    %gather3A_749 = tpu.vector_load_idx %arg8[%add3A_644, %broadcast_in_dim3A_748] : memref<64x16xi32, #tpu.memory_space<vmem>>[vector<16xi32>, vector<16xi32>], vector<16xi32>,
    %gather3A_750 = tpu.vector_load_idx %arg9[%add3A_644, %broadcast_in_dim3A_748] : memref<64x16xf32, #tpu.memory_space<vmem>>[vector<16xi32>, vector<16xi32>], vector<16xf32>,
    %gt3A_751 = arith.cmpi sgt, %gather3A_749, %select_n3A_745 : vector<16xi32>
    %select_n3A_752 = arith.select %gt3A_751, %gather3A_749, %select_n3A_745 : vector<16xi1>, vector<16xi32>
    %select_n3A_753 = arith.select %gt3A_751, %gather3A_750, %select_n3A_746 : vector<16xi1>, vector<16xf32>
    %broadcast_in_dim3A_754 = arith.constant 15 : i32
    %broadcast_in_dim3A_755 = vector.broadcast %broadcast_in_dim3A_754 : i32 to vector<16xi32>
    %gather3A_756 = tpu.vector_load_idx %arg8[%add3A_644, %broadcast_in_dim3A_755] : memref<64x16xi32, #tpu.memory_space<vmem>>[vector<16xi32>, vector<16xi32>], vector<16xi32>,
    %gather3A_757 = tpu.vector_load_idx %arg9[%add3A_644, %broadcast_in_dim3A_755] : memref<64x16xf32, #tpu.memory_space<vmem>>[vector<16xi32>, vector<16xi32>], vector<16xf32>,
    %gt3A_758 = arith.cmpi sgt, %gather3A_756, %select_n3A_752 : vector<16xi32>
    %select_n3A_759 = arith.select %gt3A_758, %gather3A_756, %select_n3A_752 : vector<16xi1>, vector<16xi32>
    %select_n3A_760 = arith.select %gt3A_758, %gather3A_757, %select_n3A_753 : vector<16xi1>, vector<16xf32>
    %swap3A_761 = arith.constant 16 : index
    %swap3A_762 = tpu.vector_load %arg10[%swap3A_761] {strides = array<i32>} : memref<64xi32, #tpu.memory_space<vmem>>, vector<16xi32>,
    tpu.vector_store %arg10[%swap3A_761], %select_n3A_759 {strides = array<i32>} : memref<64xi32, #tpu.memory_space<vmem>>, vector<16xi32>,
    %swap3A_763 = arith.constant 16 : index
    %swap3A_764 = tpu.vector_load %arg11[%swap3A_763] {strides = array<i32>} : memref<64xf32, #tpu.memory_space<vmem>>, vector<16xf32>,
    tpu.vector_store %arg11[%swap3A_763], %select_n3A_760 {strides = array<i32>} : memref<64xf32, #tpu.memory_space<vmem>>, vector<16xf32>,
    %add3A_765 = arith.constant 32 : i32
    %add3A_766 = vector.broadcast %add3A_765 : i32 to vector<16xi32>
    %add3A_767 = arith.addi %add3A_766, %iota3A : vector<16xi32>
    %broadcast_in_dim3A_768 = arith.constant -1 : i32
    %broadcast_in_dim3A_769 = vector.broadcast %broadcast_in_dim3A_768 : i32 to vector<16xi32>
    %broadcast_in_dim3A_770 = arith.constant 0.000000e+00 : f32
    %broadcast_in_dim3A_771 = vector.broadcast %broadcast_in_dim3A_770 : f32 to vector<16xf32>
    %broadcast_in_dim3A_772 = arith.constant 0 : i32
    %broadcast_in_dim3A_773 = vector.broadcast %broadcast_in_dim3A_772 : i32 to vector<16xi32>
    %gather3A_774 = tpu.vector_load_idx %arg8[%add3A_767, %broadcast_in_dim3A_773] : memref<64x16xi32, #tpu.memory_space<vmem>>[vector<16xi32>, vector<16xi32>], vector<16xi32>,
    %gather3A_775 = tpu.vector_load_idx %arg9[%add3A_767, %broadcast_in_dim3A_773] : memref<64x16xf32, #tpu.memory_space<vmem>>[vector<16xi32>, vector<16xi32>], vector<16xf32>,
    %gt3A_776 = arith.cmpi sgt, %gather3A_774, %broadcast_in_dim3A_769 : vector<16xi32>
    %select_n3A_777 = arith.select %gt3A_776, %gather3A_774, %broadcast_in_dim3A_769 : vector<16xi1>, vector<16xi32>
    %select_n3A_778 = arith.select %gt3A_776, %gather3A_775, %broadcast_in_dim3A_771 : vector<16xi1>, vector<16xf32>
    %broadcast_in_dim3A_779 = arith.constant 1 : i32
    %broadcast_in_dim3A_780 = vector.broadcast %broadcast_in_dim3A_779 : i32 to vector<16xi32>
    %gather3A_781 = tpu.vector_load_idx %arg8[%add3A_767, %broadcast_in_dim3A_780] : memref<64x16xi32, #tpu.memory_space<vmem>>[vector<16xi32>, vector<16xi32>], vector<16xi32>,
    %gather3A_782 = tpu.vector_load_idx %arg9[%add3A_767, %broadcast_in_dim3A_780] : memref<64x16xf32, #tpu.memory_space<vmem>>[vector<16xi32>, vector<16xi32>], vector<16xf32>,
    %gt3A_783 = arith.cmpi sgt, %gather3A_781, %select_n3A_777 : vector<16xi32>
    %select_n3A_784 = arith.select %gt3A_783, %gather3A_781, %select_n3A_777 : vector<16xi1>, vector<16xi32>
    %select_n3A_785 = arith.select %gt3A_783, %gather3A_782, %select_n3A_778 : vector<16xi1>, vector<16xf32>
    %broadcast_in_dim3A_786 = arith.constant 2 : i32
    %broadcast_in_dim3A_787 = vector.broadcast %broadcast_in_dim3A_786 : i32 to vector<16xi32>
    %gather3A_788 = tpu.vector_load_idx %arg8[%add3A_767, %broadcast_in_dim3A_787] : memref<64x16xi32, #tpu.memory_space<vmem>>[vector<16xi32>, vector<16xi32>], vector<16xi32>,
    %gather3A_789 = tpu.vector_load_idx %arg9[%add3A_767, %broadcast_in_dim3A_787] : memref<64x16xf32, #tpu.memory_space<vmem>>[vector<16xi32>, vector<16xi32>], vector<16xf32>,
    %gt3A_790 = arith.cmpi sgt, %gather3A_788, %select_n3A_784 : vector<16xi32>
    %select_n3A_791 = arith.select %gt3A_790, %gather3A_788, %select_n3A_784 : vector<16xi1>, vector<16xi32>
    %select_n3A_792 = arith.select %gt3A_790, %gather3A_789, %select_n3A_785 : vector<16xi1>, vector<16xf32>
    %broadcast_in_dim3A_793 = arith.constant 3 : i32
    %broadcast_in_dim3A_794 = vector.broadcast %broadcast_in_dim3A_793 : i32 to vector<16xi32>
    %gather3A_795 = tpu.vector_load_idx %arg8[%add3A_767, %broadcast_in_dim3A_794] : memref<64x16xi32, #tpu.memory_space<vmem>>[vector<16xi32>, vector<16xi32>], vector<16xi32>,
    %gather3A_796 = tpu.vector_load_idx %arg9[%add3A_767, %broadcast_in_dim3A_794] : memref<64x16xf32, #tpu.memory_space<vmem>>[vector<16xi32>, vector<16xi32>], vector<16xf32>,
    %gt3A_797 = arith.cmpi sgt, %gather3A_795, %select_n3A_791 : vector<16xi32>
    %select_n3A_798 = arith.select %gt3A_797, %gather3A_795, %select_n3A_791 : vector<16xi1>, vector<16xi32>
    %select_n3A_799 = arith.select %gt3A_797, %gather3A_796, %select_n3A_792 : vector<16xi1>, vector<16xf32>
    %broadcast_in_dim3A_800 = arith.constant 4 : i32
    %broadcast_in_dim3A_801 = vector.broadcast %broadcast_in_dim3A_800 : i32 to vector<16xi32>
    %gather3A_802 = tpu.vector_load_idx %arg8[%add3A_767, %broadcast_in_dim3A_801] : memref<64x16xi32, #tpu.memory_space<vmem>>[vector<16xi32>, vector<16xi32>], vector<16xi32>,
    %gather3A_803 = tpu.vector_load_idx %arg9[%add3A_767, %broadcast_in_dim3A_801] : memref<64x16xf32, #tpu.memory_space<vmem>>[vector<16xi32>, vector<16xi32>], vector<16xf32>,
    %gt3A_804 = arith.cmpi sgt, %gather3A_802, %select_n3A_798 : vector<16xi32>
    %select_n3A_805 = arith.select %gt3A_804, %gather3A_802, %select_n3A_798 : vector<16xi1>, vector<16xi32>
    %select_n3A_806 = arith.select %gt3A_804, %gather3A_803, %select_n3A_799 : vector<16xi1>, vector<16xf32>
    %broadcast_in_dim3A_807 = arith.constant 5 : i32
    %broadcast_in_dim3A_808 = vector.broadcast %broadcast_in_dim3A_807 : i32 to vector<16xi32>
    %gather3A_809 = tpu.vector_load_idx %arg8[%add3A_767, %broadcast_in_dim3A_808] : memref<64x16xi32, #tpu.memory_space<vmem>>[vector<16xi32>, vector<16xi32>], vector<16xi32>,
    %gather3A_810 = tpu.vector_load_idx %arg9[%add3A_767, %broadcast_in_dim3A_808] : memref<64x16xf32, #tpu.memory_space<vmem>>[vector<16xi32>, vector<16xi32>], vector<16xf32>,
    %gt3A_811 = arith.cmpi sgt, %gather3A_809, %select_n3A_805 : vector<16xi32>
    %select_n3A_812 = arith.select %gt3A_811, %gather3A_809, %select_n3A_805 : vector<16xi1>, vector<16xi32>
    %select_n3A_813 = arith.select %gt3A_811, %gather3A_810, %select_n3A_806 : vector<16xi1>, vector<16xf32>
    %broadcast_in_dim3A_814 = arith.constant 6 : i32
    %broadcast_in_dim3A_815 = vector.broadcast %broadcast_in_dim3A_814 : i32 to vector<16xi32>
    %gather3A_816 = tpu.vector_load_idx %arg8[%add3A_767, %broadcast_in_dim3A_815] : memref<64x16xi32, #tpu.memory_space<vmem>>[vector<16xi32>, vector<16xi32>], vector<16xi32>,
    %gather3A_817 = tpu.vector_load_idx %arg9[%add3A_767, %broadcast_in_dim3A_815] : memref<64x16xf32, #tpu.memory_space<vmem>>[vector<16xi32>, vector<16xi32>], vector<16xf32>,
    %gt3A_818 = arith.cmpi sgt, %gather3A_816, %select_n3A_812 : vector<16xi32>
    %select_n3A_819 = arith.select %gt3A_818, %gather3A_816, %select_n3A_812 : vector<16xi1>, vector<16xi32>
    %select_n3A_820 = arith.select %gt3A_818, %gather3A_817, %select_n3A_813 : vector<16xi1>, vector<16xf32>
    %broadcast_in_dim3A_821 = arith.constant 7 : i32
    %broadcast_in_dim3A_822 = vector.broadcast %broadcast_in_dim3A_821 : i32 to vector<16xi32>
    %gather3A_823 = tpu.vector_load_idx %arg8[%add3A_767, %broadcast_in_dim3A_822] : memref<64x16xi32, #tpu.memory_space<vmem>>[vector<16xi32>, vector<16xi32>], vector<16xi32>,
    %gather3A_824 = tpu.vector_load_idx %arg9[%add3A_767, %broadcast_in_dim3A_822] : memref<64x16xf32, #tpu.memory_space<vmem>>[vector<16xi32>, vector<16xi32>], vector<16xf32>,
    %gt3A_825 = arith.cmpi sgt, %gather3A_823, %select_n3A_819 : vector<16xi32>
    %select_n3A_826 = arith.select %gt3A_825, %gather3A_823, %select_n3A_819 : vector<16xi1>, vector<16xi32>
    %select_n3A_827 = arith.select %gt3A_825, %gather3A_824, %select_n3A_820 : vector<16xi1>, vector<16xf32>
    %broadcast_in_dim3A_828 = arith.constant 8 : i32
    %broadcast_in_dim3A_829 = vector.broadcast %broadcast_in_dim3A_828 : i32 to vector<16xi32>
    %gather3A_830 = tpu.vector_load_idx %arg8[%add3A_767, %broadcast_in_dim3A_829] : memref<64x16xi32, #tpu.memory_space<vmem>>[vector<16xi32>, vector<16xi32>], vector<16xi32>,
    %gather3A_831 = tpu.vector_load_idx %arg9[%add3A_767, %broadcast_in_dim3A_829] : memref<64x16xf32, #tpu.memory_space<vmem>>[vector<16xi32>, vector<16xi32>], vector<16xf32>,
    %gt3A_832 = arith.cmpi sgt, %gather3A_830, %select_n3A_826 : vector<16xi32>
    %select_n3A_833 = arith.select %gt3A_832, %gather3A_830, %select_n3A_826 : vector<16xi1>, vector<16xi32>
    %select_n3A_834 = arith.select %gt3A_832, %gather3A_831, %select_n3A_827 : vector<16xi1>, vector<16xf32>
    %broadcast_in_dim3A_835 = arith.constant 9 : i32
    %broadcast_in_dim3A_836 = vector.broadcast %broadcast_in_dim3A_835 : i32 to vector<16xi32>
    %gather3A_837 = tpu.vector_load_idx %arg8[%add3A_767, %broadcast_in_dim3A_836] : memref<64x16xi32, #tpu.memory_space<vmem>>[vector<16xi32>, vector<16xi32>], vector<16xi32>,
    %gather3A_838 = tpu.vector_load_idx %arg9[%add3A_767, %broadcast_in_dim3A_836] : memref<64x16xf32, #tpu.memory_space<vmem>>[vector<16xi32>, vector<16xi32>], vector<16xf32>,
    %gt3A_839 = arith.cmpi sgt, %gather3A_837, %select_n3A_833 : vector<16xi32>
    %select_n3A_840 = arith.select %gt3A_839, %gather3A_837, %select_n3A_833 : vector<16xi1>, vector<16xi32>
    %select_n3A_841 = arith.select %gt3A_839, %gather3A_838, %select_n3A_834 : vector<16xi1>, vector<16xf32>
    %broadcast_in_dim3A_842 = arith.constant 10 : i32
    %broadcast_in_dim3A_843 = vector.broadcast %broadcast_in_dim3A_842 : i32 to vector<16xi32>
    %gather3A_844 = tpu.vector_load_idx %arg8[%add3A_767, %broadcast_in_dim3A_843] : memref<64x16xi32, #tpu.memory_space<vmem>>[vector<16xi32>, vector<16xi32>], vector<16xi32>,
    %gather3A_845 = tpu.vector_load_idx %arg9[%add3A_767, %broadcast_in_dim3A_843] : memref<64x16xf32, #tpu.memory_space<vmem>>[vector<16xi32>, vector<16xi32>], vector<16xf32>,
    %gt3A_846 = arith.cmpi sgt, %gather3A_844, %select_n3A_840 : vector<16xi32>
    %select_n3A_847 = arith.select %gt3A_846, %gather3A_844, %select_n3A_840 : vector<16xi1>, vector<16xi32>
    %select_n3A_848 = arith.select %gt3A_846, %gather3A_845, %select_n3A_841 : vector<16xi1>, vector<16xf32>
    %broadcast_in_dim3A_849 = arith.constant 11 : i32
    %broadcast_in_dim3A_850 = vector.broadcast %broadcast_in_dim3A_849 : i32 to vector<16xi32>
    %gather3A_851 = tpu.vector_load_idx %arg8[%add3A_767, %broadcast_in_dim3A_850] : memref<64x16xi32, #tpu.memory_space<vmem>>[vector<16xi32>, vector<16xi32>], vector<16xi32>,
    %gather3A_852 = tpu.vector_load_idx %arg9[%add3A_767, %broadcast_in_dim3A_850] : memref<64x16xf32, #tpu.memory_space<vmem>>[vector<16xi32>, vector<16xi32>], vector<16xf32>,
    %gt3A_853 = arith.cmpi sgt, %gather3A_851, %select_n3A_847 : vector<16xi32>
    %select_n3A_854 = arith.select %gt3A_853, %gather3A_851, %select_n3A_847 : vector<16xi1>, vector<16xi32>
    %select_n3A_855 = arith.select %gt3A_853, %gather3A_852, %select_n3A_848 : vector<16xi1>, vector<16xf32>
    %broadcast_in_dim3A_856 = arith.constant 12 : i32
    %broadcast_in_dim3A_857 = vector.broadcast %broadcast_in_dim3A_856 : i32 to vector<16xi32>
    %gather3A_858 = tpu.vector_load_idx %arg8[%add3A_767, %broadcast_in_dim3A_857] : memref<64x16xi32, #tpu.memory_space<vmem>>[vector<16xi32>, vector<16xi32>], vector<16xi32>,
    %gather3A_859 = tpu.vector_load_idx %arg9[%add3A_767, %broadcast_in_dim3A_857] : memref<64x16xf32, #tpu.memory_space<vmem>>[vector<16xi32>, vector<16xi32>], vector<16xf32>,
    %gt3A_860 = arith.cmpi sgt, %gather3A_858, %select_n3A_854 : vector<16xi32>
    %select_n3A_861 = arith.select %gt3A_860, %gather3A_858, %select_n3A_854 : vector<16xi1>, vector<16xi32>
    %select_n3A_862 = arith.select %gt3A_860, %gather3A_859, %select_n3A_855 : vector<16xi1>, vector<16xf32>
    %broadcast_in_dim3A_863 = arith.constant 13 : i32
    %broadcast_in_dim3A_864 = vector.broadcast %broadcast_in_dim3A_863 : i32 to vector<16xi32>
    %gather3A_865 = tpu.vector_load_idx %arg8[%add3A_767, %broadcast_in_dim3A_864] : memref<64x16xi32, #tpu.memory_space<vmem>>[vector<16xi32>, vector<16xi32>], vector<16xi32>,
    %gather3A_866 = tpu.vector_load_idx %arg9[%add3A_767, %broadcast_in_dim3A_864] : memref<64x16xf32, #tpu.memory_space<vmem>>[vector<16xi32>, vector<16xi32>], vector<16xf32>,
    %gt3A_867 = arith.cmpi sgt, %gather3A_865, %select_n3A_861 : vector<16xi32>
    %select_n3A_868 = arith.select %gt3A_867, %gather3A_865, %select_n3A_861 : vector<16xi1>, vector<16xi32>
    %select_n3A_869 = arith.select %gt3A_867, %gather3A_866, %select_n3A_862 : vector<16xi1>, vector<16xf32>
    %broadcast_in_dim3A_870 = arith.constant 14 : i32
    %broadcast_in_dim3A_871 = vector.broadcast %broadcast_in_dim3A_870 : i32 to vector<16xi32>
    %gather3A_872 = tpu.vector_load_idx %arg8[%add3A_767, %broadcast_in_dim3A_871] : memref<64x16xi32, #tpu.memory_space<vmem>>[vector<16xi32>, vector<16xi32>], vector<16xi32>,
    %gather3A_873 = tpu.vector_load_idx %arg9[%add3A_767, %broadcast_in_dim3A_871] : memref<64x16xf32, #tpu.memory_space<vmem>>[vector<16xi32>, vector<16xi32>], vector<16xf32>,
    %gt3A_874 = arith.cmpi sgt, %gather3A_872, %select_n3A_868 : vector<16xi32>
    %select_n3A_875 = arith.select %gt3A_874, %gather3A_872, %select_n3A_868 : vector<16xi1>, vector<16xi32>
    %select_n3A_876 = arith.select %gt3A_874, %gather3A_873, %select_n3A_869 : vector<16xi1>, vector<16xf32>
    %broadcast_in_dim3A_877 = arith.constant 15 : i32
    %broadcast_in_dim3A_878 = vector.broadcast %broadcast_in_dim3A_877 : i32 to vector<16xi32>
    %gather3A_879 = tpu.vector_load_idx %arg8[%add3A_767, %broadcast_in_dim3A_878] : memref<64x16xi32, #tpu.memory_space<vmem>>[vector<16xi32>, vector<16xi32>], vector<16xi32>,
    %gather3A_880 = tpu.vector_load_idx %arg9[%add3A_767, %broadcast_in_dim3A_878] : memref<64x16xf32, #tpu.memory_space<vmem>>[vector<16xi32>, vector<16xi32>], vector<16xf32>,
    %gt3A_881 = arith.cmpi sgt, %gather3A_879, %select_n3A_875 : vector<16xi32>
    %select_n3A_882 = arith.select %gt3A_881, %gather3A_879, %select_n3A_875 : vector<16xi1>, vector<16xi32>
    %select_n3A_883 = arith.select %gt3A_881, %gather3A_880, %select_n3A_876 : vector<16xi1>, vector<16xf32>
    %swap3A_884 = arith.constant 32 : index
    %swap3A_885 = tpu.vector_load %arg10[%swap3A_884] {strides = array<i32>} : memref<64xi32, #tpu.memory_space<vmem>>, vector<16xi32>,
    tpu.vector_store %arg10[%swap3A_884], %select_n3A_882 {strides = array<i32>} : memref<64xi32, #tpu.memory_space<vmem>>, vector<16xi32>,
    %swap3A_886 = arith.constant 32 : index
    %swap3A_887 = tpu.vector_load %arg11[%swap3A_886] {strides = array<i32>} : memref<64xf32, #tpu.memory_space<vmem>>, vector<16xf32>,
    tpu.vector_store %arg11[%swap3A_886], %select_n3A_883 {strides = array<i32>} : memref<64xf32, #tpu.memory_space<vmem>>, vector<16xf32>,
    %add3A_888 = arith.constant 48 : i32
    %add3A_889 = vector.broadcast %add3A_888 : i32 to vector<16xi32>
    %add3A_890 = arith.addi %add3A_889, %iota3A : vector<16xi32>
    %broadcast_in_dim3A_891 = arith.constant -1 : i32
    %broadcast_in_dim3A_892 = vector.broadcast %broadcast_in_dim3A_891 : i32 to vector<16xi32>
    %broadcast_in_dim3A_893 = arith.constant 0.000000e+00 : f32
    %broadcast_in_dim3A_894 = vector.broadcast %broadcast_in_dim3A_893 : f32 to vector<16xf32>
    %broadcast_in_dim3A_895 = arith.constant 0 : i32
    %broadcast_in_dim3A_896 = vector.broadcast %broadcast_in_dim3A_895 : i32 to vector<16xi32>
    %gather3A_897 = tpu.vector_load_idx %arg8[%add3A_890, %broadcast_in_dim3A_896] : memref<64x16xi32, #tpu.memory_space<vmem>>[vector<16xi32>, vector<16xi32>], vector<16xi32>,
    %gather3A_898 = tpu.vector_load_idx %arg9[%add3A_890, %broadcast_in_dim3A_896] : memref<64x16xf32, #tpu.memory_space<vmem>>[vector<16xi32>, vector<16xi32>], vector<16xf32>,
    %gt3A_899 = arith.cmpi sgt, %gather3A_897, %broadcast_in_dim3A_892 : vector<16xi32>
    %select_n3A_900 = arith.select %gt3A_899, %gather3A_897, %broadcast_in_dim3A_892 : vector<16xi1>, vector<16xi32>
    %select_n3A_901 = arith.select %gt3A_899, %gather3A_898, %broadcast_in_dim3A_894 : vector<16xi1>, vector<16xf32>
    %broadcast_in_dim3A_902 = arith.constant 1 : i32
    %broadcast_in_dim3A_903 = vector.broadcast %broadcast_in_dim3A_902 : i32 to vector<16xi32>
    %gather3A_904 = tpu.vector_load_idx %arg8[%add3A_890, %broadcast_in_dim3A_903] : memref<64x16xi32, #tpu.memory_space<vmem>>[vector<16xi32>, vector<16xi32>], vector<16xi32>,
    %gather3A_905 = tpu.vector_load_idx %arg9[%add3A_890, %broadcast_in_dim3A_903] : memref<64x16xf32, #tpu.memory_space<vmem>>[vector<16xi32>, vector<16xi32>], vector<16xf32>,
    %gt3A_906 = arith.cmpi sgt, %gather3A_904, %select_n3A_900 : vector<16xi32>
    %select_n3A_907 = arith.select %gt3A_906, %gather3A_904, %select_n3A_900 : vector<16xi1>, vector<16xi32>
    %select_n3A_908 = arith.select %gt3A_906, %gather3A_905, %select_n3A_901 : vector<16xi1>, vector<16xf32>
    %broadcast_in_dim3A_909 = arith.constant 2 : i32
    %broadcast_in_dim3A_910 = vector.broadcast %broadcast_in_dim3A_909 : i32 to vector<16xi32>
    %gather3A_911 = tpu.vector_load_idx %arg8[%add3A_890, %broadcast_in_dim3A_910] : memref<64x16xi32, #tpu.memory_space<vmem>>[vector<16xi32>, vector<16xi32>], vector<16xi32>,
    %gather3A_912 = tpu.vector_load_idx %arg9[%add3A_890, %broadcast_in_dim3A_910] : memref<64x16xf32, #tpu.memory_space<vmem>>[vector<16xi32>, vector<16xi32>], vector<16xf32>,
    %gt3A_913 = arith.cmpi sgt, %gather3A_911, %select_n3A_907 : vector<16xi32>
    %select_n3A_914 = arith.select %gt3A_913, %gather3A_911, %select_n3A_907 : vector<16xi1>, vector<16xi32>
    %select_n3A_915 = arith.select %gt3A_913, %gather3A_912, %select_n3A_908 : vector<16xi1>, vector<16xf32>
    %broadcast_in_dim3A_916 = arith.constant 3 : i32
    %broadcast_in_dim3A_917 = vector.broadcast %broadcast_in_dim3A_916 : i32 to vector<16xi32>
    %gather3A_918 = tpu.vector_load_idx %arg8[%add3A_890, %broadcast_in_dim3A_917] : memref<64x16xi32, #tpu.memory_space<vmem>>[vector<16xi32>, vector<16xi32>], vector<16xi32>,
    %gather3A_919 = tpu.vector_load_idx %arg9[%add3A_890, %broadcast_in_dim3A_917] : memref<64x16xf32, #tpu.memory_space<vmem>>[vector<16xi32>, vector<16xi32>], vector<16xf32>,
    %gt3A_920 = arith.cmpi sgt, %gather3A_918, %select_n3A_914 : vector<16xi32>
    %select_n3A_921 = arith.select %gt3A_920, %gather3A_918, %select_n3A_914 : vector<16xi1>, vector<16xi32>
    %select_n3A_922 = arith.select %gt3A_920, %gather3A_919, %select_n3A_915 : vector<16xi1>, vector<16xf32>
    %broadcast_in_dim3A_923 = arith.constant 4 : i32
    %broadcast_in_dim3A_924 = vector.broadcast %broadcast_in_dim3A_923 : i32 to vector<16xi32>
    %gather3A_925 = tpu.vector_load_idx %arg8[%add3A_890, %broadcast_in_dim3A_924] : memref<64x16xi32, #tpu.memory_space<vmem>>[vector<16xi32>, vector<16xi32>], vector<16xi32>,
    %gather3A_926 = tpu.vector_load_idx %arg9[%add3A_890, %broadcast_in_dim3A_924] : memref<64x16xf32, #tpu.memory_space<vmem>>[vector<16xi32>, vector<16xi32>], vector<16xf32>,
    %gt3A_927 = arith.cmpi sgt, %gather3A_925, %select_n3A_921 : vector<16xi32>
    %select_n3A_928 = arith.select %gt3A_927, %gather3A_925, %select_n3A_921 : vector<16xi1>, vector<16xi32>
    %select_n3A_929 = arith.select %gt3A_927, %gather3A_926, %select_n3A_922 : vector<16xi1>, vector<16xf32>
    %broadcast_in_dim3A_930 = arith.constant 5 : i32
    %broadcast_in_dim3A_931 = vector.broadcast %broadcast_in_dim3A_930 : i32 to vector<16xi32>
    %gather3A_932 = tpu.vector_load_idx %arg8[%add3A_890, %broadcast_in_dim3A_931] : memref<64x16xi32, #tpu.memory_space<vmem>>[vector<16xi32>, vector<16xi32>], vector<16xi32>,
    %gather3A_933 = tpu.vector_load_idx %arg9[%add3A_890, %broadcast_in_dim3A_931] : memref<64x16xf32, #tpu.memory_space<vmem>>[vector<16xi32>, vector<16xi32>], vector<16xf32>,
    %gt3A_934 = arith.cmpi sgt, %gather3A_932, %select_n3A_928 : vector<16xi32>
    %select_n3A_935 = arith.select %gt3A_934, %gather3A_932, %select_n3A_928 : vector<16xi1>, vector<16xi32>
    %select_n3A_936 = arith.select %gt3A_934, %gather3A_933, %select_n3A_929 : vector<16xi1>, vector<16xf32>
    %broadcast_in_dim3A_937 = arith.constant 6 : i32
    %broadcast_in_dim3A_938 = vector.broadcast %broadcast_in_dim3A_937 : i32 to vector<16xi32>
    %gather3A_939 = tpu.vector_load_idx %arg8[%add3A_890, %broadcast_in_dim3A_938] : memref<64x16xi32, #tpu.memory_space<vmem>>[vector<16xi32>, vector<16xi32>], vector<16xi32>,
    %gather3A_940 = tpu.vector_load_idx %arg9[%add3A_890, %broadcast_in_dim3A_938] : memref<64x16xf32, #tpu.memory_space<vmem>>[vector<16xi32>, vector<16xi32>], vector<16xf32>,
    %gt3A_941 = arith.cmpi sgt, %gather3A_939, %select_n3A_935 : vector<16xi32>
    %select_n3A_942 = arith.select %gt3A_941, %gather3A_939, %select_n3A_935 : vector<16xi1>, vector<16xi32>
    %select_n3A_943 = arith.select %gt3A_941, %gather3A_940, %select_n3A_936 : vector<16xi1>, vector<16xf32>
    %broadcast_in_dim3A_944 = arith.constant 7 : i32
    %broadcast_in_dim3A_945 = vector.broadcast %broadcast_in_dim3A_944 : i32 to vector<16xi32>
    %gather3A_946 = tpu.vector_load_idx %arg8[%add3A_890, %broadcast_in_dim3A_945] : memref<64x16xi32, #tpu.memory_space<vmem>>[vector<16xi32>, vector<16xi32>], vector<16xi32>,
    %gather3A_947 = tpu.vector_load_idx %arg9[%add3A_890, %broadcast_in_dim3A_945] : memref<64x16xf32, #tpu.memory_space<vmem>>[vector<16xi32>, vector<16xi32>], vector<16xf32>,
    %gt3A_948 = arith.cmpi sgt, %gather3A_946, %select_n3A_942 : vector<16xi32>
    %select_n3A_949 = arith.select %gt3A_948, %gather3A_946, %select_n3A_942 : vector<16xi1>, vector<16xi32>
    %select_n3A_950 = arith.select %gt3A_948, %gather3A_947, %select_n3A_943 : vector<16xi1>, vector<16xf32>
    %broadcast_in_dim3A_951 = arith.constant 8 : i32
    %broadcast_in_dim3A_952 = vector.broadcast %broadcast_in_dim3A_951 : i32 to vector<16xi32>
    %gather3A_953 = tpu.vector_load_idx %arg8[%add3A_890, %broadcast_in_dim3A_952] : memref<64x16xi32, #tpu.memory_space<vmem>>[vector<16xi32>, vector<16xi32>], vector<16xi32>,
    %gather3A_954 = tpu.vector_load_idx %arg9[%add3A_890, %broadcast_in_dim3A_952] : memref<64x16xf32, #tpu.memory_space<vmem>>[vector<16xi32>, vector<16xi32>], vector<16xf32>,
    %gt3A_955 = arith.cmpi sgt, %gather3A_953, %select_n3A_949 : vector<16xi32>
    %select_n3A_956 = arith.select %gt3A_955, %gather3A_953, %select_n3A_949 : vector<16xi1>, vector<16xi32>
    %select_n3A_957 = arith.select %gt3A_955, %gather3A_954, %select_n3A_950 : vector<16xi1>, vector<16xf32>
    %broadcast_in_dim3A_958 = arith.constant 9 : i32
    %broadcast_in_dim3A_959 = vector.broadcast %broadcast_in_dim3A_958 : i32 to vector<16xi32>
    %gather3A_960 = tpu.vector_load_idx %arg8[%add3A_890, %broadcast_in_dim3A_959] : memref<64x16xi32, #tpu.memory_space<vmem>>[vector<16xi32>, vector<16xi32>], vector<16xi32>,
    %gather3A_961 = tpu.vector_load_idx %arg9[%add3A_890, %broadcast_in_dim3A_959] : memref<64x16xf32, #tpu.memory_space<vmem>>[vector<16xi32>, vector<16xi32>], vector<16xf32>,
    %gt3A_962 = arith.cmpi sgt, %gather3A_960, %select_n3A_956 : vector<16xi32>
    %select_n3A_963 = arith.select %gt3A_962, %gather3A_960, %select_n3A_956 : vector<16xi1>, vector<16xi32>
    %select_n3A_964 = arith.select %gt3A_962, %gather3A_961, %select_n3A_957 : vector<16xi1>, vector<16xf32>
    %broadcast_in_dim3A_965 = arith.constant 10 : i32
    %broadcast_in_dim3A_966 = vector.broadcast %broadcast_in_dim3A_965 : i32 to vector<16xi32>
    %gather3A_967 = tpu.vector_load_idx %arg8[%add3A_890, %broadcast_in_dim3A_966] : memref<64x16xi32, #tpu.memory_space<vmem>>[vector<16xi32>, vector<16xi32>], vector<16xi32>,
    %gather3A_968 = tpu.vector_load_idx %arg9[%add3A_890, %broadcast_in_dim3A_966] : memref<64x16xf32, #tpu.memory_space<vmem>>[vector<16xi32>, vector<16xi32>], vector<16xf32>,
    %gt3A_969 = arith.cmpi sgt, %gather3A_967, %select_n3A_963 : vector<16xi32>
    %select_n3A_970 = arith.select %gt3A_969, %gather3A_967, %select_n3A_963 : vector<16xi1>, vector<16xi32>
    %select_n3A_971 = arith.select %gt3A_969, %gather3A_968, %select_n3A_964 : vector<16xi1>, vector<16xf32>
    %broadcast_in_dim3A_972 = arith.constant 11 : i32
    %broadcast_in_dim3A_973 = vector.broadcast %broadcast_in_dim3A_972 : i32 to vector<16xi32>
    %gather3A_974 = tpu.vector_load_idx %arg8[%add3A_890, %broadcast_in_dim3A_973] : memref<64x16xi32, #tpu.memory_space<vmem>>[vector<16xi32>, vector<16xi32>], vector<16xi32>,
    %gather3A_975 = tpu.vector_load_idx %arg9[%add3A_890, %broadcast_in_dim3A_973] : memref<64x16xf32, #tpu.memory_space<vmem>>[vector<16xi32>, vector<16xi32>], vector<16xf32>,
    %gt3A_976 = arith.cmpi sgt, %gather3A_974, %select_n3A_970 : vector<16xi32>
    %select_n3A_977 = arith.select %gt3A_976, %gather3A_974, %select_n3A_970 : vector<16xi1>, vector<16xi32>
    %select_n3A_978 = arith.select %gt3A_976, %gather3A_975, %select_n3A_971 : vector<16xi1>, vector<16xf32>
    %broadcast_in_dim3A_979 = arith.constant 12 : i32
    %broadcast_in_dim3A_980 = vector.broadcast %broadcast_in_dim3A_979 : i32 to vector<16xi32>
    %gather3A_981 = tpu.vector_load_idx %arg8[%add3A_890, %broadcast_in_dim3A_980] : memref<64x16xi32, #tpu.memory_space<vmem>>[vector<16xi32>, vector<16xi32>], vector<16xi32>,
    %gather3A_982 = tpu.vector_load_idx %arg9[%add3A_890, %broadcast_in_dim3A_980] : memref<64x16xf32, #tpu.memory_space<vmem>>[vector<16xi32>, vector<16xi32>], vector<16xf32>,
    %gt3A_983 = arith.cmpi sgt, %gather3A_981, %select_n3A_977 : vector<16xi32>
    %select_n3A_984 = arith.select %gt3A_983, %gather3A_981, %select_n3A_977 : vector<16xi1>, vector<16xi32>
    %select_n3A_985 = arith.select %gt3A_983, %gather3A_982, %select_n3A_978 : vector<16xi1>, vector<16xf32>
    %broadcast_in_dim3A_986 = arith.constant 13 : i32
    %broadcast_in_dim3A_987 = vector.broadcast %broadcast_in_dim3A_986 : i32 to vector<16xi32>
    %gather3A_988 = tpu.vector_load_idx %arg8[%add3A_890, %broadcast_in_dim3A_987] : memref<64x16xi32, #tpu.memory_space<vmem>>[vector<16xi32>, vector<16xi32>], vector<16xi32>,
    %gather3A_989 = tpu.vector_load_idx %arg9[%add3A_890, %broadcast_in_dim3A_987] : memref<64x16xf32, #tpu.memory_space<vmem>>[vector<16xi32>, vector<16xi32>], vector<16xf32>,
    %gt3A_990 = arith.cmpi sgt, %gather3A_988, %select_n3A_984 : vector<16xi32>
    %select_n3A_991 = arith.select %gt3A_990, %gather3A_988, %select_n3A_984 : vector<16xi1>, vector<16xi32>
    %select_n3A_992 = arith.select %gt3A_990, %gather3A_989, %select_n3A_985 : vector<16xi1>, vector<16xf32>
    %broadcast_in_dim3A_993 = arith.constant 14 : i32
    %broadcast_in_dim3A_994 = vector.broadcast %broadcast_in_dim3A_993 : i32 to vector<16xi32>
    %gather3A_995 = tpu.vector_load_idx %arg8[%add3A_890, %broadcast_in_dim3A_994] : memref<64x16xi32, #tpu.memory_space<vmem>>[vector<16xi32>, vector<16xi32>], vector<16xi32>,
    %gather3A_996 = tpu.vector_load_idx %arg9[%add3A_890, %broadcast_in_dim3A_994] : memref<64x16xf32, #tpu.memory_space<vmem>>[vector<16xi32>, vector<16xi32>], vector<16xf32>,
    %gt3A_997 = arith.cmpi sgt, %gather3A_995, %select_n3A_991 : vector<16xi32>
    %select_n3A_998 = arith.select %gt3A_997, %gather3A_995, %select_n3A_991 : vector<16xi1>, vector<16xi32>
    %select_n3A_999 = arith.select %gt3A_997, %gather3A_996, %select_n3A_992 : vector<16xi1>, vector<16xf32>
    %broadcast_in_dim3A_1000 = arith.constant 15 : i32
    %broadcast_in_dim3A_1001 = vector.broadcast %broadcast_in_dim3A_1000 : i32 to vector<16xi32>
    %gather3A_1002 = tpu.vector_load_idx %arg8[%add3A_890, %broadcast_in_dim3A_1001] : memref<64x16xi32, #tpu.memory_space<vmem>>[vector<16xi32>, vector<16xi32>], vector<16xi32>,
    %gather3A_1003 = tpu.vector_load_idx %arg9[%add3A_890, %broadcast_in_dim3A_1001] : memref<64x16xf32, #tpu.memory_space<vmem>>[vector<16xi32>, vector<16xi32>], vector<16xf32>,
    %gt3A_1004 = arith.cmpi sgt, %gather3A_1002, %select_n3A_998 : vector<16xi32>
    %select_n3A_1005 = arith.select %gt3A_1004, %gather3A_1002, %select_n3A_998 : vector<16xi1>, vector<16xi32>
    %select_n3A_1006 = arith.select %gt3A_1004, %gather3A_1003, %select_n3A_999 : vector<16xi1>, vector<16xf32>
    %swap3A_1007 = arith.constant 48 : index
    %swap3A_1008 = tpu.vector_load %arg10[%swap3A_1007] {strides = array<i32>} : memref<64xi32, #tpu.memory_space<vmem>>, vector<16xi32>,
    tpu.vector_store %arg10[%swap3A_1007], %select_n3A_1005 {strides = array<i32>} : memref<64xi32, #tpu.memory_space<vmem>>, vector<16xi32>,
    %swap3A_1009 = arith.constant 48 : index
    %swap3A_1010 = tpu.vector_load %arg11[%swap3A_1009] {strides = array<i32>} : memref<64xf32, #tpu.memory_space<vmem>>, vector<16xf32>,
    tpu.vector_store %arg11[%swap3A_1009], %select_n3A_1006 {strides = array<i32>} : memref<64xf32, #tpu.memory_space<vmem>>, vector<16xf32>,
    "tpu.region"() ({
      %run_scoped3A = tpu.sem_alloc : memref<!tpu.dma_semaphore, #tpu.memory_space<semaphore_mem>>
      %dma_start3A = arith.constant 0 : i32
      %dma_start3A_1011 = tpu.memref_slice %arg4[%add3A, %dma_start3A] : memref<16x64xi32, #tpu.memory_space<hbm>> -> memref<1x64xi32, #tpu.memory_space<hbm>>
      %dma_start3A_1012 = tpu.memref_squeeze %dma_start3A_1011 : memref<1x64xi32, #tpu.memory_space<hbm>> -> memref<64xi32, #tpu.memory_space<hbm>>
      %dma_start3A_1013 = arith.constant 0 : i32
      %dma_start3A_1014 = tpu.memref_slice %arg4[%add3A, %dma_start3A_1013] : memref<16x64xi32, #tpu.memory_space<hbm>> -> memref<1x64xi32, #tpu.memory_space<hbm>>
      %dma_start3A_1015 = tpu.memref_squeeze %dma_start3A_1014 : memref<1x64xi32, #tpu.memory_space<hbm>> -> memref<64xi32, #tpu.memory_space<hbm>>
      tpu.enqueue_dma source(%arg10 : memref<64xi32, #tpu.memory_space<vmem>>) target(%dma_start3A_1015 : memref<64xi32, #tpu.memory_space<hbm>>) target_semaphore(%run_scoped3A : memref<!tpu.dma_semaphore, #tpu.memory_space<semaphore_mem>>)
      %dma_wait3A = arith.constant 0 : i32
      %dma_wait3A_1016 = tpu.memref_slice %arg4[%add3A, %dma_wait3A] : memref<16x64xi32, #tpu.memory_space<hbm>> -> memref<1x64xi32, #tpu.memory_space<hbm>>
      %dma_wait3A_1017 = tpu.memref_squeeze %dma_wait3A_1016 : memref<1x64xi32, #tpu.memory_space<hbm>> -> memref<64xi32, #tpu.memory_space<hbm>>
      %dma_wait3A_1018 = arith.constant 0 : i32
      %dma_wait3A_1019 = tpu.memref_slice %arg4[%add3A, %dma_wait3A_1018] : memref<16x64xi32, #tpu.memory_space<hbm>> -> memref<1x64xi32, #tpu.memory_space<hbm>>
      %dma_wait3A_1020 = tpu.memref_squeeze %dma_wait3A_1019 : memref<1x64xi32, #tpu.memory_space<hbm>> -> memref<64xi32, #tpu.memory_space<hbm>>
      tpu.wait_dma2 semaphore(%run_scoped3A : memref<!tpu.dma_semaphore, #tpu.memory_space<semaphore_mem>>) src(%arg10 : memref<64xi32, #tpu.memory_space<vmem>>) dst(%dma_wait3A_1020 : memref<64xi32, #tpu.memory_space<hbm>>)
      tpu.yield
    }) : () -> ()
    "tpu.region"() ({
      %run_scoped3A = tpu.sem_alloc : memref<!tpu.dma_semaphore, #tpu.memory_space<semaphore_mem>>
      %dma_start3A = arith.constant 0 : i32
      %dma_start3A_1011 = tpu.memref_slice %arg5[%add3A, %dma_start3A] : memref<16x64xf32, #tpu.memory_space<hbm>> -> memref<1x64xf32, #tpu.memory_space<hbm>>
      %dma_start3A_1012 = tpu.memref_squeeze %dma_start3A_1011 : memref<1x64xf32, #tpu.memory_space<hbm>> -> memref<64xf32, #tpu.memory_space<hbm>>
      %dma_start3A_1013 = arith.constant 0 : i32
      %dma_start3A_1014 = tpu.memref_slice %arg5[%add3A, %dma_start3A_1013] : memref<16x64xf32, #tpu.memory_space<hbm>> -> memref<1x64xf32, #tpu.memory_space<hbm>>
      %dma_start3A_1015 = tpu.memref_squeeze %dma_start3A_1014 : memref<1x64xf32, #tpu.memory_space<hbm>> -> memref<64xf32, #tpu.memory_space<hbm>>
      tpu.enqueue_dma source(%arg11 : memref<64xf32, #tpu.memory_space<vmem>>) target(%dma_start3A_1015 : memref<64xf32, #tpu.memory_space<hbm>>) target_semaphore(%run_scoped3A : memref<!tpu.dma_semaphore, #tpu.memory_space<semaphore_mem>>)
      %dma_wait3A = arith.constant 0 : i32
      %dma_wait3A_1016 = tpu.memref_slice %arg5[%add3A, %dma_wait3A] : memref<16x64xf32, #tpu.memory_space<hbm>> -> memref<1x64xf32, #tpu.memory_space<hbm>>
      %dma_wait3A_1017 = tpu.memref_squeeze %dma_wait3A_1016 : memref<1x64xf32, #tpu.memory_space<hbm>> -> memref<64xf32, #tpu.memory_space<hbm>>
      %dma_wait3A_1018 = arith.constant 0 : i32
      %dma_wait3A_1019 = tpu.memref_slice %arg5[%add3A, %dma_wait3A_1018] : memref<16x64xf32, #tpu.memory_space<hbm>> -> memref<1x64xf32, #tpu.memory_space<hbm>>
      %dma_wait3A_1020 = tpu.memref_squeeze %dma_wait3A_1019 : memref<1x64xf32, #tpu.memory_space<hbm>> -> memref<64xf32, #tpu.memory_space<hbm>>
      tpu.wait_dma2 semaphore(%run_scoped3A : memref<!tpu.dma_semaphore, #tpu.memory_space<semaphore_mem>>) src(%arg11 : memref<64xf32, #tpu.memory_space<vmem>>) dst(%dma_wait3A_1020 : memref<64xf32, #tpu.memory_space<hbm>>)
      tpu.yield
    }) : () -> ()
    return
  }
}

module attributes {stable_mosaic.version = 14 : i64} {
  func.func @_tc_copy_body(%arg0: i32, %arg1: memref<4x64x64x64xf32, #tpu.memory_space<vmem>>, %arg2: memref<4x64x64x64xf32, #tpu.memory_space<vmem>>, %arg3: memref<1x4x64xf32, #tpu.memory_space<vmem>>) attributes {dimension_semantics = [#tpu.dimension_semantics<arbitrary>], iteration_bounds = array<i64: 16>, scalar_prefetch = 0 : i64, scratch_operands = 0 : i64, tpu.core_type = #tpu.core_type<tc>, window_params = [{transform_indices = @transform_0, window_bounds = array<i64: 4, 64, 64, 64>}, {transform_indices = @transform_1, window_bounds = array<i64: 4, 64, 64, 64>}, {transform_indices = @transform_2, window_bounds = array<i64: 1, 4, 64>}]} {
    %get3A = arith.constant 0 : index
    %get3A_0 = arith.constant 0 : index
    %get3A_1 = arith.constant 0 : index
    %get3A_2 = arith.constant 0 : index
    %get3A_3 = vector.load %arg1[%get3A, %get3A_0, %get3A_1, %get3A_2] : memref<4x64x64x64xf32, #tpu.memory_space<vmem>>, vector<4x64x64x64xf32>
    %swap3A = arith.constant 0 : index
    %swap3A_4 = arith.constant 0 : index
    %swap3A_5 = arith.constant 0 : index
    %swap3A_6 = arith.constant 0 : index
    %swap3A_7 = vector.load %arg2[%swap3A, %swap3A_4, %swap3A_5, %swap3A_6] : memref<4x64x64x64xf32, #tpu.memory_space<vmem>>, vector<4x64x64x64xf32>
    tpu.vector_store %arg2[%swap3A, %swap3A_4, %swap3A_5, %swap3A_6], %get3A_3 {strides = array<i32>} : memref<4x64x64x64xf32, #tpu.memory_space<vmem>>, vector<4x64x64x64xf32>,
    %mul3A = arith.constant 4 : i32
    %mul3A_8 = arith.muli %arg0, %mul3A : i32
    %add3A = arith.constant 0 : i32
    %add3A_9 = arith.addi %mul3A_8, %add3A : i32
    %get3A_10 = arith.constant 0 : index
    %get3A_11 = arith.index_cast %add3A_9 : i32 to index
    %get3A_12 = arith.index_cast %add3A_9 : i32 to index
    %get3A_13 = arith.constant 0 : index
    %get3A_14 = vector.load %arg1[%get3A_10, %get3A_11, %get3A_12, %get3A_13] : memref<4x64x64x64xf32, #tpu.memory_space<vmem>>, vector<1x1x1x64xf32>
    %get3A_15 = vector.shape_cast %get3A_14 : vector<1x1x1x64xf32> to vector<1x64xf32>
    %swap3A_16 = arith.constant 0 : index
    %swap3A_17 = arith.constant 0 : index
    %swap3A_18 = arith.constant 0 : index
    %swap3A_19 = vector.load %arg3[%swap3A_16, %swap3A_17, %swap3A_18] : memref<1x4x64xf32, #tpu.memory_space<vmem>>, vector<1x1x64xf32>
    %swap3A_20 = vector.shape_cast %swap3A_19 : vector<1x1x64xf32> to vector<1x64xf32>
    %swap3A_21 = vector.shape_cast %get3A_15 : vector<1x64xf32> to vector<1x1x64xf32>
    tpu.vector_store %arg3[%swap3A_16, %swap3A_17, %swap3A_18], %swap3A_21 {strides = array<i32>} : memref<1x4x64xf32, #tpu.memory_space<vmem>>, vector<1x1x64xf32>,
    %mul3A_22 = arith.constant 4 : i32
    %mul3A_23 = arith.muli %arg0, %mul3A_22 : i32
    %add3A_24 = arith.constant 1 : i32
    %add3A_25 = arith.addi %mul3A_23, %add3A_24 : i32
    %get3A_26 = arith.constant 1 : index
    %get3A_27 = arith.index_cast %add3A_25 : i32 to index
    %get3A_28 = arith.index_cast %add3A_25 : i32 to index
    %get3A_29 = arith.constant 0 : index
    %get3A_30 = vector.load %arg1[%get3A_26, %get3A_27, %get3A_28, %get3A_29] : memref<4x64x64x64xf32, #tpu.memory_space<vmem>>, vector<1x1x1x64xf32>
    %get3A_31 = vector.shape_cast %get3A_30 : vector<1x1x1x64xf32> to vector<1x64xf32>
    %swap3A_32 = arith.constant 0 : index
    %swap3A_33 = arith.constant 1 : index
    %swap3A_34 = arith.constant 0 : index
    %swap3A_35 = vector.load %arg3[%swap3A_32, %swap3A_33, %swap3A_34] : memref<1x4x64xf32, #tpu.memory_space<vmem>>, vector<1x1x64xf32>
    %swap3A_36 = vector.shape_cast %swap3A_35 : vector<1x1x64xf32> to vector<1x64xf32>
    %swap3A_37 = vector.shape_cast %get3A_31 : vector<1x64xf32> to vector<1x1x64xf32>
    tpu.vector_store %arg3[%swap3A_32, %swap3A_33, %swap3A_34], %swap3A_37 {strides = array<i32>} : memref<1x4x64xf32, #tpu.memory_space<vmem>>, vector<1x1x64xf32>,
    %mul3A_38 = arith.constant 4 : i32
    %mul3A_39 = arith.muli %arg0, %mul3A_38 : i32
    %add3A_40 = arith.constant 2 : i32
    %add3A_41 = arith.addi %mul3A_39, %add3A_40 : i32
    %get3A_42 = arith.constant 2 : index
    %get3A_43 = arith.index_cast %add3A_41 : i32 to index
    %get3A_44 = arith.index_cast %add3A_41 : i32 to index
    %get3A_45 = arith.constant 0 : index
    %get3A_46 = vector.load %arg1[%get3A_42, %get3A_43, %get3A_44, %get3A_45] : memref<4x64x64x64xf32, #tpu.memory_space<vmem>>, vector<1x1x1x64xf32>
    %get3A_47 = vector.shape_cast %get3A_46 : vector<1x1x1x64xf32> to vector<1x64xf32>
    %swap3A_48 = arith.constant 0 : index
    %swap3A_49 = arith.constant 2 : index
    %swap3A_50 = arith.constant 0 : index
    %swap3A_51 = vector.load %arg3[%swap3A_48, %swap3A_49, %swap3A_50] : memref<1x4x64xf32, #tpu.memory_space<vmem>>, vector<1x1x64xf32>
    %swap3A_52 = vector.shape_cast %swap3A_51 : vector<1x1x64xf32> to vector<1x64xf32>
    %swap3A_53 = vector.shape_cast %get3A_47 : vector<1x64xf32> to vector<1x1x64xf32>
    tpu.vector_store %arg3[%swap3A_48, %swap3A_49, %swap3A_50], %swap3A_53 {strides = array<i32>} : memref<1x4x64xf32, #tpu.memory_space<vmem>>, vector<1x1x64xf32>,
    %mul3A_54 = arith.constant 4 : i32
    %mul3A_55 = arith.muli %arg0, %mul3A_54 : i32
    %add3A_56 = arith.constant 3 : i32
    %add3A_57 = arith.addi %mul3A_55, %add3A_56 : i32
    %get3A_58 = arith.constant 3 : index
    %get3A_59 = arith.index_cast %add3A_57 : i32 to index
    %get3A_60 = arith.index_cast %add3A_57 : i32 to index
    %get3A_61 = arith.constant 0 : index
    %get3A_62 = vector.load %arg1[%get3A_58, %get3A_59, %get3A_60, %get3A_61] : memref<4x64x64x64xf32, #tpu.memory_space<vmem>>, vector<1x1x1x64xf32>
    %get3A_63 = vector.shape_cast %get3A_62 : vector<1x1x1x64xf32> to vector<1x64xf32>
    %swap3A_64 = arith.constant 0 : index
    %swap3A_65 = arith.constant 3 : index
    %swap3A_66 = arith.constant 0 : index
    %swap3A_67 = vector.load %arg3[%swap3A_64, %swap3A_65, %swap3A_66] : memref<1x4x64xf32, #tpu.memory_space<vmem>>, vector<1x1x64xf32>
    %swap3A_68 = vector.shape_cast %swap3A_67 : vector<1x1x64xf32> to vector<1x64xf32>
    %swap3A_69 = vector.shape_cast %get3A_63 : vector<1x64xf32> to vector<1x1x64xf32>
    tpu.vector_store %arg3[%swap3A_64, %swap3A_65, %swap3A_66], %swap3A_69 {strides = array<i32>} : memref<1x4x64xf32, #tpu.memory_space<vmem>>, vector<1x1x64xf32>,
    return
  }
  func.func @transform_0(%arg0: i32) -> (i32, i32, i32, i32) {
    %c0_i32 = arith.constant 0 : i32
    %c0_i32_0 = arith.constant 0 : i32
    %c0_i32_1 = arith.constant 0 : i32
    %c0_i32_2 = arith.constant 0 : i32
    return %arg0, %c0_i32, %c0_i32_0, %c0_i32_1 : i32, i32, i32, i32
  }
  func.func @transform_1(%arg0: i32) -> (i32, i32, i32, i32) {
    %c0_i32 = arith.constant 0 : i32
    %c0_i32_0 = arith.constant 0 : i32
    %c0_i32_1 = arith.constant 0 : i32
    %c0_i32_2 = arith.constant 0 : i32
    return %arg0, %c0_i32, %c0_i32_0, %c0_i32_1 : i32, i32, i32, i32
  }
  func.func @transform_2(%arg0: i32) -> (i32, i32, i32) {
    %c0_i32 = arith.constant 0 : i32
    %c0_i32_0 = arith.constant 0 : i32
    %c0_i32_1 = arith.constant 0 : i32
    return %arg0, %c0_i32, %c0_i32_0 : i32, i32, i32
  }
}

module attributes {stable_mosaic.version = 14 : i64} {
  func.func @_tc_patch_body(%arg0: memref<64x64x64x64xf32, #tpu.memory_space<any>>, %arg1: memref<64x64xf32, #tpu.memory_space<vmem>>, %arg2: memref<16x64xi32, #tpu.memory_space<vmem>>, %arg3: memref<16x64xf32, #tpu.memory_space<vmem>>, %arg4: memref<64x64x64x64xf32, #tpu.memory_space<any>>, %arg5: memref<64x64xf32, #tpu.memory_space<vmem>>, %arg6: memref<!tpu.dma_semaphore, #tpu.memory_space<semaphore_mem>>) attributes {dimension_semantics = [], scalar_prefetch = 0 : i64, scratch_operands = 2 : i64, tpu.core_type = #tpu.core_type<tc>} {
    %get3A = arith.constant 0 : index
    %get3A_0 = arith.constant 0 : index
    %get3A_1 = vector.load %arg2[%get3A, %get3A_0] : memref<16x64xi32, #tpu.memory_space<vmem>>, vector<16x64xi32>
    %get3A_2 = arith.constant 0 : index
    %get3A_3 = arith.constant 0 : index
    %get3A_4 = vector.load %arg3[%get3A_2, %get3A_3] : memref<16x64xf32, #tpu.memory_space<vmem>>, vector<16x64xf32>
    %reduce_max3A = arith.constant dense<-2147483648> : vector<64xi32>
    %reduce_max3A_5 = vector.multi_reduction <maxsi>, %get3A_1, %reduce_max3A [0] : vector<16x64xi32> to vector<64xi32>
    %broadcast_in_dim3A = vector.shape_cast %reduce_max3A_5 : vector<64xi32> to vector<1x64xi32>
    %eq3A = vector.broadcast %broadcast_in_dim3A : vector<1x64xi32> to vector<16x64xi32>
    %eq3A_6 = arith.cmpi eq, %get3A_1, %eq3A : vector<16x64xi32>
    %jit3A = arith.constant 0xFF800000 : f32
    %broadcast_in_dim3A_7 = vector.broadcast %jit3A : f32 to vector<16x64xf32>
    %select_n3A = arith.select %eq3A_6, %get3A_4, %broadcast_in_dim3A_7 : vector<16x64xi1>, vector<16x64xf32>
    %reduce_max3A_8 = arith.constant dense<0xFF800000> : vector<64xf32>
    %reduce_max3A_9 = vector.multi_reduction <maximumf>, %select_n3A, %reduce_max3A_8 [0] : vector<16x64xf32> to vector<64xf32>
    %broadcast_in_dim3A_10 = vector.shape_cast %reduce_max3A_9 : vector<64xf32> to vector<1x64xf32>
    %ge3A = arith.constant 0 : i32
    %ge3A_11 = vector.broadcast %ge3A : i32 to vector<1x64xi32>
    %ge3A_12 = arith.cmpi sge, %broadcast_in_dim3A, %ge3A_11 : vector<1x64xi32>
    %get3A_13 = arith.constant 0 : index
    %get3A_14 = arith.constant 0 : index
    %get3A_15 = vector.load %arg1[%get3A_13, %get3A_14] : memref<64x64xf32, #tpu.memory_space<vmem>>, vector<64x64xf32>
    %iota3A = tpu.iota {dimensions = array<i32: 0>} : vector<64x64xi32>
    %iota3A_16 = tpu.iota {dimensions = array<i32: 1>} : vector<64x64xi32>
    %eq3A_17 = arith.cmpi eq, %iota3A, %iota3A_16 : vector<64x64xi32>
    %and3A = vector.broadcast %ge3A_12 : vector<1x64xi1> to vector<64x64xi1>
    %and3A_18 = arith.andi %eq3A_17, %and3A : vector<64x64xi1>
    %broadcast_in_dim3A_19 = vector.shape_cast %broadcast_in_dim3A_10 : vector<1x64xf32> to vector<1x64xf32>
    %broadcast_in_dim3A_20 = vector.broadcast %broadcast_in_dim3A_19 : vector<1x64xf32> to vector<64x64xf32>
    %select_n3A_21 = arith.select %and3A_18, %broadcast_in_dim3A_20, %get3A_15 : vector<64x64xi1>, vector<64x64xf32>
    %swap3A = arith.constant 0 : index
    %swap3A_22 = arith.constant 0 : index
    %swap3A_23 = vector.load %arg5[%swap3A, %swap3A_22] : memref<64x64xf32, #tpu.memory_space<vmem>>, vector<64x64xf32>
    tpu.vector_store %arg5[%swap3A, %swap3A_22], %select_n3A_21 {strides = array<i32>} : memref<64x64xf32, #tpu.memory_space<vmem>>, vector<64x64xf32>,
    %dma_start3A = arith.constant 0 : i32
    %dma_start3A_24 = arith.constant 0 : i32
    %dma_start3A_25 = arith.constant 0 : i32
    %dma_start3A_26 = arith.constant 0 : i32
    %dma_start3A_27 = arith.constant 0 : i32
    %dma_start3A_28 = tpu.memref_slice %arg4[%dma_start3A_24, %dma_start3A_25, %dma_start3A_26, %dma_start3A_27] : memref<64x64x64x64xf32, #tpu.memory_space<any>> -> memref<1x1x1x64xf32, #tpu.memory_space<any>>
    %dma_start3A_29 = tpu.memref_squeeze %dma_start3A_28 : memref<1x1x1x64xf32, #tpu.memory_space<any>> -> memref<64xf32, #tpu.memory_space<any>>
    %dma_start3A_30 = arith.constant 0 : i32
    %dma_start3A_31 = tpu.memref_slice %arg5[%dma_start3A, %dma_start3A_30] : memref<64x64xf32, #tpu.memory_space<vmem>> -> memref<1x64xf32, #tpu.memory_space<vmem>>
    %dma_start3A_32 = tpu.memref_squeeze %dma_start3A_31 : memref<1x64xf32, #tpu.memory_space<vmem>> -> memref<64xf32, #tpu.memory_space<vmem>>
    tpu.enqueue_dma source(%dma_start3A_32 : memref<64xf32, #tpu.memory_space<vmem>>) target(%dma_start3A_29 : memref<64xf32, #tpu.memory_space<any>>) target_semaphore(%arg6 : memref<!tpu.dma_semaphore, #tpu.memory_space<semaphore_mem>>)
    %dma_start3A_33 = arith.constant 1 : i32
    %dma_start3A_34 = arith.constant 1 : i32
    %dma_start3A_35 = arith.constant 1 : i32
    %dma_start3A_36 = arith.constant 1 : i32
    %dma_start3A_37 = arith.constant 0 : i32
    %dma_start3A_38 = tpu.memref_slice %arg4[%dma_start3A_34, %dma_start3A_35, %dma_start3A_36, %dma_start3A_37] : memref<64x64x64x64xf32, #tpu.memory_space<any>> -> memref<1x1x1x64xf32, #tpu.memory_space<any>>
    %dma_start3A_39 = tpu.memref_squeeze %dma_start3A_38 : memref<1x1x1x64xf32, #tpu.memory_space<any>> -> memref<64xf32, #tpu.memory_space<any>>
    %dma_start3A_40 = arith.constant 0 : i32
    %dma_start3A_41 = tpu.memref_slice %arg5[%dma_start3A_33, %dma_start3A_40] : memref<64x64xf32, #tpu.memory_space<vmem>> -> memref<1x64xf32, #tpu.memory_space<vmem>>
    %dma_start3A_42 = tpu.memref_squeeze %dma_start3A_41 : memref<1x64xf32, #tpu.memory_space<vmem>> -> memref<64xf32, #tpu.memory_space<vmem>>
    tpu.enqueue_dma source(%dma_start3A_42 : memref<64xf32, #tpu.memory_space<vmem>>) target(%dma_start3A_39 : memref<64xf32, #tpu.memory_space<any>>) target_semaphore(%arg6 : memref<!tpu.dma_semaphore, #tpu.memory_space<semaphore_mem>>)
    %dma_start3A_43 = arith.constant 2 : i32
    %dma_start3A_44 = arith.constant 2 : i32
    %dma_start3A_45 = arith.constant 2 : i32
    %dma_start3A_46 = arith.constant 2 : i32
    %dma_start3A_47 = arith.constant 0 : i32
    %dma_start3A_48 = tpu.memref_slice %arg4[%dma_start3A_44, %dma_start3A_45, %dma_start3A_46, %dma_start3A_47] : memref<64x64x64x64xf32, #tpu.memory_space<any>> -> memref<1x1x1x64xf32, #tpu.memory_space<any>>
    %dma_start3A_49 = tpu.memref_squeeze %dma_start3A_48 : memref<1x1x1x64xf32, #tpu.memory_space<any>> -> memref<64xf32, #tpu.memory_space<any>>
    %dma_start3A_50 = arith.constant 0 : i32
    %dma_start3A_51 = tpu.memref_slice %arg5[%dma_start3A_43, %dma_start3A_50] : memref<64x64xf32, #tpu.memory_space<vmem>> -> memref<1x64xf32, #tpu.memory_space<vmem>>
    %dma_start3A_52 = tpu.memref_squeeze %dma_start3A_51 : memref<1x64xf32, #tpu.memory_space<vmem>> -> memref<64xf32, #tpu.memory_space<vmem>>
    tpu.enqueue_dma source(%dma_start3A_52 : memref<64xf32, #tpu.memory_space<vmem>>) target(%dma_start3A_49 : memref<64xf32, #tpu.memory_space<any>>) target_semaphore(%arg6 : memref<!tpu.dma_semaphore, #tpu.memory_space<semaphore_mem>>)
    %dma_start3A_53 = arith.constant 3 : i32
    %dma_start3A_54 = arith.constant 3 : i32
    %dma_start3A_55 = arith.constant 3 : i32
    %dma_start3A_56 = arith.constant 3 : i32
    %dma_start3A_57 = arith.constant 0 : i32
    %dma_start3A_58 = tpu.memref_slice %arg4[%dma_start3A_54, %dma_start3A_55, %dma_start3A_56, %dma_start3A_57] : memref<64x64x64x64xf32, #tpu.memory_space<any>> -> memref<1x1x1x64xf32, #tpu.memory_space<any>>
    %dma_start3A_59 = tpu.memref_squeeze %dma_start3A_58 : memref<1x1x1x64xf32, #tpu.memory_space<any>> -> memref<64xf32, #tpu.memory_space<any>>
    %dma_start3A_60 = arith.constant 0 : i32
    %dma_start3A_61 = tpu.memref_slice %arg5[%dma_start3A_53, %dma_start3A_60] : memref<64x64xf32, #tpu.memory_space<vmem>> -> memref<1x64xf32, #tpu.memory_space<vmem>>
    %dma_start3A_62 = tpu.memref_squeeze %dma_start3A_61 : memref<1x64xf32, #tpu.memory_space<vmem>> -> memref<64xf32, #tpu.memory_space<vmem>>
    tpu.enqueue_dma source(%dma_start3A_62 : memref<64xf32, #tpu.memory_space<vmem>>) target(%dma_start3A_59 : memref<64xf32, #tpu.memory_space<any>>) target_semaphore(%arg6 : memref<!tpu.dma_semaphore, #tpu.memory_space<semaphore_mem>>)
    %dma_start3A_63 = arith.constant 4 : i32
    %dma_start3A_64 = arith.constant 4 : i32
    %dma_start3A_65 = arith.constant 4 : i32
    %dma_start3A_66 = arith.constant 4 : i32
    %dma_start3A_67 = arith.constant 0 : i32
    %dma_start3A_68 = tpu.memref_slice %arg4[%dma_start3A_64, %dma_start3A_65, %dma_start3A_66, %dma_start3A_67] : memref<64x64x64x64xf32, #tpu.memory_space<any>> -> memref<1x1x1x64xf32, #tpu.memory_space<any>>
    %dma_start3A_69 = tpu.memref_squeeze %dma_start3A_68 : memref<1x1x1x64xf32, #tpu.memory_space<any>> -> memref<64xf32, #tpu.memory_space<any>>
    %dma_start3A_70 = arith.constant 0 : i32
    %dma_start3A_71 = tpu.memref_slice %arg5[%dma_start3A_63, %dma_start3A_70] : memref<64x64xf32, #tpu.memory_space<vmem>> -> memref<1x64xf32, #tpu.memory_space<vmem>>
    %dma_start3A_72 = tpu.memref_squeeze %dma_start3A_71 : memref<1x64xf32, #tpu.memory_space<vmem>> -> memref<64xf32, #tpu.memory_space<vmem>>
    tpu.enqueue_dma source(%dma_start3A_72 : memref<64xf32, #tpu.memory_space<vmem>>) target(%dma_start3A_69 : memref<64xf32, #tpu.memory_space<any>>) target_semaphore(%arg6 : memref<!tpu.dma_semaphore, #tpu.memory_space<semaphore_mem>>)
    %dma_start3A_73 = arith.constant 5 : i32
    %dma_start3A_74 = arith.constant 5 : i32
    %dma_start3A_75 = arith.constant 5 : i32
    %dma_start3A_76 = arith.constant 5 : i32
    %dma_start3A_77 = arith.constant 0 : i32
    %dma_start3A_78 = tpu.memref_slice %arg4[%dma_start3A_74, %dma_start3A_75, %dma_start3A_76, %dma_start3A_77] : memref<64x64x64x64xf32, #tpu.memory_space<any>> -> memref<1x1x1x64xf32, #tpu.memory_space<any>>
    %dma_start3A_79 = tpu.memref_squeeze %dma_start3A_78 : memref<1x1x1x64xf32, #tpu.memory_space<any>> -> memref<64xf32, #tpu.memory_space<any>>
    %dma_start3A_80 = arith.constant 0 : i32
    %dma_start3A_81 = tpu.memref_slice %arg5[%dma_start3A_73, %dma_start3A_80] : memref<64x64xf32, #tpu.memory_space<vmem>> -> memref<1x64xf32, #tpu.memory_space<vmem>>
    %dma_start3A_82 = tpu.memref_squeeze %dma_start3A_81 : memref<1x64xf32, #tpu.memory_space<vmem>> -> memref<64xf32, #tpu.memory_space<vmem>>
    tpu.enqueue_dma source(%dma_start3A_82 : memref<64xf32, #tpu.memory_space<vmem>>) target(%dma_start3A_79 : memref<64xf32, #tpu.memory_space<any>>) target_semaphore(%arg6 : memref<!tpu.dma_semaphore, #tpu.memory_space<semaphore_mem>>)
    %dma_start3A_83 = arith.constant 6 : i32
    %dma_start3A_84 = arith.constant 6 : i32
    %dma_start3A_85 = arith.constant 6 : i32
    %dma_start3A_86 = arith.constant 6 : i32
    %dma_start3A_87 = arith.constant 0 : i32
    %dma_start3A_88 = tpu.memref_slice %arg4[%dma_start3A_84, %dma_start3A_85, %dma_start3A_86, %dma_start3A_87] : memref<64x64x64x64xf32, #tpu.memory_space<any>> -> memref<1x1x1x64xf32, #tpu.memory_space<any>>
    %dma_start3A_89 = tpu.memref_squeeze %dma_start3A_88 : memref<1x1x1x64xf32, #tpu.memory_space<any>> -> memref<64xf32, #tpu.memory_space<any>>
    %dma_start3A_90 = arith.constant 0 : i32
    %dma_start3A_91 = tpu.memref_slice %arg5[%dma_start3A_83, %dma_start3A_90] : memref<64x64xf32, #tpu.memory_space<vmem>> -> memref<1x64xf32, #tpu.memory_space<vmem>>
    %dma_start3A_92 = tpu.memref_squeeze %dma_start3A_91 : memref<1x64xf32, #tpu.memory_space<vmem>> -> memref<64xf32, #tpu.memory_space<vmem>>
    tpu.enqueue_dma source(%dma_start3A_92 : memref<64xf32, #tpu.memory_space<vmem>>) target(%dma_start3A_89 : memref<64xf32, #tpu.memory_space<any>>) target_semaphore(%arg6 : memref<!tpu.dma_semaphore, #tpu.memory_space<semaphore_mem>>)
    %dma_start3A_93 = arith.constant 7 : i32
    %dma_start3A_94 = arith.constant 7 : i32
    %dma_start3A_95 = arith.constant 7 : i32
    %dma_start3A_96 = arith.constant 7 : i32
    %dma_start3A_97 = arith.constant 0 : i32
    %dma_start3A_98 = tpu.memref_slice %arg4[%dma_start3A_94, %dma_start3A_95, %dma_start3A_96, %dma_start3A_97] : memref<64x64x64x64xf32, #tpu.memory_space<any>> -> memref<1x1x1x64xf32, #tpu.memory_space<any>>
    %dma_start3A_99 = tpu.memref_squeeze %dma_start3A_98 : memref<1x1x1x64xf32, #tpu.memory_space<any>> -> memref<64xf32, #tpu.memory_space<any>>
    %dma_start3A_100 = arith.constant 0 : i32
    %dma_start3A_101 = tpu.memref_slice %arg5[%dma_start3A_93, %dma_start3A_100] : memref<64x64xf32, #tpu.memory_space<vmem>> -> memref<1x64xf32, #tpu.memory_space<vmem>>
    %dma_start3A_102 = tpu.memref_squeeze %dma_start3A_101 : memref<1x64xf32, #tpu.memory_space<vmem>> -> memref<64xf32, #tpu.memory_space<vmem>>
    tpu.enqueue_dma source(%dma_start3A_102 : memref<64xf32, #tpu.memory_space<vmem>>) target(%dma_start3A_99 : memref<64xf32, #tpu.memory_space<any>>) target_semaphore(%arg6 : memref<!tpu.dma_semaphore, #tpu.memory_space<semaphore_mem>>)
    %dma_start3A_103 = arith.constant 8 : i32
    %dma_start3A_104 = arith.constant 8 : i32
    %dma_start3A_105 = arith.constant 8 : i32
    %dma_start3A_106 = arith.constant 8 : i32
    %dma_start3A_107 = arith.constant 0 : i32
    %dma_start3A_108 = tpu.memref_slice %arg4[%dma_start3A_104, %dma_start3A_105, %dma_start3A_106, %dma_start3A_107] : memref<64x64x64x64xf32, #tpu.memory_space<any>> -> memref<1x1x1x64xf32, #tpu.memory_space<any>>
    %dma_start3A_109 = tpu.memref_squeeze %dma_start3A_108 : memref<1x1x1x64xf32, #tpu.memory_space<any>> -> memref<64xf32, #tpu.memory_space<any>>
    %dma_start3A_110 = arith.constant 0 : i32
    %dma_start3A_111 = tpu.memref_slice %arg5[%dma_start3A_103, %dma_start3A_110] : memref<64x64xf32, #tpu.memory_space<vmem>> -> memref<1x64xf32, #tpu.memory_space<vmem>>
    %dma_start3A_112 = tpu.memref_squeeze %dma_start3A_111 : memref<1x64xf32, #tpu.memory_space<vmem>> -> memref<64xf32, #tpu.memory_space<vmem>>
    tpu.enqueue_dma source(%dma_start3A_112 : memref<64xf32, #tpu.memory_space<vmem>>) target(%dma_start3A_109 : memref<64xf32, #tpu.memory_space<any>>) target_semaphore(%arg6 : memref<!tpu.dma_semaphore, #tpu.memory_space<semaphore_mem>>)
    %dma_start3A_113 = arith.constant 9 : i32
    %dma_start3A_114 = arith.constant 9 : i32
    %dma_start3A_115 = arith.constant 9 : i32
    %dma_start3A_116 = arith.constant 9 : i32
    %dma_start3A_117 = arith.constant 0 : i32
    %dma_start3A_118 = tpu.memref_slice %arg4[%dma_start3A_114, %dma_start3A_115, %dma_start3A_116, %dma_start3A_117] : memref<64x64x64x64xf32, #tpu.memory_space<any>> -> memref<1x1x1x64xf32, #tpu.memory_space<any>>
    %dma_start3A_119 = tpu.memref_squeeze %dma_start3A_118 : memref<1x1x1x64xf32, #tpu.memory_space<any>> -> memref<64xf32, #tpu.memory_space<any>>
    %dma_start3A_120 = arith.constant 0 : i32
    %dma_start3A_121 = tpu.memref_slice %arg5[%dma_start3A_113, %dma_start3A_120] : memref<64x64xf32, #tpu.memory_space<vmem>> -> memref<1x64xf32, #tpu.memory_space<vmem>>
    %dma_start3A_122 = tpu.memref_squeeze %dma_start3A_121 : memref<1x64xf32, #tpu.memory_space<vmem>> -> memref<64xf32, #tpu.memory_space<vmem>>
    tpu.enqueue_dma source(%dma_start3A_122 : memref<64xf32, #tpu.memory_space<vmem>>) target(%dma_start3A_119 : memref<64xf32, #tpu.memory_space<any>>) target_semaphore(%arg6 : memref<!tpu.dma_semaphore, #tpu.memory_space<semaphore_mem>>)
    %dma_start3A_123 = arith.constant 10 : i32
    %dma_start3A_124 = arith.constant 10 : i32
    %dma_start3A_125 = arith.constant 10 : i32
    %dma_start3A_126 = arith.constant 10 : i32
    %dma_start3A_127 = arith.constant 0 : i32
    %dma_start3A_128 = tpu.memref_slice %arg4[%dma_start3A_124, %dma_start3A_125, %dma_start3A_126, %dma_start3A_127] : memref<64x64x64x64xf32, #tpu.memory_space<any>> -> memref<1x1x1x64xf32, #tpu.memory_space<any>>
    %dma_start3A_129 = tpu.memref_squeeze %dma_start3A_128 : memref<1x1x1x64xf32, #tpu.memory_space<any>> -> memref<64xf32, #tpu.memory_space<any>>
    %dma_start3A_130 = arith.constant 0 : i32
    %dma_start3A_131 = tpu.memref_slice %arg5[%dma_start3A_123, %dma_start3A_130] : memref<64x64xf32, #tpu.memory_space<vmem>> -> memref<1x64xf32, #tpu.memory_space<vmem>>
    %dma_start3A_132 = tpu.memref_squeeze %dma_start3A_131 : memref<1x64xf32, #tpu.memory_space<vmem>> -> memref<64xf32, #tpu.memory_space<vmem>>
    tpu.enqueue_dma source(%dma_start3A_132 : memref<64xf32, #tpu.memory_space<vmem>>) target(%dma_start3A_129 : memref<64xf32, #tpu.memory_space<any>>) target_semaphore(%arg6 : memref<!tpu.dma_semaphore, #tpu.memory_space<semaphore_mem>>)
    %dma_start3A_133 = arith.constant 11 : i32
    %dma_start3A_134 = arith.constant 11 : i32
    %dma_start3A_135 = arith.constant 11 : i32
    %dma_start3A_136 = arith.constant 11 : i32
    %dma_start3A_137 = arith.constant 0 : i32
    %dma_start3A_138 = tpu.memref_slice %arg4[%dma_start3A_134, %dma_start3A_135, %dma_start3A_136, %dma_start3A_137] : memref<64x64x64x64xf32, #tpu.memory_space<any>> -> memref<1x1x1x64xf32, #tpu.memory_space<any>>
    %dma_start3A_139 = tpu.memref_squeeze %dma_start3A_138 : memref<1x1x1x64xf32, #tpu.memory_space<any>> -> memref<64xf32, #tpu.memory_space<any>>
    %dma_start3A_140 = arith.constant 0 : i32
    %dma_start3A_141 = tpu.memref_slice %arg5[%dma_start3A_133, %dma_start3A_140] : memref<64x64xf32, #tpu.memory_space<vmem>> -> memref<1x64xf32, #tpu.memory_space<vmem>>
    %dma_start3A_142 = tpu.memref_squeeze %dma_start3A_141 : memref<1x64xf32, #tpu.memory_space<vmem>> -> memref<64xf32, #tpu.memory_space<vmem>>
    tpu.enqueue_dma source(%dma_start3A_142 : memref<64xf32, #tpu.memory_space<vmem>>) target(%dma_start3A_139 : memref<64xf32, #tpu.memory_space<any>>) target_semaphore(%arg6 : memref<!tpu.dma_semaphore, #tpu.memory_space<semaphore_mem>>)
    %dma_start3A_143 = arith.constant 12 : i32
    %dma_start3A_144 = arith.constant 12 : i32
    %dma_start3A_145 = arith.constant 12 : i32
    %dma_start3A_146 = arith.constant 12 : i32
    %dma_start3A_147 = arith.constant 0 : i32
    %dma_start3A_148 = tpu.memref_slice %arg4[%dma_start3A_144, %dma_start3A_145, %dma_start3A_146, %dma_start3A_147] : memref<64x64x64x64xf32, #tpu.memory_space<any>> -> memref<1x1x1x64xf32, #tpu.memory_space<any>>
    %dma_start3A_149 = tpu.memref_squeeze %dma_start3A_148 : memref<1x1x1x64xf32, #tpu.memory_space<any>> -> memref<64xf32, #tpu.memory_space<any>>
    %dma_start3A_150 = arith.constant 0 : i32
    %dma_start3A_151 = tpu.memref_slice %arg5[%dma_start3A_143, %dma_start3A_150] : memref<64x64xf32, #tpu.memory_space<vmem>> -> memref<1x64xf32, #tpu.memory_space<vmem>>
    %dma_start3A_152 = tpu.memref_squeeze %dma_start3A_151 : memref<1x64xf32, #tpu.memory_space<vmem>> -> memref<64xf32, #tpu.memory_space<vmem>>
    tpu.enqueue_dma source(%dma_start3A_152 : memref<64xf32, #tpu.memory_space<vmem>>) target(%dma_start3A_149 : memref<64xf32, #tpu.memory_space<any>>) target_semaphore(%arg6 : memref<!tpu.dma_semaphore, #tpu.memory_space<semaphore_mem>>)
    %dma_start3A_153 = arith.constant 13 : i32
    %dma_start3A_154 = arith.constant 13 : i32
    %dma_start3A_155 = arith.constant 13 : i32
    %dma_start3A_156 = arith.constant 13 : i32
    %dma_start3A_157 = arith.constant 0 : i32
    %dma_start3A_158 = tpu.memref_slice %arg4[%dma_start3A_154, %dma_start3A_155, %dma_start3A_156, %dma_start3A_157] : memref<64x64x64x64xf32, #tpu.memory_space<any>> -> memref<1x1x1x64xf32, #tpu.memory_space<any>>
    %dma_start3A_159 = tpu.memref_squeeze %dma_start3A_158 : memref<1x1x1x64xf32, #tpu.memory_space<any>> -> memref<64xf32, #tpu.memory_space<any>>
    %dma_start3A_160 = arith.constant 0 : i32
    %dma_start3A_161 = tpu.memref_slice %arg5[%dma_start3A_153, %dma_start3A_160] : memref<64x64xf32, #tpu.memory_space<vmem>> -> memref<1x64xf32, #tpu.memory_space<vmem>>
    %dma_start3A_162 = tpu.memref_squeeze %dma_start3A_161 : memref<1x64xf32, #tpu.memory_space<vmem>> -> memref<64xf32, #tpu.memory_space<vmem>>
    tpu.enqueue_dma source(%dma_start3A_162 : memref<64xf32, #tpu.memory_space<vmem>>) target(%dma_start3A_159 : memref<64xf32, #tpu.memory_space<any>>) target_semaphore(%arg6 : memref<!tpu.dma_semaphore, #tpu.memory_space<semaphore_mem>>)
    %dma_start3A_163 = arith.constant 14 : i32
    %dma_start3A_164 = arith.constant 14 : i32
    %dma_start3A_165 = arith.constant 14 : i32
    %dma_start3A_166 = arith.constant 14 : i32
    %dma_start3A_167 = arith.constant 0 : i32
    %dma_start3A_168 = tpu.memref_slice %arg4[%dma_start3A_164, %dma_start3A_165, %dma_start3A_166, %dma_start3A_167] : memref<64x64x64x64xf32, #tpu.memory_space<any>> -> memref<1x1x1x64xf32, #tpu.memory_space<any>>
    %dma_start3A_169 = tpu.memref_squeeze %dma_start3A_168 : memref<1x1x1x64xf32, #tpu.memory_space<any>> -> memref<64xf32, #tpu.memory_space<any>>
    %dma_start3A_170 = arith.constant 0 : i32
    %dma_start3A_171 = tpu.memref_slice %arg5[%dma_start3A_163, %dma_start3A_170] : memref<64x64xf32, #tpu.memory_space<vmem>> -> memref<1x64xf32, #tpu.memory_space<vmem>>
    %dma_start3A_172 = tpu.memref_squeeze %dma_start3A_171 : memref<1x64xf32, #tpu.memory_space<vmem>> -> memref<64xf32, #tpu.memory_space<vmem>>
    tpu.enqueue_dma source(%dma_start3A_172 : memref<64xf32, #tpu.memory_space<vmem>>) target(%dma_start3A_169 : memref<64xf32, #tpu.memory_space<any>>) target_semaphore(%arg6 : memref<!tpu.dma_semaphore, #tpu.memory_space<semaphore_mem>>)
    %dma_start3A_173 = arith.constant 15 : i32
    %dma_start3A_174 = arith.constant 15 : i32
    %dma_start3A_175 = arith.constant 15 : i32
    %dma_start3A_176 = arith.constant 15 : i32
    %dma_start3A_177 = arith.constant 0 : i32
    %dma_start3A_178 = tpu.memref_slice %arg4[%dma_start3A_174, %dma_start3A_175, %dma_start3A_176, %dma_start3A_177] : memref<64x64x64x64xf32, #tpu.memory_space<any>> -> memref<1x1x1x64xf32, #tpu.memory_space<any>>
    %dma_start3A_179 = tpu.memref_squeeze %dma_start3A_178 : memref<1x1x1x64xf32, #tpu.memory_space<any>> -> memref<64xf32, #tpu.memory_space<any>>
    %dma_start3A_180 = arith.constant 0 : i32
    %dma_start3A_181 = tpu.memref_slice %arg5[%dma_start3A_173, %dma_start3A_180] : memref<64x64xf32, #tpu.memory_space<vmem>> -> memref<1x64xf32, #tpu.memory_space<vmem>>
    %dma_start3A_182 = tpu.memref_squeeze %dma_start3A_181 : memref<1x64xf32, #tpu.memory_space<vmem>> -> memref<64xf32, #tpu.memory_space<vmem>>
    tpu.enqueue_dma source(%dma_start3A_182 : memref<64xf32, #tpu.memory_space<vmem>>) target(%dma_start3A_179 : memref<64xf32, #tpu.memory_space<any>>) target_semaphore(%arg6 : memref<!tpu.dma_semaphore, #tpu.memory_space<semaphore_mem>>)
    %dma_start3A_183 = arith.constant 16 : i32
    %dma_start3A_184 = arith.constant 16 : i32
    %dma_start3A_185 = arith.constant 16 : i32
    %dma_start3A_186 = arith.constant 16 : i32
    %dma_start3A_187 = arith.constant 0 : i32
    %dma_start3A_188 = tpu.memref_slice %arg4[%dma_start3A_184, %dma_start3A_185, %dma_start3A_186, %dma_start3A_187] : memref<64x64x64x64xf32, #tpu.memory_space<any>> -> memref<1x1x1x64xf32, #tpu.memory_space<any>>
    %dma_start3A_189 = tpu.memref_squeeze %dma_start3A_188 : memref<1x1x1x64xf32, #tpu.memory_space<any>> -> memref<64xf32, #tpu.memory_space<any>>
    %dma_start3A_190 = arith.constant 0 : i32
    %dma_start3A_191 = tpu.memref_slice %arg5[%dma_start3A_183, %dma_start3A_190] : memref<64x64xf32, #tpu.memory_space<vmem>> -> memref<1x64xf32, #tpu.memory_space<vmem>>
    %dma_start3A_192 = tpu.memref_squeeze %dma_start3A_191 : memref<1x64xf32, #tpu.memory_space<vmem>> -> memref<64xf32, #tpu.memory_space<vmem>>
    tpu.enqueue_dma source(%dma_start3A_192 : memref<64xf32, #tpu.memory_space<vmem>>) target(%dma_start3A_189 : memref<64xf32, #tpu.memory_space<any>>) target_semaphore(%arg6 : memref<!tpu.dma_semaphore, #tpu.memory_space<semaphore_mem>>)
    %dma_start3A_193 = arith.constant 17 : i32
    %dma_start3A_194 = arith.constant 17 : i32
    %dma_start3A_195 = arith.constant 17 : i32
    %dma_start3A_196 = arith.constant 17 : i32
    %dma_start3A_197 = arith.constant 0 : i32
    %dma_start3A_198 = tpu.memref_slice %arg4[%dma_start3A_194, %dma_start3A_195, %dma_start3A_196, %dma_start3A_197] : memref<64x64x64x64xf32, #tpu.memory_space<any>> -> memref<1x1x1x64xf32, #tpu.memory_space<any>>
    %dma_start3A_199 = tpu.memref_squeeze %dma_start3A_198 : memref<1x1x1x64xf32, #tpu.memory_space<any>> -> memref<64xf32, #tpu.memory_space<any>>
    %dma_start3A_200 = arith.constant 0 : i32
    %dma_start3A_201 = tpu.memref_slice %arg5[%dma_start3A_193, %dma_start3A_200] : memref<64x64xf32, #tpu.memory_space<vmem>> -> memref<1x64xf32, #tpu.memory_space<vmem>>
    %dma_start3A_202 = tpu.memref_squeeze %dma_start3A_201 : memref<1x64xf32, #tpu.memory_space<vmem>> -> memref<64xf32, #tpu.memory_space<vmem>>
    tpu.enqueue_dma source(%dma_start3A_202 : memref<64xf32, #tpu.memory_space<vmem>>) target(%dma_start3A_199 : memref<64xf32, #tpu.memory_space<any>>) target_semaphore(%arg6 : memref<!tpu.dma_semaphore, #tpu.memory_space<semaphore_mem>>)
    %dma_start3A_203 = arith.constant 18 : i32
    %dma_start3A_204 = arith.constant 18 : i32
    %dma_start3A_205 = arith.constant 18 : i32
    %dma_start3A_206 = arith.constant 18 : i32
    %dma_start3A_207 = arith.constant 0 : i32
    %dma_start3A_208 = tpu.memref_slice %arg4[%dma_start3A_204, %dma_start3A_205, %dma_start3A_206, %dma_start3A_207] : memref<64x64x64x64xf32, #tpu.memory_space<any>> -> memref<1x1x1x64xf32, #tpu.memory_space<any>>
    %dma_start3A_209 = tpu.memref_squeeze %dma_start3A_208 : memref<1x1x1x64xf32, #tpu.memory_space<any>> -> memref<64xf32, #tpu.memory_space<any>>
    %dma_start3A_210 = arith.constant 0 : i32
    %dma_start3A_211 = tpu.memref_slice %arg5[%dma_start3A_203, %dma_start3A_210] : memref<64x64xf32, #tpu.memory_space<vmem>> -> memref<1x64xf32, #tpu.memory_space<vmem>>
    %dma_start3A_212 = tpu.memref_squeeze %dma_start3A_211 : memref<1x64xf32, #tpu.memory_space<vmem>> -> memref<64xf32, #tpu.memory_space<vmem>>
    tpu.enqueue_dma source(%dma_start3A_212 : memref<64xf32, #tpu.memory_space<vmem>>) target(%dma_start3A_209 : memref<64xf32, #tpu.memory_space<any>>) target_semaphore(%arg6 : memref<!tpu.dma_semaphore, #tpu.memory_space<semaphore_mem>>)
    %dma_start3A_213 = arith.constant 19 : i32
    %dma_start3A_214 = arith.constant 19 : i32
    %dma_start3A_215 = arith.constant 19 : i32
    %dma_start3A_216 = arith.constant 19 : i32
    %dma_start3A_217 = arith.constant 0 : i32
    %dma_start3A_218 = tpu.memref_slice %arg4[%dma_start3A_214, %dma_start3A_215, %dma_start3A_216, %dma_start3A_217] : memref<64x64x64x64xf32, #tpu.memory_space<any>> -> memref<1x1x1x64xf32, #tpu.memory_space<any>>
    %dma_start3A_219 = tpu.memref_squeeze %dma_start3A_218 : memref<1x1x1x64xf32, #tpu.memory_space<any>> -> memref<64xf32, #tpu.memory_space<any>>
    %dma_start3A_220 = arith.constant 0 : i32
    %dma_start3A_221 = tpu.memref_slice %arg5[%dma_start3A_213, %dma_start3A_220] : memref<64x64xf32, #tpu.memory_space<vmem>> -> memref<1x64xf32, #tpu.memory_space<vmem>>
    %dma_start3A_222 = tpu.memref_squeeze %dma_start3A_221 : memref<1x64xf32, #tpu.memory_space<vmem>> -> memref<64xf32, #tpu.memory_space<vmem>>
    tpu.enqueue_dma source(%dma_start3A_222 : memref<64xf32, #tpu.memory_space<vmem>>) target(%dma_start3A_219 : memref<64xf32, #tpu.memory_space<any>>) target_semaphore(%arg6 : memref<!tpu.dma_semaphore, #tpu.memory_space<semaphore_mem>>)
    %dma_start3A_223 = arith.constant 20 : i32
    %dma_start3A_224 = arith.constant 20 : i32
    %dma_start3A_225 = arith.constant 20 : i32
    %dma_start3A_226 = arith.constant 20 : i32
    %dma_start3A_227 = arith.constant 0 : i32
    %dma_start3A_228 = tpu.memref_slice %arg4[%dma_start3A_224, %dma_start3A_225, %dma_start3A_226, %dma_start3A_227] : memref<64x64x64x64xf32, #tpu.memory_space<any>> -> memref<1x1x1x64xf32, #tpu.memory_space<any>>
    %dma_start3A_229 = tpu.memref_squeeze %dma_start3A_228 : memref<1x1x1x64xf32, #tpu.memory_space<any>> -> memref<64xf32, #tpu.memory_space<any>>
    %dma_start3A_230 = arith.constant 0 : i32
    %dma_start3A_231 = tpu.memref_slice %arg5[%dma_start3A_223, %dma_start3A_230] : memref<64x64xf32, #tpu.memory_space<vmem>> -> memref<1x64xf32, #tpu.memory_space<vmem>>
    %dma_start3A_232 = tpu.memref_squeeze %dma_start3A_231 : memref<1x64xf32, #tpu.memory_space<vmem>> -> memref<64xf32, #tpu.memory_space<vmem>>
    tpu.enqueue_dma source(%dma_start3A_232 : memref<64xf32, #tpu.memory_space<vmem>>) target(%dma_start3A_229 : memref<64xf32, #tpu.memory_space<any>>) target_semaphore(%arg6 : memref<!tpu.dma_semaphore, #tpu.memory_space<semaphore_mem>>)
    %dma_start3A_233 = arith.constant 21 : i32
    %dma_start3A_234 = arith.constant 21 : i32
    %dma_start3A_235 = arith.constant 21 : i32
    %dma_start3A_236 = arith.constant 21 : i32
    %dma_start3A_237 = arith.constant 0 : i32
    %dma_start3A_238 = tpu.memref_slice %arg4[%dma_start3A_234, %dma_start3A_235, %dma_start3A_236, %dma_start3A_237] : memref<64x64x64x64xf32, #tpu.memory_space<any>> -> memref<1x1x1x64xf32, #tpu.memory_space<any>>
    %dma_start3A_239 = tpu.memref_squeeze %dma_start3A_238 : memref<1x1x1x64xf32, #tpu.memory_space<any>> -> memref<64xf32, #tpu.memory_space<any>>
    %dma_start3A_240 = arith.constant 0 : i32
    %dma_start3A_241 = tpu.memref_slice %arg5[%dma_start3A_233, %dma_start3A_240] : memref<64x64xf32, #tpu.memory_space<vmem>> -> memref<1x64xf32, #tpu.memory_space<vmem>>
    %dma_start3A_242 = tpu.memref_squeeze %dma_start3A_241 : memref<1x64xf32, #tpu.memory_space<vmem>> -> memref<64xf32, #tpu.memory_space<vmem>>
    tpu.enqueue_dma source(%dma_start3A_242 : memref<64xf32, #tpu.memory_space<vmem>>) target(%dma_start3A_239 : memref<64xf32, #tpu.memory_space<any>>) target_semaphore(%arg6 : memref<!tpu.dma_semaphore, #tpu.memory_space<semaphore_mem>>)
    %dma_start3A_243 = arith.constant 22 : i32
    %dma_start3A_244 = arith.constant 22 : i32
    %dma_start3A_245 = arith.constant 22 : i32
    %dma_start3A_246 = arith.constant 22 : i32
    %dma_start3A_247 = arith.constant 0 : i32
    %dma_start3A_248 = tpu.memref_slice %arg4[%dma_start3A_244, %dma_start3A_245, %dma_start3A_246, %dma_start3A_247] : memref<64x64x64x64xf32, #tpu.memory_space<any>> -> memref<1x1x1x64xf32, #tpu.memory_space<any>>
    %dma_start3A_249 = tpu.memref_squeeze %dma_start3A_248 : memref<1x1x1x64xf32, #tpu.memory_space<any>> -> memref<64xf32, #tpu.memory_space<any>>
    %dma_start3A_250 = arith.constant 0 : i32
    %dma_start3A_251 = tpu.memref_slice %arg5[%dma_start3A_243, %dma_start3A_250] : memref<64x64xf32, #tpu.memory_space<vmem>> -> memref<1x64xf32, #tpu.memory_space<vmem>>
    %dma_start3A_252 = tpu.memref_squeeze %dma_start3A_251 : memref<1x64xf32, #tpu.memory_space<vmem>> -> memref<64xf32, #tpu.memory_space<vmem>>
    tpu.enqueue_dma source(%dma_start3A_252 : memref<64xf32, #tpu.memory_space<vmem>>) target(%dma_start3A_249 : memref<64xf32, #tpu.memory_space<any>>) target_semaphore(%arg6 : memref<!tpu.dma_semaphore, #tpu.memory_space<semaphore_mem>>)
    %dma_start3A_253 = arith.constant 23 : i32
    %dma_start3A_254 = arith.constant 23 : i32
    %dma_start3A_255 = arith.constant 23 : i32
    %dma_start3A_256 = arith.constant 23 : i32
    %dma_start3A_257 = arith.constant 0 : i32
    %dma_start3A_258 = tpu.memref_slice %arg4[%dma_start3A_254, %dma_start3A_255, %dma_start3A_256, %dma_start3A_257] : memref<64x64x64x64xf32, #tpu.memory_space<any>> -> memref<1x1x1x64xf32, #tpu.memory_space<any>>
    %dma_start3A_259 = tpu.memref_squeeze %dma_start3A_258 : memref<1x1x1x64xf32, #tpu.memory_space<any>> -> memref<64xf32, #tpu.memory_space<any>>
    %dma_start3A_260 = arith.constant 0 : i32
    %dma_start3A_261 = tpu.memref_slice %arg5[%dma_start3A_253, %dma_start3A_260] : memref<64x64xf32, #tpu.memory_space<vmem>> -> memref<1x64xf32, #tpu.memory_space<vmem>>
    %dma_start3A_262 = tpu.memref_squeeze %dma_start3A_261 : memref<1x64xf32, #tpu.memory_space<vmem>> -> memref<64xf32, #tpu.memory_space<vmem>>
    tpu.enqueue_dma source(%dma_start3A_262 : memref<64xf32, #tpu.memory_space<vmem>>) target(%dma_start3A_259 : memref<64xf32, #tpu.memory_space<any>>) target_semaphore(%arg6 : memref<!tpu.dma_semaphore, #tpu.memory_space<semaphore_mem>>)
    %dma_start3A_263 = arith.constant 24 : i32
    %dma_start3A_264 = arith.constant 24 : i32
    %dma_start3A_265 = arith.constant 24 : i32
    %dma_start3A_266 = arith.constant 24 : i32
    %dma_start3A_267 = arith.constant 0 : i32
    %dma_start3A_268 = tpu.memref_slice %arg4[%dma_start3A_264, %dma_start3A_265, %dma_start3A_266, %dma_start3A_267] : memref<64x64x64x64xf32, #tpu.memory_space<any>> -> memref<1x1x1x64xf32, #tpu.memory_space<any>>
    %dma_start3A_269 = tpu.memref_squeeze %dma_start3A_268 : memref<1x1x1x64xf32, #tpu.memory_space<any>> -> memref<64xf32, #tpu.memory_space<any>>
    %dma_start3A_270 = arith.constant 0 : i32
    %dma_start3A_271 = tpu.memref_slice %arg5[%dma_start3A_263, %dma_start3A_270] : memref<64x64xf32, #tpu.memory_space<vmem>> -> memref<1x64xf32, #tpu.memory_space<vmem>>
    %dma_start3A_272 = tpu.memref_squeeze %dma_start3A_271 : memref<1x64xf32, #tpu.memory_space<vmem>> -> memref<64xf32, #tpu.memory_space<vmem>>
    tpu.enqueue_dma source(%dma_start3A_272 : memref<64xf32, #tpu.memory_space<vmem>>) target(%dma_start3A_269 : memref<64xf32, #tpu.memory_space<any>>) target_semaphore(%arg6 : memref<!tpu.dma_semaphore, #tpu.memory_space<semaphore_mem>>)
    %dma_start3A_273 = arith.constant 25 : i32
    %dma_start3A_274 = arith.constant 25 : i32
    %dma_start3A_275 = arith.constant 25 : i32
    %dma_start3A_276 = arith.constant 25 : i32
    %dma_start3A_277 = arith.constant 0 : i32
    %dma_start3A_278 = tpu.memref_slice %arg4[%dma_start3A_274, %dma_start3A_275, %dma_start3A_276, %dma_start3A_277] : memref<64x64x64x64xf32, #tpu.memory_space<any>> -> memref<1x1x1x64xf32, #tpu.memory_space<any>>
    %dma_start3A_279 = tpu.memref_squeeze %dma_start3A_278 : memref<1x1x1x64xf32, #tpu.memory_space<any>> -> memref<64xf32, #tpu.memory_space<any>>
    %dma_start3A_280 = arith.constant 0 : i32
    %dma_start3A_281 = tpu.memref_slice %arg5[%dma_start3A_273, %dma_start3A_280] : memref<64x64xf32, #tpu.memory_space<vmem>> -> memref<1x64xf32, #tpu.memory_space<vmem>>
    %dma_start3A_282 = tpu.memref_squeeze %dma_start3A_281 : memref<1x64xf32, #tpu.memory_space<vmem>> -> memref<64xf32, #tpu.memory_space<vmem>>
    tpu.enqueue_dma source(%dma_start3A_282 : memref<64xf32, #tpu.memory_space<vmem>>) target(%dma_start3A_279 : memref<64xf32, #tpu.memory_space<any>>) target_semaphore(%arg6 : memref<!tpu.dma_semaphore, #tpu.memory_space<semaphore_mem>>)
    %dma_start3A_283 = arith.constant 26 : i32
    %dma_start3A_284 = arith.constant 26 : i32
    %dma_start3A_285 = arith.constant 26 : i32
    %dma_start3A_286 = arith.constant 26 : i32
    %dma_start3A_287 = arith.constant 0 : i32
    %dma_start3A_288 = tpu.memref_slice %arg4[%dma_start3A_284, %dma_start3A_285, %dma_start3A_286, %dma_start3A_287] : memref<64x64x64x64xf32, #tpu.memory_space<any>> -> memref<1x1x1x64xf32, #tpu.memory_space<any>>
    %dma_start3A_289 = tpu.memref_squeeze %dma_start3A_288 : memref<1x1x1x64xf32, #tpu.memory_space<any>> -> memref<64xf32, #tpu.memory_space<any>>
    %dma_start3A_290 = arith.constant 0 : i32
    %dma_start3A_291 = tpu.memref_slice %arg5[%dma_start3A_283, %dma_start3A_290] : memref<64x64xf32, #tpu.memory_space<vmem>> -> memref<1x64xf32, #tpu.memory_space<vmem>>
    %dma_start3A_292 = tpu.memref_squeeze %dma_start3A_291 : memref<1x64xf32, #tpu.memory_space<vmem>> -> memref<64xf32, #tpu.memory_space<vmem>>
    tpu.enqueue_dma source(%dma_start3A_292 : memref<64xf32, #tpu.memory_space<vmem>>) target(%dma_start3A_289 : memref<64xf32, #tpu.memory_space<any>>) target_semaphore(%arg6 : memref<!tpu.dma_semaphore, #tpu.memory_space<semaphore_mem>>)
    %dma_start3A_293 = arith.constant 27 : i32
    %dma_start3A_294 = arith.constant 27 : i32
    %dma_start3A_295 = arith.constant 27 : i32
    %dma_start3A_296 = arith.constant 27 : i32
    %dma_start3A_297 = arith.constant 0 : i32
    %dma_start3A_298 = tpu.memref_slice %arg4[%dma_start3A_294, %dma_start3A_295, %dma_start3A_296, %dma_start3A_297] : memref<64x64x64x64xf32, #tpu.memory_space<any>> -> memref<1x1x1x64xf32, #tpu.memory_space<any>>
    %dma_start3A_299 = tpu.memref_squeeze %dma_start3A_298 : memref<1x1x1x64xf32, #tpu.memory_space<any>> -> memref<64xf32, #tpu.memory_space<any>>
    %dma_start3A_300 = arith.constant 0 : i32
    %dma_start3A_301 = tpu.memref_slice %arg5[%dma_start3A_293, %dma_start3A_300] : memref<64x64xf32, #tpu.memory_space<vmem>> -> memref<1x64xf32, #tpu.memory_space<vmem>>
    %dma_start3A_302 = tpu.memref_squeeze %dma_start3A_301 : memref<1x64xf32, #tpu.memory_space<vmem>> -> memref<64xf32, #tpu.memory_space<vmem>>
    tpu.enqueue_dma source(%dma_start3A_302 : memref<64xf32, #tpu.memory_space<vmem>>) target(%dma_start3A_299 : memref<64xf32, #tpu.memory_space<any>>) target_semaphore(%arg6 : memref<!tpu.dma_semaphore, #tpu.memory_space<semaphore_mem>>)
    %dma_start3A_303 = arith.constant 28 : i32
    %dma_start3A_304 = arith.constant 28 : i32
    %dma_start3A_305 = arith.constant 28 : i32
    %dma_start3A_306 = arith.constant 28 : i32
    %dma_start3A_307 = arith.constant 0 : i32
    %dma_start3A_308 = tpu.memref_slice %arg4[%dma_start3A_304, %dma_start3A_305, %dma_start3A_306, %dma_start3A_307] : memref<64x64x64x64xf32, #tpu.memory_space<any>> -> memref<1x1x1x64xf32, #tpu.memory_space<any>>
    %dma_start3A_309 = tpu.memref_squeeze %dma_start3A_308 : memref<1x1x1x64xf32, #tpu.memory_space<any>> -> memref<64xf32, #tpu.memory_space<any>>
    %dma_start3A_310 = arith.constant 0 : i32
    %dma_start3A_311 = tpu.memref_slice %arg5[%dma_start3A_303, %dma_start3A_310] : memref<64x64xf32, #tpu.memory_space<vmem>> -> memref<1x64xf32, #tpu.memory_space<vmem>>
    %dma_start3A_312 = tpu.memref_squeeze %dma_start3A_311 : memref<1x64xf32, #tpu.memory_space<vmem>> -> memref<64xf32, #tpu.memory_space<vmem>>
    tpu.enqueue_dma source(%dma_start3A_312 : memref<64xf32, #tpu.memory_space<vmem>>) target(%dma_start3A_309 : memref<64xf32, #tpu.memory_space<any>>) target_semaphore(%arg6 : memref<!tpu.dma_semaphore, #tpu.memory_space<semaphore_mem>>)
    %dma_start3A_313 = arith.constant 29 : i32
    %dma_start3A_314 = arith.constant 29 : i32
    %dma_start3A_315 = arith.constant 29 : i32
    %dma_start3A_316 = arith.constant 29 : i32
    %dma_start3A_317 = arith.constant 0 : i32
    %dma_start3A_318 = tpu.memref_slice %arg4[%dma_start3A_314, %dma_start3A_315, %dma_start3A_316, %dma_start3A_317] : memref<64x64x64x64xf32, #tpu.memory_space<any>> -> memref<1x1x1x64xf32, #tpu.memory_space<any>>
    %dma_start3A_319 = tpu.memref_squeeze %dma_start3A_318 : memref<1x1x1x64xf32, #tpu.memory_space<any>> -> memref<64xf32, #tpu.memory_space<any>>
    %dma_start3A_320 = arith.constant 0 : i32
    %dma_start3A_321 = tpu.memref_slice %arg5[%dma_start3A_313, %dma_start3A_320] : memref<64x64xf32, #tpu.memory_space<vmem>> -> memref<1x64xf32, #tpu.memory_space<vmem>>
    %dma_start3A_322 = tpu.memref_squeeze %dma_start3A_321 : memref<1x64xf32, #tpu.memory_space<vmem>> -> memref<64xf32, #tpu.memory_space<vmem>>
    tpu.enqueue_dma source(%dma_start3A_322 : memref<64xf32, #tpu.memory_space<vmem>>) target(%dma_start3A_319 : memref<64xf32, #tpu.memory_space<any>>) target_semaphore(%arg6 : memref<!tpu.dma_semaphore, #tpu.memory_space<semaphore_mem>>)
    %dma_start3A_323 = arith.constant 30 : i32
    %dma_start3A_324 = arith.constant 30 : i32
    %dma_start3A_325 = arith.constant 30 : i32
    %dma_start3A_326 = arith.constant 30 : i32
    %dma_start3A_327 = arith.constant 0 : i32
    %dma_start3A_328 = tpu.memref_slice %arg4[%dma_start3A_324, %dma_start3A_325, %dma_start3A_326, %dma_start3A_327] : memref<64x64x64x64xf32, #tpu.memory_space<any>> -> memref<1x1x1x64xf32, #tpu.memory_space<any>>
    %dma_start3A_329 = tpu.memref_squeeze %dma_start3A_328 : memref<1x1x1x64xf32, #tpu.memory_space<any>> -> memref<64xf32, #tpu.memory_space<any>>
    %dma_start3A_330 = arith.constant 0 : i32
    %dma_start3A_331 = tpu.memref_slice %arg5[%dma_start3A_323, %dma_start3A_330] : memref<64x64xf32, #tpu.memory_space<vmem>> -> memref<1x64xf32, #tpu.memory_space<vmem>>
    %dma_start3A_332 = tpu.memref_squeeze %dma_start3A_331 : memref<1x64xf32, #tpu.memory_space<vmem>> -> memref<64xf32, #tpu.memory_space<vmem>>
    tpu.enqueue_dma source(%dma_start3A_332 : memref<64xf32, #tpu.memory_space<vmem>>) target(%dma_start3A_329 : memref<64xf32, #tpu.memory_space<any>>) target_semaphore(%arg6 : memref<!tpu.dma_semaphore, #tpu.memory_space<semaphore_mem>>)
    %dma_start3A_333 = arith.constant 31 : i32
    %dma_start3A_334 = arith.constant 31 : i32
    %dma_start3A_335 = arith.constant 31 : i32
    %dma_start3A_336 = arith.constant 31 : i32
    %dma_start3A_337 = arith.constant 0 : i32
    %dma_start3A_338 = tpu.memref_slice %arg4[%dma_start3A_334, %dma_start3A_335, %dma_start3A_336, %dma_start3A_337] : memref<64x64x64x64xf32, #tpu.memory_space<any>> -> memref<1x1x1x64xf32, #tpu.memory_space<any>>
    %dma_start3A_339 = tpu.memref_squeeze %dma_start3A_338 : memref<1x1x1x64xf32, #tpu.memory_space<any>> -> memref<64xf32, #tpu.memory_space<any>>
    %dma_start3A_340 = arith.constant 0 : i32
    %dma_start3A_341 = tpu.memref_slice %arg5[%dma_start3A_333, %dma_start3A_340] : memref<64x64xf32, #tpu.memory_space<vmem>> -> memref<1x64xf32, #tpu.memory_space<vmem>>
    %dma_start3A_342 = tpu.memref_squeeze %dma_start3A_341 : memref<1x64xf32, #tpu.memory_space<vmem>> -> memref<64xf32, #tpu.memory_space<vmem>>
    tpu.enqueue_dma source(%dma_start3A_342 : memref<64xf32, #tpu.memory_space<vmem>>) target(%dma_start3A_339 : memref<64xf32, #tpu.memory_space<any>>) target_semaphore(%arg6 : memref<!tpu.dma_semaphore, #tpu.memory_space<semaphore_mem>>)
    %dma_start3A_343 = arith.constant 32 : i32
    %dma_start3A_344 = arith.constant 32 : i32
    %dma_start3A_345 = arith.constant 32 : i32
    %dma_start3A_346 = arith.constant 32 : i32
    %dma_start3A_347 = arith.constant 0 : i32
    %dma_start3A_348 = tpu.memref_slice %arg4[%dma_start3A_344, %dma_start3A_345, %dma_start3A_346, %dma_start3A_347] : memref<64x64x64x64xf32, #tpu.memory_space<any>> -> memref<1x1x1x64xf32, #tpu.memory_space<any>>
    %dma_start3A_349 = tpu.memref_squeeze %dma_start3A_348 : memref<1x1x1x64xf32, #tpu.memory_space<any>> -> memref<64xf32, #tpu.memory_space<any>>
    %dma_start3A_350 = arith.constant 0 : i32
    %dma_start3A_351 = tpu.memref_slice %arg5[%dma_start3A_343, %dma_start3A_350] : memref<64x64xf32, #tpu.memory_space<vmem>> -> memref<1x64xf32, #tpu.memory_space<vmem>>
    %dma_start3A_352 = tpu.memref_squeeze %dma_start3A_351 : memref<1x64xf32, #tpu.memory_space<vmem>> -> memref<64xf32, #tpu.memory_space<vmem>>
    tpu.enqueue_dma source(%dma_start3A_352 : memref<64xf32, #tpu.memory_space<vmem>>) target(%dma_start3A_349 : memref<64xf32, #tpu.memory_space<any>>) target_semaphore(%arg6 : memref<!tpu.dma_semaphore, #tpu.memory_space<semaphore_mem>>)
    %dma_start3A_353 = arith.constant 33 : i32
    %dma_start3A_354 = arith.constant 33 : i32
    %dma_start3A_355 = arith.constant 33 : i32
    %dma_start3A_356 = arith.constant 33 : i32
    %dma_start3A_357 = arith.constant 0 : i32
    %dma_start3A_358 = tpu.memref_slice %arg4[%dma_start3A_354, %dma_start3A_355, %dma_start3A_356, %dma_start3A_357] : memref<64x64x64x64xf32, #tpu.memory_space<any>> -> memref<1x1x1x64xf32, #tpu.memory_space<any>>
    %dma_start3A_359 = tpu.memref_squeeze %dma_start3A_358 : memref<1x1x1x64xf32, #tpu.memory_space<any>> -> memref<64xf32, #tpu.memory_space<any>>
    %dma_start3A_360 = arith.constant 0 : i32
    %dma_start3A_361 = tpu.memref_slice %arg5[%dma_start3A_353, %dma_start3A_360] : memref<64x64xf32, #tpu.memory_space<vmem>> -> memref<1x64xf32, #tpu.memory_space<vmem>>
    %dma_start3A_362 = tpu.memref_squeeze %dma_start3A_361 : memref<1x64xf32, #tpu.memory_space<vmem>> -> memref<64xf32, #tpu.memory_space<vmem>>
    tpu.enqueue_dma source(%dma_start3A_362 : memref<64xf32, #tpu.memory_space<vmem>>) target(%dma_start3A_359 : memref<64xf32, #tpu.memory_space<any>>) target_semaphore(%arg6 : memref<!tpu.dma_semaphore, #tpu.memory_space<semaphore_mem>>)
    %dma_start3A_363 = arith.constant 34 : i32
    %dma_start3A_364 = arith.constant 34 : i32
    %dma_start3A_365 = arith.constant 34 : i32
    %dma_start3A_366 = arith.constant 34 : i32
    %dma_start3A_367 = arith.constant 0 : i32
    %dma_start3A_368 = tpu.memref_slice %arg4[%dma_start3A_364, %dma_start3A_365, %dma_start3A_366, %dma_start3A_367] : memref<64x64x64x64xf32, #tpu.memory_space<any>> -> memref<1x1x1x64xf32, #tpu.memory_space<any>>
    %dma_start3A_369 = tpu.memref_squeeze %dma_start3A_368 : memref<1x1x1x64xf32, #tpu.memory_space<any>> -> memref<64xf32, #tpu.memory_space<any>>
    %dma_start3A_370 = arith.constant 0 : i32
    %dma_start3A_371 = tpu.memref_slice %arg5[%dma_start3A_363, %dma_start3A_370] : memref<64x64xf32, #tpu.memory_space<vmem>> -> memref<1x64xf32, #tpu.memory_space<vmem>>
    %dma_start3A_372 = tpu.memref_squeeze %dma_start3A_371 : memref<1x64xf32, #tpu.memory_space<vmem>> -> memref<64xf32, #tpu.memory_space<vmem>>
    tpu.enqueue_dma source(%dma_start3A_372 : memref<64xf32, #tpu.memory_space<vmem>>) target(%dma_start3A_369 : memref<64xf32, #tpu.memory_space<any>>) target_semaphore(%arg6 : memref<!tpu.dma_semaphore, #tpu.memory_space<semaphore_mem>>)
    %dma_start3A_373 = arith.constant 35 : i32
    %dma_start3A_374 = arith.constant 35 : i32
    %dma_start3A_375 = arith.constant 35 : i32
    %dma_start3A_376 = arith.constant 35 : i32
    %dma_start3A_377 = arith.constant 0 : i32
    %dma_start3A_378 = tpu.memref_slice %arg4[%dma_start3A_374, %dma_start3A_375, %dma_start3A_376, %dma_start3A_377] : memref<64x64x64x64xf32, #tpu.memory_space<any>> -> memref<1x1x1x64xf32, #tpu.memory_space<any>>
    %dma_start3A_379 = tpu.memref_squeeze %dma_start3A_378 : memref<1x1x1x64xf32, #tpu.memory_space<any>> -> memref<64xf32, #tpu.memory_space<any>>
    %dma_start3A_380 = arith.constant 0 : i32
    %dma_start3A_381 = tpu.memref_slice %arg5[%dma_start3A_373, %dma_start3A_380] : memref<64x64xf32, #tpu.memory_space<vmem>> -> memref<1x64xf32, #tpu.memory_space<vmem>>
    %dma_start3A_382 = tpu.memref_squeeze %dma_start3A_381 : memref<1x64xf32, #tpu.memory_space<vmem>> -> memref<64xf32, #tpu.memory_space<vmem>>
    tpu.enqueue_dma source(%dma_start3A_382 : memref<64xf32, #tpu.memory_space<vmem>>) target(%dma_start3A_379 : memref<64xf32, #tpu.memory_space<any>>) target_semaphore(%arg6 : memref<!tpu.dma_semaphore, #tpu.memory_space<semaphore_mem>>)
    %dma_start3A_383 = arith.constant 36 : i32
    %dma_start3A_384 = arith.constant 36 : i32
    %dma_start3A_385 = arith.constant 36 : i32
    %dma_start3A_386 = arith.constant 36 : i32
    %dma_start3A_387 = arith.constant 0 : i32
    %dma_start3A_388 = tpu.memref_slice %arg4[%dma_start3A_384, %dma_start3A_385, %dma_start3A_386, %dma_start3A_387] : memref<64x64x64x64xf32, #tpu.memory_space<any>> -> memref<1x1x1x64xf32, #tpu.memory_space<any>>
    %dma_start3A_389 = tpu.memref_squeeze %dma_start3A_388 : memref<1x1x1x64xf32, #tpu.memory_space<any>> -> memref<64xf32, #tpu.memory_space<any>>
    %dma_start3A_390 = arith.constant 0 : i32
    %dma_start3A_391 = tpu.memref_slice %arg5[%dma_start3A_383, %dma_start3A_390] : memref<64x64xf32, #tpu.memory_space<vmem>> -> memref<1x64xf32, #tpu.memory_space<vmem>>
    %dma_start3A_392 = tpu.memref_squeeze %dma_start3A_391 : memref<1x64xf32, #tpu.memory_space<vmem>> -> memref<64xf32, #tpu.memory_space<vmem>>
    tpu.enqueue_dma source(%dma_start3A_392 : memref<64xf32, #tpu.memory_space<vmem>>) target(%dma_start3A_389 : memref<64xf32, #tpu.memory_space<any>>) target_semaphore(%arg6 : memref<!tpu.dma_semaphore, #tpu.memory_space<semaphore_mem>>)
    %dma_start3A_393 = arith.constant 37 : i32
    %dma_start3A_394 = arith.constant 37 : i32
    %dma_start3A_395 = arith.constant 37 : i32
    %dma_start3A_396 = arith.constant 37 : i32
    %dma_start3A_397 = arith.constant 0 : i32
    %dma_start3A_398 = tpu.memref_slice %arg4[%dma_start3A_394, %dma_start3A_395, %dma_start3A_396, %dma_start3A_397] : memref<64x64x64x64xf32, #tpu.memory_space<any>> -> memref<1x1x1x64xf32, #tpu.memory_space<any>>
    %dma_start3A_399 = tpu.memref_squeeze %dma_start3A_398 : memref<1x1x1x64xf32, #tpu.memory_space<any>> -> memref<64xf32, #tpu.memory_space<any>>
    %dma_start3A_400 = arith.constant 0 : i32
    %dma_start3A_401 = tpu.memref_slice %arg5[%dma_start3A_393, %dma_start3A_400] : memref<64x64xf32, #tpu.memory_space<vmem>> -> memref<1x64xf32, #tpu.memory_space<vmem>>
    %dma_start3A_402 = tpu.memref_squeeze %dma_start3A_401 : memref<1x64xf32, #tpu.memory_space<vmem>> -> memref<64xf32, #tpu.memory_space<vmem>>
    tpu.enqueue_dma source(%dma_start3A_402 : memref<64xf32, #tpu.memory_space<vmem>>) target(%dma_start3A_399 : memref<64xf32, #tpu.memory_space<any>>) target_semaphore(%arg6 : memref<!tpu.dma_semaphore, #tpu.memory_space<semaphore_mem>>)
    %dma_start3A_403 = arith.constant 38 : i32
    %dma_start3A_404 = arith.constant 38 : i32
    %dma_start3A_405 = arith.constant 38 : i32
    %dma_start3A_406 = arith.constant 38 : i32
    %dma_start3A_407 = arith.constant 0 : i32
    %dma_start3A_408 = tpu.memref_slice %arg4[%dma_start3A_404, %dma_start3A_405, %dma_start3A_406, %dma_start3A_407] : memref<64x64x64x64xf32, #tpu.memory_space<any>> -> memref<1x1x1x64xf32, #tpu.memory_space<any>>
    %dma_start3A_409 = tpu.memref_squeeze %dma_start3A_408 : memref<1x1x1x64xf32, #tpu.memory_space<any>> -> memref<64xf32, #tpu.memory_space<any>>
    %dma_start3A_410 = arith.constant 0 : i32
    %dma_start3A_411 = tpu.memref_slice %arg5[%dma_start3A_403, %dma_start3A_410] : memref<64x64xf32, #tpu.memory_space<vmem>> -> memref<1x64xf32, #tpu.memory_space<vmem>>
    %dma_start3A_412 = tpu.memref_squeeze %dma_start3A_411 : memref<1x64xf32, #tpu.memory_space<vmem>> -> memref<64xf32, #tpu.memory_space<vmem>>
    tpu.enqueue_dma source(%dma_start3A_412 : memref<64xf32, #tpu.memory_space<vmem>>) target(%dma_start3A_409 : memref<64xf32, #tpu.memory_space<any>>) target_semaphore(%arg6 : memref<!tpu.dma_semaphore, #tpu.memory_space<semaphore_mem>>)
    %dma_start3A_413 = arith.constant 39 : i32
    %dma_start3A_414 = arith.constant 39 : i32
    %dma_start3A_415 = arith.constant 39 : i32
    %dma_start3A_416 = arith.constant 39 : i32
    %dma_start3A_417 = arith.constant 0 : i32
    %dma_start3A_418 = tpu.memref_slice %arg4[%dma_start3A_414, %dma_start3A_415, %dma_start3A_416, %dma_start3A_417] : memref<64x64x64x64xf32, #tpu.memory_space<any>> -> memref<1x1x1x64xf32, #tpu.memory_space<any>>
    %dma_start3A_419 = tpu.memref_squeeze %dma_start3A_418 : memref<1x1x1x64xf32, #tpu.memory_space<any>> -> memref<64xf32, #tpu.memory_space<any>>
    %dma_start3A_420 = arith.constant 0 : i32
    %dma_start3A_421 = tpu.memref_slice %arg5[%dma_start3A_413, %dma_start3A_420] : memref<64x64xf32, #tpu.memory_space<vmem>> -> memref<1x64xf32, #tpu.memory_space<vmem>>
    %dma_start3A_422 = tpu.memref_squeeze %dma_start3A_421 : memref<1x64xf32, #tpu.memory_space<vmem>> -> memref<64xf32, #tpu.memory_space<vmem>>
    tpu.enqueue_dma source(%dma_start3A_422 : memref<64xf32, #tpu.memory_space<vmem>>) target(%dma_start3A_419 : memref<64xf32, #tpu.memory_space<any>>) target_semaphore(%arg6 : memref<!tpu.dma_semaphore, #tpu.memory_space<semaphore_mem>>)
    %dma_start3A_423 = arith.constant 40 : i32
    %dma_start3A_424 = arith.constant 40 : i32
    %dma_start3A_425 = arith.constant 40 : i32
    %dma_start3A_426 = arith.constant 40 : i32
    %dma_start3A_427 = arith.constant 0 : i32
    %dma_start3A_428 = tpu.memref_slice %arg4[%dma_start3A_424, %dma_start3A_425, %dma_start3A_426, %dma_start3A_427] : memref<64x64x64x64xf32, #tpu.memory_space<any>> -> memref<1x1x1x64xf32, #tpu.memory_space<any>>
    %dma_start3A_429 = tpu.memref_squeeze %dma_start3A_428 : memref<1x1x1x64xf32, #tpu.memory_space<any>> -> memref<64xf32, #tpu.memory_space<any>>
    %dma_start3A_430 = arith.constant 0 : i32
    %dma_start3A_431 = tpu.memref_slice %arg5[%dma_start3A_423, %dma_start3A_430] : memref<64x64xf32, #tpu.memory_space<vmem>> -> memref<1x64xf32, #tpu.memory_space<vmem>>
    %dma_start3A_432 = tpu.memref_squeeze %dma_start3A_431 : memref<1x64xf32, #tpu.memory_space<vmem>> -> memref<64xf32, #tpu.memory_space<vmem>>
    tpu.enqueue_dma source(%dma_start3A_432 : memref<64xf32, #tpu.memory_space<vmem>>) target(%dma_start3A_429 : memref<64xf32, #tpu.memory_space<any>>) target_semaphore(%arg6 : memref<!tpu.dma_semaphore, #tpu.memory_space<semaphore_mem>>)
    %dma_start3A_433 = arith.constant 41 : i32
    %dma_start3A_434 = arith.constant 41 : i32
    %dma_start3A_435 = arith.constant 41 : i32
    %dma_start3A_436 = arith.constant 41 : i32
    %dma_start3A_437 = arith.constant 0 : i32
    %dma_start3A_438 = tpu.memref_slice %arg4[%dma_start3A_434, %dma_start3A_435, %dma_start3A_436, %dma_start3A_437] : memref<64x64x64x64xf32, #tpu.memory_space<any>> -> memref<1x1x1x64xf32, #tpu.memory_space<any>>
    %dma_start3A_439 = tpu.memref_squeeze %dma_start3A_438 : memref<1x1x1x64xf32, #tpu.memory_space<any>> -> memref<64xf32, #tpu.memory_space<any>>
    %dma_start3A_440 = arith.constant 0 : i32
    %dma_start3A_441 = tpu.memref_slice %arg5[%dma_start3A_433, %dma_start3A_440] : memref<64x64xf32, #tpu.memory_space<vmem>> -> memref<1x64xf32, #tpu.memory_space<vmem>>
    %dma_start3A_442 = tpu.memref_squeeze %dma_start3A_441 : memref<1x64xf32, #tpu.memory_space<vmem>> -> memref<64xf32, #tpu.memory_space<vmem>>
    tpu.enqueue_dma source(%dma_start3A_442 : memref<64xf32, #tpu.memory_space<vmem>>) target(%dma_start3A_439 : memref<64xf32, #tpu.memory_space<any>>) target_semaphore(%arg6 : memref<!tpu.dma_semaphore, #tpu.memory_space<semaphore_mem>>)
    %dma_start3A_443 = arith.constant 42 : i32
    %dma_start3A_444 = arith.constant 42 : i32
    %dma_start3A_445 = arith.constant 42 : i32
    %dma_start3A_446 = arith.constant 42 : i32
    %dma_start3A_447 = arith.constant 0 : i32
    %dma_start3A_448 = tpu.memref_slice %arg4[%dma_start3A_444, %dma_start3A_445, %dma_start3A_446, %dma_start3A_447] : memref<64x64x64x64xf32, #tpu.memory_space<any>> -> memref<1x1x1x64xf32, #tpu.memory_space<any>>
    %dma_start3A_449 = tpu.memref_squeeze %dma_start3A_448 : memref<1x1x1x64xf32, #tpu.memory_space<any>> -> memref<64xf32, #tpu.memory_space<any>>
    %dma_start3A_450 = arith.constant 0 : i32
    %dma_start3A_451 = tpu.memref_slice %arg5[%dma_start3A_443, %dma_start3A_450] : memref<64x64xf32, #tpu.memory_space<vmem>> -> memref<1x64xf32, #tpu.memory_space<vmem>>
    %dma_start3A_452 = tpu.memref_squeeze %dma_start3A_451 : memref<1x64xf32, #tpu.memory_space<vmem>> -> memref<64xf32, #tpu.memory_space<vmem>>
    tpu.enqueue_dma source(%dma_start3A_452 : memref<64xf32, #tpu.memory_space<vmem>>) target(%dma_start3A_449 : memref<64xf32, #tpu.memory_space<any>>) target_semaphore(%arg6 : memref<!tpu.dma_semaphore, #tpu.memory_space<semaphore_mem>>)
    %dma_start3A_453 = arith.constant 43 : i32
    %dma_start3A_454 = arith.constant 43 : i32
    %dma_start3A_455 = arith.constant 43 : i32
    %dma_start3A_456 = arith.constant 43 : i32
    %dma_start3A_457 = arith.constant 0 : i32
    %dma_start3A_458 = tpu.memref_slice %arg4[%dma_start3A_454, %dma_start3A_455, %dma_start3A_456, %dma_start3A_457] : memref<64x64x64x64xf32, #tpu.memory_space<any>> -> memref<1x1x1x64xf32, #tpu.memory_space<any>>
    %dma_start3A_459 = tpu.memref_squeeze %dma_start3A_458 : memref<1x1x1x64xf32, #tpu.memory_space<any>> -> memref<64xf32, #tpu.memory_space<any>>
    %dma_start3A_460 = arith.constant 0 : i32
    %dma_start3A_461 = tpu.memref_slice %arg5[%dma_start3A_453, %dma_start3A_460] : memref<64x64xf32, #tpu.memory_space<vmem>> -> memref<1x64xf32, #tpu.memory_space<vmem>>
    %dma_start3A_462 = tpu.memref_squeeze %dma_start3A_461 : memref<1x64xf32, #tpu.memory_space<vmem>> -> memref<64xf32, #tpu.memory_space<vmem>>
    tpu.enqueue_dma source(%dma_start3A_462 : memref<64xf32, #tpu.memory_space<vmem>>) target(%dma_start3A_459 : memref<64xf32, #tpu.memory_space<any>>) target_semaphore(%arg6 : memref<!tpu.dma_semaphore, #tpu.memory_space<semaphore_mem>>)
    %dma_start3A_463 = arith.constant 44 : i32
    %dma_start3A_464 = arith.constant 44 : i32
    %dma_start3A_465 = arith.constant 44 : i32
    %dma_start3A_466 = arith.constant 44 : i32
    %dma_start3A_467 = arith.constant 0 : i32
    %dma_start3A_468 = tpu.memref_slice %arg4[%dma_start3A_464, %dma_start3A_465, %dma_start3A_466, %dma_start3A_467] : memref<64x64x64x64xf32, #tpu.memory_space<any>> -> memref<1x1x1x64xf32, #tpu.memory_space<any>>
    %dma_start3A_469 = tpu.memref_squeeze %dma_start3A_468 : memref<1x1x1x64xf32, #tpu.memory_space<any>> -> memref<64xf32, #tpu.memory_space<any>>
    %dma_start3A_470 = arith.constant 0 : i32
    %dma_start3A_471 = tpu.memref_slice %arg5[%dma_start3A_463, %dma_start3A_470] : memref<64x64xf32, #tpu.memory_space<vmem>> -> memref<1x64xf32, #tpu.memory_space<vmem>>
    %dma_start3A_472 = tpu.memref_squeeze %dma_start3A_471 : memref<1x64xf32, #tpu.memory_space<vmem>> -> memref<64xf32, #tpu.memory_space<vmem>>
    tpu.enqueue_dma source(%dma_start3A_472 : memref<64xf32, #tpu.memory_space<vmem>>) target(%dma_start3A_469 : memref<64xf32, #tpu.memory_space<any>>) target_semaphore(%arg6 : memref<!tpu.dma_semaphore, #tpu.memory_space<semaphore_mem>>)
    %dma_start3A_473 = arith.constant 45 : i32
    %dma_start3A_474 = arith.constant 45 : i32
    %dma_start3A_475 = arith.constant 45 : i32
    %dma_start3A_476 = arith.constant 45 : i32
    %dma_start3A_477 = arith.constant 0 : i32
    %dma_start3A_478 = tpu.memref_slice %arg4[%dma_start3A_474, %dma_start3A_475, %dma_start3A_476, %dma_start3A_477] : memref<64x64x64x64xf32, #tpu.memory_space<any>> -> memref<1x1x1x64xf32, #tpu.memory_space<any>>
    %dma_start3A_479 = tpu.memref_squeeze %dma_start3A_478 : memref<1x1x1x64xf32, #tpu.memory_space<any>> -> memref<64xf32, #tpu.memory_space<any>>
    %dma_start3A_480 = arith.constant 0 : i32
    %dma_start3A_481 = tpu.memref_slice %arg5[%dma_start3A_473, %dma_start3A_480] : memref<64x64xf32, #tpu.memory_space<vmem>> -> memref<1x64xf32, #tpu.memory_space<vmem>>
    %dma_start3A_482 = tpu.memref_squeeze %dma_start3A_481 : memref<1x64xf32, #tpu.memory_space<vmem>> -> memref<64xf32, #tpu.memory_space<vmem>>
    tpu.enqueue_dma source(%dma_start3A_482 : memref<64xf32, #tpu.memory_space<vmem>>) target(%dma_start3A_479 : memref<64xf32, #tpu.memory_space<any>>) target_semaphore(%arg6 : memref<!tpu.dma_semaphore, #tpu.memory_space<semaphore_mem>>)
    %dma_start3A_483 = arith.constant 46 : i32
    %dma_start3A_484 = arith.constant 46 : i32
    %dma_start3A_485 = arith.constant 46 : i32
    %dma_start3A_486 = arith.constant 46 : i32
    %dma_start3A_487 = arith.constant 0 : i32
    %dma_start3A_488 = tpu.memref_slice %arg4[%dma_start3A_484, %dma_start3A_485, %dma_start3A_486, %dma_start3A_487] : memref<64x64x64x64xf32, #tpu.memory_space<any>> -> memref<1x1x1x64xf32, #tpu.memory_space<any>>
    %dma_start3A_489 = tpu.memref_squeeze %dma_start3A_488 : memref<1x1x1x64xf32, #tpu.memory_space<any>> -> memref<64xf32, #tpu.memory_space<any>>
    %dma_start3A_490 = arith.constant 0 : i32
    %dma_start3A_491 = tpu.memref_slice %arg5[%dma_start3A_483, %dma_start3A_490] : memref<64x64xf32, #tpu.memory_space<vmem>> -> memref<1x64xf32, #tpu.memory_space<vmem>>
    %dma_start3A_492 = tpu.memref_squeeze %dma_start3A_491 : memref<1x64xf32, #tpu.memory_space<vmem>> -> memref<64xf32, #tpu.memory_space<vmem>>
    tpu.enqueue_dma source(%dma_start3A_492 : memref<64xf32, #tpu.memory_space<vmem>>) target(%dma_start3A_489 : memref<64xf32, #tpu.memory_space<any>>) target_semaphore(%arg6 : memref<!tpu.dma_semaphore, #tpu.memory_space<semaphore_mem>>)
    %dma_start3A_493 = arith.constant 47 : i32
    %dma_start3A_494 = arith.constant 47 : i32
    %dma_start3A_495 = arith.constant 47 : i32
    %dma_start3A_496 = arith.constant 47 : i32
    %dma_start3A_497 = arith.constant 0 : i32
    %dma_start3A_498 = tpu.memref_slice %arg4[%dma_start3A_494, %dma_start3A_495, %dma_start3A_496, %dma_start3A_497] : memref<64x64x64x64xf32, #tpu.memory_space<any>> -> memref<1x1x1x64xf32, #tpu.memory_space<any>>
    %dma_start3A_499 = tpu.memref_squeeze %dma_start3A_498 : memref<1x1x1x64xf32, #tpu.memory_space<any>> -> memref<64xf32, #tpu.memory_space<any>>
    %dma_start3A_500 = arith.constant 0 : i32
    %dma_start3A_501 = tpu.memref_slice %arg5[%dma_start3A_493, %dma_start3A_500] : memref<64x64xf32, #tpu.memory_space<vmem>> -> memref<1x64xf32, #tpu.memory_space<vmem>>
    %dma_start3A_502 = tpu.memref_squeeze %dma_start3A_501 : memref<1x64xf32, #tpu.memory_space<vmem>> -> memref<64xf32, #tpu.memory_space<vmem>>
    tpu.enqueue_dma source(%dma_start3A_502 : memref<64xf32, #tpu.memory_space<vmem>>) target(%dma_start3A_499 : memref<64xf32, #tpu.memory_space<any>>) target_semaphore(%arg6 : memref<!tpu.dma_semaphore, #tpu.memory_space<semaphore_mem>>)
    %dma_start3A_503 = arith.constant 48 : i32
    %dma_start3A_504 = arith.constant 48 : i32
    %dma_start3A_505 = arith.constant 48 : i32
    %dma_start3A_506 = arith.constant 48 : i32
    %dma_start3A_507 = arith.constant 0 : i32
    %dma_start3A_508 = tpu.memref_slice %arg4[%dma_start3A_504, %dma_start3A_505, %dma_start3A_506, %dma_start3A_507] : memref<64x64x64x64xf32, #tpu.memory_space<any>> -> memref<1x1x1x64xf32, #tpu.memory_space<any>>
    %dma_start3A_509 = tpu.memref_squeeze %dma_start3A_508 : memref<1x1x1x64xf32, #tpu.memory_space<any>> -> memref<64xf32, #tpu.memory_space<any>>
    %dma_start3A_510 = arith.constant 0 : i32
    %dma_start3A_511 = tpu.memref_slice %arg5[%dma_start3A_503, %dma_start3A_510] : memref<64x64xf32, #tpu.memory_space<vmem>> -> memref<1x64xf32, #tpu.memory_space<vmem>>
    %dma_start3A_512 = tpu.memref_squeeze %dma_start3A_511 : memref<1x64xf32, #tpu.memory_space<vmem>> -> memref<64xf32, #tpu.memory_space<vmem>>
    tpu.enqueue_dma source(%dma_start3A_512 : memref<64xf32, #tpu.memory_space<vmem>>) target(%dma_start3A_509 : memref<64xf32, #tpu.memory_space<any>>) target_semaphore(%arg6 : memref<!tpu.dma_semaphore, #tpu.memory_space<semaphore_mem>>)
    %dma_start3A_513 = arith.constant 49 : i32
    %dma_start3A_514 = arith.constant 49 : i32
    %dma_start3A_515 = arith.constant 49 : i32
    %dma_start3A_516 = arith.constant 49 : i32
    %dma_start3A_517 = arith.constant 0 : i32
    %dma_start3A_518 = tpu.memref_slice %arg4[%dma_start3A_514, %dma_start3A_515, %dma_start3A_516, %dma_start3A_517] : memref<64x64x64x64xf32, #tpu.memory_space<any>> -> memref<1x1x1x64xf32, #tpu.memory_space<any>>
    %dma_start3A_519 = tpu.memref_squeeze %dma_start3A_518 : memref<1x1x1x64xf32, #tpu.memory_space<any>> -> memref<64xf32, #tpu.memory_space<any>>
    %dma_start3A_520 = arith.constant 0 : i32
    %dma_start3A_521 = tpu.memref_slice %arg5[%dma_start3A_513, %dma_start3A_520] : memref<64x64xf32, #tpu.memory_space<vmem>> -> memref<1x64xf32, #tpu.memory_space<vmem>>
    %dma_start3A_522 = tpu.memref_squeeze %dma_start3A_521 : memref<1x64xf32, #tpu.memory_space<vmem>> -> memref<64xf32, #tpu.memory_space<vmem>>
    tpu.enqueue_dma source(%dma_start3A_522 : memref<64xf32, #tpu.memory_space<vmem>>) target(%dma_start3A_519 : memref<64xf32, #tpu.memory_space<any>>) target_semaphore(%arg6 : memref<!tpu.dma_semaphore, #tpu.memory_space<semaphore_mem>>)
    %dma_start3A_523 = arith.constant 50 : i32
    %dma_start3A_524 = arith.constant 50 : i32
    %dma_start3A_525 = arith.constant 50 : i32
    %dma_start3A_526 = arith.constant 50 : i32
    %dma_start3A_527 = arith.constant 0 : i32
    %dma_start3A_528 = tpu.memref_slice %arg4[%dma_start3A_524, %dma_start3A_525, %dma_start3A_526, %dma_start3A_527] : memref<64x64x64x64xf32, #tpu.memory_space<any>> -> memref<1x1x1x64xf32, #tpu.memory_space<any>>
    %dma_start3A_529 = tpu.memref_squeeze %dma_start3A_528 : memref<1x1x1x64xf32, #tpu.memory_space<any>> -> memref<64xf32, #tpu.memory_space<any>>
    %dma_start3A_530 = arith.constant 0 : i32
    %dma_start3A_531 = tpu.memref_slice %arg5[%dma_start3A_523, %dma_start3A_530] : memref<64x64xf32, #tpu.memory_space<vmem>> -> memref<1x64xf32, #tpu.memory_space<vmem>>
    %dma_start3A_532 = tpu.memref_squeeze %dma_start3A_531 : memref<1x64xf32, #tpu.memory_space<vmem>> -> memref<64xf32, #tpu.memory_space<vmem>>
    tpu.enqueue_dma source(%dma_start3A_532 : memref<64xf32, #tpu.memory_space<vmem>>) target(%dma_start3A_529 : memref<64xf32, #tpu.memory_space<any>>) target_semaphore(%arg6 : memref<!tpu.dma_semaphore, #tpu.memory_space<semaphore_mem>>)
    %dma_start3A_533 = arith.constant 51 : i32
    %dma_start3A_534 = arith.constant 51 : i32
    %dma_start3A_535 = arith.constant 51 : i32
    %dma_start3A_536 = arith.constant 51 : i32
    %dma_start3A_537 = arith.constant 0 : i32
    %dma_start3A_538 = tpu.memref_slice %arg4[%dma_start3A_534, %dma_start3A_535, %dma_start3A_536, %dma_start3A_537] : memref<64x64x64x64xf32, #tpu.memory_space<any>> -> memref<1x1x1x64xf32, #tpu.memory_space<any>>
    %dma_start3A_539 = tpu.memref_squeeze %dma_start3A_538 : memref<1x1x1x64xf32, #tpu.memory_space<any>> -> memref<64xf32, #tpu.memory_space<any>>
    %dma_start3A_540 = arith.constant 0 : i32
    %dma_start3A_541 = tpu.memref_slice %arg5[%dma_start3A_533, %dma_start3A_540] : memref<64x64xf32, #tpu.memory_space<vmem>> -> memref<1x64xf32, #tpu.memory_space<vmem>>
    %dma_start3A_542 = tpu.memref_squeeze %dma_start3A_541 : memref<1x64xf32, #tpu.memory_space<vmem>> -> memref<64xf32, #tpu.memory_space<vmem>>
    tpu.enqueue_dma source(%dma_start3A_542 : memref<64xf32, #tpu.memory_space<vmem>>) target(%dma_start3A_539 : memref<64xf32, #tpu.memory_space<any>>) target_semaphore(%arg6 : memref<!tpu.dma_semaphore, #tpu.memory_space<semaphore_mem>>)
    %dma_start3A_543 = arith.constant 52 : i32
    %dma_start3A_544 = arith.constant 52 : i32
    %dma_start3A_545 = arith.constant 52 : i32
    %dma_start3A_546 = arith.constant 52 : i32
    %dma_start3A_547 = arith.constant 0 : i32
    %dma_start3A_548 = tpu.memref_slice %arg4[%dma_start3A_544, %dma_start3A_545, %dma_start3A_546, %dma_start3A_547] : memref<64x64x64x64xf32, #tpu.memory_space<any>> -> memref<1x1x1x64xf32, #tpu.memory_space<any>>
    %dma_start3A_549 = tpu.memref_squeeze %dma_start3A_548 : memref<1x1x1x64xf32, #tpu.memory_space<any>> -> memref<64xf32, #tpu.memory_space<any>>
    %dma_start3A_550 = arith.constant 0 : i32
    %dma_start3A_551 = tpu.memref_slice %arg5[%dma_start3A_543, %dma_start3A_550] : memref<64x64xf32, #tpu.memory_space<vmem>> -> memref<1x64xf32, #tpu.memory_space<vmem>>
    %dma_start3A_552 = tpu.memref_squeeze %dma_start3A_551 : memref<1x64xf32, #tpu.memory_space<vmem>> -> memref<64xf32, #tpu.memory_space<vmem>>
    tpu.enqueue_dma source(%dma_start3A_552 : memref<64xf32, #tpu.memory_space<vmem>>) target(%dma_start3A_549 : memref<64xf32, #tpu.memory_space<any>>) target_semaphore(%arg6 : memref<!tpu.dma_semaphore, #tpu.memory_space<semaphore_mem>>)
    %dma_start3A_553 = arith.constant 53 : i32
    %dma_start3A_554 = arith.constant 53 : i32
    %dma_start3A_555 = arith.constant 53 : i32
    %dma_start3A_556 = arith.constant 53 : i32
    %dma_start3A_557 = arith.constant 0 : i32
    %dma_start3A_558 = tpu.memref_slice %arg4[%dma_start3A_554, %dma_start3A_555, %dma_start3A_556, %dma_start3A_557] : memref<64x64x64x64xf32, #tpu.memory_space<any>> -> memref<1x1x1x64xf32, #tpu.memory_space<any>>
    %dma_start3A_559 = tpu.memref_squeeze %dma_start3A_558 : memref<1x1x1x64xf32, #tpu.memory_space<any>> -> memref<64xf32, #tpu.memory_space<any>>
    %dma_start3A_560 = arith.constant 0 : i32
    %dma_start3A_561 = tpu.memref_slice %arg5[%dma_start3A_553, %dma_start3A_560] : memref<64x64xf32, #tpu.memory_space<vmem>> -> memref<1x64xf32, #tpu.memory_space<vmem>>
    %dma_start3A_562 = tpu.memref_squeeze %dma_start3A_561 : memref<1x64xf32, #tpu.memory_space<vmem>> -> memref<64xf32, #tpu.memory_space<vmem>>
    tpu.enqueue_dma source(%dma_start3A_562 : memref<64xf32, #tpu.memory_space<vmem>>) target(%dma_start3A_559 : memref<64xf32, #tpu.memory_space<any>>) target_semaphore(%arg6 : memref<!tpu.dma_semaphore, #tpu.memory_space<semaphore_mem>>)
    %dma_start3A_563 = arith.constant 54 : i32
    %dma_start3A_564 = arith.constant 54 : i32
    %dma_start3A_565 = arith.constant 54 : i32
    %dma_start3A_566 = arith.constant 54 : i32
    %dma_start3A_567 = arith.constant 0 : i32
    %dma_start3A_568 = tpu.memref_slice %arg4[%dma_start3A_564, %dma_start3A_565, %dma_start3A_566, %dma_start3A_567] : memref<64x64x64x64xf32, #tpu.memory_space<any>> -> memref<1x1x1x64xf32, #tpu.memory_space<any>>
    %dma_start3A_569 = tpu.memref_squeeze %dma_start3A_568 : memref<1x1x1x64xf32, #tpu.memory_space<any>> -> memref<64xf32, #tpu.memory_space<any>>
    %dma_start3A_570 = arith.constant 0 : i32
    %dma_start3A_571 = tpu.memref_slice %arg5[%dma_start3A_563, %dma_start3A_570] : memref<64x64xf32, #tpu.memory_space<vmem>> -> memref<1x64xf32, #tpu.memory_space<vmem>>
    %dma_start3A_572 = tpu.memref_squeeze %dma_start3A_571 : memref<1x64xf32, #tpu.memory_space<vmem>> -> memref<64xf32, #tpu.memory_space<vmem>>
    tpu.enqueue_dma source(%dma_start3A_572 : memref<64xf32, #tpu.memory_space<vmem>>) target(%dma_start3A_569 : memref<64xf32, #tpu.memory_space<any>>) target_semaphore(%arg6 : memref<!tpu.dma_semaphore, #tpu.memory_space<semaphore_mem>>)
    %dma_start3A_573 = arith.constant 55 : i32
    %dma_start3A_574 = arith.constant 55 : i32
    %dma_start3A_575 = arith.constant 55 : i32
    %dma_start3A_576 = arith.constant 55 : i32
    %dma_start3A_577 = arith.constant 0 : i32
    %dma_start3A_578 = tpu.memref_slice %arg4[%dma_start3A_574, %dma_start3A_575, %dma_start3A_576, %dma_start3A_577] : memref<64x64x64x64xf32, #tpu.memory_space<any>> -> memref<1x1x1x64xf32, #tpu.memory_space<any>>
    %dma_start3A_579 = tpu.memref_squeeze %dma_start3A_578 : memref<1x1x1x64xf32, #tpu.memory_space<any>> -> memref<64xf32, #tpu.memory_space<any>>
    %dma_start3A_580 = arith.constant 0 : i32
    %dma_start3A_581 = tpu.memref_slice %arg5[%dma_start3A_573, %dma_start3A_580] : memref<64x64xf32, #tpu.memory_space<vmem>> -> memref<1x64xf32, #tpu.memory_space<vmem>>
    %dma_start3A_582 = tpu.memref_squeeze %dma_start3A_581 : memref<1x64xf32, #tpu.memory_space<vmem>> -> memref<64xf32, #tpu.memory_space<vmem>>
    tpu.enqueue_dma source(%dma_start3A_582 : memref<64xf32, #tpu.memory_space<vmem>>) target(%dma_start3A_579 : memref<64xf32, #tpu.memory_space<any>>) target_semaphore(%arg6 : memref<!tpu.dma_semaphore, #tpu.memory_space<semaphore_mem>>)
    %dma_start3A_583 = arith.constant 56 : i32
    %dma_start3A_584 = arith.constant 56 : i32
    %dma_start3A_585 = arith.constant 56 : i32
    %dma_start3A_586 = arith.constant 56 : i32
    %dma_start3A_587 = arith.constant 0 : i32
    %dma_start3A_588 = tpu.memref_slice %arg4[%dma_start3A_584, %dma_start3A_585, %dma_start3A_586, %dma_start3A_587] : memref<64x64x64x64xf32, #tpu.memory_space<any>> -> memref<1x1x1x64xf32, #tpu.memory_space<any>>
    %dma_start3A_589 = tpu.memref_squeeze %dma_start3A_588 : memref<1x1x1x64xf32, #tpu.memory_space<any>> -> memref<64xf32, #tpu.memory_space<any>>
    %dma_start3A_590 = arith.constant 0 : i32
    %dma_start3A_591 = tpu.memref_slice %arg5[%dma_start3A_583, %dma_start3A_590] : memref<64x64xf32, #tpu.memory_space<vmem>> -> memref<1x64xf32, #tpu.memory_space<vmem>>
    %dma_start3A_592 = tpu.memref_squeeze %dma_start3A_591 : memref<1x64xf32, #tpu.memory_space<vmem>> -> memref<64xf32, #tpu.memory_space<vmem>>
    tpu.enqueue_dma source(%dma_start3A_592 : memref<64xf32, #tpu.memory_space<vmem>>) target(%dma_start3A_589 : memref<64xf32, #tpu.memory_space<any>>) target_semaphore(%arg6 : memref<!tpu.dma_semaphore, #tpu.memory_space<semaphore_mem>>)
    %dma_start3A_593 = arith.constant 57 : i32
    %dma_start3A_594 = arith.constant 57 : i32
    %dma_start3A_595 = arith.constant 57 : i32
    %dma_start3A_596 = arith.constant 57 : i32
    %dma_start3A_597 = arith.constant 0 : i32
    %dma_start3A_598 = tpu.memref_slice %arg4[%dma_start3A_594, %dma_start3A_595, %dma_start3A_596, %dma_start3A_597] : memref<64x64x64x64xf32, #tpu.memory_space<any>> -> memref<1x1x1x64xf32, #tpu.memory_space<any>>
    %dma_start3A_599 = tpu.memref_squeeze %dma_start3A_598 : memref<1x1x1x64xf32, #tpu.memory_space<any>> -> memref<64xf32, #tpu.memory_space<any>>
    %dma_start3A_600 = arith.constant 0 : i32
    %dma_start3A_601 = tpu.memref_slice %arg5[%dma_start3A_593, %dma_start3A_600] : memref<64x64xf32, #tpu.memory_space<vmem>> -> memref<1x64xf32, #tpu.memory_space<vmem>>
    %dma_start3A_602 = tpu.memref_squeeze %dma_start3A_601 : memref<1x64xf32, #tpu.memory_space<vmem>> -> memref<64xf32, #tpu.memory_space<vmem>>
    tpu.enqueue_dma source(%dma_start3A_602 : memref<64xf32, #tpu.memory_space<vmem>>) target(%dma_start3A_599 : memref<64xf32, #tpu.memory_space<any>>) target_semaphore(%arg6 : memref<!tpu.dma_semaphore, #tpu.memory_space<semaphore_mem>>)
    %dma_start3A_603 = arith.constant 58 : i32
    %dma_start3A_604 = arith.constant 58 : i32
    %dma_start3A_605 = arith.constant 58 : i32
    %dma_start3A_606 = arith.constant 58 : i32
    %dma_start3A_607 = arith.constant 0 : i32
    %dma_start3A_608 = tpu.memref_slice %arg4[%dma_start3A_604, %dma_start3A_605, %dma_start3A_606, %dma_start3A_607] : memref<64x64x64x64xf32, #tpu.memory_space<any>> -> memref<1x1x1x64xf32, #tpu.memory_space<any>>
    %dma_start3A_609 = tpu.memref_squeeze %dma_start3A_608 : memref<1x1x1x64xf32, #tpu.memory_space<any>> -> memref<64xf32, #tpu.memory_space<any>>
    %dma_start3A_610 = arith.constant 0 : i32
    %dma_start3A_611 = tpu.memref_slice %arg5[%dma_start3A_603, %dma_start3A_610] : memref<64x64xf32, #tpu.memory_space<vmem>> -> memref<1x64xf32, #tpu.memory_space<vmem>>
    %dma_start3A_612 = tpu.memref_squeeze %dma_start3A_611 : memref<1x64xf32, #tpu.memory_space<vmem>> -> memref<64xf32, #tpu.memory_space<vmem>>
    tpu.enqueue_dma source(%dma_start3A_612 : memref<64xf32, #tpu.memory_space<vmem>>) target(%dma_start3A_609 : memref<64xf32, #tpu.memory_space<any>>) target_semaphore(%arg6 : memref<!tpu.dma_semaphore, #tpu.memory_space<semaphore_mem>>)
    %dma_start3A_613 = arith.constant 59 : i32
    %dma_start3A_614 = arith.constant 59 : i32
    %dma_start3A_615 = arith.constant 59 : i32
    %dma_start3A_616 = arith.constant 59 : i32
    %dma_start3A_617 = arith.constant 0 : i32
    %dma_start3A_618 = tpu.memref_slice %arg4[%dma_start3A_614, %dma_start3A_615, %dma_start3A_616, %dma_start3A_617] : memref<64x64x64x64xf32, #tpu.memory_space<any>> -> memref<1x1x1x64xf32, #tpu.memory_space<any>>
    %dma_start3A_619 = tpu.memref_squeeze %dma_start3A_618 : memref<1x1x1x64xf32, #tpu.memory_space<any>> -> memref<64xf32, #tpu.memory_space<any>>
    %dma_start3A_620 = arith.constant 0 : i32
    %dma_start3A_621 = tpu.memref_slice %arg5[%dma_start3A_613, %dma_start3A_620] : memref<64x64xf32, #tpu.memory_space<vmem>> -> memref<1x64xf32, #tpu.memory_space<vmem>>
    %dma_start3A_622 = tpu.memref_squeeze %dma_start3A_621 : memref<1x64xf32, #tpu.memory_space<vmem>> -> memref<64xf32, #tpu.memory_space<vmem>>
    tpu.enqueue_dma source(%dma_start3A_622 : memref<64xf32, #tpu.memory_space<vmem>>) target(%dma_start3A_619 : memref<64xf32, #tpu.memory_space<any>>) target_semaphore(%arg6 : memref<!tpu.dma_semaphore, #tpu.memory_space<semaphore_mem>>)
    %dma_start3A_623 = arith.constant 60 : i32
    %dma_start3A_624 = arith.constant 60 : i32
    %dma_start3A_625 = arith.constant 60 : i32
    %dma_start3A_626 = arith.constant 60 : i32
    %dma_start3A_627 = arith.constant 0 : i32
    %dma_start3A_628 = tpu.memref_slice %arg4[%dma_start3A_624, %dma_start3A_625, %dma_start3A_626, %dma_start3A_627] : memref<64x64x64x64xf32, #tpu.memory_space<any>> -> memref<1x1x1x64xf32, #tpu.memory_space<any>>
    %dma_start3A_629 = tpu.memref_squeeze %dma_start3A_628 : memref<1x1x1x64xf32, #tpu.memory_space<any>> -> memref<64xf32, #tpu.memory_space<any>>
    %dma_start3A_630 = arith.constant 0 : i32
    %dma_start3A_631 = tpu.memref_slice %arg5[%dma_start3A_623, %dma_start3A_630] : memref<64x64xf32, #tpu.memory_space<vmem>> -> memref<1x64xf32, #tpu.memory_space<vmem>>
    %dma_start3A_632 = tpu.memref_squeeze %dma_start3A_631 : memref<1x64xf32, #tpu.memory_space<vmem>> -> memref<64xf32, #tpu.memory_space<vmem>>
    tpu.enqueue_dma source(%dma_start3A_632 : memref<64xf32, #tpu.memory_space<vmem>>) target(%dma_start3A_629 : memref<64xf32, #tpu.memory_space<any>>) target_semaphore(%arg6 : memref<!tpu.dma_semaphore, #tpu.memory_space<semaphore_mem>>)
    %dma_start3A_633 = arith.constant 61 : i32
    %dma_start3A_634 = arith.constant 61 : i32
    %dma_start3A_635 = arith.constant 61 : i32
    %dma_start3A_636 = arith.constant 61 : i32
    %dma_start3A_637 = arith.constant 0 : i32
    %dma_start3A_638 = tpu.memref_slice %arg4[%dma_start3A_634, %dma_start3A_635, %dma_start3A_636, %dma_start3A_637] : memref<64x64x64x64xf32, #tpu.memory_space<any>> -> memref<1x1x1x64xf32, #tpu.memory_space<any>>
    %dma_start3A_639 = tpu.memref_squeeze %dma_start3A_638 : memref<1x1x1x64xf32, #tpu.memory_space<any>> -> memref<64xf32, #tpu.memory_space<any>>
    %dma_start3A_640 = arith.constant 0 : i32
    %dma_start3A_641 = tpu.memref_slice %arg5[%dma_start3A_633, %dma_start3A_640] : memref<64x64xf32, #tpu.memory_space<vmem>> -> memref<1x64xf32, #tpu.memory_space<vmem>>
    %dma_start3A_642 = tpu.memref_squeeze %dma_start3A_641 : memref<1x64xf32, #tpu.memory_space<vmem>> -> memref<64xf32, #tpu.memory_space<vmem>>
    tpu.enqueue_dma source(%dma_start3A_642 : memref<64xf32, #tpu.memory_space<vmem>>) target(%dma_start3A_639 : memref<64xf32, #tpu.memory_space<any>>) target_semaphore(%arg6 : memref<!tpu.dma_semaphore, #tpu.memory_space<semaphore_mem>>)
    %dma_start3A_643 = arith.constant 62 : i32
    %dma_start3A_644 = arith.constant 62 : i32
    %dma_start3A_645 = arith.constant 62 : i32
    %dma_start3A_646 = arith.constant 62 : i32
    %dma_start3A_647 = arith.constant 0 : i32
    %dma_start3A_648 = tpu.memref_slice %arg4[%dma_start3A_644, %dma_start3A_645, %dma_start3A_646, %dma_start3A_647] : memref<64x64x64x64xf32, #tpu.memory_space<any>> -> memref<1x1x1x64xf32, #tpu.memory_space<any>>
    %dma_start3A_649 = tpu.memref_squeeze %dma_start3A_648 : memref<1x1x1x64xf32, #tpu.memory_space<any>> -> memref<64xf32, #tpu.memory_space<any>>
    %dma_start3A_650 = arith.constant 0 : i32
    %dma_start3A_651 = tpu.memref_slice %arg5[%dma_start3A_643, %dma_start3A_650] : memref<64x64xf32, #tpu.memory_space<vmem>> -> memref<1x64xf32, #tpu.memory_space<vmem>>
    %dma_start3A_652 = tpu.memref_squeeze %dma_start3A_651 : memref<1x64xf32, #tpu.memory_space<vmem>> -> memref<64xf32, #tpu.memory_space<vmem>>
    tpu.enqueue_dma source(%dma_start3A_652 : memref<64xf32, #tpu.memory_space<vmem>>) target(%dma_start3A_649 : memref<64xf32, #tpu.memory_space<any>>) target_semaphore(%arg6 : memref<!tpu.dma_semaphore, #tpu.memory_space<semaphore_mem>>)
    %dma_start3A_653 = arith.constant 63 : i32
    %dma_start3A_654 = arith.constant 63 : i32
    %dma_start3A_655 = arith.constant 63 : i32
    %dma_start3A_656 = arith.constant 63 : i32
    %dma_start3A_657 = arith.constant 0 : i32
    %dma_start3A_658 = tpu.memref_slice %arg4[%dma_start3A_654, %dma_start3A_655, %dma_start3A_656, %dma_start3A_657] : memref<64x64x64x64xf32, #tpu.memory_space<any>> -> memref<1x1x1x64xf32, #tpu.memory_space<any>>
    %dma_start3A_659 = tpu.memref_squeeze %dma_start3A_658 : memref<1x1x1x64xf32, #tpu.memory_space<any>> -> memref<64xf32, #tpu.memory_space<any>>
    %dma_start3A_660 = arith.constant 0 : i32
    %dma_start3A_661 = tpu.memref_slice %arg5[%dma_start3A_653, %dma_start3A_660] : memref<64x64xf32, #tpu.memory_space<vmem>> -> memref<1x64xf32, #tpu.memory_space<vmem>>
    %dma_start3A_662 = tpu.memref_squeeze %dma_start3A_661 : memref<1x64xf32, #tpu.memory_space<vmem>> -> memref<64xf32, #tpu.memory_space<vmem>>
    tpu.enqueue_dma source(%dma_start3A_662 : memref<64xf32, #tpu.memory_space<vmem>>) target(%dma_start3A_659 : memref<64xf32, #tpu.memory_space<any>>) target_semaphore(%arg6 : memref<!tpu.dma_semaphore, #tpu.memory_space<semaphore_mem>>)
    %dma_wait3A = arith.constant 0 : i32
    %dma_wait3A_663 = arith.constant 0 : i32
    %dma_wait3A_664 = arith.constant 0 : i32
    %dma_wait3A_665 = arith.constant 0 : i32
    %dma_wait3A_666 = arith.constant 0 : i32
    %dma_wait3A_667 = tpu.memref_slice %arg4[%dma_wait3A_663, %dma_wait3A_664, %dma_wait3A_665, %dma_wait3A_666] : memref<64x64x64x64xf32, #tpu.memory_space<any>> -> memref<1x1x1x64xf32, #tpu.memory_space<any>>
    %dma_wait3A_668 = tpu.memref_squeeze %dma_wait3A_667 : memref<1x1x1x64xf32, #tpu.memory_space<any>> -> memref<64xf32, #tpu.memory_space<any>>
    %dma_wait3A_669 = arith.constant 0 : i32
    %dma_wait3A_670 = tpu.memref_slice %arg5[%dma_wait3A, %dma_wait3A_669] : memref<64x64xf32, #tpu.memory_space<vmem>> -> memref<1x64xf32, #tpu.memory_space<vmem>>
    %dma_wait3A_671 = tpu.memref_squeeze %dma_wait3A_670 : memref<1x64xf32, #tpu.memory_space<vmem>> -> memref<64xf32, #tpu.memory_space<vmem>>
    tpu.wait_dma2 semaphore(%arg6 : memref<!tpu.dma_semaphore, #tpu.memory_space<semaphore_mem>>) src(%dma_wait3A_671 : memref<64xf32, #tpu.memory_space<vmem>>) dst(%dma_wait3A_668 : memref<64xf32, #tpu.memory_space<any>>)
    %dma_wait3A_672 = arith.constant 1 : i32
    %dma_wait3A_673 = arith.constant 1 : i32
    %dma_wait3A_674 = arith.constant 1 : i32
    %dma_wait3A_675 = arith.constant 1 : i32
    %dma_wait3A_676 = arith.constant 0 : i32
    %dma_wait3A_677 = tpu.memref_slice %arg4[%dma_wait3A_673, %dma_wait3A_674, %dma_wait3A_675, %dma_wait3A_676] : memref<64x64x64x64xf32, #tpu.memory_space<any>> -> memref<1x1x1x64xf32, #tpu.memory_space<any>>
    %dma_wait3A_678 = tpu.memref_squeeze %dma_wait3A_677 : memref<1x1x1x64xf32, #tpu.memory_space<any>> -> memref<64xf32, #tpu.memory_space<any>>
    %dma_wait3A_679 = arith.constant 0 : i32
    %dma_wait3A_680 = tpu.memref_slice %arg5[%dma_wait3A_672, %dma_wait3A_679] : memref<64x64xf32, #tpu.memory_space<vmem>> -> memref<1x64xf32, #tpu.memory_space<vmem>>
    %dma_wait3A_681 = tpu.memref_squeeze %dma_wait3A_680 : memref<1x64xf32, #tpu.memory_space<vmem>> -> memref<64xf32, #tpu.memory_space<vmem>>
    tpu.wait_dma2 semaphore(%arg6 : memref<!tpu.dma_semaphore, #tpu.memory_space<semaphore_mem>>) src(%dma_wait3A_681 : memref<64xf32, #tpu.memory_space<vmem>>) dst(%dma_wait3A_678 : memref<64xf32, #tpu.memory_space<any>>)
    %dma_wait3A_682 = arith.constant 2 : i32
    %dma_wait3A_683 = arith.constant 2 : i32
    %dma_wait3A_684 = arith.constant 2 : i32
    %dma_wait3A_685 = arith.constant 2 : i32
    %dma_wait3A_686 = arith.constant 0 : i32
    %dma_wait3A_687 = tpu.memref_slice %arg4[%dma_wait3A_683, %dma_wait3A_684, %dma_wait3A_685, %dma_wait3A_686] : memref<64x64x64x64xf32, #tpu.memory_space<any>> -> memref<1x1x1x64xf32, #tpu.memory_space<any>>
    %dma_wait3A_688 = tpu.memref_squeeze %dma_wait3A_687 : memref<1x1x1x64xf32, #tpu.memory_space<any>> -> memref<64xf32, #tpu.memory_space<any>>
    %dma_wait3A_689 = arith.constant 0 : i32
    %dma_wait3A_690 = tpu.memref_slice %arg5[%dma_wait3A_682, %dma_wait3A_689] : memref<64x64xf32, #tpu.memory_space<vmem>> -> memref<1x64xf32, #tpu.memory_space<vmem>>
    %dma_wait3A_691 = tpu.memref_squeeze %dma_wait3A_690 : memref<1x64xf32, #tpu.memory_space<vmem>> -> memref<64xf32, #tpu.memory_space<vmem>>
    tpu.wait_dma2 semaphore(%arg6 : memref<!tpu.dma_semaphore, #tpu.memory_space<semaphore_mem>>) src(%dma_wait3A_691 : memref<64xf32, #tpu.memory_space<vmem>>) dst(%dma_wait3A_688 : memref<64xf32, #tpu.memory_space<any>>)
    %dma_wait3A_692 = arith.constant 3 : i32
    %dma_wait3A_693 = arith.constant 3 : i32
    %dma_wait3A_694 = arith.constant 3 : i32
    %dma_wait3A_695 = arith.constant 3 : i32
    %dma_wait3A_696 = arith.constant 0 : i32
    %dma_wait3A_697 = tpu.memref_slice %arg4[%dma_wait3A_693, %dma_wait3A_694, %dma_wait3A_695, %dma_wait3A_696] : memref<64x64x64x64xf32, #tpu.memory_space<any>> -> memref<1x1x1x64xf32, #tpu.memory_space<any>>
    %dma_wait3A_698 = tpu.memref_squeeze %dma_wait3A_697 : memref<1x1x1x64xf32, #tpu.memory_space<any>> -> memref<64xf32, #tpu.memory_space<any>>
    %dma_wait3A_699 = arith.constant 0 : i32
    %dma_wait3A_700 = tpu.memref_slice %arg5[%dma_wait3A_692, %dma_wait3A_699] : memref<64x64xf32, #tpu.memory_space<vmem>> -> memref<1x64xf32, #tpu.memory_space<vmem>>
    %dma_wait3A_701 = tpu.memref_squeeze %dma_wait3A_700 : memref<1x64xf32, #tpu.memory_space<vmem>> -> memref<64xf32, #tpu.memory_space<vmem>>
    tpu.wait_dma2 semaphore(%arg6 : memref<!tpu.dma_semaphore, #tpu.memory_space<semaphore_mem>>) src(%dma_wait3A_701 : memref<64xf32, #tpu.memory_space<vmem>>) dst(%dma_wait3A_698 : memref<64xf32, #tpu.memory_space<any>>)
    %dma_wait3A_702 = arith.constant 4 : i32
    %dma_wait3A_703 = arith.constant 4 : i32
    %dma_wait3A_704 = arith.constant 4 : i32
    %dma_wait3A_705 = arith.constant 4 : i32
    %dma_wait3A_706 = arith.constant 0 : i32
    %dma_wait3A_707 = tpu.memref_slice %arg4[%dma_wait3A_703, %dma_wait3A_704, %dma_wait3A_705, %dma_wait3A_706] : memref<64x64x64x64xf32, #tpu.memory_space<any>> -> memref<1x1x1x64xf32, #tpu.memory_space<any>>
    %dma_wait3A_708 = tpu.memref_squeeze %dma_wait3A_707 : memref<1x1x1x64xf32, #tpu.memory_space<any>> -> memref<64xf32, #tpu.memory_space<any>>
    %dma_wait3A_709 = arith.constant 0 : i32
    %dma_wait3A_710 = tpu.memref_slice %arg5[%dma_wait3A_702, %dma_wait3A_709] : memref<64x64xf32, #tpu.memory_space<vmem>> -> memref<1x64xf32, #tpu.memory_space<vmem>>
    %dma_wait3A_711 = tpu.memref_squeeze %dma_wait3A_710 : memref<1x64xf32, #tpu.memory_space<vmem>> -> memref<64xf32, #tpu.memory_space<vmem>>
    tpu.wait_dma2 semaphore(%arg6 : memref<!tpu.dma_semaphore, #tpu.memory_space<semaphore_mem>>) src(%dma_wait3A_711 : memref<64xf32, #tpu.memory_space<vmem>>) dst(%dma_wait3A_708 : memref<64xf32, #tpu.memory_space<any>>)
    %dma_wait3A_712 = arith.constant 5 : i32
    %dma_wait3A_713 = arith.constant 5 : i32
    %dma_wait3A_714 = arith.constant 5 : i32
    %dma_wait3A_715 = arith.constant 5 : i32
    %dma_wait3A_716 = arith.constant 0 : i32
    %dma_wait3A_717 = tpu.memref_slice %arg4[%dma_wait3A_713, %dma_wait3A_714, %dma_wait3A_715, %dma_wait3A_716] : memref<64x64x64x64xf32, #tpu.memory_space<any>> -> memref<1x1x1x64xf32, #tpu.memory_space<any>>
    %dma_wait3A_718 = tpu.memref_squeeze %dma_wait3A_717 : memref<1x1x1x64xf32, #tpu.memory_space<any>> -> memref<64xf32, #tpu.memory_space<any>>
    %dma_wait3A_719 = arith.constant 0 : i32
    %dma_wait3A_720 = tpu.memref_slice %arg5[%dma_wait3A_712, %dma_wait3A_719] : memref<64x64xf32, #tpu.memory_space<vmem>> -> memref<1x64xf32, #tpu.memory_space<vmem>>
    %dma_wait3A_721 = tpu.memref_squeeze %dma_wait3A_720 : memref<1x64xf32, #tpu.memory_space<vmem>> -> memref<64xf32, #tpu.memory_space<vmem>>
    tpu.wait_dma2 semaphore(%arg6 : memref<!tpu.dma_semaphore, #tpu.memory_space<semaphore_mem>>) src(%dma_wait3A_721 : memref<64xf32, #tpu.memory_space<vmem>>) dst(%dma_wait3A_718 : memref<64xf32, #tpu.memory_space<any>>)
    %dma_wait3A_722 = arith.constant 6 : i32
    %dma_wait3A_723 = arith.constant 6 : i32
    %dma_wait3A_724 = arith.constant 6 : i32
    %dma_wait3A_725 = arith.constant 6 : i32
    %dma_wait3A_726 = arith.constant 0 : i32
    %dma_wait3A_727 = tpu.memref_slice %arg4[%dma_wait3A_723, %dma_wait3A_724, %dma_wait3A_725, %dma_wait3A_726] : memref<64x64x64x64xf32, #tpu.memory_space<any>> -> memref<1x1x1x64xf32, #tpu.memory_space<any>>
    %dma_wait3A_728 = tpu.memref_squeeze %dma_wait3A_727 : memref<1x1x1x64xf32, #tpu.memory_space<any>> -> memref<64xf32, #tpu.memory_space<any>>
    %dma_wait3A_729 = arith.constant 0 : i32
    %dma_wait3A_730 = tpu.memref_slice %arg5[%dma_wait3A_722, %dma_wait3A_729] : memref<64x64xf32, #tpu.memory_space<vmem>> -> memref<1x64xf32, #tpu.memory_space<vmem>>
    %dma_wait3A_731 = tpu.memref_squeeze %dma_wait3A_730 : memref<1x64xf32, #tpu.memory_space<vmem>> -> memref<64xf32, #tpu.memory_space<vmem>>
    tpu.wait_dma2 semaphore(%arg6 : memref<!tpu.dma_semaphore, #tpu.memory_space<semaphore_mem>>) src(%dma_wait3A_731 : memref<64xf32, #tpu.memory_space<vmem>>) dst(%dma_wait3A_728 : memref<64xf32, #tpu.memory_space<any>>)
    %dma_wait3A_732 = arith.constant 7 : i32
    %dma_wait3A_733 = arith.constant 7 : i32
    %dma_wait3A_734 = arith.constant 7 : i32
    %dma_wait3A_735 = arith.constant 7 : i32
    %dma_wait3A_736 = arith.constant 0 : i32
    %dma_wait3A_737 = tpu.memref_slice %arg4[%dma_wait3A_733, %dma_wait3A_734, %dma_wait3A_735, %dma_wait3A_736] : memref<64x64x64x64xf32, #tpu.memory_space<any>> -> memref<1x1x1x64xf32, #tpu.memory_space<any>>
    %dma_wait3A_738 = tpu.memref_squeeze %dma_wait3A_737 : memref<1x1x1x64xf32, #tpu.memory_space<any>> -> memref<64xf32, #tpu.memory_space<any>>
    %dma_wait3A_739 = arith.constant 0 : i32
    %dma_wait3A_740 = tpu.memref_slice %arg5[%dma_wait3A_732, %dma_wait3A_739] : memref<64x64xf32, #tpu.memory_space<vmem>> -> memref<1x64xf32, #tpu.memory_space<vmem>>
    %dma_wait3A_741 = tpu.memref_squeeze %dma_wait3A_740 : memref<1x64xf32, #tpu.memory_space<vmem>> -> memref<64xf32, #tpu.memory_space<vmem>>
    tpu.wait_dma2 semaphore(%arg6 : memref<!tpu.dma_semaphore, #tpu.memory_space<semaphore_mem>>) src(%dma_wait3A_741 : memref<64xf32, #tpu.memory_space<vmem>>) dst(%dma_wait3A_738 : memref<64xf32, #tpu.memory_space<any>>)
    %dma_wait3A_742 = arith.constant 8 : i32
    %dma_wait3A_743 = arith.constant 8 : i32
    %dma_wait3A_744 = arith.constant 8 : i32
    %dma_wait3A_745 = arith.constant 8 : i32
    %dma_wait3A_746 = arith.constant 0 : i32
    %dma_wait3A_747 = tpu.memref_slice %arg4[%dma_wait3A_743, %dma_wait3A_744, %dma_wait3A_745, %dma_wait3A_746] : memref<64x64x64x64xf32, #tpu.memory_space<any>> -> memref<1x1x1x64xf32, #tpu.memory_space<any>>
    %dma_wait3A_748 = tpu.memref_squeeze %dma_wait3A_747 : memref<1x1x1x64xf32, #tpu.memory_space<any>> -> memref<64xf32, #tpu.memory_space<any>>
    %dma_wait3A_749 = arith.constant 0 : i32
    %dma_wait3A_750 = tpu.memref_slice %arg5[%dma_wait3A_742, %dma_wait3A_749] : memref<64x64xf32, #tpu.memory_space<vmem>> -> memref<1x64xf32, #tpu.memory_space<vmem>>
    %dma_wait3A_751 = tpu.memref_squeeze %dma_wait3A_750 : memref<1x64xf32, #tpu.memory_space<vmem>> -> memref<64xf32, #tpu.memory_space<vmem>>
    tpu.wait_dma2 semaphore(%arg6 : memref<!tpu.dma_semaphore, #tpu.memory_space<semaphore_mem>>) src(%dma_wait3A_751 : memref<64xf32, #tpu.memory_space<vmem>>) dst(%dma_wait3A_748 : memref<64xf32, #tpu.memory_space<any>>)
    %dma_wait3A_752 = arith.constant 9 : i32
    %dma_wait3A_753 = arith.constant 9 : i32
    %dma_wait3A_754 = arith.constant 9 : i32
    %dma_wait3A_755 = arith.constant 9 : i32
    %dma_wait3A_756 = arith.constant 0 : i32
    %dma_wait3A_757 = tpu.memref_slice %arg4[%dma_wait3A_753, %dma_wait3A_754, %dma_wait3A_755, %dma_wait3A_756] : memref<64x64x64x64xf32, #tpu.memory_space<any>> -> memref<1x1x1x64xf32, #tpu.memory_space<any>>
    %dma_wait3A_758 = tpu.memref_squeeze %dma_wait3A_757 : memref<1x1x1x64xf32, #tpu.memory_space<any>> -> memref<64xf32, #tpu.memory_space<any>>
    %dma_wait3A_759 = arith.constant 0 : i32
    %dma_wait3A_760 = tpu.memref_slice %arg5[%dma_wait3A_752, %dma_wait3A_759] : memref<64x64xf32, #tpu.memory_space<vmem>> -> memref<1x64xf32, #tpu.memory_space<vmem>>
    %dma_wait3A_761 = tpu.memref_squeeze %dma_wait3A_760 : memref<1x64xf32, #tpu.memory_space<vmem>> -> memref<64xf32, #tpu.memory_space<vmem>>
    tpu.wait_dma2 semaphore(%arg6 : memref<!tpu.dma_semaphore, #tpu.memory_space<semaphore_mem>>) src(%dma_wait3A_761 : memref<64xf32, #tpu.memory_space<vmem>>) dst(%dma_wait3A_758 : memref<64xf32, #tpu.memory_space<any>>)
    %dma_wait3A_762 = arith.constant 10 : i32
    %dma_wait3A_763 = arith.constant 10 : i32
    %dma_wait3A_764 = arith.constant 10 : i32
    %dma_wait3A_765 = arith.constant 10 : i32
    %dma_wait3A_766 = arith.constant 0 : i32
    %dma_wait3A_767 = tpu.memref_slice %arg4[%dma_wait3A_763, %dma_wait3A_764, %dma_wait3A_765, %dma_wait3A_766] : memref<64x64x64x64xf32, #tpu.memory_space<any>> -> memref<1x1x1x64xf32, #tpu.memory_space<any>>
    %dma_wait3A_768 = tpu.memref_squeeze %dma_wait3A_767 : memref<1x1x1x64xf32, #tpu.memory_space<any>> -> memref<64xf32, #tpu.memory_space<any>>
    %dma_wait3A_769 = arith.constant 0 : i32
    %dma_wait3A_770 = tpu.memref_slice %arg5[%dma_wait3A_762, %dma_wait3A_769] : memref<64x64xf32, #tpu.memory_space<vmem>> -> memref<1x64xf32, #tpu.memory_space<vmem>>
    %dma_wait3A_771 = tpu.memref_squeeze %dma_wait3A_770 : memref<1x64xf32, #tpu.memory_space<vmem>> -> memref<64xf32, #tpu.memory_space<vmem>>
    tpu.wait_dma2 semaphore(%arg6 : memref<!tpu.dma_semaphore, #tpu.memory_space<semaphore_mem>>) src(%dma_wait3A_771 : memref<64xf32, #tpu.memory_space<vmem>>) dst(%dma_wait3A_768 : memref<64xf32, #tpu.memory_space<any>>)
    %dma_wait3A_772 = arith.constant 11 : i32
    %dma_wait3A_773 = arith.constant 11 : i32
    %dma_wait3A_774 = arith.constant 11 : i32
    %dma_wait3A_775 = arith.constant 11 : i32
    %dma_wait3A_776 = arith.constant 0 : i32
    %dma_wait3A_777 = tpu.memref_slice %arg4[%dma_wait3A_773, %dma_wait3A_774, %dma_wait3A_775, %dma_wait3A_776] : memref<64x64x64x64xf32, #tpu.memory_space<any>> -> memref<1x1x1x64xf32, #tpu.memory_space<any>>
    %dma_wait3A_778 = tpu.memref_squeeze %dma_wait3A_777 : memref<1x1x1x64xf32, #tpu.memory_space<any>> -> memref<64xf32, #tpu.memory_space<any>>
    %dma_wait3A_779 = arith.constant 0 : i32
    %dma_wait3A_780 = tpu.memref_slice %arg5[%dma_wait3A_772, %dma_wait3A_779] : memref<64x64xf32, #tpu.memory_space<vmem>> -> memref<1x64xf32, #tpu.memory_space<vmem>>
    %dma_wait3A_781 = tpu.memref_squeeze %dma_wait3A_780 : memref<1x64xf32, #tpu.memory_space<vmem>> -> memref<64xf32, #tpu.memory_space<vmem>>
    tpu.wait_dma2 semaphore(%arg6 : memref<!tpu.dma_semaphore, #tpu.memory_space<semaphore_mem>>) src(%dma_wait3A_781 : memref<64xf32, #tpu.memory_space<vmem>>) dst(%dma_wait3A_778 : memref<64xf32, #tpu.memory_space<any>>)
    %dma_wait3A_782 = arith.constant 12 : i32
    %dma_wait3A_783 = arith.constant 12 : i32
    %dma_wait3A_784 = arith.constant 12 : i32
    %dma_wait3A_785 = arith.constant 12 : i32
    %dma_wait3A_786 = arith.constant 0 : i32
    %dma_wait3A_787 = tpu.memref_slice %arg4[%dma_wait3A_783, %dma_wait3A_784, %dma_wait3A_785, %dma_wait3A_786] : memref<64x64x64x64xf32, #tpu.memory_space<any>> -> memref<1x1x1x64xf32, #tpu.memory_space<any>>
    %dma_wait3A_788 = tpu.memref_squeeze %dma_wait3A_787 : memref<1x1x1x64xf32, #tpu.memory_space<any>> -> memref<64xf32, #tpu.memory_space<any>>
    %dma_wait3A_789 = arith.constant 0 : i32
    %dma_wait3A_790 = tpu.memref_slice %arg5[%dma_wait3A_782, %dma_wait3A_789] : memref<64x64xf32, #tpu.memory_space<vmem>> -> memref<1x64xf32, #tpu.memory_space<vmem>>
    %dma_wait3A_791 = tpu.memref_squeeze %dma_wait3A_790 : memref<1x64xf32, #tpu.memory_space<vmem>> -> memref<64xf32, #tpu.memory_space<vmem>>
    tpu.wait_dma2 semaphore(%arg6 : memref<!tpu.dma_semaphore, #tpu.memory_space<semaphore_mem>>) src(%dma_wait3A_791 : memref<64xf32, #tpu.memory_space<vmem>>) dst(%dma_wait3A_788 : memref<64xf32, #tpu.memory_space<any>>)
    %dma_wait3A_792 = arith.constant 13 : i32
    %dma_wait3A_793 = arith.constant 13 : i32
    %dma_wait3A_794 = arith.constant 13 : i32
    %dma_wait3A_795 = arith.constant 13 : i32
    %dma_wait3A_796 = arith.constant 0 : i32
    %dma_wait3A_797 = tpu.memref_slice %arg4[%dma_wait3A_793, %dma_wait3A_794, %dma_wait3A_795, %dma_wait3A_796] : memref<64x64x64x64xf32, #tpu.memory_space<any>> -> memref<1x1x1x64xf32, #tpu.memory_space<any>>
    %dma_wait3A_798 = tpu.memref_squeeze %dma_wait3A_797 : memref<1x1x1x64xf32, #tpu.memory_space<any>> -> memref<64xf32, #tpu.memory_space<any>>
    %dma_wait3A_799 = arith.constant 0 : i32
    %dma_wait3A_800 = tpu.memref_slice %arg5[%dma_wait3A_792, %dma_wait3A_799] : memref<64x64xf32, #tpu.memory_space<vmem>> -> memref<1x64xf32, #tpu.memory_space<vmem>>
    %dma_wait3A_801 = tpu.memref_squeeze %dma_wait3A_800 : memref<1x64xf32, #tpu.memory_space<vmem>> -> memref<64xf32, #tpu.memory_space<vmem>>
    tpu.wait_dma2 semaphore(%arg6 : memref<!tpu.dma_semaphore, #tpu.memory_space<semaphore_mem>>) src(%dma_wait3A_801 : memref<64xf32, #tpu.memory_space<vmem>>) dst(%dma_wait3A_798 : memref<64xf32, #tpu.memory_space<any>>)
    %dma_wait3A_802 = arith.constant 14 : i32
    %dma_wait3A_803 = arith.constant 14 : i32
    %dma_wait3A_804 = arith.constant 14 : i32
    %dma_wait3A_805 = arith.constant 14 : i32
    %dma_wait3A_806 = arith.constant 0 : i32
    %dma_wait3A_807 = tpu.memref_slice %arg4[%dma_wait3A_803, %dma_wait3A_804, %dma_wait3A_805, %dma_wait3A_806] : memref<64x64x64x64xf32, #tpu.memory_space<any>> -> memref<1x1x1x64xf32, #tpu.memory_space<any>>
    %dma_wait3A_808 = tpu.memref_squeeze %dma_wait3A_807 : memref<1x1x1x64xf32, #tpu.memory_space<any>> -> memref<64xf32, #tpu.memory_space<any>>
    %dma_wait3A_809 = arith.constant 0 : i32
    %dma_wait3A_810 = tpu.memref_slice %arg5[%dma_wait3A_802, %dma_wait3A_809] : memref<64x64xf32, #tpu.memory_space<vmem>> -> memref<1x64xf32, #tpu.memory_space<vmem>>
    %dma_wait3A_811 = tpu.memref_squeeze %dma_wait3A_810 : memref<1x64xf32, #tpu.memory_space<vmem>> -> memref<64xf32, #tpu.memory_space<vmem>>
    tpu.wait_dma2 semaphore(%arg6 : memref<!tpu.dma_semaphore, #tpu.memory_space<semaphore_mem>>) src(%dma_wait3A_811 : memref<64xf32, #tpu.memory_space<vmem>>) dst(%dma_wait3A_808 : memref<64xf32, #tpu.memory_space<any>>)
    %dma_wait3A_812 = arith.constant 15 : i32
    %dma_wait3A_813 = arith.constant 15 : i32
    %dma_wait3A_814 = arith.constant 15 : i32
    %dma_wait3A_815 = arith.constant 15 : i32
    %dma_wait3A_816 = arith.constant 0 : i32
    %dma_wait3A_817 = tpu.memref_slice %arg4[%dma_wait3A_813, %dma_wait3A_814, %dma_wait3A_815, %dma_wait3A_816] : memref<64x64x64x64xf32, #tpu.memory_space<any>> -> memref<1x1x1x64xf32, #tpu.memory_space<any>>
    %dma_wait3A_818 = tpu.memref_squeeze %dma_wait3A_817 : memref<1x1x1x64xf32, #tpu.memory_space<any>> -> memref<64xf32, #tpu.memory_space<any>>
    %dma_wait3A_819 = arith.constant 0 : i32
    %dma_wait3A_820 = tpu.memref_slice %arg5[%dma_wait3A_812, %dma_wait3A_819] : memref<64x64xf32, #tpu.memory_space<vmem>> -> memref<1x64xf32, #tpu.memory_space<vmem>>
    %dma_wait3A_821 = tpu.memref_squeeze %dma_wait3A_820 : memref<1x64xf32, #tpu.memory_space<vmem>> -> memref<64xf32, #tpu.memory_space<vmem>>
    tpu.wait_dma2 semaphore(%arg6 : memref<!tpu.dma_semaphore, #tpu.memory_space<semaphore_mem>>) src(%dma_wait3A_821 : memref<64xf32, #tpu.memory_space<vmem>>) dst(%dma_wait3A_818 : memref<64xf32, #tpu.memory_space<any>>)
    %dma_wait3A_822 = arith.constant 16 : i32
    %dma_wait3A_823 = arith.constant 16 : i32
    %dma_wait3A_824 = arith.constant 16 : i32
    %dma_wait3A_825 = arith.constant 16 : i32
    %dma_wait3A_826 = arith.constant 0 : i32
    %dma_wait3A_827 = tpu.memref_slice %arg4[%dma_wait3A_823, %dma_wait3A_824, %dma_wait3A_825, %dma_wait3A_826] : memref<64x64x64x64xf32, #tpu.memory_space<any>> -> memref<1x1x1x64xf32, #tpu.memory_space<any>>
    %dma_wait3A_828 = tpu.memref_squeeze %dma_wait3A_827 : memref<1x1x1x64xf32, #tpu.memory_space<any>> -> memref<64xf32, #tpu.memory_space<any>>
    %dma_wait3A_829 = arith.constant 0 : i32
    %dma_wait3A_830 = tpu.memref_slice %arg5[%dma_wait3A_822, %dma_wait3A_829] : memref<64x64xf32, #tpu.memory_space<vmem>> -> memref<1x64xf32, #tpu.memory_space<vmem>>
    %dma_wait3A_831 = tpu.memref_squeeze %dma_wait3A_830 : memref<1x64xf32, #tpu.memory_space<vmem>> -> memref<64xf32, #tpu.memory_space<vmem>>
    tpu.wait_dma2 semaphore(%arg6 : memref<!tpu.dma_semaphore, #tpu.memory_space<semaphore_mem>>) src(%dma_wait3A_831 : memref<64xf32, #tpu.memory_space<vmem>>) dst(%dma_wait3A_828 : memref<64xf32, #tpu.memory_space<any>>)
    %dma_wait3A_832 = arith.constant 17 : i32
    %dma_wait3A_833 = arith.constant 17 : i32
    %dma_wait3A_834 = arith.constant 17 : i32
    %dma_wait3A_835 = arith.constant 17 : i32
    %dma_wait3A_836 = arith.constant 0 : i32
    %dma_wait3A_837 = tpu.memref_slice %arg4[%dma_wait3A_833, %dma_wait3A_834, %dma_wait3A_835, %dma_wait3A_836] : memref<64x64x64x64xf32, #tpu.memory_space<any>> -> memref<1x1x1x64xf32, #tpu.memory_space<any>>
    %dma_wait3A_838 = tpu.memref_squeeze %dma_wait3A_837 : memref<1x1x1x64xf32, #tpu.memory_space<any>> -> memref<64xf32, #tpu.memory_space<any>>
    %dma_wait3A_839 = arith.constant 0 : i32
    %dma_wait3A_840 = tpu.memref_slice %arg5[%dma_wait3A_832, %dma_wait3A_839] : memref<64x64xf32, #tpu.memory_space<vmem>> -> memref<1x64xf32, #tpu.memory_space<vmem>>
    %dma_wait3A_841 = tpu.memref_squeeze %dma_wait3A_840 : memref<1x64xf32, #tpu.memory_space<vmem>> -> memref<64xf32, #tpu.memory_space<vmem>>
    tpu.wait_dma2 semaphore(%arg6 : memref<!tpu.dma_semaphore, #tpu.memory_space<semaphore_mem>>) src(%dma_wait3A_841 : memref<64xf32, #tpu.memory_space<vmem>>) dst(%dma_wait3A_838 : memref<64xf32, #tpu.memory_space<any>>)
    %dma_wait3A_842 = arith.constant 18 : i32
    %dma_wait3A_843 = arith.constant 18 : i32
    %dma_wait3A_844 = arith.constant 18 : i32
    %dma_wait3A_845 = arith.constant 18 : i32
    %dma_wait3A_846 = arith.constant 0 : i32
    %dma_wait3A_847 = tpu.memref_slice %arg4[%dma_wait3A_843, %dma_wait3A_844, %dma_wait3A_845, %dma_wait3A_846] : memref<64x64x64x64xf32, #tpu.memory_space<any>> -> memref<1x1x1x64xf32, #tpu.memory_space<any>>
    %dma_wait3A_848 = tpu.memref_squeeze %dma_wait3A_847 : memref<1x1x1x64xf32, #tpu.memory_space<any>> -> memref<64xf32, #tpu.memory_space<any>>
    %dma_wait3A_849 = arith.constant 0 : i32
    %dma_wait3A_850 = tpu.memref_slice %arg5[%dma_wait3A_842, %dma_wait3A_849] : memref<64x64xf32, #tpu.memory_space<vmem>> -> memref<1x64xf32, #tpu.memory_space<vmem>>
    %dma_wait3A_851 = tpu.memref_squeeze %dma_wait3A_850 : memref<1x64xf32, #tpu.memory_space<vmem>> -> memref<64xf32, #tpu.memory_space<vmem>>
    tpu.wait_dma2 semaphore(%arg6 : memref<!tpu.dma_semaphore, #tpu.memory_space<semaphore_mem>>) src(%dma_wait3A_851 : memref<64xf32, #tpu.memory_space<vmem>>) dst(%dma_wait3A_848 : memref<64xf32, #tpu.memory_space<any>>)
    %dma_wait3A_852 = arith.constant 19 : i32
    %dma_wait3A_853 = arith.constant 19 : i32
    %dma_wait3A_854 = arith.constant 19 : i32
    %dma_wait3A_855 = arith.constant 19 : i32
    %dma_wait3A_856 = arith.constant 0 : i32
    %dma_wait3A_857 = tpu.memref_slice %arg4[%dma_wait3A_853, %dma_wait3A_854, %dma_wait3A_855, %dma_wait3A_856] : memref<64x64x64x64xf32, #tpu.memory_space<any>> -> memref<1x1x1x64xf32, #tpu.memory_space<any>>
    %dma_wait3A_858 = tpu.memref_squeeze %dma_wait3A_857 : memref<1x1x1x64xf32, #tpu.memory_space<any>> -> memref<64xf32, #tpu.memory_space<any>>
    %dma_wait3A_859 = arith.constant 0 : i32
    %dma_wait3A_860 = tpu.memref_slice %arg5[%dma_wait3A_852, %dma_wait3A_859] : memref<64x64xf32, #tpu.memory_space<vmem>> -> memref<1x64xf32, #tpu.memory_space<vmem>>
    %dma_wait3A_861 = tpu.memref_squeeze %dma_wait3A_860 : memref<1x64xf32, #tpu.memory_space<vmem>> -> memref<64xf32, #tpu.memory_space<vmem>>
    tpu.wait_dma2 semaphore(%arg6 : memref<!tpu.dma_semaphore, #tpu.memory_space<semaphore_mem>>) src(%dma_wait3A_861 : memref<64xf32, #tpu.memory_space<vmem>>) dst(%dma_wait3A_858 : memref<64xf32, #tpu.memory_space<any>>)
    %dma_wait3A_862 = arith.constant 20 : i32
    %dma_wait3A_863 = arith.constant 20 : i32
    %dma_wait3A_864 = arith.constant 20 : i32
    %dma_wait3A_865 = arith.constant 20 : i32
    %dma_wait3A_866 = arith.constant 0 : i32
    %dma_wait3A_867 = tpu.memref_slice %arg4[%dma_wait3A_863, %dma_wait3A_864, %dma_wait3A_865, %dma_wait3A_866] : memref<64x64x64x64xf32, #tpu.memory_space<any>> -> memref<1x1x1x64xf32, #tpu.memory_space<any>>
    %dma_wait3A_868 = tpu.memref_squeeze %dma_wait3A_867 : memref<1x1x1x64xf32, #tpu.memory_space<any>> -> memref<64xf32, #tpu.memory_space<any>>
    %dma_wait3A_869 = arith.constant 0 : i32
    %dma_wait3A_870 = tpu.memref_slice %arg5[%dma_wait3A_862, %dma_wait3A_869] : memref<64x64xf32, #tpu.memory_space<vmem>> -> memref<1x64xf32, #tpu.memory_space<vmem>>
    %dma_wait3A_871 = tpu.memref_squeeze %dma_wait3A_870 : memref<1x64xf32, #tpu.memory_space<vmem>> -> memref<64xf32, #tpu.memory_space<vmem>>
    tpu.wait_dma2 semaphore(%arg6 : memref<!tpu.dma_semaphore, #tpu.memory_space<semaphore_mem>>) src(%dma_wait3A_871 : memref<64xf32, #tpu.memory_space<vmem>>) dst(%dma_wait3A_868 : memref<64xf32, #tpu.memory_space<any>>)
    %dma_wait3A_872 = arith.constant 21 : i32
    %dma_wait3A_873 = arith.constant 21 : i32
    %dma_wait3A_874 = arith.constant 21 : i32
    %dma_wait3A_875 = arith.constant 21 : i32
    %dma_wait3A_876 = arith.constant 0 : i32
    %dma_wait3A_877 = tpu.memref_slice %arg4[%dma_wait3A_873, %dma_wait3A_874, %dma_wait3A_875, %dma_wait3A_876] : memref<64x64x64x64xf32, #tpu.memory_space<any>> -> memref<1x1x1x64xf32, #tpu.memory_space<any>>
    %dma_wait3A_878 = tpu.memref_squeeze %dma_wait3A_877 : memref<1x1x1x64xf32, #tpu.memory_space<any>> -> memref<64xf32, #tpu.memory_space<any>>
    %dma_wait3A_879 = arith.constant 0 : i32
    %dma_wait3A_880 = tpu.memref_slice %arg5[%dma_wait3A_872, %dma_wait3A_879] : memref<64x64xf32, #tpu.memory_space<vmem>> -> memref<1x64xf32, #tpu.memory_space<vmem>>
    %dma_wait3A_881 = tpu.memref_squeeze %dma_wait3A_880 : memref<1x64xf32, #tpu.memory_space<vmem>> -> memref<64xf32, #tpu.memory_space<vmem>>
    tpu.wait_dma2 semaphore(%arg6 : memref<!tpu.dma_semaphore, #tpu.memory_space<semaphore_mem>>) src(%dma_wait3A_881 : memref<64xf32, #tpu.memory_space<vmem>>) dst(%dma_wait3A_878 : memref<64xf32, #tpu.memory_space<any>>)
    %dma_wait3A_882 = arith.constant 22 : i32
    %dma_wait3A_883 = arith.constant 22 : i32
    %dma_wait3A_884 = arith.constant 22 : i32
    %dma_wait3A_885 = arith.constant 22 : i32
    %dma_wait3A_886 = arith.constant 0 : i32
    %dma_wait3A_887 = tpu.memref_slice %arg4[%dma_wait3A_883, %dma_wait3A_884, %dma_wait3A_885, %dma_wait3A_886] : memref<64x64x64x64xf32, #tpu.memory_space<any>> -> memref<1x1x1x64xf32, #tpu.memory_space<any>>
    %dma_wait3A_888 = tpu.memref_squeeze %dma_wait3A_887 : memref<1x1x1x64xf32, #tpu.memory_space<any>> -> memref<64xf32, #tpu.memory_space<any>>
    %dma_wait3A_889 = arith.constant 0 : i32
    %dma_wait3A_890 = tpu.memref_slice %arg5[%dma_wait3A_882, %dma_wait3A_889] : memref<64x64xf32, #tpu.memory_space<vmem>> -> memref<1x64xf32, #tpu.memory_space<vmem>>
    %dma_wait3A_891 = tpu.memref_squeeze %dma_wait3A_890 : memref<1x64xf32, #tpu.memory_space<vmem>> -> memref<64xf32, #tpu.memory_space<vmem>>
    tpu.wait_dma2 semaphore(%arg6 : memref<!tpu.dma_semaphore, #tpu.memory_space<semaphore_mem>>) src(%dma_wait3A_891 : memref<64xf32, #tpu.memory_space<vmem>>) dst(%dma_wait3A_888 : memref<64xf32, #tpu.memory_space<any>>)
    %dma_wait3A_892 = arith.constant 23 : i32
    %dma_wait3A_893 = arith.constant 23 : i32
    %dma_wait3A_894 = arith.constant 23 : i32
    %dma_wait3A_895 = arith.constant 23 : i32
    %dma_wait3A_896 = arith.constant 0 : i32
    %dma_wait3A_897 = tpu.memref_slice %arg4[%dma_wait3A_893, %dma_wait3A_894, %dma_wait3A_895, %dma_wait3A_896] : memref<64x64x64x64xf32, #tpu.memory_space<any>> -> memref<1x1x1x64xf32, #tpu.memory_space<any>>
    %dma_wait3A_898 = tpu.memref_squeeze %dma_wait3A_897 : memref<1x1x1x64xf32, #tpu.memory_space<any>> -> memref<64xf32, #tpu.memory_space<any>>
    %dma_wait3A_899 = arith.constant 0 : i32
    %dma_wait3A_900 = tpu.memref_slice %arg5[%dma_wait3A_892, %dma_wait3A_899] : memref<64x64xf32, #tpu.memory_space<vmem>> -> memref<1x64xf32, #tpu.memory_space<vmem>>
    %dma_wait3A_901 = tpu.memref_squeeze %dma_wait3A_900 : memref<1x64xf32, #tpu.memory_space<vmem>> -> memref<64xf32, #tpu.memory_space<vmem>>
    tpu.wait_dma2 semaphore(%arg6 : memref<!tpu.dma_semaphore, #tpu.memory_space<semaphore_mem>>) src(%dma_wait3A_901 : memref<64xf32, #tpu.memory_space<vmem>>) dst(%dma_wait3A_898 : memref<64xf32, #tpu.memory_space<any>>)
    %dma_wait3A_902 = arith.constant 24 : i32
    %dma_wait3A_903 = arith.constant 24 : i32
    %dma_wait3A_904 = arith.constant 24 : i32
    %dma_wait3A_905 = arith.constant 24 : i32
    %dma_wait3A_906 = arith.constant 0 : i32
    %dma_wait3A_907 = tpu.memref_slice %arg4[%dma_wait3A_903, %dma_wait3A_904, %dma_wait3A_905, %dma_wait3A_906] : memref<64x64x64x64xf32, #tpu.memory_space<any>> -> memref<1x1x1x64xf32, #tpu.memory_space<any>>
    %dma_wait3A_908 = tpu.memref_squeeze %dma_wait3A_907 : memref<1x1x1x64xf32, #tpu.memory_space<any>> -> memref<64xf32, #tpu.memory_space<any>>
    %dma_wait3A_909 = arith.constant 0 : i32
    %dma_wait3A_910 = tpu.memref_slice %arg5[%dma_wait3A_902, %dma_wait3A_909] : memref<64x64xf32, #tpu.memory_space<vmem>> -> memref<1x64xf32, #tpu.memory_space<vmem>>
    %dma_wait3A_911 = tpu.memref_squeeze %dma_wait3A_910 : memref<1x64xf32, #tpu.memory_space<vmem>> -> memref<64xf32, #tpu.memory_space<vmem>>
    tpu.wait_dma2 semaphore(%arg6 : memref<!tpu.dma_semaphore, #tpu.memory_space<semaphore_mem>>) src(%dma_wait3A_911 : memref<64xf32, #tpu.memory_space<vmem>>) dst(%dma_wait3A_908 : memref<64xf32, #tpu.memory_space<any>>)
    %dma_wait3A_912 = arith.constant 25 : i32
    %dma_wait3A_913 = arith.constant 25 : i32
    %dma_wait3A_914 = arith.constant 25 : i32
    %dma_wait3A_915 = arith.constant 25 : i32
    %dma_wait3A_916 = arith.constant 0 : i32
    %dma_wait3A_917 = tpu.memref_slice %arg4[%dma_wait3A_913, %dma_wait3A_914, %dma_wait3A_915, %dma_wait3A_916] : memref<64x64x64x64xf32, #tpu.memory_space<any>> -> memref<1x1x1x64xf32, #tpu.memory_space<any>>
    %dma_wait3A_918 = tpu.memref_squeeze %dma_wait3A_917 : memref<1x1x1x64xf32, #tpu.memory_space<any>> -> memref<64xf32, #tpu.memory_space<any>>
    %dma_wait3A_919 = arith.constant 0 : i32
    %dma_wait3A_920 = tpu.memref_slice %arg5[%dma_wait3A_912, %dma_wait3A_919] : memref<64x64xf32, #tpu.memory_space<vmem>> -> memref<1x64xf32, #tpu.memory_space<vmem>>
    %dma_wait3A_921 = tpu.memref_squeeze %dma_wait3A_920 : memref<1x64xf32, #tpu.memory_space<vmem>> -> memref<64xf32, #tpu.memory_space<vmem>>
    tpu.wait_dma2 semaphore(%arg6 : memref<!tpu.dma_semaphore, #tpu.memory_space<semaphore_mem>>) src(%dma_wait3A_921 : memref<64xf32, #tpu.memory_space<vmem>>) dst(%dma_wait3A_918 : memref<64xf32, #tpu.memory_space<any>>)
    %dma_wait3A_922 = arith.constant 26 : i32
    %dma_wait3A_923 = arith.constant 26 : i32
    %dma_wait3A_924 = arith.constant 26 : i32
    %dma_wait3A_925 = arith.constant 26 : i32
    %dma_wait3A_926 = arith.constant 0 : i32
    %dma_wait3A_927 = tpu.memref_slice %arg4[%dma_wait3A_923, %dma_wait3A_924, %dma_wait3A_925, %dma_wait3A_926] : memref<64x64x64x64xf32, #tpu.memory_space<any>> -> memref<1x1x1x64xf32, #tpu.memory_space<any>>
    %dma_wait3A_928 = tpu.memref_squeeze %dma_wait3A_927 : memref<1x1x1x64xf32, #tpu.memory_space<any>> -> memref<64xf32, #tpu.memory_space<any>>
    %dma_wait3A_929 = arith.constant 0 : i32
    %dma_wait3A_930 = tpu.memref_slice %arg5[%dma_wait3A_922, %dma_wait3A_929] : memref<64x64xf32, #tpu.memory_space<vmem>> -> memref<1x64xf32, #tpu.memory_space<vmem>>
    %dma_wait3A_931 = tpu.memref_squeeze %dma_wait3A_930 : memref<1x64xf32, #tpu.memory_space<vmem>> -> memref<64xf32, #tpu.memory_space<vmem>>
    tpu.wait_dma2 semaphore(%arg6 : memref<!tpu.dma_semaphore, #tpu.memory_space<semaphore_mem>>) src(%dma_wait3A_931 : memref<64xf32, #tpu.memory_space<vmem>>) dst(%dma_wait3A_928 : memref<64xf32, #tpu.memory_space<any>>)
    %dma_wait3A_932 = arith.constant 27 : i32
    %dma_wait3A_933 = arith.constant 27 : i32
    %dma_wait3A_934 = arith.constant 27 : i32
    %dma_wait3A_935 = arith.constant 27 : i32
    %dma_wait3A_936 = arith.constant 0 : i32
    %dma_wait3A_937 = tpu.memref_slice %arg4[%dma_wait3A_933, %dma_wait3A_934, %dma_wait3A_935, %dma_wait3A_936] : memref<64x64x64x64xf32, #tpu.memory_space<any>> -> memref<1x1x1x64xf32, #tpu.memory_space<any>>
    %dma_wait3A_938 = tpu.memref_squeeze %dma_wait3A_937 : memref<1x1x1x64xf32, #tpu.memory_space<any>> -> memref<64xf32, #tpu.memory_space<any>>
    %dma_wait3A_939 = arith.constant 0 : i32
    %dma_wait3A_940 = tpu.memref_slice %arg5[%dma_wait3A_932, %dma_wait3A_939] : memref<64x64xf32, #tpu.memory_space<vmem>> -> memref<1x64xf32, #tpu.memory_space<vmem>>
    %dma_wait3A_941 = tpu.memref_squeeze %dma_wait3A_940 : memref<1x64xf32, #tpu.memory_space<vmem>> -> memref<64xf32, #tpu.memory_space<vmem>>
    tpu.wait_dma2 semaphore(%arg6 : memref<!tpu.dma_semaphore, #tpu.memory_space<semaphore_mem>>) src(%dma_wait3A_941 : memref<64xf32, #tpu.memory_space<vmem>>) dst(%dma_wait3A_938 : memref<64xf32, #tpu.memory_space<any>>)
    %dma_wait3A_942 = arith.constant 28 : i32
    %dma_wait3A_943 = arith.constant 28 : i32
    %dma_wait3A_944 = arith.constant 28 : i32
    %dma_wait3A_945 = arith.constant 28 : i32
    %dma_wait3A_946 = arith.constant 0 : i32
    %dma_wait3A_947 = tpu.memref_slice %arg4[%dma_wait3A_943, %dma_wait3A_944, %dma_wait3A_945, %dma_wait3A_946] : memref<64x64x64x64xf32, #tpu.memory_space<any>> -> memref<1x1x1x64xf32, #tpu.memory_space<any>>
    %dma_wait3A_948 = tpu.memref_squeeze %dma_wait3A_947 : memref<1x1x1x64xf32, #tpu.memory_space<any>> -> memref<64xf32, #tpu.memory_space<any>>
    %dma_wait3A_949 = arith.constant 0 : i32
    %dma_wait3A_950 = tpu.memref_slice %arg5[%dma_wait3A_942, %dma_wait3A_949] : memref<64x64xf32, #tpu.memory_space<vmem>> -> memref<1x64xf32, #tpu.memory_space<vmem>>
    %dma_wait3A_951 = tpu.memref_squeeze %dma_wait3A_950 : memref<1x64xf32, #tpu.memory_space<vmem>> -> memref<64xf32, #tpu.memory_space<vmem>>
    tpu.wait_dma2 semaphore(%arg6 : memref<!tpu.dma_semaphore, #tpu.memory_space<semaphore_mem>>) src(%dma_wait3A_951 : memref<64xf32, #tpu.memory_space<vmem>>) dst(%dma_wait3A_948 : memref<64xf32, #tpu.memory_space<any>>)
    %dma_wait3A_952 = arith.constant 29 : i32
    %dma_wait3A_953 = arith.constant 29 : i32
    %dma_wait3A_954 = arith.constant 29 : i32
    %dma_wait3A_955 = arith.constant 29 : i32
    %dma_wait3A_956 = arith.constant 0 : i32
    %dma_wait3A_957 = tpu.memref_slice %arg4[%dma_wait3A_953, %dma_wait3A_954, %dma_wait3A_955, %dma_wait3A_956] : memref<64x64x64x64xf32, #tpu.memory_space<any>> -> memref<1x1x1x64xf32, #tpu.memory_space<any>>
    %dma_wait3A_958 = tpu.memref_squeeze %dma_wait3A_957 : memref<1x1x1x64xf32, #tpu.memory_space<any>> -> memref<64xf32, #tpu.memory_space<any>>
    %dma_wait3A_959 = arith.constant 0 : i32
    %dma_wait3A_960 = tpu.memref_slice %arg5[%dma_wait3A_952, %dma_wait3A_959] : memref<64x64xf32, #tpu.memory_space<vmem>> -> memref<1x64xf32, #tpu.memory_space<vmem>>
    %dma_wait3A_961 = tpu.memref_squeeze %dma_wait3A_960 : memref<1x64xf32, #tpu.memory_space<vmem>> -> memref<64xf32, #tpu.memory_space<vmem>>
    tpu.wait_dma2 semaphore(%arg6 : memref<!tpu.dma_semaphore, #tpu.memory_space<semaphore_mem>>) src(%dma_wait3A_961 : memref<64xf32, #tpu.memory_space<vmem>>) dst(%dma_wait3A_958 : memref<64xf32, #tpu.memory_space<any>>)
    %dma_wait3A_962 = arith.constant 30 : i32
    %dma_wait3A_963 = arith.constant 30 : i32
    %dma_wait3A_964 = arith.constant 30 : i32
    %dma_wait3A_965 = arith.constant 30 : i32
    %dma_wait3A_966 = arith.constant 0 : i32
    %dma_wait3A_967 = tpu.memref_slice %arg4[%dma_wait3A_963, %dma_wait3A_964, %dma_wait3A_965, %dma_wait3A_966] : memref<64x64x64x64xf32, #tpu.memory_space<any>> -> memref<1x1x1x64xf32, #tpu.memory_space<any>>
    %dma_wait3A_968 = tpu.memref_squeeze %dma_wait3A_967 : memref<1x1x1x64xf32, #tpu.memory_space<any>> -> memref<64xf32, #tpu.memory_space<any>>
    %dma_wait3A_969 = arith.constant 0 : i32
    %dma_wait3A_970 = tpu.memref_slice %arg5[%dma_wait3A_962, %dma_wait3A_969] : memref<64x64xf32, #tpu.memory_space<vmem>> -> memref<1x64xf32, #tpu.memory_space<vmem>>
    %dma_wait3A_971 = tpu.memref_squeeze %dma_wait3A_970 : memref<1x64xf32, #tpu.memory_space<vmem>> -> memref<64xf32, #tpu.memory_space<vmem>>
    tpu.wait_dma2 semaphore(%arg6 : memref<!tpu.dma_semaphore, #tpu.memory_space<semaphore_mem>>) src(%dma_wait3A_971 : memref<64xf32, #tpu.memory_space<vmem>>) dst(%dma_wait3A_968 : memref<64xf32, #tpu.memory_space<any>>)
    %dma_wait3A_972 = arith.constant 31 : i32
    %dma_wait3A_973 = arith.constant 31 : i32
    %dma_wait3A_974 = arith.constant 31 : i32
    %dma_wait3A_975 = arith.constant 31 : i32
    %dma_wait3A_976 = arith.constant 0 : i32
    %dma_wait3A_977 = tpu.memref_slice %arg4[%dma_wait3A_973, %dma_wait3A_974, %dma_wait3A_975, %dma_wait3A_976] : memref<64x64x64x64xf32, #tpu.memory_space<any>> -> memref<1x1x1x64xf32, #tpu.memory_space<any>>
    %dma_wait3A_978 = tpu.memref_squeeze %dma_wait3A_977 : memref<1x1x1x64xf32, #tpu.memory_space<any>> -> memref<64xf32, #tpu.memory_space<any>>
    %dma_wait3A_979 = arith.constant 0 : i32
    %dma_wait3A_980 = tpu.memref_slice %arg5[%dma_wait3A_972, %dma_wait3A_979] : memref<64x64xf32, #tpu.memory_space<vmem>> -> memref<1x64xf32, #tpu.memory_space<vmem>>
    %dma_wait3A_981 = tpu.memref_squeeze %dma_wait3A_980 : memref<1x64xf32, #tpu.memory_space<vmem>> -> memref<64xf32, #tpu.memory_space<vmem>>
    tpu.wait_dma2 semaphore(%arg6 : memref<!tpu.dma_semaphore, #tpu.memory_space<semaphore_mem>>) src(%dma_wait3A_981 : memref<64xf32, #tpu.memory_space<vmem>>) dst(%dma_wait3A_978 : memref<64xf32, #tpu.memory_space<any>>)
    %dma_wait3A_982 = arith.constant 32 : i32
    %dma_wait3A_983 = arith.constant 32 : i32
    %dma_wait3A_984 = arith.constant 32 : i32
    %dma_wait3A_985 = arith.constant 32 : i32
    %dma_wait3A_986 = arith.constant 0 : i32
    %dma_wait3A_987 = tpu.memref_slice %arg4[%dma_wait3A_983, %dma_wait3A_984, %dma_wait3A_985, %dma_wait3A_986] : memref<64x64x64x64xf32, #tpu.memory_space<any>> -> memref<1x1x1x64xf32, #tpu.memory_space<any>>
    %dma_wait3A_988 = tpu.memref_squeeze %dma_wait3A_987 : memref<1x1x1x64xf32, #tpu.memory_space<any>> -> memref<64xf32, #tpu.memory_space<any>>
    %dma_wait3A_989 = arith.constant 0 : i32
    %dma_wait3A_990 = tpu.memref_slice %arg5[%dma_wait3A_982, %dma_wait3A_989] : memref<64x64xf32, #tpu.memory_space<vmem>> -> memref<1x64xf32, #tpu.memory_space<vmem>>
    %dma_wait3A_991 = tpu.memref_squeeze %dma_wait3A_990 : memref<1x64xf32, #tpu.memory_space<vmem>> -> memref<64xf32, #tpu.memory_space<vmem>>
    tpu.wait_dma2 semaphore(%arg6 : memref<!tpu.dma_semaphore, #tpu.memory_space<semaphore_mem>>) src(%dma_wait3A_991 : memref<64xf32, #tpu.memory_space<vmem>>) dst(%dma_wait3A_988 : memref<64xf32, #tpu.memory_space<any>>)
    %dma_wait3A_992 = arith.constant 33 : i32
    %dma_wait3A_993 = arith.constant 33 : i32
    %dma_wait3A_994 = arith.constant 33 : i32
    %dma_wait3A_995 = arith.constant 33 : i32
    %dma_wait3A_996 = arith.constant 0 : i32
    %dma_wait3A_997 = tpu.memref_slice %arg4[%dma_wait3A_993, %dma_wait3A_994, %dma_wait3A_995, %dma_wait3A_996] : memref<64x64x64x64xf32, #tpu.memory_space<any>> -> memref<1x1x1x64xf32, #tpu.memory_space<any>>
    %dma_wait3A_998 = tpu.memref_squeeze %dma_wait3A_997 : memref<1x1x1x64xf32, #tpu.memory_space<any>> -> memref<64xf32, #tpu.memory_space<any>>
    %dma_wait3A_999 = arith.constant 0 : i32
    %dma_wait3A_1000 = tpu.memref_slice %arg5[%dma_wait3A_992, %dma_wait3A_999] : memref<64x64xf32, #tpu.memory_space<vmem>> -> memref<1x64xf32, #tpu.memory_space<vmem>>
    %dma_wait3A_1001 = tpu.memref_squeeze %dma_wait3A_1000 : memref<1x64xf32, #tpu.memory_space<vmem>> -> memref<64xf32, #tpu.memory_space<vmem>>
    tpu.wait_dma2 semaphore(%arg6 : memref<!tpu.dma_semaphore, #tpu.memory_space<semaphore_mem>>) src(%dma_wait3A_1001 : memref<64xf32, #tpu.memory_space<vmem>>) dst(%dma_wait3A_998 : memref<64xf32, #tpu.memory_space<any>>)
    %dma_wait3A_1002 = arith.constant 34 : i32
    %dma_wait3A_1003 = arith.constant 34 : i32
    %dma_wait3A_1004 = arith.constant 34 : i32
    %dma_wait3A_1005 = arith.constant 34 : i32
    %dma_wait3A_1006 = arith.constant 0 : i32
    %dma_wait3A_1007 = tpu.memref_slice %arg4[%dma_wait3A_1003, %dma_wait3A_1004, %dma_wait3A_1005, %dma_wait3A_1006] : memref<64x64x64x64xf32, #tpu.memory_space<any>> -> memref<1x1x1x64xf32, #tpu.memory_space<any>>
    %dma_wait3A_1008 = tpu.memref_squeeze %dma_wait3A_1007 : memref<1x1x1x64xf32, #tpu.memory_space<any>> -> memref<64xf32, #tpu.memory_space<any>>
    %dma_wait3A_1009 = arith.constant 0 : i32
    %dma_wait3A_1010 = tpu.memref_slice %arg5[%dma_wait3A_1002, %dma_wait3A_1009] : memref<64x64xf32, #tpu.memory_space<vmem>> -> memref<1x64xf32, #tpu.memory_space<vmem>>
    %dma_wait3A_1011 = tpu.memref_squeeze %dma_wait3A_1010 : memref<1x64xf32, #tpu.memory_space<vmem>> -> memref<64xf32, #tpu.memory_space<vmem>>
    tpu.wait_dma2 semaphore(%arg6 : memref<!tpu.dma_semaphore, #tpu.memory_space<semaphore_mem>>) src(%dma_wait3A_1011 : memref<64xf32, #tpu.memory_space<vmem>>) dst(%dma_wait3A_1008 : memref<64xf32, #tpu.memory_space<any>>)
    %dma_wait3A_1012 = arith.constant 35 : i32
    %dma_wait3A_1013 = arith.constant 35 : i32
    %dma_wait3A_1014 = arith.constant 35 : i32
    %dma_wait3A_1015 = arith.constant 35 : i32
    %dma_wait3A_1016 = arith.constant 0 : i32
    %dma_wait3A_1017 = tpu.memref_slice %arg4[%dma_wait3A_1013, %dma_wait3A_1014, %dma_wait3A_1015, %dma_wait3A_1016] : memref<64x64x64x64xf32, #tpu.memory_space<any>> -> memref<1x1x1x64xf32, #tpu.memory_space<any>>
    %dma_wait3A_1018 = tpu.memref_squeeze %dma_wait3A_1017 : memref<1x1x1x64xf32, #tpu.memory_space<any>> -> memref<64xf32, #tpu.memory_space<any>>
    %dma_wait3A_1019 = arith.constant 0 : i32
    %dma_wait3A_1020 = tpu.memref_slice %arg5[%dma_wait3A_1012, %dma_wait3A_1019] : memref<64x64xf32, #tpu.memory_space<vmem>> -> memref<1x64xf32, #tpu.memory_space<vmem>>
    %dma_wait3A_1021 = tpu.memref_squeeze %dma_wait3A_1020 : memref<1x64xf32, #tpu.memory_space<vmem>> -> memref<64xf32, #tpu.memory_space<vmem>>
    tpu.wait_dma2 semaphore(%arg6 : memref<!tpu.dma_semaphore, #tpu.memory_space<semaphore_mem>>) src(%dma_wait3A_1021 : memref<64xf32, #tpu.memory_space<vmem>>) dst(%dma_wait3A_1018 : memref<64xf32, #tpu.memory_space<any>>)
    %dma_wait3A_1022 = arith.constant 36 : i32
    %dma_wait3A_1023 = arith.constant 36 : i32
    %dma_wait3A_1024 = arith.constant 36 : i32
    %dma_wait3A_1025 = arith.constant 36 : i32
    %dma_wait3A_1026 = arith.constant 0 : i32
    %dma_wait3A_1027 = tpu.memref_slice %arg4[%dma_wait3A_1023, %dma_wait3A_1024, %dma_wait3A_1025, %dma_wait3A_1026] : memref<64x64x64x64xf32, #tpu.memory_space<any>> -> memref<1x1x1x64xf32, #tpu.memory_space<any>>
    %dma_wait3A_1028 = tpu.memref_squeeze %dma_wait3A_1027 : memref<1x1x1x64xf32, #tpu.memory_space<any>> -> memref<64xf32, #tpu.memory_space<any>>
    %dma_wait3A_1029 = arith.constant 0 : i32
    %dma_wait3A_1030 = tpu.memref_slice %arg5[%dma_wait3A_1022, %dma_wait3A_1029] : memref<64x64xf32, #tpu.memory_space<vmem>> -> memref<1x64xf32, #tpu.memory_space<vmem>>
    %dma_wait3A_1031 = tpu.memref_squeeze %dma_wait3A_1030 : memref<1x64xf32, #tpu.memory_space<vmem>> -> memref<64xf32, #tpu.memory_space<vmem>>
    tpu.wait_dma2 semaphore(%arg6 : memref<!tpu.dma_semaphore, #tpu.memory_space<semaphore_mem>>) src(%dma_wait3A_1031 : memref<64xf32, #tpu.memory_space<vmem>>) dst(%dma_wait3A_1028 : memref<64xf32, #tpu.memory_space<any>>)
    %dma_wait3A_1032 = arith.constant 37 : i32
    %dma_wait3A_1033 = arith.constant 37 : i32
    %dma_wait3A_1034 = arith.constant 37 : i32
    %dma_wait3A_1035 = arith.constant 37 : i32
    %dma_wait3A_1036 = arith.constant 0 : i32
    %dma_wait3A_1037 = tpu.memref_slice %arg4[%dma_wait3A_1033, %dma_wait3A_1034, %dma_wait3A_1035, %dma_wait3A_1036] : memref<64x64x64x64xf32, #tpu.memory_space<any>> -> memref<1x1x1x64xf32, #tpu.memory_space<any>>
    %dma_wait3A_1038 = tpu.memref_squeeze %dma_wait3A_1037 : memref<1x1x1x64xf32, #tpu.memory_space<any>> -> memref<64xf32, #tpu.memory_space<any>>
    %dma_wait3A_1039 = arith.constant 0 : i32
    %dma_wait3A_1040 = tpu.memref_slice %arg5[%dma_wait3A_1032, %dma_wait3A_1039] : memref<64x64xf32, #tpu.memory_space<vmem>> -> memref<1x64xf32, #tpu.memory_space<vmem>>
    %dma_wait3A_1041 = tpu.memref_squeeze %dma_wait3A_1040 : memref<1x64xf32, #tpu.memory_space<vmem>> -> memref<64xf32, #tpu.memory_space<vmem>>
    tpu.wait_dma2 semaphore(%arg6 : memref<!tpu.dma_semaphore, #tpu.memory_space<semaphore_mem>>) src(%dma_wait3A_1041 : memref<64xf32, #tpu.memory_space<vmem>>) dst(%dma_wait3A_1038 : memref<64xf32, #tpu.memory_space<any>>)
    %dma_wait3A_1042 = arith.constant 38 : i32
    %dma_wait3A_1043 = arith.constant 38 : i32
    %dma_wait3A_1044 = arith.constant 38 : i32
    %dma_wait3A_1045 = arith.constant 38 : i32
    %dma_wait3A_1046 = arith.constant 0 : i32
    %dma_wait3A_1047 = tpu.memref_slice %arg4[%dma_wait3A_1043, %dma_wait3A_1044, %dma_wait3A_1045, %dma_wait3A_1046] : memref<64x64x64x64xf32, #tpu.memory_space<any>> -> memref<1x1x1x64xf32, #tpu.memory_space<any>>
    %dma_wait3A_1048 = tpu.memref_squeeze %dma_wait3A_1047 : memref<1x1x1x64xf32, #tpu.memory_space<any>> -> memref<64xf32, #tpu.memory_space<any>>
    %dma_wait3A_1049 = arith.constant 0 : i32
    %dma_wait3A_1050 = tpu.memref_slice %arg5[%dma_wait3A_1042, %dma_wait3A_1049] : memref<64x64xf32, #tpu.memory_space<vmem>> -> memref<1x64xf32, #tpu.memory_space<vmem>>
    %dma_wait3A_1051 = tpu.memref_squeeze %dma_wait3A_1050 : memref<1x64xf32, #tpu.memory_space<vmem>> -> memref<64xf32, #tpu.memory_space<vmem>>
    tpu.wait_dma2 semaphore(%arg6 : memref<!tpu.dma_semaphore, #tpu.memory_space<semaphore_mem>>) src(%dma_wait3A_1051 : memref<64xf32, #tpu.memory_space<vmem>>) dst(%dma_wait3A_1048 : memref<64xf32, #tpu.memory_space<any>>)
    %dma_wait3A_1052 = arith.constant 39 : i32
    %dma_wait3A_1053 = arith.constant 39 : i32
    %dma_wait3A_1054 = arith.constant 39 : i32
    %dma_wait3A_1055 = arith.constant 39 : i32
    %dma_wait3A_1056 = arith.constant 0 : i32
    %dma_wait3A_1057 = tpu.memref_slice %arg4[%dma_wait3A_1053, %dma_wait3A_1054, %dma_wait3A_1055, %dma_wait3A_1056] : memref<64x64x64x64xf32, #tpu.memory_space<any>> -> memref<1x1x1x64xf32, #tpu.memory_space<any>>
    %dma_wait3A_1058 = tpu.memref_squeeze %dma_wait3A_1057 : memref<1x1x1x64xf32, #tpu.memory_space<any>> -> memref<64xf32, #tpu.memory_space<any>>
    %dma_wait3A_1059 = arith.constant 0 : i32
    %dma_wait3A_1060 = tpu.memref_slice %arg5[%dma_wait3A_1052, %dma_wait3A_1059] : memref<64x64xf32, #tpu.memory_space<vmem>> -> memref<1x64xf32, #tpu.memory_space<vmem>>
    %dma_wait3A_1061 = tpu.memref_squeeze %dma_wait3A_1060 : memref<1x64xf32, #tpu.memory_space<vmem>> -> memref<64xf32, #tpu.memory_space<vmem>>
    tpu.wait_dma2 semaphore(%arg6 : memref<!tpu.dma_semaphore, #tpu.memory_space<semaphore_mem>>) src(%dma_wait3A_1061 : memref<64xf32, #tpu.memory_space<vmem>>) dst(%dma_wait3A_1058 : memref<64xf32, #tpu.memory_space<any>>)
    %dma_wait3A_1062 = arith.constant 40 : i32
    %dma_wait3A_1063 = arith.constant 40 : i32
    %dma_wait3A_1064 = arith.constant 40 : i32
    %dma_wait3A_1065 = arith.constant 40 : i32
    %dma_wait3A_1066 = arith.constant 0 : i32
    %dma_wait3A_1067 = tpu.memref_slice %arg4[%dma_wait3A_1063, %dma_wait3A_1064, %dma_wait3A_1065, %dma_wait3A_1066] : memref<64x64x64x64xf32, #tpu.memory_space<any>> -> memref<1x1x1x64xf32, #tpu.memory_space<any>>
    %dma_wait3A_1068 = tpu.memref_squeeze %dma_wait3A_1067 : memref<1x1x1x64xf32, #tpu.memory_space<any>> -> memref<64xf32, #tpu.memory_space<any>>
    %dma_wait3A_1069 = arith.constant 0 : i32
    %dma_wait3A_1070 = tpu.memref_slice %arg5[%dma_wait3A_1062, %dma_wait3A_1069] : memref<64x64xf32, #tpu.memory_space<vmem>> -> memref<1x64xf32, #tpu.memory_space<vmem>>
    %dma_wait3A_1071 = tpu.memref_squeeze %dma_wait3A_1070 : memref<1x64xf32, #tpu.memory_space<vmem>> -> memref<64xf32, #tpu.memory_space<vmem>>
    tpu.wait_dma2 semaphore(%arg6 : memref<!tpu.dma_semaphore, #tpu.memory_space<semaphore_mem>>) src(%dma_wait3A_1071 : memref<64xf32, #tpu.memory_space<vmem>>) dst(%dma_wait3A_1068 : memref<64xf32, #tpu.memory_space<any>>)
    %dma_wait3A_1072 = arith.constant 41 : i32
    %dma_wait3A_1073 = arith.constant 41 : i32
    %dma_wait3A_1074 = arith.constant 41 : i32
    %dma_wait3A_1075 = arith.constant 41 : i32
    %dma_wait3A_1076 = arith.constant 0 : i32
    %dma_wait3A_1077 = tpu.memref_slice %arg4[%dma_wait3A_1073, %dma_wait3A_1074, %dma_wait3A_1075, %dma_wait3A_1076] : memref<64x64x64x64xf32, #tpu.memory_space<any>> -> memref<1x1x1x64xf32, #tpu.memory_space<any>>
    %dma_wait3A_1078 = tpu.memref_squeeze %dma_wait3A_1077 : memref<1x1x1x64xf32, #tpu.memory_space<any>> -> memref<64xf32, #tpu.memory_space<any>>
    %dma_wait3A_1079 = arith.constant 0 : i32
    %dma_wait3A_1080 = tpu.memref_slice %arg5[%dma_wait3A_1072, %dma_wait3A_1079] : memref<64x64xf32, #tpu.memory_space<vmem>> -> memref<1x64xf32, #tpu.memory_space<vmem>>
    %dma_wait3A_1081 = tpu.memref_squeeze %dma_wait3A_1080 : memref<1x64xf32, #tpu.memory_space<vmem>> -> memref<64xf32, #tpu.memory_space<vmem>>
    tpu.wait_dma2 semaphore(%arg6 : memref<!tpu.dma_semaphore, #tpu.memory_space<semaphore_mem>>) src(%dma_wait3A_1081 : memref<64xf32, #tpu.memory_space<vmem>>) dst(%dma_wait3A_1078 : memref<64xf32, #tpu.memory_space<any>>)
    %dma_wait3A_1082 = arith.constant 42 : i32
    %dma_wait3A_1083 = arith.constant 42 : i32
    %dma_wait3A_1084 = arith.constant 42 : i32
    %dma_wait3A_1085 = arith.constant 42 : i32
    %dma_wait3A_1086 = arith.constant 0 : i32
    %dma_wait3A_1087 = tpu.memref_slice %arg4[%dma_wait3A_1083, %dma_wait3A_1084, %dma_wait3A_1085, %dma_wait3A_1086] : memref<64x64x64x64xf32, #tpu.memory_space<any>> -> memref<1x1x1x64xf32, #tpu.memory_space<any>>
    %dma_wait3A_1088 = tpu.memref_squeeze %dma_wait3A_1087 : memref<1x1x1x64xf32, #tpu.memory_space<any>> -> memref<64xf32, #tpu.memory_space<any>>
    %dma_wait3A_1089 = arith.constant 0 : i32
    %dma_wait3A_1090 = tpu.memref_slice %arg5[%dma_wait3A_1082, %dma_wait3A_1089] : memref<64x64xf32, #tpu.memory_space<vmem>> -> memref<1x64xf32, #tpu.memory_space<vmem>>
    %dma_wait3A_1091 = tpu.memref_squeeze %dma_wait3A_1090 : memref<1x64xf32, #tpu.memory_space<vmem>> -> memref<64xf32, #tpu.memory_space<vmem>>
    tpu.wait_dma2 semaphore(%arg6 : memref<!tpu.dma_semaphore, #tpu.memory_space<semaphore_mem>>) src(%dma_wait3A_1091 : memref<64xf32, #tpu.memory_space<vmem>>) dst(%dma_wait3A_1088 : memref<64xf32, #tpu.memory_space<any>>)
    %dma_wait3A_1092 = arith.constant 43 : i32
    %dma_wait3A_1093 = arith.constant 43 : i32
    %dma_wait3A_1094 = arith.constant 43 : i32
    %dma_wait3A_1095 = arith.constant 43 : i32
    %dma_wait3A_1096 = arith.constant 0 : i32
    %dma_wait3A_1097 = tpu.memref_slice %arg4[%dma_wait3A_1093, %dma_wait3A_1094, %dma_wait3A_1095, %dma_wait3A_1096] : memref<64x64x64x64xf32, #tpu.memory_space<any>> -> memref<1x1x1x64xf32, #tpu.memory_space<any>>
    %dma_wait3A_1098 = tpu.memref_squeeze %dma_wait3A_1097 : memref<1x1x1x64xf32, #tpu.memory_space<any>> -> memref<64xf32, #tpu.memory_space<any>>
    %dma_wait3A_1099 = arith.constant 0 : i32
    %dma_wait3A_1100 = tpu.memref_slice %arg5[%dma_wait3A_1092, %dma_wait3A_1099] : memref<64x64xf32, #tpu.memory_space<vmem>> -> memref<1x64xf32, #tpu.memory_space<vmem>>
    %dma_wait3A_1101 = tpu.memref_squeeze %dma_wait3A_1100 : memref<1x64xf32, #tpu.memory_space<vmem>> -> memref<64xf32, #tpu.memory_space<vmem>>
    tpu.wait_dma2 semaphore(%arg6 : memref<!tpu.dma_semaphore, #tpu.memory_space<semaphore_mem>>) src(%dma_wait3A_1101 : memref<64xf32, #tpu.memory_space<vmem>>) dst(%dma_wait3A_1098 : memref<64xf32, #tpu.memory_space<any>>)
    %dma_wait3A_1102 = arith.constant 44 : i32
    %dma_wait3A_1103 = arith.constant 44 : i32
    %dma_wait3A_1104 = arith.constant 44 : i32
    %dma_wait3A_1105 = arith.constant 44 : i32
    %dma_wait3A_1106 = arith.constant 0 : i32
    %dma_wait3A_1107 = tpu.memref_slice %arg4[%dma_wait3A_1103, %dma_wait3A_1104, %dma_wait3A_1105, %dma_wait3A_1106] : memref<64x64x64x64xf32, #tpu.memory_space<any>> -> memref<1x1x1x64xf32, #tpu.memory_space<any>>
    %dma_wait3A_1108 = tpu.memref_squeeze %dma_wait3A_1107 : memref<1x1x1x64xf32, #tpu.memory_space<any>> -> memref<64xf32, #tpu.memory_space<any>>
    %dma_wait3A_1109 = arith.constant 0 : i32
    %dma_wait3A_1110 = tpu.memref_slice %arg5[%dma_wait3A_1102, %dma_wait3A_1109] : memref<64x64xf32, #tpu.memory_space<vmem>> -> memref<1x64xf32, #tpu.memory_space<vmem>>
    %dma_wait3A_1111 = tpu.memref_squeeze %dma_wait3A_1110 : memref<1x64xf32, #tpu.memory_space<vmem>> -> memref<64xf32, #tpu.memory_space<vmem>>
    tpu.wait_dma2 semaphore(%arg6 : memref<!tpu.dma_semaphore, #tpu.memory_space<semaphore_mem>>) src(%dma_wait3A_1111 : memref<64xf32, #tpu.memory_space<vmem>>) dst(%dma_wait3A_1108 : memref<64xf32, #tpu.memory_space<any>>)
    %dma_wait3A_1112 = arith.constant 45 : i32
    %dma_wait3A_1113 = arith.constant 45 : i32
    %dma_wait3A_1114 = arith.constant 45 : i32
    %dma_wait3A_1115 = arith.constant 45 : i32
    %dma_wait3A_1116 = arith.constant 0 : i32
    %dma_wait3A_1117 = tpu.memref_slice %arg4[%dma_wait3A_1113, %dma_wait3A_1114, %dma_wait3A_1115, %dma_wait3A_1116] : memref<64x64x64x64xf32, #tpu.memory_space<any>> -> memref<1x1x1x64xf32, #tpu.memory_space<any>>
    %dma_wait3A_1118 = tpu.memref_squeeze %dma_wait3A_1117 : memref<1x1x1x64xf32, #tpu.memory_space<any>> -> memref<64xf32, #tpu.memory_space<any>>
    %dma_wait3A_1119 = arith.constant 0 : i32
    %dma_wait3A_1120 = tpu.memref_slice %arg5[%dma_wait3A_1112, %dma_wait3A_1119] : memref<64x64xf32, #tpu.memory_space<vmem>> -> memref<1x64xf32, #tpu.memory_space<vmem>>
    %dma_wait3A_1121 = tpu.memref_squeeze %dma_wait3A_1120 : memref<1x64xf32, #tpu.memory_space<vmem>> -> memref<64xf32, #tpu.memory_space<vmem>>
    tpu.wait_dma2 semaphore(%arg6 : memref<!tpu.dma_semaphore, #tpu.memory_space<semaphore_mem>>) src(%dma_wait3A_1121 : memref<64xf32, #tpu.memory_space<vmem>>) dst(%dma_wait3A_1118 : memref<64xf32, #tpu.memory_space<any>>)
    %dma_wait3A_1122 = arith.constant 46 : i32
    %dma_wait3A_1123 = arith.constant 46 : i32
    %dma_wait3A_1124 = arith.constant 46 : i32
    %dma_wait3A_1125 = arith.constant 46 : i32
    %dma_wait3A_1126 = arith.constant 0 : i32
    %dma_wait3A_1127 = tpu.memref_slice %arg4[%dma_wait3A_1123, %dma_wait3A_1124, %dma_wait3A_1125, %dma_wait3A_1126] : memref<64x64x64x64xf32, #tpu.memory_space<any>> -> memref<1x1x1x64xf32, #tpu.memory_space<any>>
    %dma_wait3A_1128 = tpu.memref_squeeze %dma_wait3A_1127 : memref<1x1x1x64xf32, #tpu.memory_space<any>> -> memref<64xf32, #tpu.memory_space<any>>
    %dma_wait3A_1129 = arith.constant 0 : i32
    %dma_wait3A_1130 = tpu.memref_slice %arg5[%dma_wait3A_1122, %dma_wait3A_1129] : memref<64x64xf32, #tpu.memory_space<vmem>> -> memref<1x64xf32, #tpu.memory_space<vmem>>
    %dma_wait3A_1131 = tpu.memref_squeeze %dma_wait3A_1130 : memref<1x64xf32, #tpu.memory_space<vmem>> -> memref<64xf32, #tpu.memory_space<vmem>>
    tpu.wait_dma2 semaphore(%arg6 : memref<!tpu.dma_semaphore, #tpu.memory_space<semaphore_mem>>) src(%dma_wait3A_1131 : memref<64xf32, #tpu.memory_space<vmem>>) dst(%dma_wait3A_1128 : memref<64xf32, #tpu.memory_space<any>>)
    %dma_wait3A_1132 = arith.constant 47 : i32
    %dma_wait3A_1133 = arith.constant 47 : i32
    %dma_wait3A_1134 = arith.constant 47 : i32
    %dma_wait3A_1135 = arith.constant 47 : i32
    %dma_wait3A_1136 = arith.constant 0 : i32
    %dma_wait3A_1137 = tpu.memref_slice %arg4[%dma_wait3A_1133, %dma_wait3A_1134, %dma_wait3A_1135, %dma_wait3A_1136] : memref<64x64x64x64xf32, #tpu.memory_space<any>> -> memref<1x1x1x64xf32, #tpu.memory_space<any>>
    %dma_wait3A_1138 = tpu.memref_squeeze %dma_wait3A_1137 : memref<1x1x1x64xf32, #tpu.memory_space<any>> -> memref<64xf32, #tpu.memory_space<any>>
    %dma_wait3A_1139 = arith.constant 0 : i32
    %dma_wait3A_1140 = tpu.memref_slice %arg5[%dma_wait3A_1132, %dma_wait3A_1139] : memref<64x64xf32, #tpu.memory_space<vmem>> -> memref<1x64xf32, #tpu.memory_space<vmem>>
    %dma_wait3A_1141 = tpu.memref_squeeze %dma_wait3A_1140 : memref<1x64xf32, #tpu.memory_space<vmem>> -> memref<64xf32, #tpu.memory_space<vmem>>
    tpu.wait_dma2 semaphore(%arg6 : memref<!tpu.dma_semaphore, #tpu.memory_space<semaphore_mem>>) src(%dma_wait3A_1141 : memref<64xf32, #tpu.memory_space<vmem>>) dst(%dma_wait3A_1138 : memref<64xf32, #tpu.memory_space<any>>)
    %dma_wait3A_1142 = arith.constant 48 : i32
    %dma_wait3A_1143 = arith.constant 48 : i32
    %dma_wait3A_1144 = arith.constant 48 : i32
    %dma_wait3A_1145 = arith.constant 48 : i32
    %dma_wait3A_1146 = arith.constant 0 : i32
    %dma_wait3A_1147 = tpu.memref_slice %arg4[%dma_wait3A_1143, %dma_wait3A_1144, %dma_wait3A_1145, %dma_wait3A_1146] : memref<64x64x64x64xf32, #tpu.memory_space<any>> -> memref<1x1x1x64xf32, #tpu.memory_space<any>>
    %dma_wait3A_1148 = tpu.memref_squeeze %dma_wait3A_1147 : memref<1x1x1x64xf32, #tpu.memory_space<any>> -> memref<64xf32, #tpu.memory_space<any>>
    %dma_wait3A_1149 = arith.constant 0 : i32
    %dma_wait3A_1150 = tpu.memref_slice %arg5[%dma_wait3A_1142, %dma_wait3A_1149] : memref<64x64xf32, #tpu.memory_space<vmem>> -> memref<1x64xf32, #tpu.memory_space<vmem>>
    %dma_wait3A_1151 = tpu.memref_squeeze %dma_wait3A_1150 : memref<1x64xf32, #tpu.memory_space<vmem>> -> memref<64xf32, #tpu.memory_space<vmem>>
    tpu.wait_dma2 semaphore(%arg6 : memref<!tpu.dma_semaphore, #tpu.memory_space<semaphore_mem>>) src(%dma_wait3A_1151 : memref<64xf32, #tpu.memory_space<vmem>>) dst(%dma_wait3A_1148 : memref<64xf32, #tpu.memory_space<any>>)
    %dma_wait3A_1152 = arith.constant 49 : i32
    %dma_wait3A_1153 = arith.constant 49 : i32
    %dma_wait3A_1154 = arith.constant 49 : i32
    %dma_wait3A_1155 = arith.constant 49 : i32
    %dma_wait3A_1156 = arith.constant 0 : i32
    %dma_wait3A_1157 = tpu.memref_slice %arg4[%dma_wait3A_1153, %dma_wait3A_1154, %dma_wait3A_1155, %dma_wait3A_1156] : memref<64x64x64x64xf32, #tpu.memory_space<any>> -> memref<1x1x1x64xf32, #tpu.memory_space<any>>
    %dma_wait3A_1158 = tpu.memref_squeeze %dma_wait3A_1157 : memref<1x1x1x64xf32, #tpu.memory_space<any>> -> memref<64xf32, #tpu.memory_space<any>>
    %dma_wait3A_1159 = arith.constant 0 : i32
    %dma_wait3A_1160 = tpu.memref_slice %arg5[%dma_wait3A_1152, %dma_wait3A_1159] : memref<64x64xf32, #tpu.memory_space<vmem>> -> memref<1x64xf32, #tpu.memory_space<vmem>>
    %dma_wait3A_1161 = tpu.memref_squeeze %dma_wait3A_1160 : memref<1x64xf32, #tpu.memory_space<vmem>> -> memref<64xf32, #tpu.memory_space<vmem>>
    tpu.wait_dma2 semaphore(%arg6 : memref<!tpu.dma_semaphore, #tpu.memory_space<semaphore_mem>>) src(%dma_wait3A_1161 : memref<64xf32, #tpu.memory_space<vmem>>) dst(%dma_wait3A_1158 : memref<64xf32, #tpu.memory_space<any>>)
    %dma_wait3A_1162 = arith.constant 50 : i32
    %dma_wait3A_1163 = arith.constant 50 : i32
    %dma_wait3A_1164 = arith.constant 50 : i32
    %dma_wait3A_1165 = arith.constant 50 : i32
    %dma_wait3A_1166 = arith.constant 0 : i32
    %dma_wait3A_1167 = tpu.memref_slice %arg4[%dma_wait3A_1163, %dma_wait3A_1164, %dma_wait3A_1165, %dma_wait3A_1166] : memref<64x64x64x64xf32, #tpu.memory_space<any>> -> memref<1x1x1x64xf32, #tpu.memory_space<any>>
    %dma_wait3A_1168 = tpu.memref_squeeze %dma_wait3A_1167 : memref<1x1x1x64xf32, #tpu.memory_space<any>> -> memref<64xf32, #tpu.memory_space<any>>
    %dma_wait3A_1169 = arith.constant 0 : i32
    %dma_wait3A_1170 = tpu.memref_slice %arg5[%dma_wait3A_1162, %dma_wait3A_1169] : memref<64x64xf32, #tpu.memory_space<vmem>> -> memref<1x64xf32, #tpu.memory_space<vmem>>
    %dma_wait3A_1171 = tpu.memref_squeeze %dma_wait3A_1170 : memref<1x64xf32, #tpu.memory_space<vmem>> -> memref<64xf32, #tpu.memory_space<vmem>>
    tpu.wait_dma2 semaphore(%arg6 : memref<!tpu.dma_semaphore, #tpu.memory_space<semaphore_mem>>) src(%dma_wait3A_1171 : memref<64xf32, #tpu.memory_space<vmem>>) dst(%dma_wait3A_1168 : memref<64xf32, #tpu.memory_space<any>>)
    %dma_wait3A_1172 = arith.constant 51 : i32
    %dma_wait3A_1173 = arith.constant 51 : i32
    %dma_wait3A_1174 = arith.constant 51 : i32
    %dma_wait3A_1175 = arith.constant 51 : i32
    %dma_wait3A_1176 = arith.constant 0 : i32
    %dma_wait3A_1177 = tpu.memref_slice %arg4[%dma_wait3A_1173, %dma_wait3A_1174, %dma_wait3A_1175, %dma_wait3A_1176] : memref<64x64x64x64xf32, #tpu.memory_space<any>> -> memref<1x1x1x64xf32, #tpu.memory_space<any>>
    %dma_wait3A_1178 = tpu.memref_squeeze %dma_wait3A_1177 : memref<1x1x1x64xf32, #tpu.memory_space<any>> -> memref<64xf32, #tpu.memory_space<any>>
    %dma_wait3A_1179 = arith.constant 0 : i32
    %dma_wait3A_1180 = tpu.memref_slice %arg5[%dma_wait3A_1172, %dma_wait3A_1179] : memref<64x64xf32, #tpu.memory_space<vmem>> -> memref<1x64xf32, #tpu.memory_space<vmem>>
    %dma_wait3A_1181 = tpu.memref_squeeze %dma_wait3A_1180 : memref<1x64xf32, #tpu.memory_space<vmem>> -> memref<64xf32, #tpu.memory_space<vmem>>
    tpu.wait_dma2 semaphore(%arg6 : memref<!tpu.dma_semaphore, #tpu.memory_space<semaphore_mem>>) src(%dma_wait3A_1181 : memref<64xf32, #tpu.memory_space<vmem>>) dst(%dma_wait3A_1178 : memref<64xf32, #tpu.memory_space<any>>)
    %dma_wait3A_1182 = arith.constant 52 : i32
    %dma_wait3A_1183 = arith.constant 52 : i32
    %dma_wait3A_1184 = arith.constant 52 : i32
    %dma_wait3A_1185 = arith.constant 52 : i32
    %dma_wait3A_1186 = arith.constant 0 : i32
    %dma_wait3A_1187 = tpu.memref_slice %arg4[%dma_wait3A_1183, %dma_wait3A_1184, %dma_wait3A_1185, %dma_wait3A_1186] : memref<64x64x64x64xf32, #tpu.memory_space<any>> -> memref<1x1x1x64xf32, #tpu.memory_space<any>>
    %dma_wait3A_1188 = tpu.memref_squeeze %dma_wait3A_1187 : memref<1x1x1x64xf32, #tpu.memory_space<any>> -> memref<64xf32, #tpu.memory_space<any>>
    %dma_wait3A_1189 = arith.constant 0 : i32
    %dma_wait3A_1190 = tpu.memref_slice %arg5[%dma_wait3A_1182, %dma_wait3A_1189] : memref<64x64xf32, #tpu.memory_space<vmem>> -> memref<1x64xf32, #tpu.memory_space<vmem>>
    %dma_wait3A_1191 = tpu.memref_squeeze %dma_wait3A_1190 : memref<1x64xf32, #tpu.memory_space<vmem>> -> memref<64xf32, #tpu.memory_space<vmem>>
    tpu.wait_dma2 semaphore(%arg6 : memref<!tpu.dma_semaphore, #tpu.memory_space<semaphore_mem>>) src(%dma_wait3A_1191 : memref<64xf32, #tpu.memory_space<vmem>>) dst(%dma_wait3A_1188 : memref<64xf32, #tpu.memory_space<any>>)
    %dma_wait3A_1192 = arith.constant 53 : i32
    %dma_wait3A_1193 = arith.constant 53 : i32
    %dma_wait3A_1194 = arith.constant 53 : i32
    %dma_wait3A_1195 = arith.constant 53 : i32
    %dma_wait3A_1196 = arith.constant 0 : i32
    %dma_wait3A_1197 = tpu.memref_slice %arg4[%dma_wait3A_1193, %dma_wait3A_1194, %dma_wait3A_1195, %dma_wait3A_1196] : memref<64x64x64x64xf32, #tpu.memory_space<any>> -> memref<1x1x1x64xf32, #tpu.memory_space<any>>
    %dma_wait3A_1198 = tpu.memref_squeeze %dma_wait3A_1197 : memref<1x1x1x64xf32, #tpu.memory_space<any>> -> memref<64xf32, #tpu.memory_space<any>>
    %dma_wait3A_1199 = arith.constant 0 : i32
    %dma_wait3A_1200 = tpu.memref_slice %arg5[%dma_wait3A_1192, %dma_wait3A_1199] : memref<64x64xf32, #tpu.memory_space<vmem>> -> memref<1x64xf32, #tpu.memory_space<vmem>>
    %dma_wait3A_1201 = tpu.memref_squeeze %dma_wait3A_1200 : memref<1x64xf32, #tpu.memory_space<vmem>> -> memref<64xf32, #tpu.memory_space<vmem>>
    tpu.wait_dma2 semaphore(%arg6 : memref<!tpu.dma_semaphore, #tpu.memory_space<semaphore_mem>>) src(%dma_wait3A_1201 : memref<64xf32, #tpu.memory_space<vmem>>) dst(%dma_wait3A_1198 : memref<64xf32, #tpu.memory_space<any>>)
    %dma_wait3A_1202 = arith.constant 54 : i32
    %dma_wait3A_1203 = arith.constant 54 : i32
    %dma_wait3A_1204 = arith.constant 54 : i32
    %dma_wait3A_1205 = arith.constant 54 : i32
    %dma_wait3A_1206 = arith.constant 0 : i32
    %dma_wait3A_1207 = tpu.memref_slice %arg4[%dma_wait3A_1203, %dma_wait3A_1204, %dma_wait3A_1205, %dma_wait3A_1206] : memref<64x64x64x64xf32, #tpu.memory_space<any>> -> memref<1x1x1x64xf32, #tpu.memory_space<any>>
    %dma_wait3A_1208 = tpu.memref_squeeze %dma_wait3A_1207 : memref<1x1x1x64xf32, #tpu.memory_space<any>> -> memref<64xf32, #tpu.memory_space<any>>
    %dma_wait3A_1209 = arith.constant 0 : i32
    %dma_wait3A_1210 = tpu.memref_slice %arg5[%dma_wait3A_1202, %dma_wait3A_1209] : memref<64x64xf32, #tpu.memory_space<vmem>> -> memref<1x64xf32, #tpu.memory_space<vmem>>
    %dma_wait3A_1211 = tpu.memref_squeeze %dma_wait3A_1210 : memref<1x64xf32, #tpu.memory_space<vmem>> -> memref<64xf32, #tpu.memory_space<vmem>>
    tpu.wait_dma2 semaphore(%arg6 : memref<!tpu.dma_semaphore, #tpu.memory_space<semaphore_mem>>) src(%dma_wait3A_1211 : memref<64xf32, #tpu.memory_space<vmem>>) dst(%dma_wait3A_1208 : memref<64xf32, #tpu.memory_space<any>>)
    %dma_wait3A_1212 = arith.constant 55 : i32
    %dma_wait3A_1213 = arith.constant 55 : i32
    %dma_wait3A_1214 = arith.constant 55 : i32
    %dma_wait3A_1215 = arith.constant 55 : i32
    %dma_wait3A_1216 = arith.constant 0 : i32
    %dma_wait3A_1217 = tpu.memref_slice %arg4[%dma_wait3A_1213, %dma_wait3A_1214, %dma_wait3A_1215, %dma_wait3A_1216] : memref<64x64x64x64xf32, #tpu.memory_space<any>> -> memref<1x1x1x64xf32, #tpu.memory_space<any>>
    %dma_wait3A_1218 = tpu.memref_squeeze %dma_wait3A_1217 : memref<1x1x1x64xf32, #tpu.memory_space<any>> -> memref<64xf32, #tpu.memory_space<any>>
    %dma_wait3A_1219 = arith.constant 0 : i32
    %dma_wait3A_1220 = tpu.memref_slice %arg5[%dma_wait3A_1212, %dma_wait3A_1219] : memref<64x64xf32, #tpu.memory_space<vmem>> -> memref<1x64xf32, #tpu.memory_space<vmem>>
    %dma_wait3A_1221 = tpu.memref_squeeze %dma_wait3A_1220 : memref<1x64xf32, #tpu.memory_space<vmem>> -> memref<64xf32, #tpu.memory_space<vmem>>
    tpu.wait_dma2 semaphore(%arg6 : memref<!tpu.dma_semaphore, #tpu.memory_space<semaphore_mem>>) src(%dma_wait3A_1221 : memref<64xf32, #tpu.memory_space<vmem>>) dst(%dma_wait3A_1218 : memref<64xf32, #tpu.memory_space<any>>)
    %dma_wait3A_1222 = arith.constant 56 : i32
    %dma_wait3A_1223 = arith.constant 56 : i32
    %dma_wait3A_1224 = arith.constant 56 : i32
    %dma_wait3A_1225 = arith.constant 56 : i32
    %dma_wait3A_1226 = arith.constant 0 : i32
    %dma_wait3A_1227 = tpu.memref_slice %arg4[%dma_wait3A_1223, %dma_wait3A_1224, %dma_wait3A_1225, %dma_wait3A_1226] : memref<64x64x64x64xf32, #tpu.memory_space<any>> -> memref<1x1x1x64xf32, #tpu.memory_space<any>>
    %dma_wait3A_1228 = tpu.memref_squeeze %dma_wait3A_1227 : memref<1x1x1x64xf32, #tpu.memory_space<any>> -> memref<64xf32, #tpu.memory_space<any>>
    %dma_wait3A_1229 = arith.constant 0 : i32
    %dma_wait3A_1230 = tpu.memref_slice %arg5[%dma_wait3A_1222, %dma_wait3A_1229] : memref<64x64xf32, #tpu.memory_space<vmem>> -> memref<1x64xf32, #tpu.memory_space<vmem>>
    %dma_wait3A_1231 = tpu.memref_squeeze %dma_wait3A_1230 : memref<1x64xf32, #tpu.memory_space<vmem>> -> memref<64xf32, #tpu.memory_space<vmem>>
    tpu.wait_dma2 semaphore(%arg6 : memref<!tpu.dma_semaphore, #tpu.memory_space<semaphore_mem>>) src(%dma_wait3A_1231 : memref<64xf32, #tpu.memory_space<vmem>>) dst(%dma_wait3A_1228 : memref<64xf32, #tpu.memory_space<any>>)
    %dma_wait3A_1232 = arith.constant 57 : i32
    %dma_wait3A_1233 = arith.constant 57 : i32
    %dma_wait3A_1234 = arith.constant 57 : i32
    %dma_wait3A_1235 = arith.constant 57 : i32
    %dma_wait3A_1236 = arith.constant 0 : i32
    %dma_wait3A_1237 = tpu.memref_slice %arg4[%dma_wait3A_1233, %dma_wait3A_1234, %dma_wait3A_1235, %dma_wait3A_1236] : memref<64x64x64x64xf32, #tpu.memory_space<any>> -> memref<1x1x1x64xf32, #tpu.memory_space<any>>
    %dma_wait3A_1238 = tpu.memref_squeeze %dma_wait3A_1237 : memref<1x1x1x64xf32, #tpu.memory_space<any>> -> memref<64xf32, #tpu.memory_space<any>>
    %dma_wait3A_1239 = arith.constant 0 : i32
    %dma_wait3A_1240 = tpu.memref_slice %arg5[%dma_wait3A_1232, %dma_wait3A_1239] : memref<64x64xf32, #tpu.memory_space<vmem>> -> memref<1x64xf32, #tpu.memory_space<vmem>>
    %dma_wait3A_1241 = tpu.memref_squeeze %dma_wait3A_1240 : memref<1x64xf32, #tpu.memory_space<vmem>> -> memref<64xf32, #tpu.memory_space<vmem>>
    tpu.wait_dma2 semaphore(%arg6 : memref<!tpu.dma_semaphore, #tpu.memory_space<semaphore_mem>>) src(%dma_wait3A_1241 : memref<64xf32, #tpu.memory_space<vmem>>) dst(%dma_wait3A_1238 : memref<64xf32, #tpu.memory_space<any>>)
    %dma_wait3A_1242 = arith.constant 58 : i32
    %dma_wait3A_1243 = arith.constant 58 : i32
    %dma_wait3A_1244 = arith.constant 58 : i32
    %dma_wait3A_1245 = arith.constant 58 : i32
    %dma_wait3A_1246 = arith.constant 0 : i32
    %dma_wait3A_1247 = tpu.memref_slice %arg4[%dma_wait3A_1243, %dma_wait3A_1244, %dma_wait3A_1245, %dma_wait3A_1246] : memref<64x64x64x64xf32, #tpu.memory_space<any>> -> memref<1x1x1x64xf32, #tpu.memory_space<any>>
    %dma_wait3A_1248 = tpu.memref_squeeze %dma_wait3A_1247 : memref<1x1x1x64xf32, #tpu.memory_space<any>> -> memref<64xf32, #tpu.memory_space<any>>
    %dma_wait3A_1249 = arith.constant 0 : i32
    %dma_wait3A_1250 = tpu.memref_slice %arg5[%dma_wait3A_1242, %dma_wait3A_1249] : memref<64x64xf32, #tpu.memory_space<vmem>> -> memref<1x64xf32, #tpu.memory_space<vmem>>
    %dma_wait3A_1251 = tpu.memref_squeeze %dma_wait3A_1250 : memref<1x64xf32, #tpu.memory_space<vmem>> -> memref<64xf32, #tpu.memory_space<vmem>>
    tpu.wait_dma2 semaphore(%arg6 : memref<!tpu.dma_semaphore, #tpu.memory_space<semaphore_mem>>) src(%dma_wait3A_1251 : memref<64xf32, #tpu.memory_space<vmem>>) dst(%dma_wait3A_1248 : memref<64xf32, #tpu.memory_space<any>>)
    %dma_wait3A_1252 = arith.constant 59 : i32
    %dma_wait3A_1253 = arith.constant 59 : i32
    %dma_wait3A_1254 = arith.constant 59 : i32
    %dma_wait3A_1255 = arith.constant 59 : i32
    %dma_wait3A_1256 = arith.constant 0 : i32
    %dma_wait3A_1257 = tpu.memref_slice %arg4[%dma_wait3A_1253, %dma_wait3A_1254, %dma_wait3A_1255, %dma_wait3A_1256] : memref<64x64x64x64xf32, #tpu.memory_space<any>> -> memref<1x1x1x64xf32, #tpu.memory_space<any>>
    %dma_wait3A_1258 = tpu.memref_squeeze %dma_wait3A_1257 : memref<1x1x1x64xf32, #tpu.memory_space<any>> -> memref<64xf32, #tpu.memory_space<any>>
    %dma_wait3A_1259 = arith.constant 0 : i32
    %dma_wait3A_1260 = tpu.memref_slice %arg5[%dma_wait3A_1252, %dma_wait3A_1259] : memref<64x64xf32, #tpu.memory_space<vmem>> -> memref<1x64xf32, #tpu.memory_space<vmem>>
    %dma_wait3A_1261 = tpu.memref_squeeze %dma_wait3A_1260 : memref<1x64xf32, #tpu.memory_space<vmem>> -> memref<64xf32, #tpu.memory_space<vmem>>
    tpu.wait_dma2 semaphore(%arg6 : memref<!tpu.dma_semaphore, #tpu.memory_space<semaphore_mem>>) src(%dma_wait3A_1261 : memref<64xf32, #tpu.memory_space<vmem>>) dst(%dma_wait3A_1258 : memref<64xf32, #tpu.memory_space<any>>)
    %dma_wait3A_1262 = arith.constant 60 : i32
    %dma_wait3A_1263 = arith.constant 60 : i32
    %dma_wait3A_1264 = arith.constant 60 : i32
    %dma_wait3A_1265 = arith.constant 60 : i32
    %dma_wait3A_1266 = arith.constant 0 : i32
    %dma_wait3A_1267 = tpu.memref_slice %arg4[%dma_wait3A_1263, %dma_wait3A_1264, %dma_wait3A_1265, %dma_wait3A_1266] : memref<64x64x64x64xf32, #tpu.memory_space<any>> -> memref<1x1x1x64xf32, #tpu.memory_space<any>>
    %dma_wait3A_1268 = tpu.memref_squeeze %dma_wait3A_1267 : memref<1x1x1x64xf32, #tpu.memory_space<any>> -> memref<64xf32, #tpu.memory_space<any>>
    %dma_wait3A_1269 = arith.constant 0 : i32
    %dma_wait3A_1270 = tpu.memref_slice %arg5[%dma_wait3A_1262, %dma_wait3A_1269] : memref<64x64xf32, #tpu.memory_space<vmem>> -> memref<1x64xf32, #tpu.memory_space<vmem>>
    %dma_wait3A_1271 = tpu.memref_squeeze %dma_wait3A_1270 : memref<1x64xf32, #tpu.memory_space<vmem>> -> memref<64xf32, #tpu.memory_space<vmem>>
    tpu.wait_dma2 semaphore(%arg6 : memref<!tpu.dma_semaphore, #tpu.memory_space<semaphore_mem>>) src(%dma_wait3A_1271 : memref<64xf32, #tpu.memory_space<vmem>>) dst(%dma_wait3A_1268 : memref<64xf32, #tpu.memory_space<any>>)
    %dma_wait3A_1272 = arith.constant 61 : i32
    %dma_wait3A_1273 = arith.constant 61 : i32
    %dma_wait3A_1274 = arith.constant 61 : i32
    %dma_wait3A_1275 = arith.constant 61 : i32
    %dma_wait3A_1276 = arith.constant 0 : i32
    %dma_wait3A_1277 = tpu.memref_slice %arg4[%dma_wait3A_1273, %dma_wait3A_1274, %dma_wait3A_1275, %dma_wait3A_1276] : memref<64x64x64x64xf32, #tpu.memory_space<any>> -> memref<1x1x1x64xf32, #tpu.memory_space<any>>
    %dma_wait3A_1278 = tpu.memref_squeeze %dma_wait3A_1277 : memref<1x1x1x64xf32, #tpu.memory_space<any>> -> memref<64xf32, #tpu.memory_space<any>>
    %dma_wait3A_1279 = arith.constant 0 : i32
    %dma_wait3A_1280 = tpu.memref_slice %arg5[%dma_wait3A_1272, %dma_wait3A_1279] : memref<64x64xf32, #tpu.memory_space<vmem>> -> memref<1x64xf32, #tpu.memory_space<vmem>>
    %dma_wait3A_1281 = tpu.memref_squeeze %dma_wait3A_1280 : memref<1x64xf32, #tpu.memory_space<vmem>> -> memref<64xf32, #tpu.memory_space<vmem>>
    tpu.wait_dma2 semaphore(%arg6 : memref<!tpu.dma_semaphore, #tpu.memory_space<semaphore_mem>>) src(%dma_wait3A_1281 : memref<64xf32, #tpu.memory_space<vmem>>) dst(%dma_wait3A_1278 : memref<64xf32, #tpu.memory_space<any>>)
    %dma_wait3A_1282 = arith.constant 62 : i32
    %dma_wait3A_1283 = arith.constant 62 : i32
    %dma_wait3A_1284 = arith.constant 62 : i32
    %dma_wait3A_1285 = arith.constant 62 : i32
    %dma_wait3A_1286 = arith.constant 0 : i32
    %dma_wait3A_1287 = tpu.memref_slice %arg4[%dma_wait3A_1283, %dma_wait3A_1284, %dma_wait3A_1285, %dma_wait3A_1286] : memref<64x64x64x64xf32, #tpu.memory_space<any>> -> memref<1x1x1x64xf32, #tpu.memory_space<any>>
    %dma_wait3A_1288 = tpu.memref_squeeze %dma_wait3A_1287 : memref<1x1x1x64xf32, #tpu.memory_space<any>> -> memref<64xf32, #tpu.memory_space<any>>
    %dma_wait3A_1289 = arith.constant 0 : i32
    %dma_wait3A_1290 = tpu.memref_slice %arg5[%dma_wait3A_1282, %dma_wait3A_1289] : memref<64x64xf32, #tpu.memory_space<vmem>> -> memref<1x64xf32, #tpu.memory_space<vmem>>
    %dma_wait3A_1291 = tpu.memref_squeeze %dma_wait3A_1290 : memref<1x64xf32, #tpu.memory_space<vmem>> -> memref<64xf32, #tpu.memory_space<vmem>>
    tpu.wait_dma2 semaphore(%arg6 : memref<!tpu.dma_semaphore, #tpu.memory_space<semaphore_mem>>) src(%dma_wait3A_1291 : memref<64xf32, #tpu.memory_space<vmem>>) dst(%dma_wait3A_1288 : memref<64xf32, #tpu.memory_space<any>>)
    %dma_wait3A_1292 = arith.constant 63 : i32
    %dma_wait3A_1293 = arith.constant 63 : i32
    %dma_wait3A_1294 = arith.constant 63 : i32
    %dma_wait3A_1295 = arith.constant 63 : i32
    %dma_wait3A_1296 = arith.constant 0 : i32
    %dma_wait3A_1297 = tpu.memref_slice %arg4[%dma_wait3A_1293, %dma_wait3A_1294, %dma_wait3A_1295, %dma_wait3A_1296] : memref<64x64x64x64xf32, #tpu.memory_space<any>> -> memref<1x1x1x64xf32, #tpu.memory_space<any>>
    %dma_wait3A_1298 = tpu.memref_squeeze %dma_wait3A_1297 : memref<1x1x1x64xf32, #tpu.memory_space<any>> -> memref<64xf32, #tpu.memory_space<any>>
    %dma_wait3A_1299 = arith.constant 0 : i32
    %dma_wait3A_1300 = tpu.memref_slice %arg5[%dma_wait3A_1292, %dma_wait3A_1299] : memref<64x64xf32, #tpu.memory_space<vmem>> -> memref<1x64xf32, #tpu.memory_space<vmem>>
    %dma_wait3A_1301 = tpu.memref_squeeze %dma_wait3A_1300 : memref<1x64xf32, #tpu.memory_space<vmem>> -> memref<64xf32, #tpu.memory_space<vmem>>
    tpu.wait_dma2 semaphore(%arg6 : memref<!tpu.dma_semaphore, #tpu.memory_space<semaphore_mem>>) src(%dma_wait3A_1301 : memref<64xf32, #tpu.memory_space<vmem>>) dst(%dma_wait3A_1298 : memref<64xf32, #tpu.memory_space<any>>)
    return
  }
}

</mosaic_0001>

<sc_bundles>
// kernel: kernel.5.cloned.1.call-start
scs
__scs_entry_jumppad:
0x0: {  	(pc) =	sbr.rel $0x88, $3  }
0x1: {  	(tag) =	ssettag $0x0;
	lr =	simm.s32 $0x1  }
0x2: {  	[smem:$0x3F9E] =	sst lr;
	_ =	strace $0xD0000000  }
0x3: {  	_ = 	snop  }
0x4: {  	_ = 	snop  }
0x5: {  	_ = 	snop  }
0x6: {  	_ = 	snop  }
0x7: {  	_ = 	snop  }
__scs_overlays_trampoline_lowered:
0x8: {  	[smem:$0x3FAD] =	sst s0  }
0x9: {  	[smem:$0x3FAE] =	sst s1  }
0xa: {  	[smem:$0x3FAF] =	sst s2  }
0xb: {  	[smem:$0x3FB0] =	sst s3  }
0xc: {  	[smem:$0x3FB1] =	sst s4  }
0xd: {  	[smem:$0x3FB2] =	sst s5  }
0xe: {  	[smem:$0x3FB3] =	sst s6  }
0xf: {  	[smem:$0x3FB4] =	sst s7  }
0x10: {  	[smem:$0x3FB5] =	sst s8  }
0x11: {  	[smem:$0x3FB6] =	sst s9;
	s0 =	simm.s32 @!p0 $0x0  }
0x12: {  	s1 =	sld [smem:$0x3F9C];
	s0 =	simm.s32 @p0 $0x1  }
0x13: {  	[smem:$0x3FB7] =	sst s0;
	s0 =	simm.s32 @!p1 $0x0  }
0x14: {  	s2 =	sld [smem:$0x3F9B];
	s0 =	simm.s32 @p1 $0x1  }
0x15: {  	[smem:$0x3FB8] =	sst s0;
	s0 =	simm.s32 @!p2 $0x0  }
0x16: {  	s3 =	sld [smem:$0x3FDB];
	s0 =	simm.s32 @p2 $0x1  }
0x17: {  	s4 =	simm.s32 $0x1BF5;
	[smem:$0x3FBA] =	sst s0  }
0x18: {  	s0 =	sld [smem:$0x3F9D];
	_ =	swait.ge [sflag:s4], $0x0  }
0x19: {  	s7 =	sld [smem:$0x3F9E]  }
0x1a: {  	s8 =	sadd.s32 $0xFFFFE003, lr  }
0x1b: {  	s9 =	sadd.s32 $0xFFFFFEF7, lr;
	s5 =	simm.s32 $0xFFFFFFFF;
	p2 =	slt.u32 s8, $0xFFFFF086  }
0x1c: {  	p1 =	slt.u32 s9, $0xF7A;
	s5 =	simm.s32 @!p2 $0x0  }
0x1d: {  	s5 =	simm.s32 @p1 $0x1;
	p0 =	seq.s32 s7, s2  }
0x1e: {  	s7 =	smul.u32 @!p0 $0xF7A, s2;
	p2 =	seq.s32 @!p0 s5, $0x0  }
0x1f: {  	s9 =	smul.u32 $0xF7A, s1;
	s8 =	simm.s32 @!p0 $0x1BF5;
	p2 =	por !p2, p0  }
0x20: {  	[sflag:s8] =	ssyncset.s32 @!p0 $0xFFFFF086;
	s6 =	sadd.s32 @!p0 s3, s7;
	s7 =	simm.s32 @!p0 $0x108  }
0x21: {  	s3 =	sadd.s32 s3, s9;
	s6 =	sadd.s32 @!p0 $0x88, s6;
	s7 =	simm.s32 @p2 $0x1082  }
0x22: {  	[simem:s7], [sflag:s8] =	dma.local @!p0 [hbm:s6], $0xF7A  }
0x23: {  	s9 =	sor.u32 $0xD0000000, s2;
	s6 =	simm.s32 $0x108;
	_ =	swait.ge @!p0 [sflag:s8], $0x0  }
0x24: {  	s3 =	sadd.s32 $0x88, s3;
	s6 =	simm.s32 @!p1 $0x1082;
	[sflag:s4] =	ssyncset.s32 $0xFFFFF086  }
0x25: {  	[simem:s6], [sflag:s4] =	dma.local [hbm:s3], $0xF7A  }
0x26: {  	[smem:$0x3F9E] =	sst s1;
	(tag) =	ssettag s2;
	_ =	strace s9  }
0x27: {  	s1 =	sld [smem:$0x3FAE]  }
0x28: {  	s2 =	sld [smem:$0x3FAF]  }
0x29: {  	s4 =	sld [smem:$0x3FB1]  }
0x2a: {  	p0 =	seq.s32 s5, $0x0;
	s5 =	sld [smem:$0x3FB2]  }
0x2b: {  	s6 =	sld [smem:$0x3FB3]  }
0x2c: {  	s7 =	sld [smem:$0x3FB4]  }
0x2d: {  	s3 =	simm.s32 $0x108;
	s8 =	sld [smem:$0x3FB5]  }
0x2e: {  	s3 =	simm.s32 @!p0 $0x1082;
	s9 =	sld [smem:$0x3FB6]  }
0x2f: {  	lr =	sadd.s32 s0, s3;
	s0 =	sld [smem:$0x3FAD]  }
0x30: {  	s3 =	sld [smem:$0x3FB0]  }
0x31: {  	[smem:$0x3FB9] =	sst s10  }
0x32: {  	s10 =	sld [smem:$0x3FB7];
	_ =	sdelay $0x3  }
0x33: {  	p0 =	seq.s32 s10, $0x1;
	s10 =	sld [smem:$0x3FB9];
	_ =	sdelay $0x3  }
0x34: {  	[smem:$0x3FB9] =	sst s10  }
0x35: {  	s10 =	sld [smem:$0x3FB8];
	_ =	sdelay $0x3  }
0x36: {  	p1 =	seq.s32 s10, $0x1;
	s10 =	sld [smem:$0x3FB9];
	_ =	sdelay $0x3  }
0x37: {  	[smem:$0x3FB9] =	sst s10  }
0x38: {  	s10 =	sld [smem:$0x3FBA]  }
0x39: {  	_ = 	snop;
	(pc) =	sbr.ind lr, $3  }
0x3a: {  	_ = 	snop  }
0x3b: {  	_ = 	snop  }
0x3c: {  	p2 =	seq.s32 s10, $0x1;
	s10 =	sld [smem:$0x3FB9]  }
0x3d: {  	_ =	shalt  }
0x3e: {  	_ =	shalt  }
0x3f: {  	_ =	shalt  }
0x40: {  	_ =	shalt  }
0x41: {  	_ =	shalt  }
0x42: {  	_ =	shalt  }
0x43: {  	_ =	shalt  }
0x44: {  	_ =	shalt  }
0x45: {  	_ =	shalt  }
0x46: {  	_ =	shalt  }
0x47: {  	_ =	shalt  }
0x48: {  	_ =	shalt  }
0x49: {  	_ =	shalt  }
0x4a: {  	_ =	shalt  }
0x4b: {  	_ =	shalt  }
0x4c: {  	_ =	shalt  }
0x4d: {  	_ =	shalt  }
0x4e: {  	_ =	shalt  }
0x4f: {  	_ =	shalt  }
0x50: {  	_ =	shalt  }
0x51: {  	_ =	shalt  }
0x52: {  	_ =	shalt  }
0x53: {  	_ =	shalt  }
0x54: {  	_ =	shalt  }
0x55: {  	_ =	shalt  }
0x56: {  	_ =	shalt  }
0x57: {  	_ =	shalt  }
0x58: {  	_ =	shalt  }
0x59: {  	_ =	shalt  }
0x5a: {  	_ =	shalt  }
0x5b: {  	_ =	shalt  }
0x5c: {  	_ =	shalt  }
0x5d: {  	_ =	shalt  }
0x5e: {  	_ =	shalt  }
0x5f: {  	_ =	shalt  }
0x60: {  	_ =	shalt  }
0x61: {  	_ =	shalt  }
0x62: {  	_ =	shalt  }
0x63: {  	_ =	shalt  }
0x64: {  	_ =	shalt  }
0x65: {  	_ =	shalt  }
0x66: {  	_ =	shalt  }
0x67: {  	_ =	shalt  }
0x68: {  	_ =	shalt  }
0x69: {  	_ =	shalt  }
0x6a: {  	_ =	shalt  }
0x6b: {  	_ =	shalt  }
0x6c: {  	_ =	shalt  }
0x6d: {  	_ =	shalt  }
0x6e: {  	_ =	shalt  }
0x6f: {  	_ =	shalt  }
0x70: {  	_ =	shalt  }
0x71: {  	_ =	shalt  }
0x72: {  	_ =	shalt  }
0x73: {  	_ =	shalt  }
0x74: {  	_ =	shalt  }
0x75: {  	_ =	shalt  }
0x76: {  	_ =	shalt  }
0x77: {  	_ =	shalt  }
0x78: {  	_ =	shalt  }
0x79: {  	_ =	shalt  }
0x7a: {  	_ =	shalt  }
0x7b: {  	_ =	shalt  }
0x7c: {  	_ =	shalt  }
0x7d: {  	_ =	shalt  }
0x7e: {  	_ =	shalt  }
0x7f: {  	_ =	shalt  }
0x80: {  	_ =	shalt  }
0x81: {  	_ =	shalt  }
0x82: {  	_ =	shalt  }
0x83: {  	_ =	shalt  }
0x84: {  	_ =	shalt  }
0x85: {  	_ =	shalt  }
0x86: {  	_ =	shalt  }
0x87: {  	_ =	shalt  }
.Lfunc_end0:
.L_simem_size_0:
called_computation_lowered:
.L_overlay_start_0:
0x88: {  	s0 =	sld [smem:$0x3FD9]  }
0x89: {  	s1 =	sld [smem:$0x3FFE];
	_ =	sdelay $0x3  }
0x8a: {  	s0 =	sadd.s32 s1, s0  }
0x8b: {  	[smem:$0x3FC5] =	sst s0  }
0x8c: {  	_ = 	snop  }
0x8d: {  	s0 =	sld [smem:$0x3FC8]  }
0x8e: {  	s16 =	sld [smem:$0x3FC7];
	(tm) =	ssettm $0x1  }
0x8f: {  	s2 =	sld [smem:$0x3FFB];
	_ =	sdelay $0x3  }
0x90: {  	_ =	strace s2  }
0x91: {  	s2 =	sld [smem:$0x3FFC];
	_ =	sdelay $0x3  }
0x92: {  	_ =	strace s2  }
0x93: {  	s2 =	sld [smem:$0x3FFD];
	_ =	sdelay $0x3  }
0x94: {  	_ =	strace s2  }
0x95: {  	_ =	strace $0x8FFFFFFF  }
0x96: {  	s17 =	sld [smem:$0x3FDB];
	_ =	sdelay $0x1  }
0x97: {  	s3 =	simm.s32 $_scs_section_size  }
0x98: {  	s4 =	simm.s32 $_size__tile_overlayer_lowered;
	s5 =	simm.s32 $_tile_overlayer_lowered  }
0x99: {  	s20 =	simm.s32 $0x1BFF;
	s19 =	sshll.u32 s5, $0x1;
	s2 =	sadd.s32 s3, s17  }
0x9a: {  	s6 =	simm.s32 $0x0;
	s18 =	sshll.u32 s4, $0x1;
	s4 =	sadd.s32 s19, s2  }
0x9b: {  	[timem:s6], [sflag:s20] =	dma.local [hbm:s4], s18  }
0x9c: {  	_ =	swait.ge [sflag:s20], s18  }
0x9d: {  	s3 =	ssub.s32 $0x0, s18;
	[sflag:s20] =	ssyncset.done $0x0  }
0x9e: {  	[sflag:s20] =	ssyncadd.s32 s3;
	_ =	sdelay $0x1  }
0x9f: {  	s21 =	simm.s32 $0x1B8B  }
0xa0: {  	_ =	swait.ge [sflag:s21], $0x1  }
0xa1: {  	[sflag:s21] =	ssyncset.done $0x0  }
0xa2: {  	s23 =	simm.s32 $0x1B8E;
	s22 =	sld [smem:$0x3FFE];
	[sflag:s21] =	ssyncadd.s32 $0xFFFFFFFF  }
0xa3: {  	s24 =	simm.s32 $execute0_lowered;
	[smem:$0x3FD2] =	sst s23  }
0xa4: {  	s4 =	sshll.u32 s24, $0x1;
	_ =	strace $0x80000046;
	[dreg:$0x1] =	wrdreg $0xFFFFFFFF  }
0xa5: {  	s25 =	simm.s32 $_size_execute0_lowered;
	s2 =	sadd.s32 s2, s4;
	[dreg:$0x0] =	wrdreg $0x0  }
0xa6: {  	s4 =	sshll.u32 s25, $0x1;
	[dreg:$0x2] =	wrdreg s2  }
0xa7: {  	[dreg:$0x3] =	wrdreg s4  }
0xa8: {  	[dreg:$0x4] =	wrdreg $0xC0  }
0xa9: {  	_ =	task [dreg:s6], $0x5FFFF  }
0xaa: {  	[dreg:$0x1] =	wrdreg $0xFFFFFFFF  }
0xab: {  	[dreg:$0x0] =	wrdreg $0x60  }
0xac: {  	[dreg:$0x2] =	wrdreg s0  }
0xad: {  	[dreg:$0x3] =	wrdreg s16  }
0xae: {  	[dreg:$0x4] =	wrdreg s22  }
0xaf: {  	[dreg:$0x5] =	wrdreg $0x9  }
0xb0: {  	_ =	task.clear_ibuf [dreg:s6], $0x6FFFF;
	_ =	strace $0x90000046  }
0xb1: {  	s26 =	simm.s32 $0x9;
	_ =	strace $0x80000048  }
0xb2: {  	_ =	swait.ge [sflag:s26], $0x1  }
0xb3: {  	[sflag:s26] =	ssyncadd.s32 $0xFFFFFFFF  }
0xb4: {  	_ =	strace $0x90000048  }
0xb5: {  	_ =	sfence  }
0xb6: {  	s28 =	sld [smem:$0x0];
	_ =	sdelay $0x1  }
0xb7: {  	s29 =	srdreg.scid  }
0xb8: {  	s30 =	sshll.u32 s29, $0xD;
	s31 =	sshrl.u32 s29, $0x2  }
0xb9: {  	s1 =	sand.u32 $0x1, s29;
	s2 =	sand.u32 $0x4000, s30;
	s0 =	sadd.s32 s31, s28  }
0xba: {  	s1 =	sor.u32 s2, s1;
	s0 =	sshll.u32 s0, $0x11  }
0xbb: {  	s0 =	sor.u32 s0, s1  }
0xbc: {  	s0 =	sadd.s32 $0x8F2B, s0  }
0xbd: {  	[sflag:s0] =	ssyncadd.remote.s32 $0x1  }
0xbe: {  	_ =	sfence.sel $0xFFFF  }
0xbf: {  	[dreg:$0x0] =	wrdreg $0xFFFFFFFF;
	(pc) =	sbr.abs _section_cstart, $3  }
0xc0: {  	[dreg:$0x1] =	wrdreg $0xFFFFFFFF  }
0xc1: {  	_ =	task.clear_ibuf [dreg:s6], $0x2FFFF;
	_ =	strace $0x9FFFFFFF  }
0xc2: {  	(tm) =	ssettm $0x7FFFFFFF  }
0xc3: {  	_ =	shalt  }
tec
execute0_lowered:
.L_overlay_start_1:
0x0: {  	(tag) =	ssettag $0x1  }
0x1: {  	s3 =	rddreg [dreg:$0x0]  }
0x2: {  	s5 =	rddreg [dreg:$0x1]  }
0x3: {  	s2 =	rddreg [dreg:$0x2]  }
0x4: {  	s0 =	rddreg [dreg:$0x3];
	s4 =	simm.s32 $0x0;
	s1 =	stileid.u32  }
0x5: {  	[smem:$0x7FF] =	sst s4;
	s6 =	sshll.u32 s1, $0xB  }
0x6: {  	s30 =	simm.s32 $0x1;
	_ =	strace $0x80000047;
	s3 =	sadd.s32 s3, s6  }
0x7: {  	[tilespmem:s4], [sflag:$0x1] =	stream.linear.gather [hbm4b:s3+s4], $0x4000, $0x38;
	[tilespmem:$0xC100] =	vst v63  }
0x8: {  	_ =	swait.ge [sflag:s30], $0x4000  }
0x9: {  	[sflag:s30] =	ssyncset.done $0x0  }
0xa: {  	s31 =	simm.s32 $0x4000;
	s5 =	sadd.s32 s5, s6;
	[sflag:s30] =	ssyncadd.s32 $0xFFFFC000  }
0xb: {  	[tilespmem:s31], [sflag:$0x1] =	stream.linear.gather [hbm4b:s5+s4], $0x4000, $0x38;
	[tilespmem:$0xC100] =	vst v63  }
0xc: {  	_ =	swait.ge [sflag:s30], $0x4000  }
0xd: {  	[sflag:s30] =	ssyncset.done $0x0  }
0xe: {  	v0 =	vimm.s32 $0xFFFFFFFF;
	[sflag:s30] =	ssyncadd.s32 $0xFFFFC000  }
0xf: {  	v1 =	vimm.f32 $0.0e+00;
	[tilespmem:$0x8000] =	vst v0  }
0x10: {  	[tilespmem:$0xA000] =	vst v1  }
0x11: {  	[tilespmem:$0x8080] =	vst v0  }
0x12: {  	[tilespmem:$0xA080] =	vst v1  }
0x13: {  	[tilespmem:$0x8100] =	vst v0  }
0x14: {  	[tilespmem:$0xA100] =	vst v1  }
0x15: {  	[tilespmem:$0x8180] =	vst v0  }
0x16: {  	[tilespmem:$0xA180] =	vst v1  }
0x17: {  	[tilespmem:$0x8200] =	vst v0  }
0x18: {  	[tilespmem:$0xA200] =	vst v1  }
0x19: {  	[tilespmem:$0x8280] =	vst v0  }
0x1a: {  	[tilespmem:$0xA280] =	vst v1  }
0x1b: {  	[tilespmem:$0x8300] =	vst v0  }
0x1c: {  	[tilespmem:$0xA300] =	vst v1  }
0x1d: {  	[tilespmem:$0x8380] =	vst v0  }
0x1e: {  	[tilespmem:$0xA380] =	vst v1  }
0x1f: {  	[tilespmem:$0x8400] =	vst v0  }
0x20: {  	[tilespmem:$0xA400] =	vst v1  }
0x21: {  	[tilespmem:$0x8480] =	vst v0  }
0x22: {  	[tilespmem:$0xA480] =	vst v1  }
0x23: {  	[tilespmem:$0x8500] =	vst v0  }
0x24: {  	[tilespmem:$0xA500] =	vst v1  }
0x25: {  	[tilespmem:$0x8580] =	vst v0  }
0x26: {  	[tilespmem:$0xA580] =	vst v1  }
0x27: {  	[tilespmem:$0x8600] =	vst v0  }
0x28: {  	[tilespmem:$0xA600] =	vst v1  }
0x29: {  	[tilespmem:$0x8680] =	vst v0  }
0x2a: {  	[tilespmem:$0xA680] =	vst v1  }
0x2b: {  	[tilespmem:$0x8700] =	vst v0  }
0x2c: {  	[tilespmem:$0xA700] =	vst v1  }
0x2d: {  	[tilespmem:$0x8780] =	vst v0  }
0x2e: {  	[tilespmem:$0xA780] =	vst v1  }
0x2f: {  	[tilespmem:$0x8800] =	vst v0  }
0x30: {  	[tilespmem:$0xA800] =	vst v1  }
0x31: {  	[tilespmem:$0x8880] =	vst v0  }
0x32: {  	[tilespmem:$0xA880] =	vst v1  }
0x33: {  	[tilespmem:$0x8900] =	vst v0  }
0x34: {  	[tilespmem:$0xA900] =	vst v1  }
0x35: {  	[tilespmem:$0x8980] =	vst v0  }
0x36: {  	[tilespmem:$0xA980] =	vst v1  }
0x37: {  	[tilespmem:$0x8A00] =	vst v0  }
0x38: {  	[tilespmem:$0xAA00] =	vst v1  }
0x39: {  	[tilespmem:$0x8A80] =	vst v0  }
0x3a: {  	[tilespmem:$0xAA80] =	vst v1  }
0x3b: {  	[tilespmem:$0x8B00] =	vst v0  }
0x3c: {  	[tilespmem:$0xAB00] =	vst v1  }
0x3d: {  	[tilespmem:$0x8B80] =	vst v0  }
0x3e: {  	[tilespmem:$0xAB80] =	vst v1  }
0x3f: {  	[tilespmem:$0x8C00] =	vst v0  }
0x40: {  	[tilespmem:$0xAC00] =	vst v1  }
0x41: {  	[tilespmem:$0x8C80] =	vst v0  }
0x42: {  	[tilespmem:$0xAC80] =	vst v1  }
0x43: {  	[tilespmem:$0x8D00] =	vst v0  }
0x44: {  	[tilespmem:$0xAD00] =	vst v1  }
0x45: {  	[tilespmem:$0x8D80] =	vst v0  }
0x46: {  	[tilespmem:$0xAD80] =	vst v1  }
0x47: {  	[tilespmem:$0x8E00] =	vst v0  }
0x48: {  	[tilespmem:$0xAE00] =	vst v1  }
0x49: {  	[tilespmem:$0x8E80] =	vst v0  }
0x4a: {  	[tilespmem:$0xAE80] =	vst v1  }
0x4b: {  	[tilespmem:$0x8F00] =	vst v0  }
0x4c: {  	[tilespmem:$0xAF00] =	vst v1  }
0x4d: {  	[tilespmem:$0x8F80] =	vst v0  }
0x4e: {  	[tilespmem:$0xAF80] =	vst v1  }
0x4f: {  	[tilespmem:$0x9000] =	vst v0  }
0x50: {  	[tilespmem:$0xB000] =	vst v1  }
0x51: {  	[tilespmem:$0x9080] =	vst v0  }
0x52: {  	[tilespmem:$0xB080] =	vst v1  }
0x53: {  	[tilespmem:$0x9100] =	vst v0  }
0x54: {  	[tilespmem:$0xB100] =	vst v1  }
0x55: {  	[tilespmem:$0x9180] =	vst v0  }
0x56: {  	[tilespmem:$0xB180] =	vst v1  }
0x57: {  	[tilespmem:$0x9200] =	vst v0  }
0x58: {  	[tilespmem:$0xB200] =	vst v1  }
0x59: {  	[tilespmem:$0x9280] =	vst v0  }
0x5a: {  	[tilespmem:$0xB280] =	vst v1  }
0x5b: {  	[tilespmem:$0x9300] =	vst v0  }
0x5c: {  	[tilespmem:$0xB300] =	vst v1  }
0x5d: {  	[tilespmem:$0x9380] =	vst v0  }
0x5e: {  	[tilespmem:$0xB380] =	vst v1  }
0x5f: {  	[tilespmem:$0x9400] =	vst v0  }
0x60: {  	[tilespmem:$0xB400] =	vst v1  }
0x61: {  	[tilespmem:$0x9480] =	vst v0  }
0x62: {  	[tilespmem:$0xB480] =	vst v1  }
0x63: {  	[tilespmem:$0x9500] =	vst v0  }
0x64: {  	[tilespmem:$0xB500] =	vst v1  }
0x65: {  	[tilespmem:$0x9580] =	vst v0  }
0x66: {  	[tilespmem:$0xB580] =	vst v1  }
0x67: {  	[tilespmem:$0x9600] =	vst v0  }
0x68: {  	[tilespmem:$0xB600] =	vst v1  }
0x69: {  	[tilespmem:$0x9680] =	vst v0  }
0x6a: {  	[tilespmem:$0xB680] =	vst v1  }
0x6b: {  	[tilespmem:$0x9700] =	vst v0  }
0x6c: {  	[tilespmem:$0xB700] =	vst v1  }
0x6d: {  	[tilespmem:$0x9780] =	vst v0  }
0x6e: {  	[tilespmem:$0xB780] =	vst v1  }
0x6f: {  	[tilespmem:$0x9800] =	vst v0  }
0x70: {  	[tilespmem:$0xB800] =	vst v1  }
0x71: {  	[tilespmem:$0x9880] =	vst v0  }
0x72: {  	[tilespmem:$0xB880] =	vst v1  }
0x73: {  	[tilespmem:$0x9900] =	vst v0  }
0x74: {  	[tilespmem:$0xB900] =	vst v1  }
0x75: {  	[tilespmem:$0x9980] =	vst v0  }
0x76: {  	[tilespmem:$0xB980] =	vst v1  }
0x77: {  	[tilespmem:$0x9A00] =	vst v0  }
0x78: {  	[tilespmem:$0xBA00] =	vst v1  }
0x79: {  	[tilespmem:$0x9A80] =	vst v0  }
0x7a: {  	[tilespmem:$0xBA80] =	vst v1  }
0x7b: {  	[tilespmem:$0x9B00] =	vst v0  }
0x7c: {  	[tilespmem:$0xBB00] =	vst v1  }
0x7d: {  	[tilespmem:$0x9B80] =	vst v0  }
0x7e: {  	[tilespmem:$0xBB80] =	vst v1  }
0x7f: {  	[tilespmem:$0x9C00] =	vst v0  }
0x80: {  	[tilespmem:$0xBC00] =	vst v1  }
0x81: {  	[tilespmem:$0x9C80] =	vst v0  }
0x82: {  	[tilespmem:$0xBC80] =	vst v1  }
0x83: {  	[tilespmem:$0x9D00] =	vst v0  }
0x84: {  	[tilespmem:$0xBD00] =	vst v1  }
0x85: {  	[tilespmem:$0x9D80] =	vst v0  }
0x86: {  	[tilespmem:$0xBD80] =	vst v1  }
0x87: {  	[tilespmem:$0x9E00] =	vst v0  }
0x88: {  	[tilespmem:$0xBE00] =	vst v1  }
0x89: {  	[tilespmem:$0x9E80] =	vst v0  }
0x8a: {  	[tilespmem:$0xBE80] =	vst v1  }
0x8b: {  	[tilespmem:$0x9F00] =	vst v0  }
0x8c: {  	s7 =	simm.s32 $0x4040;
	[tilespmem:$0xBF00] =	vst v1  }
0x8d: {  	s8 =	simm.s32 $0x8000;
	s9 =	simm.s32 $0xA000;
	s6 =	simm.s32 $0x40;
	[tilespmem:$0x9F80] =	vst v0  }
0x8e: {  	s3 =	sadd.s32 $0xE00, s2;
	s2 =	sadd.s32 $0x1000, s2;
	s5 =	sshll.u32 s1, $0xE;
	[tilespmem:$0xBF80] =	vst v1;
	v0 =	vlaneseq.u32  }
.LBB2_1:
0x8f: {  	v1 =	vld [tilespmem:s6+$0xFFFFFFC0];
	_ =	sdelay $0x4  }
0x90: {  	v1 =	vshll.u32 v1, $0x7  }
0x91: {  	v1 =	vor.u32 v0, v1  }
0x92: {  	v2 =	vld [tilespmem:s7+$0xFFFFFFC0];
	_ =	sdelay $0x1  }
0x93: {  	s10 =	sadd.s32 s4, s5  }
0x94: {  	v3 =	vor.u32 s10, v0  }
0x95: {  	[tilespmem:v1+s8+$0x0] =	vst.idx.msk $0xffff, v3  }
0x96: {  	[tilespmem:v1+s9+$0x0] =	vst.idx.msk $0xffff, v2  }
0x97: {  	v1 =	vld [tilespmem:s6+$0xFFFFFFD0];
	_ =	sdelay $0x4  }
0x98: {  	v1 =	vshll.u32 v1, $0x7  }
0x99: {  	v1 =	vor.u32 v0, v1  }
0x9a: {  	v2 =	vld [tilespmem:s7+$0xFFFFFFD0];
	_ =	sdelay $0x1  }
0x9b: {  	s11 =	sadd.s32 $0x10, s10  }
0x9c: {  	v3 =	vor.u32 s11, v0  }
0x9d: {  	[tilespmem:v1+s8+$0x0] =	vst.idx.msk $0xffff, v3  }
0x9e: {  	[tilespmem:v1+s9+$0x0] =	vst.idx.msk $0xffff, v2  }
0x9f: {  	v1 =	vld [tilespmem:s6+$0xFFFFFFE0];
	_ =	sdelay $0x4  }
0xa0: {  	v1 =	vshll.u32 v1, $0x7  }
0xa1: {  	v1 =	vor.u32 v0, v1  }
0xa2: {  	v2 =	vld [tilespmem:s7+$0xFFFFFFE0];
	_ =	sdelay $0x1  }
0xa3: {  	s26 =	sadd.s32 $0x20, s10  }
0xa4: {  	v3 =	vor.u32 s26, v0  }
0xa5: {  	[tilespmem:v1+s8+$0x0] =	vst.idx.msk $0xffff, v3  }
0xa6: {  	[tilespmem:v1+s9+$0x0] =	vst.idx.msk $0xffff, v2  }
0xa7: {  	v1 =	vld [tilespmem:s6+$0xFFFFFFF0];
	_ =	sdelay $0x4  }
0xa8: {  	v1 =	vshll.u32 v1, $0x7  }
0xa9: {  	v1 =	vor.u32 v0, v1  }
0xaa: {  	v2 =	vld [tilespmem:s7+$0xFFFFFFF0];
	_ =	sdelay $0x1  }
0xab: {  	s28 =	sadd.s32 $0x30, s10  }
0xac: {  	v3 =	vor.u32 s28, v0  }
0xad: {  	[tilespmem:v1+s8+$0x0] =	vst.idx.msk $0xffff, v3  }
0xae: {  	[tilespmem:v1+s9+$0x0] =	vst.idx.msk $0xffff, v2  }
0xaf: {  	v1 =	vld [tilespmem:s6+$0x0];
	_ =	sdelay $0x4  }
0xb0: {  	v1 =	vshll.u32 v1, $0x7  }
0xb1: {  	v1 =	vor.u32 v0, v1  }
0xb2: {  	v2 =	vld [tilespmem:s7+$0x0];
	_ =	sdelay $0x1  }
0xb3: {  	s29 =	sadd.s32 $0x40, s10  }
0xb4: {  	v3 =	vor.u32 s29, v0  }
0xb5: {  	[tilespmem:v1+s8+$0x0] =	vst.idx.msk $0xffff, v3  }
0xb6: {  	[tilespmem:v1+s9+$0x0] =	vst.idx.msk $0xffff, v2  }
0xb7: {  	v1 =	vld [tilespmem:s6+$0x10];
	_ =	sdelay $0x4  }
0xb8: {  	v1 =	vshll.u32 v1, $0x7  }
0xb9: {  	v1 =	vor.u32 v0, v1  }
0xba: {  	v2 =	vld [tilespmem:s7+$0x10];
	_ =	sdelay $0x1  }
0xbb: {  	s30 =	sadd.s32 $0x50, s10  }
0xbc: {  	v3 =	vor.u32 s30, v0  }
0xbd: {  	[tilespmem:v1+s8+$0x0] =	vst.idx.msk $0xffff, v3  }
0xbe: {  	[tilespmem:v1+s9+$0x0] =	vst.idx.msk $0xffff, v2  }
0xbf: {  	v1 =	vld [tilespmem:s6+$0x20];
	_ =	sdelay $0x4  }
0xc0: {  	v1 =	vshll.u32 v1, $0x7  }
0xc1: {  	v1 =	vor.u32 v0, v1  }
0xc2: {  	v2 =	vld [tilespmem:s7+$0x20];
	_ =	sdelay $0x1  }
0xc3: {  	s31 =	sadd.s32 $0x60, s10  }
0xc4: {  	v3 =	vor.u32 s31, v0  }
0xc5: {  	[tilespmem:v1+s8+$0x0] =	vst.idx.msk $0xffff, v3  }
0xc6: {  	[tilespmem:v1+s9+$0x0] =	vst.idx.msk $0xffff, v2  }
0xc7: {  	v1 =	vld [tilespmem:s6+$0x30];
	_ =	sdelay $0x4  }
0xc8: {  	v1 =	vshll.u32 v1, $0x7  }
0xc9: {  	v1 =	vor.u32 v0, v1  }
0xca: {  	p0 =	sne.s32 s4, $0x3F80;
	v2 =	vld [tilespmem:s7+$0x30]  }
.Ltmp0:
0xcb: {  	_ = 	snop;
	(pc) =	sbr.rel @p0 .LBB2_1-.Ltmp0, $4  }
0xcc: {  	s10 =	sadd.s32 $0x70, s10  }
0xcd: {  	v3 =	vor.u32 s10, v0  }
0xce: {  	[tilespmem:v1+s8+$0x0] =	vst.idx.msk $0xffff, v3  }
0xcf: {  	s4 =	sadd.s32 $0x80, s4;
	s6 =	sadd.s32 $0x80, s6;
	s7 =	sadd.s32 $0x80, s7;
	[tilespmem:v1+s9+$0x0] =	vst.idx.msk $0xffff, v2  }
0xd0: {  	v0 =	vlaneseq.u32  }
0xd1: {  	v0 =	vmul.u32 $0x80, v0;
	_ =	sdelay $0x2  }
0xd2: {  	v1 =	vor.u32 $0x1, v0;
	_ =	sdelay $0x1  }
0xd3: {  	s5 =	simm.s32 $0x8000;
	v2 =	vor.u32 $0x2, v0  }
0xd4: {  	v3 =	vld.idx.msk [tilespmem:v0+s5+$0x0], $0xffff  }
0xd5: {  	v4 =	vor.u32 $0x3, v0  }
0xd6: {  	s4 =	simm.s32 $0xA000;
	v5 =	vld.idx.msk [tilespmem:v1+s5+$0x0], $0xffff  }
0xd7: {  	v7 =	vor.u32 $0x4, v0;
	v6 =	vld.idx.msk [tilespmem:v0+s4+$0x0], $0xffff  }
0xd8: {  	v8 =	vld.idx.msk [tilespmem:v2+s5+$0x0], $0xffff  }
0xd9: {  	v10 =	vor.u32 $0x5, v0;
	v1 =	vld.idx.msk [tilespmem:v1+s4+$0x0], $0xffff;
	v9 =	vshra.s32 v3, $0x1F  }
0xda: {  	v11 =	vld.idx.msk [tilespmem:v4+s5+$0x0], $0xffff;
	v9 =	vor.u32 v9, v3  }
0xdb: {  	v12 =	vor.u32 $0x6, v0;
	v2 =	vld.idx.msk [tilespmem:v2+s4+$0x0], $0xffff;
	vm0 =	vgt.s32 v5, v9  }
0xdc: {  	v56 =	vld.idx.msk [tilespmem:v7+s5+$0x0], $0xffff;
	v5 =	vsel vm0, v5, v9  }
0xdd: {  	v13 =	vor.u32 $0x7, v0;
	v4 =	vld.idx.msk [tilespmem:v4+s4+$0x0], $0xffff;
	vm1 =	vgt.s32 v8, v5  }
0xde: {  	v57 =	vld.idx.msk [tilespmem:v10+s5+$0x0], $0xffff;
	v5 =	vsel vm1, v8, v5  }
0xdf: {  	v14 =	vor.u32 $0x8, v0;
	v7 =	vld.idx.msk [tilespmem:v7+s4+$0x0], $0xffff;
	vm2 =	vgt.s32 v11, v5  }
0xe0: {  	v58 =	vld.idx.msk [tilespmem:v12+s5+$0x0], $0xffff;
	v5 =	vsel vm2, v11, v5  }
0xe1: {  	v15 =	vor.u32 $0x9, v0;
	v10 =	vld.idx.msk [tilespmem:v10+s4+$0x0], $0xffff;
	vm3 =	vgt.s32 v56, v5  }
0xe2: {  	v59 =	vld.idx.msk [tilespmem:v13+s5+$0x0], $0xffff;
	v5 =	vsel vm3, v56, v5  }
0xe3: {  	v16 =	vor.u32 $0xA, v0;
	v12 =	vld.idx.msk [tilespmem:v12+s4+$0x0], $0xffff;
	vm4 =	vgt.s32 v57, v5  }
0xe4: {  	v60 =	vld.idx.msk [tilespmem:v14+s5+$0x0], $0xffff;
	v5 =	vsel vm4, v57, v5  }
0xe5: {  	v17 =	vor.u32 $0xB, v0;
	v13 =	vld.idx.msk [tilespmem:v13+s4+$0x0], $0xffff;
	vm5 =	vgt.s32 v58, v5  }
0xe6: {  	v61 =	vld.idx.msk [tilespmem:v15+s5+$0x0], $0xffff;
	v5 =	vsel vm5, v58, v5  }
0xe7: {  	v18 =	vor.u32 $0xC, v0;
	v14 =	vld.idx.msk [tilespmem:v14+s4+$0x0], $0xffff;
	vm6 =	vgt.s32 v59, v5  }
0xe8: {  	v62 =	vld.idx.msk [tilespmem:v16+s5+$0x0], $0xffff;
	v5 =	vsel vm6, v59, v5  }
0xe9: {  	v20 =	vor.u32 $0xD, v0;
	v63 =	vld.idx.msk [tilespmem:v15+s4+$0x0], $0xffff;
	vm7 =	vgt.s32 v3, $0xFFFFFFFF;
	vm8 =	vgt.s32 v60, v5  }
0xea: {  	v21 =	vld.idx.msk [tilespmem:v17+s5+$0x0], $0xffff;
	v6 =	vnsel vm7, $0x0, v6;
	v5 =	vsel vm8, v60, v5  }
0xeb: {  	v23 =	vor.u32 $0xE, v0;
	v22 =	vld.idx.msk [tilespmem:v16+s4+$0x0], $0xffff;
	v1 =	vsel vm0, v1, v6;
	vm15 =	vgt.s32 v61, v5  }
0xec: {  	v25 =	vld.idx.msk [tilespmem:v18+s5+$0x0], $0xffff;
	v1 =	vsel vm1, v2, v1;
	v24 =	vsel vm15, v61, v5  }
0xed: {  	v27 =	vor.u32 $0xF, v0;
	v26 =	vld.idx.msk [tilespmem:v17+s4+$0x0], $0xffff;
	v1 =	vsel vm2, v4, v1;
	vm7 =	vgt.s32 v62, v24  }
0xee: {  	v28 =	vld.idx.msk [tilespmem:v20+s5+$0x0], $0xffff;
	v1 =	vsel vm3, v7, v1;
	v2 =	vsel vm7, v62, v24  }
0xef: {  	v29 =	vld.idx.msk [tilespmem:v18+s4+$0x0], $0xffff;
	v1 =	vsel vm4, v10, v1;
	vm9 =	vgt.s32 v21, v2  }
0xf0: {  	v30 =	vld.idx.msk [tilespmem:v23+s5+$0x0], $0xffff;
	v1 =	vsel vm5, v12, v1;
	v2 =	vsel vm9, v21, v2  }
0xf1: {  	v31 =	vld.idx.msk [tilespmem:v20+s4+$0x0], $0xffff;
	v1 =	vsel vm6, v13, v1;
	vm10 =	vgt.s32 v25, v2  }
0xf2: {  	v32 =	vld.idx.msk [tilespmem:v27+s5+$0x0], $0xffff;
	v1 =	vsel vm8, v14, v1;
	v2 =	vsel vm10, v25, v2  }
0xf3: {  	v33 =	vld.idx.msk [tilespmem:v23+s4+$0x0], $0xffff;
	v1 =	vsel vm15, v63, v1;
	vm11 =	vgt.s32 v28, v2  }
0xf4: {  	v34 =	vld.idx.msk [tilespmem:v27+s4+$0x0], $0xffff;
	v1 =	vsel vm7, v22, v1;
	v2 =	vsel vm11, v28, v2  }
0xf5: {  	v1 =	vsel vm9, v26, v1;
	vm12 =	vgt.s32 v30, v2  }
0xf6: {  	v35 =	vor.u32 $0x800, v0;
	v1 =	vsel vm10, v29, v1;
	v2 =	vsel vm12, v30, v2  }
0xf7: {  	v1 =	vsel vm11, v31, v1;
	vm13 =	vgt.s32 v32, v2  }
0xf8: {  	v36 =	vor.u32 $0x801, v0;
	v1 =	vsel vm12, v33, v1;
	v2 =	vsel vm13, v32, v2  }
0xf9: {  	v1 =	vsel vm13, v34, v1;
	[tilespmem:$0xC000] =	vst v2  }
0xfa: {  	v37 =	vor.u32 $0x802, v0;
	[tilespmem:$0xC080] =	vst v1  }
0xfb: {  	v2 =	vld.idx.msk [tilespmem:v35+s5+$0x0], $0xffff  }
0xfc: {  	v38 =	vor.u32 $0x803, v0  }
0xfd: {  	v39 =	vld.idx.msk [tilespmem:v36+s5+$0x0], $0xffff  }
0xfe: {  	v40 =	vor.u32 $0x804, v0;
	v4 =	vld.idx.msk [tilespmem:v35+s4+$0x0], $0xffff  }
0xff: {  	v41 =	vld.idx.msk [tilespmem:v37+s5+$0x0], $0xffff  }
0x100: {  	v43 =	vor.u32 $0x805, v0;
	v3 =	vld.idx.msk [tilespmem:v36+s4+$0x0], $0xffff;
	v42 =	vshra.s32 v2, $0x1F  }
0x101: {  	v44 =	vld.idx.msk [tilespmem:v38+s5+$0x0], $0xffff;
	v9 =	vor.u32 v42, v2  }
0x102: {  	v45 =	vor.u32 $0x806, v0;
	v1 =	vld.idx.msk [tilespmem:v37+s4+$0x0], $0xffff;
	vm14 =	vgt.s32 v39, v9  }
0x103: {  	v46 =	vld.idx.msk [tilespmem:v40+s5+$0x0], $0xffff;
	v6 =	vsel vm14, v39, v9  }
0x104: {  	v47 =	vor.u32 $0x807, v0;
	v5 =	vld.idx.msk [tilespmem:v38+s4+$0x0], $0xffff;
	vm1 =	vgt.s32 v41, v6  }
0x105: {  	v48 =	vld.idx.msk [tilespmem:v43+s5+$0x0], $0xffff;
	v6 =	vsel vm1, v41, v6  }
0x106: {  	v49 =	vor.u32 $0x808, v0;
	v7 =	vld.idx.msk [tilespmem:v40+s4+$0x0], $0xffff;
	vm15 =	vgt.s32 v44, v6  }
0x107: {  	v50 =	vld.idx.msk [tilespmem:v45+s5+$0x0], $0xffff;
	v6 =	vsel vm15, v44, v6  }
0x108: {  	v51 =	vor.u32 $0x809, v0;
	v10 =	vld.idx.msk [tilespmem:v43+s4+$0x0], $0xffff;
	vm3 =	vgt.s32 v46, v6  }
0x109: {  	v52 =	vld.idx.msk [tilespmem:v47+s5+$0x0], $0xffff;
	v6 =	vsel vm3, v46, v6  }
0x10a: {  	v53 =	vor.u32 $0x80A, v0;
	v12 =	vld.idx.msk [tilespmem:v45+s4+$0x0], $0xffff;
	vm4 =	vgt.s32 v48, v6  }
0x10b: {  	v54 =	vld.idx.msk [tilespmem:v49+s5+$0x0], $0xffff;
	v6 =	vsel vm4, v48, v6  }
0x10c: {  	v55 =	vor.u32 $0x80B, v0;
	v13 =	vld.idx.msk [tilespmem:v47+s4+$0x0], $0xffff;
	vm5 =	vgt.s32 v50, v6  }
0x10d: {  	v56 =	vld.idx.msk [tilespmem:v51+s5+$0x0], $0xffff;
	v6 =	vsel vm5, v50, v6  }
0x10e: {  	v57 =	vor.u32 $0x80C, v0;
	v14 =	vld.idx.msk [tilespmem:v49+s4+$0x0], $0xffff;
	vm6 =	vgt.s32 v52, v6  }
0x10f: {  	v58 =	vld.idx.msk [tilespmem:v53+s5+$0x0], $0xffff;
	v6 =	vsel vm6, v52, v6  }
0x110: {  	v60 =	vor.u32 $0x80D, v0;
	v59 =	vld.idx.msk [tilespmem:v51+s4+$0x0], $0xffff;
	vm12 =	vgt.s32 v2, $0xFFFFFFFF;
	vm13 =	vgt.s32 v54, v6  }
0x111: {  	v61 =	vld.idx.msk [tilespmem:v55+s5+$0x0], $0xffff;
	v4 =	vnsel vm12, $0x0, v4;
	v6 =	vsel vm13, v54, v6  }
0x112: {  	v63 =	vor.u32 $0x80E, v0;
	v62 =	vld.idx.msk [tilespmem:v53+s4+$0x0], $0xffff;
	v3 =	vsel vm14, v3, v4;
	vm14 =	vgt.s32 v56, v6  }
0x113: {  	v20 =	vld.idx.msk [tilespmem:v57+s5+$0x0], $0xffff;
	v1 =	vsel vm1, v1, v3;
	v19 =	vsel vm14, v56, v6  }
0x114: {  	v22 =	vor.u32 $0x80F, v0;
	v21 =	vld.idx.msk [tilespmem:v55+s4+$0x0], $0xffff;
	v1 =	vsel vm15, v5, v1;
	vm15 =	vgt.s32 v58, v19  }
0x115: {  	v23 =	vld.idx.msk [tilespmem:v60+s5+$0x0], $0xffff;
	v1 =	vsel vm3, v7, v1;
	v3 =	vsel vm15, v58, v19  }
0x116: {  	v24 =	vld.idx.msk [tilespmem:v57+s4+$0x0], $0xffff;
	v1 =	vsel vm4, v10, v1;
	vm7 =	vgt.s32 v61, v3  }
0x117: {  	v25 =	vld.idx.msk [tilespmem:v63+s5+$0x0], $0xffff;
	v1 =	vsel vm5, v12, v1;
	v3 =	vsel vm7, v61, v3  }
0x118: {  	v26 =	vld.idx.msk [tilespmem:v60+s4+$0x0], $0xffff;
	v1 =	vsel vm6, v13, v1;
	vm9 =	vgt.s32 v20, v3  }
0x119: {  	v27 =	vld.idx.msk [tilespmem:v22+s5+$0x0], $0xffff;
	v1 =	vsel vm13, v14, v1;
	v3 =	vsel vm9, v20, v3  }
0x11a: {  	v28 =	vld.idx.msk [tilespmem:v63+s4+$0x0], $0xffff;
	v1 =	vsel vm14, v59, v1;
	vm10 =	vgt.s32 v23, v3  }
0x11b: {  	v29 =	vld.idx.msk [tilespmem:v22+s4+$0x0], $0xffff;
	v1 =	vsel vm15, v62, v1;
	v3 =	vsel vm10, v23, v3  }
0x11c: {  	v1 =	vsel vm7, v21, v1;
	vm11 =	vgt.s32 v25, v3  }
0x11d: {  	v30 =	vor.u32 $0x1000, v0;
	v1 =	vsel vm9, v24, v1;
	v3 =	vsel vm11, v25, v3  }
0x11e: {  	v1 =	vsel vm10, v26, v1;
	vm12 =	vgt.s32 v27, v3  }
0x11f: {  	v32 =	vor.u32 $0x1001, v0;
	v1 =	vsel vm11, v28, v1;
	v31 =	vsel vm12, v27, v3  }
0x120: {  	v1 =	vsel vm12, v29, v1;
	[tilespmem:$0xC010] =	vst v31  }
0x121: {  	v33 =	vor.u32 $0x1002, v0;
	[tilespmem:$0xC090] =	vst v1  }
0x122: {  	v2 =	vld.idx.msk [tilespmem:v30+s5+$0x0], $0xffff  }
0x123: {  	v34 =	vor.u32 $0x1003, v0  }
0x124: {  	v35 =	vld.idx.msk [tilespmem:v32+s5+$0x0], $0xffff  }
0x125: {  	v36 =	vor.u32 $0x1004, v0;
	v5 =	vld.idx.msk [tilespmem:v30+s4+$0x0], $0xffff  }
0x126: {  	v37 =	vld.idx.msk [tilespmem:v33+s5+$0x0], $0xffff  }
0x127: {  	v39 =	vor.u32 $0x1005, v0;
	v3 =	vld.idx.msk [tilespmem:v32+s4+$0x0], $0xffff;
	v38 =	vshra.s32 v2, $0x1F  }
0x128: {  	v40 =	vld.idx.msk [tilespmem:v34+s5+$0x0], $0xffff;
	v9 =	vor.u32 v38, v2  }
0x129: {  	v41 =	vor.u32 $0x1006, v0;
	v1 =	vld.idx.msk [tilespmem:v33+s4+$0x0], $0xffff;
	vm13 =	vgt.s32 v35, v9  }
0x12a: {  	v42 =	vld.idx.msk [tilespmem:v36+s5+$0x0], $0xffff;
	v6 =	vsel vm13, v35, v9  }
0x12b: {  	v43 =	vor.u32 $0x1007, v0;
	v4 =	vld.idx.msk [tilespmem:v34+s4+$0x0], $0xffff;
	vm1 =	vgt.s32 v37, v6  }
0x12c: {  	v44 =	vld.idx.msk [tilespmem:v39+s5+$0x0], $0xffff;
	v6 =	vsel vm1, v37, v6  }
0x12d: {  	v45 =	vor.u32 $0x1008, v0;
	v7 =	vld.idx.msk [tilespmem:v36+s4+$0x0], $0xffff;
	vm14 =	vgt.s32 v40, v6  }
0x12e: {  	v46 =	vld.idx.msk [tilespmem:v41+s5+$0x0], $0xffff;
	v6 =	vsel vm14, v40, v6  }
0x12f: {  	v47 =	vor.u32 $0x1009, v0;
	v10 =	vld.idx.msk [tilespmem:v39+s4+$0x0], $0xffff;
	vm3 =	vgt.s32 v42, v6  }
0x130: {  	v48 =	vld.idx.msk [tilespmem:v43+s5+$0x0], $0xffff;
	v6 =	vsel vm3, v42, v6  }
0x131: {  	v49 =	vor.u32 $0x100A, v0;
	v12 =	vld.idx.msk [tilespmem:v41+s4+$0x0], $0xffff;
	vm4 =	vgt.s32 v44, v6  }
0x132: {  	v50 =	vld.idx.msk [tilespmem:v45+s5+$0x0], $0xffff;
	v6 =	vsel vm4, v44, v6  }
0x133: {  	v51 =	vor.u32 $0x100B, v0;
	v13 =	vld.idx.msk [tilespmem:v43+s4+$0x0], $0xffff;
	vm5 =	vgt.s32 v46, v6  }
0x134: {  	v52 =	vld.idx.msk [tilespmem:v47+s5+$0x0], $0xffff;
	v6 =	vsel vm5, v46, v6  }
0x135: {  	v53 =	vor.u32 $0x100C, v0;
	v14 =	vld.idx.msk [tilespmem:v45+s4+$0x0], $0xffff;
	vm6 =	vgt.s32 v48, v6  }
0x136: {  	v54 =	vld.idx.msk [tilespmem:v49+s5+$0x0], $0xffff;
	v6 =	vsel vm6, v48, v6  }
0x137: {  	v56 =	vor.u32 $0x100D, v0;
	v55 =	vld.idx.msk [tilespmem:v47+s4+$0x0], $0xffff;
	vm15 =	vgt.s32 v2, $0xFFFFFFFF;
	vm12 =	vgt.s32 v50, v6  }
0x138: {  	v57 =	vld.idx.msk [tilespmem:v51+s5+$0x0], $0xffff;
	v5 =	vnsel vm15, $0x0, v5;
	v6 =	vsel vm12, v50, v6  }
0x139: {  	v59 =	vor.u32 $0x100E, v0;
	v58 =	vld.idx.msk [tilespmem:v49+s4+$0x0], $0xffff;
	v3 =	vsel vm13, v3, v5;
	vm13 =	vgt.s32 v52, v6  }
0x13a: {  	v61 =	vld.idx.msk [tilespmem:v53+s5+$0x0], $0xffff;
	v1 =	vsel vm1, v1, v3;
	v60 =	vsel vm13, v52, v6  }
0x13b: {  	v63 =	vor.u32 $0x100F, v0;
	v62 =	vld.idx.msk [tilespmem:v51+s4+$0x0], $0xffff;
	v1 =	vsel vm14, v4, v1;
	vm14 =	vgt.s32 v54, v60  }
0x13c: {  	v17 =	vld.idx.msk [tilespmem:v56+s5+$0x0], $0xffff;
	v1 =	vsel vm3, v7, v1;
	v3 =	vsel vm14, v54, v60  }
0x13d: {  	v18 =	vld.idx.msk [tilespmem:v53+s4+$0x0], $0xffff;
	v1 =	vsel vm4, v10, v1;
	vm15 =	vgt.s32 v57, v3  }
0x13e: {  	v19 =	vld.idx.msk [tilespmem:v59+s5+$0x0], $0xffff;
	v1 =	vsel vm5, v12, v1;
	v3 =	vsel vm15, v57, v3  }
0x13f: {  	v20 =	vld.idx.msk [tilespmem:v56+s4+$0x0], $0xffff;
	v1 =	vsel vm6, v13, v1;
	vm7 =	vgt.s32 v61, v3  }
0x140: {  	v21 =	vld.idx.msk [tilespmem:v63+s5+$0x0], $0xffff;
	v1 =	vsel vm12, v14, v1;
	v3 =	vsel vm7, v61, v3  }
0x141: {  	v22 =	vld.idx.msk [tilespmem:v59+s4+$0x0], $0xffff;
	v1 =	vsel vm13, v55, v1;
	vm9 =	vgt.s32 v17, v3  }
0x142: {  	v23 =	vld.idx.msk [tilespmem:v63+s4+$0x0], $0xffff;
	v1 =	vsel vm14, v58, v1;
	v3 =	vsel vm9, v17, v3  }
0x143: {  	v1 =	vsel vm15, v62, v1;
	vm10 =	vgt.s32 v19, v3  }
0x144: {  	v24 =	vor.u32 $0x1800, v0;
	v1 =	vsel vm7, v18, v1;
	v3 =	vsel vm10, v19, v3  }
0x145: {  	v1 =	vsel vm9, v20, v1;
	vm11 =	vgt.s32 v21, v3  }
0x146: {  	v26 =	vor.u32 $0x1801, v0;
	v1 =	vsel vm10, v22, v1;
	v25 =	vsel vm11, v21, v3  }
0x147: {  	v1 =	vsel vm11, v23, v1;
	[tilespmem:$0xC020] =	vst v25  }
0x148: {  	v27 =	vor.u32 $0x1802, v0;
	[tilespmem:$0xC0A0] =	vst v1  }
0x149: {  	v2 =	vld.idx.msk [tilespmem:v24+s5+$0x0], $0xffff  }
0x14a: {  	v28 =	vor.u32 $0x1803, v0  }
0x14b: {  	v29 =	vld.idx.msk [tilespmem:v26+s5+$0x0], $0xffff  }
0x14c: {  	v30 =	vor.u32 $0x1804, v0;
	v4 =	vld.idx.msk [tilespmem:v24+s4+$0x0], $0xffff  }
0x14d: {  	v31 =	vld.idx.msk [tilespmem:v27+s5+$0x0], $0xffff  }
0x14e: {  	v33 =	vor.u32 $0x1805, v0;
	v3 =	vld.idx.msk [tilespmem:v26+s4+$0x0], $0xffff;
	v32 =	vshra.s32 v2, $0x1F  }
0x14f: {  	v34 =	vld.idx.msk [tilespmem:v28+s5+$0x0], $0xffff;
	v9 =	vor.u32 v32, v2  }
0x150: {  	v35 =	vor.u32 $0x1806, v0;
	v1 =	vld.idx.msk [tilespmem:v27+s4+$0x0], $0xffff;
	vm0 =	vgt.s32 v29, v9  }
0x151: {  	v36 =	vld.idx.msk [tilespmem:v30+s5+$0x0], $0xffff;
	v6 =	vsel vm0, v29, v9  }
0x152: {  	v37 =	vor.u32 $0x1807, v0;
	v5 =	vld.idx.msk [tilespmem:v28+s4+$0x0], $0xffff;
	vm1 =	vgt.s32 v31, v6  }
0x153: {  	v38 =	vld.idx.msk [tilespmem:v33+s5+$0x0], $0xffff;
	v6 =	vsel vm1, v31, v6  }
0x154: {  	v39 =	vor.u32 $0x1808, v0;
	v7 =	vld.idx.msk [tilespmem:v30+s4+$0x0], $0xffff;
	vm2 =	vgt.s32 v34, v6  }
0x155: {  	v40 =	vld.idx.msk [tilespmem:v35+s5+$0x0], $0xffff;
	v6 =	vsel vm2, v34, v6  }
0x156: {  	v41 =	vor.u32 $0x1809, v0;
	v10 =	vld.idx.msk [tilespmem:v33+s4+$0x0], $0xffff;
	vm3 =	vgt.s32 v36, v6  }
0x157: {  	v42 =	vld.idx.msk [tilespmem:v37+s5+$0x0], $0xffff;
	v6 =	vsel vm3, v36, v6  }
0x158: {  	v43 =	vor.u32 $0x180A, v0;
	v12 =	vld.idx.msk [tilespmem:v35+s4+$0x0], $0xffff;
	vm4 =	vgt.s32 v38, v6  }
0x159: {  	v44 =	vld.idx.msk [tilespmem:v39+s5+$0x0], $0xffff;
	v6 =	vsel vm4, v38, v6  }
0x15a: {  	v45 =	vor.u32 $0x180B, v0;
	v13 =	vld.idx.msk [tilespmem:v37+s4+$0x0], $0xffff;
	vm12 =	vgt.s32 v40, v6  }
0x15b: {  	v46 =	vld.idx.msk [tilespmem:v41+s5+$0x0], $0xffff;
	v6 =	vsel vm12, v40, v6  }
0x15c: {  	v47 =	vor.u32 $0x180C, v0;
	v14 =	vld.idx.msk [tilespmem:v39+s4+$0x0], $0xffff;
	vm13 =	vgt.s32 v42, v6  }
0x15d: {  	v48 =	vld.idx.msk [tilespmem:v43+s5+$0x0], $0xffff;
	v6 =	vsel vm13, v42, v6  }
0x15e: {  	v50 =	vor.u32 $0x180D, v0;
	v49 =	vld.idx.msk [tilespmem:v41+s4+$0x0], $0xffff;
	vm14 =	vgt.s32 v2, $0xFFFFFFFF;
	vm15 =	vgt.s32 v44, v6  }
0x15f: {  	v51 =	vld.idx.msk [tilespmem:v45+s5+$0x0], $0xffff;
	v4 =	vnsel vm14, $0x0, v4;
	v6 =	vsel vm15, v44, v6  }
0x160: {  	v53 =	vor.u32 $0x180E, v0;
	v52 =	vld.idx.msk [tilespmem:v43+s4+$0x0], $0xffff;
	v3 =	vsel vm0, v3, v4;
	vm9 =	vgt.s32 v46, v6  }
0x161: {  	v55 =	vld.idx.msk [tilespmem:v47+s5+$0x0], $0xffff;
	v1 =	vsel vm1, v1, v3;
	v54 =	vsel vm9, v46, v6  }
0x162: {  	v0 =	vor.u32 $0x180F, v0;
	v56 =	vld.idx.msk [tilespmem:v45+s4+$0x0], $0xffff;
	v1 =	vsel vm2, v5, v1;
	vm10 =	vgt.s32 v48, v54  }
0x163: {  	v57 =	vld.idx.msk [tilespmem:v50+s5+$0x0], $0xffff;
	v1 =	vsel vm3, v7, v1;
	v3 =	vsel vm10, v48, v54  }
0x164: {  	v58 =	vld.idx.msk [tilespmem:v47+s4+$0x0], $0xffff;
	v1 =	vsel vm4, v10, v1;
	vm11 =	vgt.s32 v51, v3  }
0x165: {  	v59 =	vld.idx.msk [tilespmem:v53+s5+$0x0], $0xffff;
	v1 =	vsel vm12, v12, v1;
	v3 =	vsel vm11, v51, v3  }
0x166: {  	v60 =	vld.idx.msk [tilespmem:v50+s4+$0x0], $0xffff;
	v1 =	vsel vm13, v13, v1;
	vm12 =	vgt.s32 v55, v3  }
0x167: {  	v61 =	vld.idx.msk [tilespmem:v0+s5+$0x0], $0xffff;
	v1 =	vsel vm15, v14, v1;
	v3 =	vsel vm12, v55, v3  }
0x168: {  	v62 =	vld.idx.msk [tilespmem:v53+s4+$0x0], $0xffff;
	v1 =	vsel vm9, v49, v1;
	vm13 =	vgt.s32 v57, v3  }
0x169: {  	v0 =	vld.idx.msk [tilespmem:v0+s4+$0x0], $0xffff;
	v1 =	vsel vm10, v52, v1;
	v3 =	vsel vm13, v57, v3  }
0x16a: {  	v1 =	vsel vm11, v56, v1;
	vm14 =	vgt.s32 v59, v3  }
0x16b: {  	v1 =	vsel vm12, v58, v1;
	v3 =	vsel vm14, v59, v3  }
0x16c: {  	v1 =	vsel vm13, v60, v1;
	vm15 =	vgt.s32 v61, v3  }
0x16d: {  	v1 =	vsel vm14, v62, v1;
	v63 =	vsel vm15, v61, v3  }
0x16e: {  	s28 =	sshll.u32 s1, $0x4;
	s29 =	simm.s32 $0x0;
	v0 =	vsel vm15, v0, v1;
	[tilespmem:$0xC030] =	vst v63  }
0x16f: {  	s6 =	simm.s32 $0xC000;
	s30 =	simm.s32 $0x1;
	s3 =	sadd.s32 s3, s28;
	[tilespmem:$0xC0B0] =	vst v0  }
0x170: {  	[hbm4b:s3+s29] =	stream.linear.scatter [tilespmem:s6], [sflag:$0x1], $0x80, $0x38;
	[tilespmem:$0xC100] =	vst v63  }
0x171: {  	_ =	swait.ge [sflag:s30], $0x80  }
0x172: {  	[sflag:s30] =	ssyncset.done $0x0  }
0x173: {  	s31 =	simm.s32 $0xC080;
	s2 =	sadd.s32 s2, s28;
	[sflag:s30] =	ssyncadd.s32 $0xFFFFFF80  }
0x174: {  	[hbm4b:s2+s29] =	stream.linear.scatter [tilespmem:s31], [sflag:$0x1], $0x80, $0x38;
	[tilespmem:$0xC100] =	vst v63  }
0x175: {  	_ =	swait.ge [sflag:s30], $0x80  }
0x176: {  	[sflag:s30] =	ssyncset.done $0x0  }
0x177: {  	[sflag:s30] =	ssyncadd.s32 $0xFFFFFF80  }
0x178: {  	_ =	sfence.sel $0x180000  }
0x179: {  	[bflag:$0x0] =	sbarrier.arrive $0xFFFF  }
0x17a: {  	p0 =	sne.s32 s1, $0x0;
	_ =	strace $0x90000047  }
0x17b: {  	s0 =	sadd.s32 @!p0 $0x100000, s0;
	[bflag:$0x2] =	sbarrier.arrive $0xFFFF  }
0x17c: {  	[sflag:s0] =	ssyncadd.tile.s32 @!p0 $0x1;
	_ =	shalt  }
.Lfunc_end2:
_tile_overlayer_lowered:
.L_overlay_start_2:
0x17d: {  	(tag) =	ssettag $0x2  }
0x17e: {  	s0 =	rddreg [dreg:$0x0];
	s2 =	stileid.u32  }
0x17f: {  	s1 =	rddreg [dreg:$0x1];
	p0 =	sne.s32 s2, $0x0  }
0x180: {  	s3 =	rddreg [dreg:$0x2];
	[bflag:$0x3] =	sbarrier.arrive $0xFFFF;
	s2 =	simm.s32 @!p0 $0x1C01  }
0x181: {  	[timem:s3], [sflag:s2] =	dma.local @!p0 [hbm:s0], s1  }
0x182: {  	s0 =	simm.s32 @!p0 $0x1  }
0x183: {  	_ =	swait.ge @!p0 [sflag:s0], s1  }
0x184: {  	s1 =	ssub.s32 @!p0 $0x0, s1;
	[sflag:s0] =	ssyncset.done @!p0 $0x0  }
0x185: {  	[sflag:s0] =	ssyncadd.s32 @!p0 s1  }
0x186: {  	[bflag:$0x3] =	sbarrier.arrive $0xFFFF  }
0x187: {  	_ =	shalt  }

</sc_bundles>
